<compile_context>
chip_gen: v7x
topology: tpu7x:2x2x1
jax: 0.10.2.dev20260603
libtpu: 0.0.44.dev20260713+nightly
codegen_flags: <defaults>
</compile_context>

<pallas_src>
import functools
import jax
import jax.numpy as jnp
from jax import lax
from jax.experimental import pallas as pl
from jax.experimental.pallas import tpu as pltpu
from jax.experimental.pallas import tpu_sc as plsc

N = 20000
G = 100
NS = 16
PW = N // NS
APW = ((PW + 15) // 16) * 16
NCH = APW // 16
NPAD = NS * APW
GPAD = 128
TOPK = 9
NEG_INF = -100000000.0
BIG = 1e30
PADV = 4e8


def _newton_sqrt(v):
    bits = plsc.bitcast(v, jnp.int32)
    y = plsc.bitcast((bits >> 1) + jnp.int32(0x1FBD1DF5), jnp.float32)
    for _ in range(4):
        y = 0.5 * (y + v / y)
    return jnp.where(v > 0.0, y, 0.0)


def _sc_body(ax0_h, ay0_h, ax1_h, ay1_h, gx0_h, gy0_h, gx1_h, gy1_h,
             out_h,
             a_x0, a_y0, a_x1, a_y1, acx, acy,
             g_x0, g_y0, g_x1, g_y1,
             l_d, l_i, l_iou, l_cx, l_cy,
             t_d, t_i, t_iou, t_cx, t_cy,
             c_i, c_v, b_v, b_g, outv,
             sh_d, sh_i, sh_iou, sh_cx, sh_cy, sh_ci, sh_cv,
             sem):
    w = lax.axis_index("s")
    base = w * APW
    iota = lax.iota(jnp.int32, 16)

    pltpu.sync_copy(ax0_h.at[pl.ds(base, APW)], a_x0)
    pltpu.sync_copy(ay0_h.at[pl.ds(base, APW)], a_y0)
    pltpu.sync_copy(ax1_h.at[pl.ds(base, APW)], a_x1)
    pltpu.sync_copy(ay1_h.at[pl.ds(base, APW)], a_y1)
    pltpu.sync_copy(gx0_h, g_x0)
    pltpu.sync_copy(gy0_h, g_y0)
    pltpu.sync_copy(gx1_h, g_x1)
    pltpu.sync_copy(gy1_h, g_y1)

    def centers(c, _):
        off = pl.multiple_of(c * 16, 16)
        acx[pl.ds(off, 16)] = (a_x1[pl.ds(off, 16)] + a_x0[pl.ds(off, 16)]) / 2.0
        acy[pl.ds(off, 16)] = (a_y1[pl.ds(off, 16)] + a_y0[pl.ds(off, 16)]) / 2.0
        return 0
    lax.fori_loop(0, NCH, centers, 0)

    def per_gt(g, _):
        sg = jnp.full((16,), g, jnp.int32)
        gx0s = plsc.load_gather(g_x0, [sg])
        gy0s = plsc.load_gather(g_y0, [sg])
        gx1s = plsc.load_gather(g_x1, [sg])
        gy1s = plsc.load_gather(g_y1, [sg])
        gcx = (gx1s + gx0s) / 2.0
        gcy = (gy1s + gy0s) / 2.0

        def chunk(c, carry):
            bd, bi = carry
            off = pl.multiple_of(c * 16, 16)
            dx = acx[pl.ds(off, 16)] - gcx
            dy = acy[pl.ds(off, 16)] - gcy
            d2 = dx * dx + dy * dy
            thr = bd[8]
            mn = jnp.min(d2)

            def merge(args):
                bd, bi = args
                gi = iota + (base + off)
                sd, si = plsc.sort_key_val(d2, gi)
                rd = lax.rev(sd, (0,))
                ri = lax.rev(si, (0,))
                take = bd <= rd
                md = jnp.where(take, bd, rd)
                mi = jnp.where(take, bi, ri)
                return tuple(plsc.sort_key_val(md, mi))

            return lax.cond(mn < thr, merge, lambda a: a, (bd, bi))

        bd0 = jnp.full((16,), BIG, jnp.float32)
        bi0 = jnp.zeros((16,), jnp.int32)
        bd, bi = lax.fori_loop(0, NCH, chunk, (bd0, bi0))

        li = bi - jnp.full((16,), base, jnp.int32)
        x0 = plsc.load_gather(a_x0, [li])
        y0 = plsc.load_gather(a_y0, [li])
        x1 = plsc.load_gather(a_x1, [li])
        y1 = plsc.load_gather(a_y1, [li])
        cx = (x1 + x0) / 2.0
        cy = (y1 + y0) / 2.0
        area_a = (x1 - x0) * (y1 - y0)
        area_g = (gx1s - gx0s) * (gy1s - gy0s)
        iw = jnp.maximum(jnp.minimum(x1, gx1s) - jnp.maximum(x0, gx0s), 0.0)
        ih = jnp.maximum(jnp.minimum(y1, gy1s) - jnp.maximum(y0, gy0s), 0.0)
        inter = iw * ih
        iou = inter / (area_a + area_g - inter)

        row = pl.ds(pl.multiple_of(g * 16, 16), 16)
        l_d[row] = bd
        l_i[row] = bi
        l_iou[row] = iou
        l_cx[row] = cx
        l_cy[row] = cy
        return 0
    lax.fori_loop(0, G, per_gt, 0)

    wrow = pl.ds(w * (G * 16), G * 16)
    pltpu.sync_copy(l_d, sh_d.at[wrow])
    pltpu.sync_copy(l_i, sh_i.at[wrow])
    pltpu.sync_copy(l_iou, sh_iou.at[wrow])
    pltpu.sync_copy(l_cx, sh_cx.at[wrow])
    pltpu.sync_copy(l_cy, sh_cy.at[wrow])
    plsc.subcore_barrier()

    q, rem = divmod(G, NS)
    gstart = w * q + jnp.minimum(w, rem)
    gcount = q + jnp.where(w < rem, 1, 0)

    def own_gt(g, _):
        descs = []
        for r in range(NS):
            src = pl.ds(pl.multiple_of(r * (G * 16) + g * 16, 16), 16)
            dst = pl.ds(r * 16, 16)
            descs.append(pltpu.async_copy(sh_d.at[src], t_d.at[dst], sem))
            descs.append(pltpu.async_copy(sh_i.at[src], t_i.at[dst], sem))
            descs.append(pltpu.async_copy(sh_iou.at[src], t_iou.at[dst], sem))
            descs.append(pltpu.async_copy(sh_cx.at[src], t_cx.at[dst], sem))
            descs.append(pltpu.async_copy(sh_cy.at[src], t_cy.at[dst], sem))
        for d in descs:
            d.wait()

        acc_d = t_d[pl.ds(0, 16)]
        acc_p = iota

        def mrow(r, carry):
            acc_d, acc_p = carry
            ch_d = t_d[pl.ds(pl.multiple_of(r * 16, 16), 16)]
            ch_p = r * 16 + iota
            rd = lax.rev(ch_d, (0,))
            rp = lax.rev(ch_p, (0,))
            take = acc_d <= rd
            md = jnp.where(take, acc_d, rd)
            mp = jnp.where(take, acc_p, rp)
            return tuple(plsc.sort_key_val(md, mp))
        acc_d, acc_p = lax.fori_loop(1, NS, mrow, (acc_d, acc_p))

        idx9 = plsc.load_gather(t_i, [acc_p])
        iou9 = plsc.load_gather(t_iou, [acc_p])
        cx9 = plsc.load_gather(t_cx, [acc_p])
        cy9 = plsc.load_gather(t_cy, [acc_p])

        m9 = iota < TOPK
        sg = jnp.full((16,), g, jnp.int32)
        gx0s = plsc.load_gather(g_x0, [sg])
        gy0s = plsc.load_gather(g_y0, [sg])
        gx1s = plsc.load_gather(g_x1, [sg])
        gy1s = plsc.load_gather(g_y1, [sg])

        mean = jnp.full((16,), jnp.sum(jnp.where(m9, iou9, 0.0)),
                        jnp.float32) / float(TOPK)
        dv = jnp.where(m9, iou9 - mean, 0.0)
        var = jnp.full((16,), jnp.sum(dv * dv), jnp.float32) / float(TOPK - 1)
        thresh = mean + _newton_sqrt(var)

        inbox = jnp.minimum(
            jnp.minimum(cx9 - gx0s, cy9 - gy0s),
            jnp.minimum(gx1s - cx9, gy1s - cy9)) > 0.01
        pos = m9 & (iou9 >= thresh) & inbox
        cidx = jnp.where(pos, idx9, -1)

        t_i[pl.ds(0, 16)] = cidx
        t_iou[pl.ds(0, 16)] = iou9
        gout = pl.ds(pl.multiple_of(g * 16, 16), 16)
        pltpu.sync_copy(t_i.at[pl.ds(0, 16)], sh_ci.at[gout])
        pltpu.sync_copy(t_iou.at[pl.ds(0, 16)], sh_cv.at[gout])
        return 0
    lax.fori_loop(gstart, gstart + gcount, own_gt, 0)
    plsc.subcore_barrier()

    pltpu.sync_copy(sh_ci, c_i)
    pltpu.sync_copy(sh_cv, c_v)

    def init(c, _):
        off = pl.multiple_of(c * 16, 16)
        b_v[pl.ds(off, 16)] = jnp.full((16,), NEG_INF, jnp.float32)
        b_g[pl.ds(off, 16)] = jnp.zeros((16,), jnp.int32)
        return 0
    lax.fori_loop(0, NCH, init, 0)

    basev = jnp.full((16,), base, jnp.int32)

    def assign(g, _):
        row = pl.ds(pl.multiple_of(g * 16, 16), 16)
        ci = c_i[row]
        cv = c_v[row]
        li = ci - basev
        inr = (ci >= 0) & (li >= 0) & (li < APW)
        safe = jnp.where(inr, li, 0)
        cur = plsc.load_gather(b_v, [safe])
        upd = inr & (cv > cur)
        plsc.store_scatter(b_v, [safe], cv, mask=upd)
        plsc.store_scatter(b_g, [safe], jnp.full((16,), g, jnp.int32),
                           mask=upd)
        return 0
    lax.fori_loop(0, G, assign, 0)

    def emit(c, _):
        off = pl.multiple_of(c * 16, 16)
        bg = b_g[pl.ds(off, 16)]
        bv = b_v[pl.ds(off, 16)]
        x0 = plsc.load_gather(g_x0, [bg])
        y0 = plsc.load_gather(g_y0, [bg])
        x1 = plsc.load_gather(g_x1, [bg])
        y1 = plsc.load_gather(g_y1, [bg])
        p = (c * 16 + iota) * 5
        plsc.store_scatter(outv, [p], x0)
        plsc.store_scatter(outv, [p + 1], y0)
        plsc.store_scatter(outv, [p + 2], x1)
        plsc.store_scatter(outv, [p + 3], y1)
        plsc.store_scatter(outv, [p + 4], bv)
        return 0
    lax.fori_loop(0, NCH, emit, 0)
    pltpu.sync_copy(outv, out_h.at[pl.ds(w * (APW * 5), APW * 5)])


def _make_sc_call():
    mesh = plsc.VectorSubcoreMesh(core_axis_name="c", subcore_axis_name="s",
                                  num_cores=1, num_subcores=NS)
    return functools.partial(
        pl.kernel, mesh=mesh,
        out_type=jax.ShapeDtypeStruct((NPAD * 5,), jnp.float32),
        scratch_types=[
            pltpu.VMEM((APW,), jnp.float32), pltpu.VMEM((APW,), jnp.float32),
            pltpu.VMEM((APW,), jnp.float32), pltpu.VMEM((APW,), jnp.float32),
            pltpu.VMEM((APW,), jnp.float32), pltpu.VMEM((APW,), jnp.float32),
            pltpu.VMEM((GPAD,), jnp.float32), pltpu.VMEM((GPAD,), jnp.float32),
            pltpu.VMEM((GPAD,), jnp.float32), pltpu.VMEM((GPAD,), jnp.float32),
            pltpu.VMEM((G * 16,), jnp.float32), pltpu.VMEM((G * 16,), jnp.int32),
            pltpu.VMEM((G * 16,), jnp.float32), pltpu.VMEM((G * 16,), jnp.float32),
            pltpu.VMEM((G * 16,), jnp.float32),
            pltpu.VMEM((NS * 16,), jnp.float32), pltpu.VMEM((NS * 16,), jnp.int32),
            pltpu.VMEM((NS * 16,), jnp.float32), pltpu.VMEM((NS * 16,), jnp.float32),
            pltpu.VMEM((NS * 16,), jnp.float32),
            pltpu.VMEM((G * 16,), jnp.int32), pltpu.VMEM((G * 16,), jnp.float32),
            pltpu.VMEM((APW,), jnp.float32), pltpu.VMEM((APW,), jnp.int32),
            pltpu.VMEM((APW * 5,), jnp.float32),
            pltpu.VMEM_SHARED((NS * G * 16,), jnp.float32),
            pltpu.VMEM_SHARED((NS * G * 16,), jnp.int32),
            pltpu.VMEM_SHARED((NS * G * 16,), jnp.float32),
            pltpu.VMEM_SHARED((NS * G * 16,), jnp.float32),
            pltpu.VMEM_SHARED((NS * G * 16,), jnp.float32),
            pltpu.VMEM_SHARED((G * 16,), jnp.int32),
            pltpu.VMEM_SHARED((G * 16,), jnp.float32),
            pltpu.SemaphoreType.DMA,
        ],
        compiler_params=pltpu.CompilerParams(needs_layout_passes=False),
    )(_sc_body)


def _pad_anchor_col(col):
    return jnp.concatenate(
        [col.reshape(NS, PW),
         jnp.full((NS, APW - PW), PADV, jnp.float32)], axis=1).reshape(-1)


def kernel(pred_boxes, targets):
    anchors = pred_boxes[0]
    bboxes = targets[:, 1:-1]
    ax0 = _pad_anchor_col(anchors[:, 0])
    ay0 = _pad_anchor_col(anchors[:, 1])
    ax1 = _pad_anchor_col(anchors[:, 2])
    ay1 = _pad_anchor_col(anchors[:, 3])
    gpad = jnp.zeros((GPAD - G,), jnp.float32)
    gx0 = jnp.concatenate([bboxes[:, 0], gpad])
    gy0 = jnp.concatenate([bboxes[:, 1], gpad])
    gx1 = jnp.concatenate([bboxes[:, 2], gpad])
    gy1 = jnp.concatenate([bboxes[:, 3], gpad])
    out = _make_sc_call()(ax0, ay0, ax1, ay1, gx0, gy0, gx1, gy1)
    return out.reshape(NS, APW, 5)[:, :PW].reshape(N, 5)

# --- scband reference (transcript-rebuilt; emitter-appended) ---
"""Pipeline reference for scband-atssloss-computation-71691594104946 (READ-ONLY COPY).

The authoritative reference and input builder live on the scoring server;
editing this copy changes nothing except your own understanding.
"""

import jax, jax.numpy as jnp
import numpy as np

INF = 100000000.0
ATSS_TOPK = 9

def box_iou(boxes1, boxes2):
    area1 = (boxes1[:, 2] - boxes1[:, 0]) * (boxes1[:, 3] - boxes1[:, 1])
    area2 = (boxes2[:, 2] - boxes2[:, 0]) * (boxes2[:, 3] - boxes2[:, 1])
    lt = jnp.maximum(boxes1[:, None, :2], boxes2[None, :, :2])
    rb = jnp.minimum(boxes1[:, None, 2:], boxes2[None, :, 2:])
    wh = jnp.clip(rb - lt, 0.0)
    inter = wh[..., 0] * wh[..., 1]
    union = area1[:, None] + area2[None, :] - inter
    return inter / union, union

def setup_inputs(seed: int = 0) -> dict:
    key = jax.random.key(seed)
    N = 20000
    G = 100
    img = 800.0
    k1, k2, k3, k4 = jax.random.split(key, 4)
    a_cxy = jax.random.uniform(k1, (N, 2), minval=0.0, maxval=img)
    a_wh = jax.random.uniform(k2, (N, 2), minval=16.0, maxval=256.0)
    anchors = jnp.concatenate([a_cxy - a_wh / 2, a_cxy + a_wh / 2], axis=1)
    g_cxy = jax.random.uniform(k3, (G, 2), minval=100.0, maxval=700.0)
    g_wh = jax.random.uniform(k4, (G, 2), minval=32.0, maxval=300.0)
    gt = jnp.concatenate([g_cxy - g_wh / 2, g_cxy + g_wh / 2], axis=1)
    labels = jnp.ones((G, 1), dtype=jnp.float32)
    batch_col = jnp.zeros((G, 1), dtype=jnp.float32)
    targets = jnp.concatenate([batch_col, gt, labels], axis=1)
    return {"pred_boxes": anchors[None], "targets": targets}

def reference(pred_boxes, targets):
    # ATSS target assignment for one image (faithful to prepare_targets)
    bboxes = targets[:, 1:-1]
    G = bboxes.shape[0]
    anchors = pred_boxes[0]
    N = anchors.shape[0]
    gt_cx = (bboxes[:, 2] + bboxes[:, 0]) / 2.0
    gt_cy = (bboxes[:, 3] + bboxes[:, 1]) / 2.0
    gt_points = jnp.stack([gt_cx, gt_cy], axis=1)
    ious, union = box_iou(anchors, bboxes)
    a_cx = (anchors[:, 2] + anchors[:, 0]) / 2.0
    a_cy = (anchors[:, 3] + anchors[:, 1]) / 2.0
    anchor_points = jnp.stack([a_cx, a_cy], axis=1)
    distances = jnp.sqrt(((anchor_points[:, None, :] - gt_points[None, :, :]) ** 2).sum(-1))
    topk = min(ATSS_TOPK, N)
    # topk smallest distances along anchor axis per gt
    _, topk_idxs_t = jax.lax.top_k(-distances.T, topk)  # [G, topk]
    topk_idxs = topk_idxs_t.T  # [topk, G]
    candidate_ious = ious[topk_idxs, jnp.arange(G)[None, :]]  # [topk, G]
    iou_mean = candidate_ious.mean(0)
    iou_std = jnp.std(candidate_ious, axis=0, ddof=1)  # torch default unbiased std
    iou_thresh = iou_mean + iou_std
    is_pos = candidate_ious >= iou_thresh[None, :]
    # offset indices into gt-major flat space (topk_idxs[:, ng] += ng * anchor_num)
    topk_idxs_off = topk_idxs + (jnp.arange(G) * N)[None, :]
    e_cx = jnp.broadcast_to(a_cx[None, :], (G, N)).reshape(-1)
    e_cy = jnp.broadcast_to(a_cy[None, :], (G, N)).reshape(-1)
    flat_idx = topk_idxs_off.reshape(-1)
    l = e_cx[flat_idx].reshape(-1, G) - bboxes[:, 0]
    t = e_cy[flat_idx].reshape(-1, G) - bboxes[:, 1]
    r = bboxes[:, 2] - e_cx[flat_idx].reshape(-1, G)
    b = bboxes[:, 3] - e_cy[flat_idx].reshape(-1, G)
    is_in_gts = jnp.stack([l, t, r, b], axis=1).min(axis=1) > 0.01
    is_pos = is_pos & is_in_gts
    ious_t_flat = ious.T.reshape(-1)
    mask = is_pos.reshape(-1)
    idx_safe = jnp.where(mask, flat_idx, G * N)  # out-of-bounds -> dropped
    vals = ious_t_flat[jnp.clip(idx_safe, 0, G * N - 1)]
    ious_inf = jnp.full((G * N,), -INF, dtype=jnp.float32).at[idx_safe].set(vals, mode='drop')
    ious_inf = ious_inf.reshape(G, N).T  # [N, G]
    anchors_to_gt_values = ious_inf.max(axis=1)
    anchors_to_gt_indexs = jnp.argmax(ious_inf, axis=1)
    matched_gts = bboxes[anchors_to_gt_indexs]
    return jnp.concatenate([matched_gts, anchors_to_gt_values[:, None]], axis=1)

if __name__ == "__main__":
    import jax
    _d = setup_inputs()
    print(jax.jit(kernel)(*tuple(_d.values())))

</pallas_src>

<mosaic_0001>
#map = affine_map<(d0, d1) -> (0)>
module attributes {stable_mosaic.version = 14 : i64} {
  func.func @_sc_body(%arg0: i32, %arg1: i32, %arg2: memref<20224xf32, #tpu.memory_space<hbm>>, %arg3: memref<20224xf32, #tpu.memory_space<hbm>>, %arg4: memref<20224xf32, #tpu.memory_space<hbm>>, %arg5: memref<20224xf32, #tpu.memory_space<hbm>>, %arg6: memref<128xf32, #tpu.memory_space<hbm>>, %arg7: memref<128xf32, #tpu.memory_space<hbm>>, %arg8: memref<128xf32, #tpu.memory_space<hbm>>, %arg9: memref<128xf32, #tpu.memory_space<hbm>>, %arg10: memref<101120xf32, #tpu.memory_space<hbm>>, %arg11: memref<1264xf32, #tpu.memory_space<vmem>>, %arg12: memref<1264xf32, #tpu.memory_space<vmem>>, %arg13: memref<1264xf32, #tpu.memory_space<vmem>>, %arg14: memref<1264xf32, #tpu.memory_space<vmem>>, %arg15: memref<1264xf32, #tpu.memory_space<vmem>>, %arg16: memref<1264xf32, #tpu.memory_space<vmem>>, %arg17: memref<128xf32, #tpu.memory_space<vmem>>, %arg18: memref<128xf32, #tpu.memory_space<vmem>>, %arg19: memref<128xf32, #tpu.memory_space<vmem>>, %arg20: memref<128xf32, #tpu.memory_space<vmem>>, %arg21: memref<1600xf32, #tpu.memory_space<vmem>>, %arg22: memref<1600xi32, #tpu.memory_space<vmem>>, %arg23: memref<1600xf32, #tpu.memory_space<vmem>>, %arg24: memref<1600xf32, #tpu.memory_space<vmem>>, %arg25: memref<1600xf32, #tpu.memory_space<vmem>>, %arg26: memref<256xf32, #tpu.memory_space<vmem>>, %arg27: memref<256xi32, #tpu.memory_space<vmem>>, %arg28: memref<256xf32, #tpu.memory_space<vmem>>, %arg29: memref<256xf32, #tpu.memory_space<vmem>>, %arg30: memref<256xf32, #tpu.memory_space<vmem>>, %arg31: memref<1600xi32, #tpu.memory_space<vmem>>, %arg32: memref<1600xf32, #tpu.memory_space<vmem>>, %arg33: memref<1264xf32, #tpu.memory_space<vmem>>, %arg34: memref<1264xi32, #tpu.memory_space<vmem>>, %arg35: memref<6320xf32, #tpu.memory_space<vmem>>, %arg36: memref<25600xf32, #tpu.memory_space<vmem_shared>>, %arg37: memref<25600xi32, #tpu.memory_space<vmem_shared>>, %arg38: memref<25600xf32, #tpu.memory_space<vmem_shared>>, %arg39: memref<25600xf32, #tpu.memory_space<vmem_shared>>, %arg40: memref<25600xf32, #tpu.memory_space<vmem_shared>>, %arg41: memref<1600xi32, #tpu.memory_space<vmem_shared>>, %arg42: memref<1600xf32, #tpu.memory_space<vmem_shared>>, %arg43: memref<!tpu.dma_semaphore, #tpu.memory_space<semaphore_mem>>) attributes {dimension_semantics = [#tpu.dimension_semantics<core_parallel>, #tpu.dimension_semantics<subcore_parallel>], iteration_bounds = array<i64: 1, 16>, scalar_prefetch = 0 : i64, scratch_operands = 33 : i64, tpu.core_type = #tpu.core_type<sc_vector_subcore>, window_params = [{transform_indices = #map}, {transform_indices = #map}, {transform_indices = #map}, {transform_indices = #map}, {transform_indices = #map}, {transform_indices = #map}, {transform_indices = #map}, {transform_indices = #map}, {transform_indices = #map}]} {
    %mul3A = arith.constant 1264 : i32
    %mul3A_0 = arith.muli %arg1, %mul3A : i32
    %iota3A = tpu.iota {dimensions = array<i32: 0>} : vector<16xi32>
    "tpu.region"() ({
      %run_scoped3A = tpu.sem_alloc : memref<!tpu.dma_semaphore, #tpu.memory_space<semaphore_mem>>
      %dma_start3A = tpu.memref_slice %arg2[%mul3A_0] : memref<20224xf32, #tpu.memory_space<hbm>> -> memref<1264xf32, #tpu.memory_space<hbm>>
      %dma_start3A_58 = tpu.memref_slice %arg2[%mul3A_0] : memref<20224xf32, #tpu.memory_space<hbm>> -> memref<1264xf32, #tpu.memory_space<hbm>>
      tpu.enqueue_dma source(%dma_start3A_58 : memref<1264xf32, #tpu.memory_space<hbm>>) target(%arg11 : memref<1264xf32, #tpu.memory_space<vmem>>) target_semaphore(%run_scoped3A : memref<!tpu.dma_semaphore, #tpu.memory_space<semaphore_mem>>)
      %dma_wait3A = tpu.memref_slice %arg2[%mul3A_0] : memref<20224xf32, #tpu.memory_space<hbm>> -> memref<1264xf32, #tpu.memory_space<hbm>>
      %dma_wait3A_59 = tpu.memref_slice %arg2[%mul3A_0] : memref<20224xf32, #tpu.memory_space<hbm>> -> memref<1264xf32, #tpu.memory_space<hbm>>
      tpu.wait_dma2 semaphore(%run_scoped3A : memref<!tpu.dma_semaphore, #tpu.memory_space<semaphore_mem>>) src(%dma_wait3A_59 : memref<1264xf32, #tpu.memory_space<hbm>>) dst(%arg11 : memref<1264xf32, #tpu.memory_space<vmem>>)
      tpu.yield
    }) : () -> ()
    "tpu.region"() ({
      %run_scoped3A = tpu.sem_alloc : memref<!tpu.dma_semaphore, #tpu.memory_space<semaphore_mem>>
      %dma_start3A = tpu.memref_slice %arg3[%mul3A_0] : memref<20224xf32, #tpu.memory_space<hbm>> -> memref<1264xf32, #tpu.memory_space<hbm>>
      %dma_start3A_58 = tpu.memref_slice %arg3[%mul3A_0] : memref<20224xf32, #tpu.memory_space<hbm>> -> memref<1264xf32, #tpu.memory_space<hbm>>
      tpu.enqueue_dma source(%dma_start3A_58 : memref<1264xf32, #tpu.memory_space<hbm>>) target(%arg12 : memref<1264xf32, #tpu.memory_space<vmem>>) target_semaphore(%run_scoped3A : memref<!tpu.dma_semaphore, #tpu.memory_space<semaphore_mem>>)
      %dma_wait3A = tpu.memref_slice %arg3[%mul3A_0] : memref<20224xf32, #tpu.memory_space<hbm>> -> memref<1264xf32, #tpu.memory_space<hbm>>
      %dma_wait3A_59 = tpu.memref_slice %arg3[%mul3A_0] : memref<20224xf32, #tpu.memory_space<hbm>> -> memref<1264xf32, #tpu.memory_space<hbm>>
      tpu.wait_dma2 semaphore(%run_scoped3A : memref<!tpu.dma_semaphore, #tpu.memory_space<semaphore_mem>>) src(%dma_wait3A_59 : memref<1264xf32, #tpu.memory_space<hbm>>) dst(%arg12 : memref<1264xf32, #tpu.memory_space<vmem>>)
      tpu.yield
    }) : () -> ()
    "tpu.region"() ({
      %run_scoped3A = tpu.sem_alloc : memref<!tpu.dma_semaphore, #tpu.memory_space<semaphore_mem>>
      %dma_start3A = tpu.memref_slice %arg4[%mul3A_0] : memref<20224xf32, #tpu.memory_space<hbm>> -> memref<1264xf32, #tpu.memory_space<hbm>>
      %dma_start3A_58 = tpu.memref_slice %arg4[%mul3A_0] : memref<20224xf32, #tpu.memory_space<hbm>> -> memref<1264xf32, #tpu.memory_space<hbm>>
      tpu.enqueue_dma source(%dma_start3A_58 : memref<1264xf32, #tpu.memory_space<hbm>>) target(%arg13 : memref<1264xf32, #tpu.memory_space<vmem>>) target_semaphore(%run_scoped3A : memref<!tpu.dma_semaphore, #tpu.memory_space<semaphore_mem>>)
      %dma_wait3A = tpu.memref_slice %arg4[%mul3A_0] : memref<20224xf32, #tpu.memory_space<hbm>> -> memref<1264xf32, #tpu.memory_space<hbm>>
      %dma_wait3A_59 = tpu.memref_slice %arg4[%mul3A_0] : memref<20224xf32, #tpu.memory_space<hbm>> -> memref<1264xf32, #tpu.memory_space<hbm>>
      tpu.wait_dma2 semaphore(%run_scoped3A : memref<!tpu.dma_semaphore, #tpu.memory_space<semaphore_mem>>) src(%dma_wait3A_59 : memref<1264xf32, #tpu.memory_space<hbm>>) dst(%arg13 : memref<1264xf32, #tpu.memory_space<vmem>>)
      tpu.yield
    }) : () -> ()
    "tpu.region"() ({
      %run_scoped3A = tpu.sem_alloc : memref<!tpu.dma_semaphore, #tpu.memory_space<semaphore_mem>>
      %dma_start3A = tpu.memref_slice %arg5[%mul3A_0] : memref<20224xf32, #tpu.memory_space<hbm>> -> memref<1264xf32, #tpu.memory_space<hbm>>
      %dma_start3A_58 = tpu.memref_slice %arg5[%mul3A_0] : memref<20224xf32, #tpu.memory_space<hbm>> -> memref<1264xf32, #tpu.memory_space<hbm>>
      tpu.enqueue_dma source(%dma_start3A_58 : memref<1264xf32, #tpu.memory_space<hbm>>) target(%arg14 : memref<1264xf32, #tpu.memory_space<vmem>>) target_semaphore(%run_scoped3A : memref<!tpu.dma_semaphore, #tpu.memory_space<semaphore_mem>>)
      %dma_wait3A = tpu.memref_slice %arg5[%mul3A_0] : memref<20224xf32, #tpu.memory_space<hbm>> -> memref<1264xf32, #tpu.memory_space<hbm>>
      %dma_wait3A_59 = tpu.memref_slice %arg5[%mul3A_0] : memref<20224xf32, #tpu.memory_space<hbm>> -> memref<1264xf32, #tpu.memory_space<hbm>>
      tpu.wait_dma2 semaphore(%run_scoped3A : memref<!tpu.dma_semaphore, #tpu.memory_space<semaphore_mem>>) src(%dma_wait3A_59 : memref<1264xf32, #tpu.memory_space<hbm>>) dst(%arg14 : memref<1264xf32, #tpu.memory_space<vmem>>)
      tpu.yield
    }) : () -> ()
    "tpu.region"() ({
      %run_scoped3A = tpu.sem_alloc : memref<!tpu.dma_semaphore, #tpu.memory_space<semaphore_mem>>
      tpu.enqueue_dma source(%arg6 : memref<128xf32, #tpu.memory_space<hbm>>) target(%arg17 : memref<128xf32, #tpu.memory_space<vmem>>) target_semaphore(%run_scoped3A : memref<!tpu.dma_semaphore, #tpu.memory_space<semaphore_mem>>)
      tpu.wait_dma2 semaphore(%run_scoped3A : memref<!tpu.dma_semaphore, #tpu.memory_space<semaphore_mem>>) src(%arg6 : memref<128xf32, #tpu.memory_space<hbm>>) dst(%arg17 : memref<128xf32, #tpu.memory_space<vmem>>)
      tpu.yield
    }) : () -> ()
    "tpu.region"() ({
      %run_scoped3A = tpu.sem_alloc : memref<!tpu.dma_semaphore, #tpu.memory_space<semaphore_mem>>
      tpu.enqueue_dma source(%arg7 : memref<128xf32, #tpu.memory_space<hbm>>) target(%arg18 : memref<128xf32, #tpu.memory_space<vmem>>) target_semaphore(%run_scoped3A : memref<!tpu.dma_semaphore, #tpu.memory_space<semaphore_mem>>)
      tpu.wait_dma2 semaphore(%run_scoped3A : memref<!tpu.dma_semaphore, #tpu.memory_space<semaphore_mem>>) src(%arg7 : memref<128xf32, #tpu.memory_space<hbm>>) dst(%arg18 : memref<128xf32, #tpu.memory_space<vmem>>)
      tpu.yield
    }) : () -> ()
    "tpu.region"() ({
      %run_scoped3A = tpu.sem_alloc : memref<!tpu.dma_semaphore, #tpu.memory_space<semaphore_mem>>
      tpu.enqueue_dma source(%arg8 : memref<128xf32, #tpu.memory_space<hbm>>) target(%arg19 : memref<128xf32, #tpu.memory_space<vmem>>) target_semaphore(%run_scoped3A : memref<!tpu.dma_semaphore, #tpu.memory_space<semaphore_mem>>)
      tpu.wait_dma2 semaphore(%run_scoped3A : memref<!tpu.dma_semaphore, #tpu.memory_space<semaphore_mem>>) src(%arg8 : memref<128xf32, #tpu.memory_space<hbm>>) dst(%arg19 : memref<128xf32, #tpu.memory_space<vmem>>)
      tpu.yield
    }) : () -> ()
    "tpu.region"() ({
      %run_scoped3A = tpu.sem_alloc : memref<!tpu.dma_semaphore, #tpu.memory_space<semaphore_mem>>
      tpu.enqueue_dma source(%arg9 : memref<128xf32, #tpu.memory_space<hbm>>) target(%arg20 : memref<128xf32, #tpu.memory_space<vmem>>) target_semaphore(%run_scoped3A : memref<!tpu.dma_semaphore, #tpu.memory_space<semaphore_mem>>)
      tpu.wait_dma2 semaphore(%run_scoped3A : memref<!tpu.dma_semaphore, #tpu.memory_space<semaphore_mem>>) src(%arg9 : memref<128xf32, #tpu.memory_space<hbm>>) dst(%arg20 : memref<128xf32, #tpu.memory_space<vmem>>)
      tpu.yield
    }) : () -> ()
    %scan3A = arith.constant 0 : i32
    %scan3A_1 = arith.constant 0 : i32
    %scan3A_2 = arith.constant 79 : i32
    %scan3A_3 = arith.addi %scan3A_1, %scan3A_2 : i32
    %scan3A_4 = arith.constant 1 : i32
    %scan3A_5 = scf.for %scan3A_58 = %scan3A_1 to %scan3A_3 step %scan3A_4 iter_args(%scan3A_59 = %scan3A) -> (i32)  : i32 {
      %mul3A_60 = arith.constant 16 : i32
      %mul3A_61 = arith.muli %scan3A_58, %mul3A_60 : i32
      %multiple_of3A = tpu.assume_multiple %mul3A_61, 16 : i32
      %get3A = arith.index_cast %multiple_of3A : i32 to index
      %get3A_62 = tpu.vector_load %arg13[%get3A] {strides = array<i32>} : memref<1264xf32, #tpu.memory_space<vmem>>, vector<16xf32>,
      %get3A_63 = arith.index_cast %multiple_of3A : i32 to index
      %get3A_64 = tpu.vector_load %arg11[%get3A_63] {strides = array<i32>} : memref<1264xf32, #tpu.memory_space<vmem>>, vector<16xf32>,
      %add3A_65 = arith.addf %get3A_62, %get3A_64 : vector<16xf32>
      %div3A = arith.constant 2.000000e+00 : f32
      %div3A_66 = vector.broadcast %div3A : f32 to vector<16xf32>
      %div3A_67 = arith.divf %add3A_65, %div3A_66 : vector<16xf32>
      %swap3A = arith.index_cast %multiple_of3A : i32 to index
      %swap3A_68 = tpu.vector_load %arg15[%swap3A] {strides = array<i32>} : memref<1264xf32, #tpu.memory_space<vmem>>, vector<16xf32>,
      tpu.vector_store %arg15[%swap3A], %div3A_67 {strides = array<i32>} : memref<1264xf32, #tpu.memory_space<vmem>>, vector<16xf32>,
      %get3A_69 = arith.index_cast %multiple_of3A : i32 to index
      %get3A_70 = tpu.vector_load %arg14[%get3A_69] {strides = array<i32>} : memref<1264xf32, #tpu.memory_space<vmem>>, vector<16xf32>,
      %get3A_71 = arith.index_cast %multiple_of3A : i32 to index
      %get3A_72 = tpu.vector_load %arg12[%get3A_71] {strides = array<i32>} : memref<1264xf32, #tpu.memory_space<vmem>>, vector<16xf32>,
      %add3A_73 = arith.addf %get3A_70, %get3A_72 : vector<16xf32>
      %div3A_74 = arith.constant 2.000000e+00 : f32
      %div3A_75 = vector.broadcast %div3A_74 : f32 to vector<16xf32>
      %div3A_76 = arith.divf %add3A_73, %div3A_75 : vector<16xf32>
      %swap3A_77 = arith.index_cast %multiple_of3A : i32 to index
      %swap3A_78 = tpu.vector_load %arg16[%swap3A_77] {strides = array<i32>} : memref<1264xf32, #tpu.memory_space<vmem>>, vector<16xf32>,
      tpu.vector_store %arg16[%swap3A_77], %div3A_76 {strides = array<i32>} : memref<1264xf32, #tpu.memory_space<vmem>>, vector<16xf32>,
      %scan3A_79 = arith.constant 0 : i32
      scf.yield %scan3A_79 : i32
    }
    %scan3A_6 = arith.constant 79 : i32
    %scan3A_7 = arith.constant 0 : i32
    %scan3A_8 = arith.constant 0 : i32
    %scan3A_9 = arith.constant 100 : i32
    %scan3A_10 = arith.addi %scan3A_8, %scan3A_9 : i32
    %scan3A_11 = arith.constant 1 : i32
    %scan3A_12 = scf.for %scan3A_58 = %scan3A_8 to %scan3A_10 step %scan3A_11 iter_args(%scan3A_59 = %scan3A_7) -> (i32)  : i32 {
      %broadcast_in_dim3A_60 = vector.broadcast %scan3A_58 : i32 to vector<16xi32>
      %gather3A = tpu.vector_load_idx %arg17[%broadcast_in_dim3A_60] : memref<128xf32, #tpu.memory_space<vmem>>[vector<16xi32>], vector<16xf32>,
      %gather3A_61 = tpu.vector_load_idx %arg18[%broadcast_in_dim3A_60] : memref<128xf32, #tpu.memory_space<vmem>>[vector<16xi32>], vector<16xf32>,
      %gather3A_62 = tpu.vector_load_idx %arg19[%broadcast_in_dim3A_60] : memref<128xf32, #tpu.memory_space<vmem>>[vector<16xi32>], vector<16xf32>,
      %gather3A_63 = tpu.vector_load_idx %arg20[%broadcast_in_dim3A_60] : memref<128xf32, #tpu.memory_space<vmem>>[vector<16xi32>], vector<16xf32>,
      %add3A_64 = arith.addf %gather3A_62, %gather3A : vector<16xf32>
      %div3A = arith.constant 2.000000e+00 : f32
      %div3A_65 = vector.broadcast %div3A : f32 to vector<16xf32>
      %div3A_66 = arith.divf %add3A_64, %div3A_65 : vector<16xf32>
      %add3A_67 = arith.addf %gather3A_63, %gather3A_61 : vector<16xf32>
      %div3A_68 = arith.constant 2.000000e+00 : f32
      %div3A_69 = vector.broadcast %div3A_68 : f32 to vector<16xf32>
      %div3A_70 = arith.divf %add3A_67, %div3A_69 : vector<16xf32>
      %broadcast_in_dim3A_71 = arith.constant 1.000000e+30 : f32
      %broadcast_in_dim3A_72 = vector.broadcast %broadcast_in_dim3A_71 : f32 to vector<16xf32>
      %broadcast_in_dim3A_73 = arith.constant 0 : i32
      %broadcast_in_dim3A_74 = vector.broadcast %broadcast_in_dim3A_73 : i32 to vector<16xi32>
      %scan3A_75 = arith.constant 0 : i32
      %scan3A_76 = arith.constant 79 : i32
      %scan3A_77 = arith.addi %scan3A_75, %scan3A_76 : i32
      %scan3A_78 = arith.constant 1 : i32
      %scan3A_79:2 = scf.for %scan3A_127 = %scan3A_75 to %scan3A_77 step %scan3A_78 iter_args(%scan3A_128 = %broadcast_in_dim3A_72, %scan3A_129 = %broadcast_in_dim3A_74) -> (vector<16xf32>, vector<16xi32>)  : i32 {
        %mul3A_130 = arith.constant 16 : i32
        %mul3A_131 = arith.muli %scan3A_127, %mul3A_130 : i32
        %multiple_of3A_132 = tpu.assume_multiple %mul3A_131, 16 : i32
        %get3A = arith.index_cast %multiple_of3A_132 : i32 to index
        %get3A_133 = tpu.vector_load %arg15[%get3A] {strides = array<i32>} : memref<1264xf32, #tpu.memory_space<vmem>>, vector<16xf32>,
        %sub3A_134 = arith.subf %get3A_133, %div3A_66 : vector<16xf32>
        %get3A_135 = arith.index_cast %multiple_of3A_132 : i32 to index
        %get3A_136 = tpu.vector_load %arg16[%get3A_135] {strides = array<i32>} : memref<1264xf32, #tpu.memory_space<vmem>>, vector<16xf32>,
        %sub3A_137 = arith.subf %get3A_136, %div3A_70 : vector<16xf32>
        %mul3A_138 = arith.mulf %sub3A_134, %sub3A_134 : vector<16xf32>
        %mul3A_139 = arith.mulf %sub3A_137, %sub3A_137 : vector<16xf32>
        %add3A_140 = arith.addf %mul3A_138, %mul3A_139 : vector<16xf32>
        %slice3A = vector.extract_strided_slice %scan3A_128 {offsets = [8], sizes = [1], strides = [1]} : vector<16xf32> to vector<1xf32>
        %squeeze3A = vector.extract %slice3A[0] : f32 from vector<1xf32>
        %reduce_min3A = arith.constant true
        %reduce_min3A_141 = vector.broadcast %reduce_min3A : i1 to vector<16xi1>
        %reduce_min3A_142 = tpu.scan <min>, %add3A_140 masked %reduce_min3A_141 : vector<16xf32>, vector<16xi1> -> vector<16xf32>
        %reduce_min3A_143 = vector.extract %reduce_min3A_142[15] : f32 from vector<16xf32>
        %lt3A_144 = arith.cmpf olt, %reduce_min3A_143, %squeeze3A : f32
        %convert_element_type3A = arith.extui %lt3A_144 : i1 to i32
        %cond3A = arith.constant 0 : i32
        %cond3A_145 = arith.cmpi ne, %convert_element_type3A, %cond3A : i32
        %cond3A_146:2 = scf.if %cond3A_145 -> (vector<16xf32>, vector<16xi32>) {
          %add3A_147 = arith.addi %mul3A_0, %multiple_of3A_132 : i32
          %add3A_148 = vector.broadcast %add3A_147 : i32 to vector<16xi32>
          %add3A_149 = arith.addi %iota3A, %add3A_148 : vector<16xi32>
          %masked_sort3A = arith.constant dense<true> : vector<16xi1>
          %masked_sort3A_150, %masked_sort3A_151, %masked_sort3A_152 = tpu.sort %add3A_140, %add3A_149 masked %masked_sort3A : (vector<16xf32>, vector<16xi32>, vector<16xi1>) -> (vector<16xi1>, vector<16xf32>, vector<16xi32>)
          %rev3A = arith.constant 15 : i32
          %rev3A_153 = vector.broadcast %rev3A : i32 to vector<16xi32>
          %rev3A_154 = tpu.iota {dimensions = array<i32: 0>} : vector<16xi32>
          %rev3A_155 = arith.subi %rev3A_153, %rev3A_154 : vector<16xi32>
          %rev3A_156 = tpu.dynamic_gather %masked_sort3A_151[%rev3A_155] in [0] : vector<16xf32>, vector<16xi32> -> vector<16xf32>
          %rev3A_157 = arith.constant 15 : i32
          %rev3A_158 = vector.broadcast %rev3A_157 : i32 to vector<16xi32>
          %rev3A_159 = tpu.iota {dimensions = array<i32: 0>} : vector<16xi32>
          %rev3A_160 = arith.subi %rev3A_158, %rev3A_159 : vector<16xi32>
          %rev3A_161 = tpu.dynamic_gather %masked_sort3A_152[%rev3A_160] in [0] : vector<16xi32>, vector<16xi32> -> vector<16xi32>
          %le3A = arith.cmpf ole, %scan3A_128, %rev3A_156 : vector<16xf32>
          %select_n3A_162 = arith.select %le3A, %scan3A_128, %rev3A_156 : vector<16xi1>, vector<16xf32>
          %select_n3A_163 = arith.select %le3A, %scan3A_129, %rev3A_161 : vector<16xi1>, vector<16xi32>
          %masked_sort3A_164 = arith.constant dense<true> : vector<16xi1>
          %masked_sort3A_165, %masked_sort3A_166, %masked_sort3A_167 = tpu.sort %select_n3A_162, %select_n3A_163 masked %masked_sort3A_164 : (vector<16xf32>, vector<16xi32>, vector<16xi1>) -> (vector<16xi1>, vector<16xf32>, vector<16xi32>)
          scf.yield %masked_sort3A_166, %masked_sort3A_167 : vector<16xf32>, vector<16xi32>
        } else {
          scf.yield %scan3A_128, %scan3A_129 : vector<16xf32>, vector<16xi32>
        }
        scf.yield %cond3A_146#0, %cond3A_146#1 : vector<16xf32>, vector<16xi32>
      }
      %scan3A_80 = arith.constant 79 : i32
      %broadcast_in_dim3A_81 = vector.broadcast %mul3A_0 : i32 to vector<16xi32>
      %sub3A = arith.subi %scan3A_79#1, %broadcast_in_dim3A_81 : vector<16xi32>
      %gather3A_82 = tpu.vector_load_idx %arg11[%sub3A] : memref<1264xf32, #tpu.memory_space<vmem>>[vector<16xi32>], vector<16xf32>,
      %gather3A_83 = tpu.vector_load_idx %arg12[%sub3A] : memref<1264xf32, #tpu.memory_space<vmem>>[vector<16xi32>], vector<16xf32>,
      %gather3A_84 = tpu.vector_load_idx %arg13[%sub3A] : memref<1264xf32, #tpu.memory_space<vmem>>[vector<16xi32>], vector<16xf32>,
      %gather3A_85 = tpu.vector_load_idx %arg14[%sub3A] : memref<1264xf32, #tpu.memory_space<vmem>>[vector<16xi32>], vector<16xf32>,
      %add3A_86 = arith.addf %gather3A_84, %gather3A_82 : vector<16xf32>
      %div3A_87 = arith.constant 2.000000e+00 : f32
      %div3A_88 = vector.broadcast %div3A_87 : f32 to vector<16xf32>
      %div3A_89 = arith.divf %add3A_86, %div3A_88 : vector<16xf32>
      %add3A_90 = arith.addf %gather3A_85, %gather3A_83 : vector<16xf32>
      %div3A_91 = arith.constant 2.000000e+00 : f32
      %div3A_92 = vector.broadcast %div3A_91 : f32 to vector<16xf32>
      %div3A_93 = arith.divf %add3A_90, %div3A_92 : vector<16xf32>
      %sub3A_94 = arith.subf %gather3A_84, %gather3A_82 : vector<16xf32>
      %sub3A_95 = arith.subf %gather3A_85, %gather3A_83 : vector<16xf32>
      %mul3A_96 = arith.mulf %sub3A_94, %sub3A_95 : vector<16xf32>
      %sub3A_97 = arith.subf %gather3A_62, %gather3A : vector<16xf32>
      %sub3A_98 = arith.subf %gather3A_63, %gather3A_61 : vector<16xf32>
      %mul3A_99 = arith.mulf %sub3A_97, %sub3A_98 : vector<16xf32>
      %min3A_100 = arith.minimumf %gather3A_84, %gather3A_62 : vector<16xf32>
      %max3A = arith.maximumf %gather3A_82, %gather3A : vector<16xf32>
      %sub3A_101 = arith.subf %min3A_100, %max3A : vector<16xf32>
      %max3A_102 = arith.constant 0.000000e+00 : f32
      %max3A_103 = vector.broadcast %max3A_102 : f32 to vector<16xf32>
      %max3A_104 = arith.maximumf %sub3A_101, %max3A_103 : vector<16xf32>
      %min3A_105 = arith.minimumf %gather3A_85, %gather3A_63 : vector<16xf32>
      %max3A_106 = arith.maximumf %gather3A_83, %gather3A_61 : vector<16xf32>
      %sub3A_107 = arith.subf %min3A_105, %max3A_106 : vector<16xf32>
      %max3A_108 = arith.constant 0.000000e+00 : f32
      %max3A_109 = vector.broadcast %max3A_108 : f32 to vector<16xf32>
      %max3A_110 = arith.maximumf %sub3A_107, %max3A_109 : vector<16xf32>
      %mul3A_111 = arith.mulf %max3A_104, %max3A_110 : vector<16xf32>
      %add3A_112 = arith.addf %mul3A_96, %mul3A_99 : vector<16xf32>
      %sub3A_113 = arith.subf %add3A_112, %mul3A_111 : vector<16xf32>
      %div3A_114 = arith.divf %mul3A_111, %sub3A_113 : vector<16xf32>
      %mul3A_115 = arith.constant 16 : i32
      %mul3A_116 = arith.muli %scan3A_58, %mul3A_115 : i32
      %multiple_of3A = tpu.assume_multiple %mul3A_116, 16 : i32
      %swap3A = arith.index_cast %multiple_of3A : i32 to index
      %swap3A_117 = tpu.vector_load %arg21[%swap3A] {strides = array<i32>} : memref<1600xf32, #tpu.memory_space<vmem>>, vector<16xf32>,
      tpu.vector_store %arg21[%swap3A], %scan3A_79#0 {strides = array<i32>} : memref<1600xf32, #tpu.memory_space<vmem>>, vector<16xf32>,
      %swap3A_118 = arith.index_cast %multiple_of3A : i32 to index
      %swap3A_119 = tpu.vector_load %arg22[%swap3A_118] {strides = array<i32>} : memref<1600xi32, #tpu.memory_space<vmem>>, vector<16xi32>,
      tpu.vector_store %arg22[%swap3A_118], %scan3A_79#1 {strides = array<i32>} : memref<1600xi32, #tpu.memory_space<vmem>>, vector<16xi32>,
      %swap3A_120 = arith.index_cast %multiple_of3A : i32 to index
      %swap3A_121 = tpu.vector_load %arg23[%swap3A_120] {strides = array<i32>} : memref<1600xf32, #tpu.memory_space<vmem>>, vector<16xf32>,
      tpu.vector_store %arg23[%swap3A_120], %div3A_114 {strides = array<i32>} : memref<1600xf32, #tpu.memory_space<vmem>>, vector<16xf32>,
      %swap3A_122 = arith.index_cast %multiple_of3A : i32 to index
      %swap3A_123 = tpu.vector_load %arg24[%swap3A_122] {strides = array<i32>} : memref<1600xf32, #tpu.memory_space<vmem>>, vector<16xf32>,
      tpu.vector_store %arg24[%swap3A_122], %div3A_89 {strides = array<i32>} : memref<1600xf32, #tpu.memory_space<vmem>>, vector<16xf32>,
      %swap3A_124 = arith.index_cast %multiple_of3A : i32 to index
      %swap3A_125 = tpu.vector_load %arg25[%swap3A_124] {strides = array<i32>} : memref<1600xf32, #tpu.memory_space<vmem>>, vector<16xf32>,
      tpu.vector_store %arg25[%swap3A_124], %div3A_93 {strides = array<i32>} : memref<1600xf32, #tpu.memory_space<vmem>>, vector<16xf32>,
      %scan3A_126 = arith.constant 0 : i32
      scf.yield %scan3A_126 : i32
    }
    %scan3A_13 = arith.constant 100 : i32
    %mul3A_14 = arith.constant 1600 : i32
    %mul3A_15 = arith.muli %arg1, %mul3A_14 : i32
    "tpu.region"() ({
      %run_scoped3A = tpu.sem_alloc : memref<!tpu.dma_semaphore, #tpu.memory_space<semaphore_mem>>
      %dma_start3A = tpu.memref_slice %arg36[%mul3A_15] : memref<25600xf32, #tpu.memory_space<vmem_shared>> -> memref<1600xf32, #tpu.memory_space<vmem_shared>>
      %dma_start3A_58 = tpu.memref_slice %arg36[%mul3A_15] : memref<25600xf32, #tpu.memory_space<vmem_shared>> -> memref<1600xf32, #tpu.memory_space<vmem_shared>>
      tpu.enqueue_dma source(%arg21 : memref<1600xf32, #tpu.memory_space<vmem>>) target(%dma_start3A_58 : memref<1600xf32, #tpu.memory_space<vmem_shared>>) target_semaphore(%run_scoped3A : memref<!tpu.dma_semaphore, #tpu.memory_space<semaphore_mem>>)
      %dma_wait3A = tpu.memref_slice %arg36[%mul3A_15] : memref<25600xf32, #tpu.memory_space<vmem_shared>> -> memref<1600xf32, #tpu.memory_space<vmem_shared>>
      %dma_wait3A_59 = tpu.memref_slice %arg36[%mul3A_15] : memref<25600xf32, #tpu.memory_space<vmem_shared>> -> memref<1600xf32, #tpu.memory_space<vmem_shared>>
      tpu.wait_dma2 semaphore(%run_scoped3A : memref<!tpu.dma_semaphore, #tpu.memory_space<semaphore_mem>>) src(%arg21 : memref<1600xf32, #tpu.memory_space<vmem>>) dst(%dma_wait3A_59 : memref<1600xf32, #tpu.memory_space<vmem_shared>>)
      tpu.yield
    }) : () -> ()
    "tpu.region"() ({
      %run_scoped3A = tpu.sem_alloc : memref<!tpu.dma_semaphore, #tpu.memory_space<semaphore_mem>>
      %dma_start3A = tpu.memref_slice %arg37[%mul3A_15] : memref<25600xi32, #tpu.memory_space<vmem_shared>> -> memref<1600xi32, #tpu.memory_space<vmem_shared>>
      %dma_start3A_58 = tpu.memref_slice %arg37[%mul3A_15] : memref<25600xi32, #tpu.memory_space<vmem_shared>> -> memref<1600xi32, #tpu.memory_space<vmem_shared>>
      tpu.enqueue_dma source(%arg22 : memref<1600xi32, #tpu.memory_space<vmem>>) target(%dma_start3A_58 : memref<1600xi32, #tpu.memory_space<vmem_shared>>) target_semaphore(%run_scoped3A : memref<!tpu.dma_semaphore, #tpu.memory_space<semaphore_mem>>)
      %dma_wait3A = tpu.memref_slice %arg37[%mul3A_15] : memref<25600xi32, #tpu.memory_space<vmem_shared>> -> memref<1600xi32, #tpu.memory_space<vmem_shared>>
      %dma_wait3A_59 = tpu.memref_slice %arg37[%mul3A_15] : memref<25600xi32, #tpu.memory_space<vmem_shared>> -> memref<1600xi32, #tpu.memory_space<vmem_shared>>
      tpu.wait_dma2 semaphore(%run_scoped3A : memref<!tpu.dma_semaphore, #tpu.memory_space<semaphore_mem>>) src(%arg22 : memref<1600xi32, #tpu.memory_space<vmem>>) dst(%dma_wait3A_59 : memref<1600xi32, #tpu.memory_space<vmem_shared>>)
      tpu.yield
    }) : () -> ()
    "tpu.region"() ({
      %run_scoped3A = tpu.sem_alloc : memref<!tpu.dma_semaphore, #tpu.memory_space<semaphore_mem>>
      %dma_start3A = tpu.memref_slice %arg38[%mul3A_15] : memref<25600xf32, #tpu.memory_space<vmem_shared>> -> memref<1600xf32, #tpu.memory_space<vmem_shared>>
      %dma_start3A_58 = tpu.memref_slice %arg38[%mul3A_15] : memref<25600xf32, #tpu.memory_space<vmem_shared>> -> memref<1600xf32, #tpu.memory_space<vmem_shared>>
      tpu.enqueue_dma source(%arg23 : memref<1600xf32, #tpu.memory_space<vmem>>) target(%dma_start3A_58 : memref<1600xf32, #tpu.memory_space<vmem_shared>>) target_semaphore(%run_scoped3A : memref<!tpu.dma_semaphore, #tpu.memory_space<semaphore_mem>>)
      %dma_wait3A = tpu.memref_slice %arg38[%mul3A_15] : memref<25600xf32, #tpu.memory_space<vmem_shared>> -> memref<1600xf32, #tpu.memory_space<vmem_shared>>
      %dma_wait3A_59 = tpu.memref_slice %arg38[%mul3A_15] : memref<25600xf32, #tpu.memory_space<vmem_shared>> -> memref<1600xf32, #tpu.memory_space<vmem_shared>>
      tpu.wait_dma2 semaphore(%run_scoped3A : memref<!tpu.dma_semaphore, #tpu.memory_space<semaphore_mem>>) src(%arg23 : memref<1600xf32, #tpu.memory_space<vmem>>) dst(%dma_wait3A_59 : memref<1600xf32, #tpu.memory_space<vmem_shared>>)
      tpu.yield
    }) : () -> ()
    "tpu.region"() ({
      %run_scoped3A = tpu.sem_alloc : memref<!tpu.dma_semaphore, #tpu.memory_space<semaphore_mem>>
      %dma_start3A = tpu.memref_slice %arg39[%mul3A_15] : memref<25600xf32, #tpu.memory_space<vmem_shared>> -> memref<1600xf32, #tpu.memory_space<vmem_shared>>
      %dma_start3A_58 = tpu.memref_slice %arg39[%mul3A_15] : memref<25600xf32, #tpu.memory_space<vmem_shared>> -> memref<1600xf32, #tpu.memory_space<vmem_shared>>
      tpu.enqueue_dma source(%arg24 : memref<1600xf32, #tpu.memory_space<vmem>>) target(%dma_start3A_58 : memref<1600xf32, #tpu.memory_space<vmem_shared>>) target_semaphore(%run_scoped3A : memref<!tpu.dma_semaphore, #tpu.memory_space<semaphore_mem>>)
      %dma_wait3A = tpu.memref_slice %arg39[%mul3A_15] : memref<25600xf32, #tpu.memory_space<vmem_shared>> -> memref<1600xf32, #tpu.memory_space<vmem_shared>>
      %dma_wait3A_59 = tpu.memref_slice %arg39[%mul3A_15] : memref<25600xf32, #tpu.memory_space<vmem_shared>> -> memref<1600xf32, #tpu.memory_space<vmem_shared>>
      tpu.wait_dma2 semaphore(%run_scoped3A : memref<!tpu.dma_semaphore, #tpu.memory_space<semaphore_mem>>) src(%arg24 : memref<1600xf32, #tpu.memory_space<vmem>>) dst(%dma_wait3A_59 : memref<1600xf32, #tpu.memory_space<vmem_shared>>)
      tpu.yield
    }) : () -> ()
    "tpu.region"() ({
      %run_scoped3A = tpu.sem_alloc : memref<!tpu.dma_semaphore, #tpu.memory_space<semaphore_mem>>
      %dma_start3A = tpu.memref_slice %arg40[%mul3A_15] : memref<25600xf32, #tpu.memory_space<vmem_shared>> -> memref<1600xf32, #tpu.memory_space<vmem_shared>>
      %dma_start3A_58 = tpu.memref_slice %arg40[%mul3A_15] : memref<25600xf32, #tpu.memory_space<vmem_shared>> -> memref<1600xf32, #tpu.memory_space<vmem_shared>>
      tpu.enqueue_dma source(%arg25 : memref<1600xf32, #tpu.memory_space<vmem>>) target(%dma_start3A_58 : memref<1600xf32, #tpu.memory_space<vmem_shared>>) target_semaphore(%run_scoped3A : memref<!tpu.dma_semaphore, #tpu.memory_space<semaphore_mem>>)
      %dma_wait3A = tpu.memref_slice %arg40[%mul3A_15] : memref<25600xf32, #tpu.memory_space<vmem_shared>> -> memref<1600xf32, #tpu.memory_space<vmem_shared>>
      %dma_wait3A_59 = tpu.memref_slice %arg40[%mul3A_15] : memref<25600xf32, #tpu.memory_space<vmem_shared>> -> memref<1600xf32, #tpu.memory_space<vmem_shared>>
      tpu.wait_dma2 semaphore(%run_scoped3A : memref<!tpu.dma_semaphore, #tpu.memory_space<semaphore_mem>>) src(%arg25 : memref<1600xf32, #tpu.memory_space<vmem>>) dst(%dma_wait3A_59 : memref<1600xf32, #tpu.memory_space<vmem_shared>>)
      tpu.yield
    }) : () -> ()
    %barrier3A = arith.constant 0 : index
    tpu.barrier barrier_id(%barrier3A)
    %mul3A_16 = arith.constant 6 : i32
    %mul3A_17 = arith.muli %arg1, %mul3A_16 : i32
    %min3A = arith.constant 4 : i32
    %min3A_18 = arith.minsi %arg1, %min3A : i32
    %add3A = arith.addi %mul3A_17, %min3A_18 : i32
    %lt3A = arith.constant 4 : i32
    %lt3A_19 = arith.cmpi slt, %arg1, %lt3A : i32
    %jit3A = arith.constant 1 : i32
    %jit3A_20 = arith.constant 0 : i32
    %select_n3A = arith.select %lt3A_19, %jit3A, %jit3A_20 : i32
    %add3A_21 = arith.constant 6 : i32
    %add3A_22 = arith.addi %add3A_21, %select_n3A : i32
    %add3A_23 = arith.addi %add3A, %add3A_22 : i32
    %while3A = arith.constant 0 : i32
    %while3A_24 = arith.subi %add3A_23, %add3A : i32
    %while3A_25 = arith.addi %add3A, %while3A_24 : i32
    %while3A_26 = arith.constant 1 : i32
    %while3A_27 = arith.divsi %while3A_24, %while3A_26 : i32
    %while3A_28 = arith.muli %while3A_27, %while3A_26 : i32
    %while3A_29 = arith.addi %add3A, %while3A_28 : i32
    %while3A_30 = arith.constant 1 : i32
    %while3A_31 = scf.for %while3A_58 = %add3A to %while3A_29 step %while3A_30 iter_args(%while3A_59 = %while3A) -> (i32)  : i32 {
      %mul3A_60 = arith.constant 16 : i32
      %mul3A_61 = arith.muli %while3A_58, %mul3A_60 : i32
      %add3A_62 = arith.constant 0 : i32
      %add3A_63 = arith.addi %add3A_62, %mul3A_61 : i32
      %multiple_of3A = tpu.assume_multiple %add3A_63, 16 : i32
      %dma_start3A = arith.constant 0 : i32
      %dma_start3A_64 = tpu.memref_slice %arg26[%dma_start3A] : memref<256xf32, #tpu.memory_space<vmem>> -> memref<16xf32, #tpu.memory_space<vmem>>
      %dma_start3A_65 = tpu.memref_slice %arg36[%multiple_of3A] : memref<25600xf32, #tpu.memory_space<vmem_shared>> -> memref<16xf32, #tpu.memory_space<vmem_shared>>
      %dma_start3A_66 = arith.constant 0 : i32
      %dma_start3A_67 = tpu.memref_slice %arg26[%dma_start3A_66] : memref<256xf32, #tpu.memory_space<vmem>> -> memref<16xf32, #tpu.memory_space<vmem>>
      %dma_start3A_68 = tpu.memref_slice %arg36[%multiple_of3A] : memref<25600xf32, #tpu.memory_space<vmem_shared>> -> memref<16xf32, #tpu.memory_space<vmem_shared>>
      tpu.enqueue_dma source(%dma_start3A_68 : memref<16xf32, #tpu.memory_space<vmem_shared>>) target(%dma_start3A_67 : memref<16xf32, #tpu.memory_space<vmem>>) target_semaphore(%arg43 : memref<!tpu.dma_semaphore, #tpu.memory_space<semaphore_mem>>)
      %dma_start3A_69 = arith.constant 0 : i32
      %dma_start3A_70 = tpu.memref_slice %arg27[%dma_start3A_69] : memref<256xi32, #tpu.memory_space<vmem>> -> memref<16xi32, #tpu.memory_space<vmem>>
      %dma_start3A_71 = tpu.memref_slice %arg37[%multiple_of3A] : memref<25600xi32, #tpu.memory_space<vmem_shared>> -> memref<16xi32, #tpu.memory_space<vmem_shared>>
      %dma_start3A_72 = arith.constant 0 : i32
      %dma_start3A_73 = tpu.memref_slice %arg27[%dma_start3A_72] : memref<256xi32, #tpu.memory_space<vmem>> -> memref<16xi32, #tpu.memory_space<vmem>>
      %dma_start3A_74 = tpu.memref_slice %arg37[%multiple_of3A] : memref<25600xi32, #tpu.memory_space<vmem_shared>> -> memref<16xi32, #tpu.memory_space<vmem_shared>>
      tpu.enqueue_dma source(%dma_start3A_74 : memref<16xi32, #tpu.memory_space<vmem_shared>>) target(%dma_start3A_73 : memref<16xi32, #tpu.memory_space<vmem>>) target_semaphore(%arg43 : memref<!tpu.dma_semaphore, #tpu.memory_space<semaphore_mem>>)
      %dma_start3A_75 = arith.constant 0 : i32
      %dma_start3A_76 = tpu.memref_slice %arg28[%dma_start3A_75] : memref<256xf32, #tpu.memory_space<vmem>> -> memref<16xf32, #tpu.memory_space<vmem>>
      %dma_start3A_77 = tpu.memref_slice %arg38[%multiple_of3A] : memref<25600xf32, #tpu.memory_space<vmem_shared>> -> memref<16xf32, #tpu.memory_space<vmem_shared>>
      %dma_start3A_78 = arith.constant 0 : i32
      %dma_start3A_79 = tpu.memref_slice %arg28[%dma_start3A_78] : memref<256xf32, #tpu.memory_space<vmem>> -> memref<16xf32, #tpu.memory_space<vmem>>
      %dma_start3A_80 = tpu.memref_slice %arg38[%multiple_of3A] : memref<25600xf32, #tpu.memory_space<vmem_shared>> -> memref<16xf32, #tpu.memory_space<vmem_shared>>
      tpu.enqueue_dma source(%dma_start3A_80 : memref<16xf32, #tpu.memory_space<vmem_shared>>) target(%dma_start3A_79 : memref<16xf32, #tpu.memory_space<vmem>>) target_semaphore(%arg43 : memref<!tpu.dma_semaphore, #tpu.memory_space<semaphore_mem>>)
      %dma_start3A_81 = arith.constant 0 : i32
      %dma_start3A_82 = tpu.memref_slice %arg29[%dma_start3A_81] : memref<256xf32, #tpu.memory_space<vmem>> -> memref<16xf32, #tpu.memory_space<vmem>>
      %dma_start3A_83 = tpu.memref_slice %arg39[%multiple_of3A] : memref<25600xf32, #tpu.memory_space<vmem_shared>> -> memref<16xf32, #tpu.memory_space<vmem_shared>>
      %dma_start3A_84 = arith.constant 0 : i32
      %dma_start3A_85 = tpu.memref_slice %arg29[%dma_start3A_84] : memref<256xf32, #tpu.memory_space<vmem>> -> memref<16xf32, #tpu.memory_space<vmem>>
      %dma_start3A_86 = tpu.memref_slice %arg39[%multiple_of3A] : memref<25600xf32, #tpu.memory_space<vmem_shared>> -> memref<16xf32, #tpu.memory_space<vmem_shared>>
      tpu.enqueue_dma source(%dma_start3A_86 : memref<16xf32, #tpu.memory_space<vmem_shared>>) target(%dma_start3A_85 : memref<16xf32, #tpu.memory_space<vmem>>) target_semaphore(%arg43 : memref<!tpu.dma_semaphore, #tpu.memory_space<semaphore_mem>>)
      %dma_start3A_87 = arith.constant 0 : i32
      %dma_start3A_88 = tpu.memref_slice %arg30[%dma_start3A_87] : memref<256xf32, #tpu.memory_space<vmem>> -> memref<16xf32, #tpu.memory_space<vmem>>
      %dma_start3A_89 = tpu.memref_slice %arg40[%multiple_of3A] : memref<25600xf32, #tpu.memory_space<vmem_shared>> -> memref<16xf32, #tpu.memory_space<vmem_shared>>
      %dma_start3A_90 = arith.constant 0 : i32
      %dma_start3A_91 = tpu.memref_slice %arg30[%dma_start3A_90] : memref<256xf32, #tpu.memory_space<vmem>> -> memref<16xf32, #tpu.memory_space<vmem>>
      %dma_start3A_92 = tpu.memref_slice %arg40[%multiple_of3A] : memref<25600xf32, #tpu.memory_space<vmem_shared>> -> memref<16xf32, #tpu.memory_space<vmem_shared>>
      tpu.enqueue_dma source(%dma_start3A_92 : memref<16xf32, #tpu.memory_space<vmem_shared>>) target(%dma_start3A_91 : memref<16xf32, #tpu.memory_space<vmem>>) target_semaphore(%arg43 : memref<!tpu.dma_semaphore, #tpu.memory_space<semaphore_mem>>)
      %mul3A_93 = arith.constant 16 : i32
      %mul3A_94 = arith.muli %while3A_58, %mul3A_93 : i32
      %add3A_95 = arith.constant 1600 : i32
      %add3A_96 = arith.addi %add3A_95, %mul3A_94 : i32
      %multiple_of3A_97 = tpu.assume_multiple %add3A_96, 16 : i32
      %dma_start3A_98 = arith.constant 16 : i32
      %dma_start3A_99 = tpu.memref_slice %arg26[%dma_start3A_98] : memref<256xf32, #tpu.memory_space<vmem>> -> memref<16xf32, #tpu.memory_space<vmem>>
      %dma_start3A_100 = tpu.memref_slice %arg36[%multiple_of3A_97] : memref<25600xf32, #tpu.memory_space<vmem_shared>> -> memref<16xf32, #tpu.memory_space<vmem_shared>>
      %dma_start3A_101 = arith.constant 16 : i32
      %dma_start3A_102 = tpu.memref_slice %arg26[%dma_start3A_101] : memref<256xf32, #tpu.memory_space<vmem>> -> memref<16xf32, #tpu.memory_space<vmem>>
      %dma_start3A_103 = tpu.memref_slice %arg36[%multiple_of3A_97] : memref<25600xf32, #tpu.memory_space<vmem_shared>> -> memref<16xf32, #tpu.memory_space<vmem_shared>>
      tpu.enqueue_dma source(%dma_start3A_103 : memref<16xf32, #tpu.memory_space<vmem_shared>>) target(%dma_start3A_102 : memref<16xf32, #tpu.memory_space<vmem>>) target_semaphore(%arg43 : memref<!tpu.dma_semaphore, #tpu.memory_space<semaphore_mem>>)
      %dma_start3A_104 = arith.constant 16 : i32
      %dma_start3A_105 = tpu.memref_slice %arg27[%dma_start3A_104] : memref<256xi32, #tpu.memory_space<vmem>> -> memref<16xi32, #tpu.memory_space<vmem>>
      %dma_start3A_106 = tpu.memref_slice %arg37[%multiple_of3A_97] : memref<25600xi32, #tpu.memory_space<vmem_shared>> -> memref<16xi32, #tpu.memory_space<vmem_shared>>
      %dma_start3A_107 = arith.constant 16 : i32
      %dma_start3A_108 = tpu.memref_slice %arg27[%dma_start3A_107] : memref<256xi32, #tpu.memory_space<vmem>> -> memref<16xi32, #tpu.memory_space<vmem>>
      %dma_start3A_109 = tpu.memref_slice %arg37[%multiple_of3A_97] : memref<25600xi32, #tpu.memory_space<vmem_shared>> -> memref<16xi32, #tpu.memory_space<vmem_shared>>
      tpu.enqueue_dma source(%dma_start3A_109 : memref<16xi32, #tpu.memory_space<vmem_shared>>) target(%dma_start3A_108 : memref<16xi32, #tpu.memory_space<vmem>>) target_semaphore(%arg43 : memref<!tpu.dma_semaphore, #tpu.memory_space<semaphore_mem>>)
      %dma_start3A_110 = arith.constant 16 : i32
      %dma_start3A_111 = tpu.memref_slice %arg28[%dma_start3A_110] : memref<256xf32, #tpu.memory_space<vmem>> -> memref<16xf32, #tpu.memory_space<vmem>>
      %dma_start3A_112 = tpu.memref_slice %arg38[%multiple_of3A_97] : memref<25600xf32, #tpu.memory_space<vmem_shared>> -> memref<16xf32, #tpu.memory_space<vmem_shared>>
      %dma_start3A_113 = arith.constant 16 : i32
      %dma_start3A_114 = tpu.memref_slice %arg28[%dma_start3A_113] : memref<256xf32, #tpu.memory_space<vmem>> -> memref<16xf32, #tpu.memory_space<vmem>>
      %dma_start3A_115 = tpu.memref_slice %arg38[%multiple_of3A_97] : memref<25600xf32, #tpu.memory_space<vmem_shared>> -> memref<16xf32, #tpu.memory_space<vmem_shared>>
      tpu.enqueue_dma source(%dma_start3A_115 : memref<16xf32, #tpu.memory_space<vmem_shared>>) target(%dma_start3A_114 : memref<16xf32, #tpu.memory_space<vmem>>) target_semaphore(%arg43 : memref<!tpu.dma_semaphore, #tpu.memory_space<semaphore_mem>>)
      %dma_start3A_116 = arith.constant 16 : i32
      %dma_start3A_117 = tpu.memref_slice %arg29[%dma_start3A_116] : memref<256xf32, #tpu.memory_space<vmem>> -> memref<16xf32, #tpu.memory_space<vmem>>
      %dma_start3A_118 = tpu.memref_slice %arg39[%multiple_of3A_97] : memref<25600xf32, #tpu.memory_space<vmem_shared>> -> memref<16xf32, #tpu.memory_space<vmem_shared>>
      %dma_start3A_119 = arith.constant 16 : i32
      %dma_start3A_120 = tpu.memref_slice %arg29[%dma_start3A_119] : memref<256xf32, #tpu.memory_space<vmem>> -> memref<16xf32, #tpu.memory_space<vmem>>
      %dma_start3A_121 = tpu.memref_slice %arg39[%multiple_of3A_97] : memref<25600xf32, #tpu.memory_space<vmem_shared>> -> memref<16xf32, #tpu.memory_space<vmem_shared>>
      tpu.enqueue_dma source(%dma_start3A_121 : memref<16xf32, #tpu.memory_space<vmem_shared>>) target(%dma_start3A_120 : memref<16xf32, #tpu.memory_space<vmem>>) target_semaphore(%arg43 : memref<!tpu.dma_semaphore, #tpu.memory_space<semaphore_mem>>)
      %dma_start3A_122 = arith.constant 16 : i32
      %dma_start3A_123 = tpu.memref_slice %arg30[%dma_start3A_122] : memref<256xf32, #tpu.memory_space<vmem>> -> memref<16xf32, #tpu.memory_space<vmem>>
      %dma_start3A_124 = tpu.memref_slice %arg40[%multiple_of3A_97] : memref<25600xf32, #tpu.memory_space<vmem_shared>> -> memref<16xf32, #tpu.memory_space<vmem_shared>>
      %dma_start3A_125 = arith.constant 16 : i32
      %dma_start3A_126 = tpu.memref_slice %arg30[%dma_start3A_125] : memref<256xf32, #tpu.memory_space<vmem>> -> memref<16xf32, #tpu.memory_space<vmem>>
      %dma_start3A_127 = tpu.memref_slice %arg40[%multiple_of3A_97] : memref<25600xf32, #tpu.memory_space<vmem_shared>> -> memref<16xf32, #tpu.memory_space<vmem_shared>>
      tpu.enqueue_dma source(%dma_start3A_127 : memref<16xf32, #tpu.memory_space<vmem_shared>>) target(%dma_start3A_126 : memref<16xf32, #tpu.memory_space<vmem>>) target_semaphore(%arg43 : memref<!tpu.dma_semaphore, #tpu.memory_space<semaphore_mem>>)
      %mul3A_128 = arith.constant 16 : i32
      %mul3A_129 = arith.muli %while3A_58, %mul3A_128 : i32
      %add3A_130 = arith.constant 3200 : i32
      %add3A_131 = arith.addi %add3A_130, %mul3A_129 : i32
      %multiple_of3A_132 = tpu.assume_multiple %add3A_131, 16 : i32
      %dma_start3A_133 = arith.constant 32 : i32
      %dma_start3A_134 = tpu.memref_slice %arg26[%dma_start3A_133] : memref<256xf32, #tpu.memory_space<vmem>> -> memref<16xf32, #tpu.memory_space<vmem>>
      %dma_start3A_135 = tpu.memref_slice %arg36[%multiple_of3A_132] : memref<25600xf32, #tpu.memory_space<vmem_shared>> -> memref<16xf32, #tpu.memory_space<vmem_shared>>
      %dma_start3A_136 = arith.constant 32 : i32
      %dma_start3A_137 = tpu.memref_slice %arg26[%dma_start3A_136] : memref<256xf32, #tpu.memory_space<vmem>> -> memref<16xf32, #tpu.memory_space<vmem>>
      %dma_start3A_138 = tpu.memref_slice %arg36[%multiple_of3A_132] : memref<25600xf32, #tpu.memory_space<vmem_shared>> -> memref<16xf32, #tpu.memory_space<vmem_shared>>
      tpu.enqueue_dma source(%dma_start3A_138 : memref<16xf32, #tpu.memory_space<vmem_shared>>) target(%dma_start3A_137 : memref<16xf32, #tpu.memory_space<vmem>>) target_semaphore(%arg43 : memref<!tpu.dma_semaphore, #tpu.memory_space<semaphore_mem>>)
      %dma_start3A_139 = arith.constant 32 : i32
      %dma_start3A_140 = tpu.memref_slice %arg27[%dma_start3A_139] : memref<256xi32, #tpu.memory_space<vmem>> -> memref<16xi32, #tpu.memory_space<vmem>>
      %dma_start3A_141 = tpu.memref_slice %arg37[%multiple_of3A_132] : memref<25600xi32, #tpu.memory_space<vmem_shared>> -> memref<16xi32, #tpu.memory_space<vmem_shared>>
      %dma_start3A_142 = arith.constant 32 : i32
      %dma_start3A_143 = tpu.memref_slice %arg27[%dma_start3A_142] : memref<256xi32, #tpu.memory_space<vmem>> -> memref<16xi32, #tpu.memory_space<vmem>>
      %dma_start3A_144 = tpu.memref_slice %arg37[%multiple_of3A_132] : memref<25600xi32, #tpu.memory_space<vmem_shared>> -> memref<16xi32, #tpu.memory_space<vmem_shared>>
      tpu.enqueue_dma source(%dma_start3A_144 : memref<16xi32, #tpu.memory_space<vmem_shared>>) target(%dma_start3A_143 : memref<16xi32, #tpu.memory_space<vmem>>) target_semaphore(%arg43 : memref<!tpu.dma_semaphore, #tpu.memory_space<semaphore_mem>>)
      %dma_start3A_145 = arith.constant 32 : i32
      %dma_start3A_146 = tpu.memref_slice %arg28[%dma_start3A_145] : memref<256xf32, #tpu.memory_space<vmem>> -> memref<16xf32, #tpu.memory_space<vmem>>
      %dma_start3A_147 = tpu.memref_slice %arg38[%multiple_of3A_132] : memref<25600xf32, #tpu.memory_space<vmem_shared>> -> memref<16xf32, #tpu.memory_space<vmem_shared>>
      %dma_start3A_148 = arith.constant 32 : i32
      %dma_start3A_149 = tpu.memref_slice %arg28[%dma_start3A_148] : memref<256xf32, #tpu.memory_space<vmem>> -> memref<16xf32, #tpu.memory_space<vmem>>
      %dma_start3A_150 = tpu.memref_slice %arg38[%multiple_of3A_132] : memref<25600xf32, #tpu.memory_space<vmem_shared>> -> memref<16xf32, #tpu.memory_space<vmem_shared>>
      tpu.enqueue_dma source(%dma_start3A_150 : memref<16xf32, #tpu.memory_space<vmem_shared>>) target(%dma_start3A_149 : memref<16xf32, #tpu.memory_space<vmem>>) target_semaphore(%arg43 : memref<!tpu.dma_semaphore, #tpu.memory_space<semaphore_mem>>)
      %dma_start3A_151 = arith.constant 32 : i32
      %dma_start3A_152 = tpu.memref_slice %arg29[%dma_start3A_151] : memref<256xf32, #tpu.memory_space<vmem>> -> memref<16xf32, #tpu.memory_space<vmem>>
      %dma_start3A_153 = tpu.memref_slice %arg39[%multiple_of3A_132] : memref<25600xf32, #tpu.memory_space<vmem_shared>> -> memref<16xf32, #tpu.memory_space<vmem_shared>>
      %dma_start3A_154 = arith.constant 32 : i32
      %dma_start3A_155 = tpu.memref_slice %arg29[%dma_start3A_154] : memref<256xf32, #tpu.memory_space<vmem>> -> memref<16xf32, #tpu.memory_space<vmem>>
      %dma_start3A_156 = tpu.memref_slice %arg39[%multiple_of3A_132] : memref<25600xf32, #tpu.memory_space<vmem_shared>> -> memref<16xf32, #tpu.memory_space<vmem_shared>>
      tpu.enqueue_dma source(%dma_start3A_156 : memref<16xf32, #tpu.memory_space<vmem_shared>>) target(%dma_start3A_155 : memref<16xf32, #tpu.memory_space<vmem>>) target_semaphore(%arg43 : memref<!tpu.dma_semaphore, #tpu.memory_space<semaphore_mem>>)
      %dma_start3A_157 = arith.constant 32 : i32
      %dma_start3A_158 = tpu.memref_slice %arg30[%dma_start3A_157] : memref<256xf32, #tpu.memory_space<vmem>> -> memref<16xf32, #tpu.memory_space<vmem>>
      %dma_start3A_159 = tpu.memref_slice %arg40[%multiple_of3A_132] : memref<25600xf32, #tpu.memory_space<vmem_shared>> -> memref<16xf32, #tpu.memory_space<vmem_shared>>
      %dma_start3A_160 = arith.constant 32 : i32
      %dma_start3A_161 = tpu.memref_slice %arg30[%dma_start3A_160] : memref<256xf32, #tpu.memory_space<vmem>> -> memref<16xf32, #tpu.memory_space<vmem>>
      %dma_start3A_162 = tpu.memref_slice %arg40[%multiple_of3A_132] : memref<25600xf32, #tpu.memory_space<vmem_shared>> -> memref<16xf32, #tpu.memory_space<vmem_shared>>
      tpu.enqueue_dma source(%dma_start3A_162 : memref<16xf32, #tpu.memory_space<vmem_shared>>) target(%dma_start3A_161 : memref<16xf32, #tpu.memory_space<vmem>>) target_semaphore(%arg43 : memref<!tpu.dma_semaphore, #tpu.memory_space<semaphore_mem>>)
      %mul3A_163 = arith.constant 16 : i32
      %mul3A_164 = arith.muli %while3A_58, %mul3A_163 : i32
      %add3A_165 = arith.constant 4800 : i32
      %add3A_166 = arith.addi %add3A_165, %mul3A_164 : i32
      %multiple_of3A_167 = tpu.assume_multiple %add3A_166, 16 : i32
      %dma_start3A_168 = arith.constant 48 : i32
      %dma_start3A_169 = tpu.memref_slice %arg26[%dma_start3A_168] : memref<256xf32, #tpu.memory_space<vmem>> -> memref<16xf32, #tpu.memory_space<vmem>>
      %dma_start3A_170 = tpu.memref_slice %arg36[%multiple_of3A_167] : memref<25600xf32, #tpu.memory_space<vmem_shared>> -> memref<16xf32, #tpu.memory_space<vmem_shared>>
      %dma_start3A_171 = arith.constant 48 : i32
      %dma_start3A_172 = tpu.memref_slice %arg26[%dma_start3A_171] : memref<256xf32, #tpu.memory_space<vmem>> -> memref<16xf32, #tpu.memory_space<vmem>>
      %dma_start3A_173 = tpu.memref_slice %arg36[%multiple_of3A_167] : memref<25600xf32, #tpu.memory_space<vmem_shared>> -> memref<16xf32, #tpu.memory_space<vmem_shared>>
      tpu.enqueue_dma source(%dma_start3A_173 : memref<16xf32, #tpu.memory_space<vmem_shared>>) target(%dma_start3A_172 : memref<16xf32, #tpu.memory_space<vmem>>) target_semaphore(%arg43 : memref<!tpu.dma_semaphore, #tpu.memory_space<semaphore_mem>>)
      %dma_start3A_174 = arith.constant 48 : i32
      %dma_start3A_175 = tpu.memref_slice %arg27[%dma_start3A_174] : memref<256xi32, #tpu.memory_space<vmem>> -> memref<16xi32, #tpu.memory_space<vmem>>
      %dma_start3A_176 = tpu.memref_slice %arg37[%multiple_of3A_167] : memref<25600xi32, #tpu.memory_space<vmem_shared>> -> memref<16xi32, #tpu.memory_space<vmem_shared>>
      %dma_start3A_177 = arith.constant 48 : i32
      %dma_start3A_178 = tpu.memref_slice %arg27[%dma_start3A_177] : memref<256xi32, #tpu.memory_space<vmem>> -> memref<16xi32, #tpu.memory_space<vmem>>
      %dma_start3A_179 = tpu.memref_slice %arg37[%multiple_of3A_167] : memref<25600xi32, #tpu.memory_space<vmem_shared>> -> memref<16xi32, #tpu.memory_space<vmem_shared>>
      tpu.enqueue_dma source(%dma_start3A_179 : memref<16xi32, #tpu.memory_space<vmem_shared>>) target(%dma_start3A_178 : memref<16xi32, #tpu.memory_space<vmem>>) target_semaphore(%arg43 : memref<!tpu.dma_semaphore, #tpu.memory_space<semaphore_mem>>)
      %dma_start3A_180 = arith.constant 48 : i32
      %dma_start3A_181 = tpu.memref_slice %arg28[%dma_start3A_180] : memref<256xf32, #tpu.memory_space<vmem>> -> memref<16xf32, #tpu.memory_space<vmem>>
      %dma_start3A_182 = tpu.memref_slice %arg38[%multiple_of3A_167] : memref<25600xf32, #tpu.memory_space<vmem_shared>> -> memref<16xf32, #tpu.memory_space<vmem_shared>>
      %dma_start3A_183 = arith.constant 48 : i32
      %dma_start3A_184 = tpu.memref_slice %arg28[%dma_start3A_183] : memref<256xf32, #tpu.memory_space<vmem>> -> memref<16xf32, #tpu.memory_space<vmem>>
      %dma_start3A_185 = tpu.memref_slice %arg38[%multiple_of3A_167] : memref<25600xf32, #tpu.memory_space<vmem_shared>> -> memref<16xf32, #tpu.memory_space<vmem_shared>>
      tpu.enqueue_dma source(%dma_start3A_185 : memref<16xf32, #tpu.memory_space<vmem_shared>>) target(%dma_start3A_184 : memref<16xf32, #tpu.memory_space<vmem>>) target_semaphore(%arg43 : memref<!tpu.dma_semaphore, #tpu.memory_space<semaphore_mem>>)
      %dma_start3A_186 = arith.constant 48 : i32
      %dma_start3A_187 = tpu.memref_slice %arg29[%dma_start3A_186] : memref<256xf32, #tpu.memory_space<vmem>> -> memref<16xf32, #tpu.memory_space<vmem>>
      %dma_start3A_188 = tpu.memref_slice %arg39[%multiple_of3A_167] : memref<25600xf32, #tpu.memory_space<vmem_shared>> -> memref<16xf32, #tpu.memory_space<vmem_shared>>
      %dma_start3A_189 = arith.constant 48 : i32
      %dma_start3A_190 = tpu.memref_slice %arg29[%dma_start3A_189] : memref<256xf32, #tpu.memory_space<vmem>> -> memref<16xf32, #tpu.memory_space<vmem>>
      %dma_start3A_191 = tpu.memref_slice %arg39[%multiple_of3A_167] : memref<25600xf32, #tpu.memory_space<vmem_shared>> -> memref<16xf32, #tpu.memory_space<vmem_shared>>
      tpu.enqueue_dma source(%dma_start3A_191 : memref<16xf32, #tpu.memory_space<vmem_shared>>) target(%dma_start3A_190 : memref<16xf32, #tpu.memory_space<vmem>>) target_semaphore(%arg43 : memref<!tpu.dma_semaphore, #tpu.memory_space<semaphore_mem>>)
      %dma_start3A_192 = arith.constant 48 : i32
      %dma_start3A_193 = tpu.memref_slice %arg30[%dma_start3A_192] : memref<256xf32, #tpu.memory_space<vmem>> -> memref<16xf32, #tpu.memory_space<vmem>>
      %dma_start3A_194 = tpu.memref_slice %arg40[%multiple_of3A_167] : memref<25600xf32, #tpu.memory_space<vmem_shared>> -> memref<16xf32, #tpu.memory_space<vmem_shared>>
      %dma_start3A_195 = arith.constant 48 : i32
      %dma_start3A_196 = tpu.memref_slice %arg30[%dma_start3A_195] : memref<256xf32, #tpu.memory_space<vmem>> -> memref<16xf32, #tpu.memory_space<vmem>>
      %dma_start3A_197 = tpu.memref_slice %arg40[%multiple_of3A_167] : memref<25600xf32, #tpu.memory_space<vmem_shared>> -> memref<16xf32, #tpu.memory_space<vmem_shared>>
      tpu.enqueue_dma source(%dma_start3A_197 : memref<16xf32, #tpu.memory_space<vmem_shared>>) target(%dma_start3A_196 : memref<16xf32, #tpu.memory_space<vmem>>) target_semaphore(%arg43 : memref<!tpu.dma_semaphore, #tpu.memory_space<semaphore_mem>>)
      %mul3A_198 = arith.constant 16 : i32
      %mul3A_199 = arith.muli %while3A_58, %mul3A_198 : i32
      %add3A_200 = arith.constant 6400 : i32
      %add3A_201 = arith.addi %add3A_200, %mul3A_199 : i32
      %multiple_of3A_202 = tpu.assume_multiple %add3A_201, 16 : i32
      %dma_start3A_203 = arith.constant 64 : i32
      %dma_start3A_204 = tpu.memref_slice %arg26[%dma_start3A_203] : memref<256xf32, #tpu.memory_space<vmem>> -> memref<16xf32, #tpu.memory_space<vmem>>
      %dma_start3A_205 = tpu.memref_slice %arg36[%multiple_of3A_202] : memref<25600xf32, #tpu.memory_space<vmem_shared>> -> memref<16xf32, #tpu.memory_space<vmem_shared>>
      %dma_start3A_206 = arith.constant 64 : i32
      %dma_start3A_207 = tpu.memref_slice %arg26[%dma_start3A_206] : memref<256xf32, #tpu.memory_space<vmem>> -> memref<16xf32, #tpu.memory_space<vmem>>
      %dma_start3A_208 = tpu.memref_slice %arg36[%multiple_of3A_202] : memref<25600xf32, #tpu.memory_space<vmem_shared>> -> memref<16xf32, #tpu.memory_space<vmem_shared>>
      tpu.enqueue_dma source(%dma_start3A_208 : memref<16xf32, #tpu.memory_space<vmem_shared>>) target(%dma_start3A_207 : memref<16xf32, #tpu.memory_space<vmem>>) target_semaphore(%arg43 : memref<!tpu.dma_semaphore, #tpu.memory_space<semaphore_mem>>)
      %dma_start3A_209 = arith.constant 64 : i32
      %dma_start3A_210 = tpu.memref_slice %arg27[%dma_start3A_209] : memref<256xi32, #tpu.memory_space<vmem>> -> memref<16xi32, #tpu.memory_space<vmem>>
      %dma_start3A_211 = tpu.memref_slice %arg37[%multiple_of3A_202] : memref<25600xi32, #tpu.memory_space<vmem_shared>> -> memref<16xi32, #tpu.memory_space<vmem_shared>>
      %dma_start3A_212 = arith.constant 64 : i32
      %dma_start3A_213 = tpu.memref_slice %arg27[%dma_start3A_212] : memref<256xi32, #tpu.memory_space<vmem>> -> memref<16xi32, #tpu.memory_space<vmem>>
      %dma_start3A_214 = tpu.memref_slice %arg37[%multiple_of3A_202] : memref<25600xi32, #tpu.memory_space<vmem_shared>> -> memref<16xi32, #tpu.memory_space<vmem_shared>>
      tpu.enqueue_dma source(%dma_start3A_214 : memref<16xi32, #tpu.memory_space<vmem_shared>>) target(%dma_start3A_213 : memref<16xi32, #tpu.memory_space<vmem>>) target_semaphore(%arg43 : memref<!tpu.dma_semaphore, #tpu.memory_space<semaphore_mem>>)
      %dma_start3A_215 = arith.constant 64 : i32
      %dma_start3A_216 = tpu.memref_slice %arg28[%dma_start3A_215] : memref<256xf32, #tpu.memory_space<vmem>> -> memref<16xf32, #tpu.memory_space<vmem>>
      %dma_start3A_217 = tpu.memref_slice %arg38[%multiple_of3A_202] : memref<25600xf32, #tpu.memory_space<vmem_shared>> -> memref<16xf32, #tpu.memory_space<vmem_shared>>
      %dma_start3A_218 = arith.constant 64 : i32
      %dma_start3A_219 = tpu.memref_slice %arg28[%dma_start3A_218] : memref<256xf32, #tpu.memory_space<vmem>> -> memref<16xf32, #tpu.memory_space<vmem>>
      %dma_start3A_220 = tpu.memref_slice %arg38[%multiple_of3A_202] : memref<25600xf32, #tpu.memory_space<vmem_shared>> -> memref<16xf32, #tpu.memory_space<vmem_shared>>
      tpu.enqueue_dma source(%dma_start3A_220 : memref<16xf32, #tpu.memory_space<vmem_shared>>) target(%dma_start3A_219 : memref<16xf32, #tpu.memory_space<vmem>>) target_semaphore(%arg43 : memref<!tpu.dma_semaphore, #tpu.memory_space<semaphore_mem>>)
      %dma_start3A_221 = arith.constant 64 : i32
      %dma_start3A_222 = tpu.memref_slice %arg29[%dma_start3A_221] : memref<256xf32, #tpu.memory_space<vmem>> -> memref<16xf32, #tpu.memory_space<vmem>>
      %dma_start3A_223 = tpu.memref_slice %arg39[%multiple_of3A_202] : memref<25600xf32, #tpu.memory_space<vmem_shared>> -> memref<16xf32, #tpu.memory_space<vmem_shared>>
      %dma_start3A_224 = arith.constant 64 : i32
      %dma_start3A_225 = tpu.memref_slice %arg29[%dma_start3A_224] : memref<256xf32, #tpu.memory_space<vmem>> -> memref<16xf32, #tpu.memory_space<vmem>>
      %dma_start3A_226 = tpu.memref_slice %arg39[%multiple_of3A_202] : memref<25600xf32, #tpu.memory_space<vmem_shared>> -> memref<16xf32, #tpu.memory_space<vmem_shared>>
      tpu.enqueue_dma source(%dma_start3A_226 : memref<16xf32, #tpu.memory_space<vmem_shared>>) target(%dma_start3A_225 : memref<16xf32, #tpu.memory_space<vmem>>) target_semaphore(%arg43 : memref<!tpu.dma_semaphore, #tpu.memory_space<semaphore_mem>>)
      %dma_start3A_227 = arith.constant 64 : i32
      %dma_start3A_228 = tpu.memref_slice %arg30[%dma_start3A_227] : memref<256xf32, #tpu.memory_space<vmem>> -> memref<16xf32, #tpu.memory_space<vmem>>
      %dma_start3A_229 = tpu.memref_slice %arg40[%multiple_of3A_202] : memref<25600xf32, #tpu.memory_space<vmem_shared>> -> memref<16xf32, #tpu.memory_space<vmem_shared>>
      %dma_start3A_230 = arith.constant 64 : i32
      %dma_start3A_231 = tpu.memref_slice %arg30[%dma_start3A_230] : memref<256xf32, #tpu.memory_space<vmem>> -> memref<16xf32, #tpu.memory_space<vmem>>
      %dma_start3A_232 = tpu.memref_slice %arg40[%multiple_of3A_202] : memref<25600xf32, #tpu.memory_space<vmem_shared>> -> memref<16xf32, #tpu.memory_space<vmem_shared>>
      tpu.enqueue_dma source(%dma_start3A_232 : memref<16xf32, #tpu.memory_space<vmem_shared>>) target(%dma_start3A_231 : memref<16xf32, #tpu.memory_space<vmem>>) target_semaphore(%arg43 : memref<!tpu.dma_semaphore, #tpu.memory_space<semaphore_mem>>)
      %mul3A_233 = arith.constant 16 : i32
      %mul3A_234 = arith.muli %while3A_58, %mul3A_233 : i32
      %add3A_235 = arith.constant 8000 : i32
      %add3A_236 = arith.addi %add3A_235, %mul3A_234 : i32
      %multiple_of3A_237 = tpu.assume_multiple %add3A_236, 16 : i32
      %dma_start3A_238 = arith.constant 80 : i32
      %dma_start3A_239 = tpu.memref_slice %arg26[%dma_start3A_238] : memref<256xf32, #tpu.memory_space<vmem>> -> memref<16xf32, #tpu.memory_space<vmem>>
      %dma_start3A_240 = tpu.memref_slice %arg36[%multiple_of3A_237] : memref<25600xf32, #tpu.memory_space<vmem_shared>> -> memref<16xf32, #tpu.memory_space<vmem_shared>>
      %dma_start3A_241 = arith.constant 80 : i32
      %dma_start3A_242 = tpu.memref_slice %arg26[%dma_start3A_241] : memref<256xf32, #tpu.memory_space<vmem>> -> memref<16xf32, #tpu.memory_space<vmem>>
      %dma_start3A_243 = tpu.memref_slice %arg36[%multiple_of3A_237] : memref<25600xf32, #tpu.memory_space<vmem_shared>> -> memref<16xf32, #tpu.memory_space<vmem_shared>>
      tpu.enqueue_dma source(%dma_start3A_243 : memref<16xf32, #tpu.memory_space<vmem_shared>>) target(%dma_start3A_242 : memref<16xf32, #tpu.memory_space<vmem>>) target_semaphore(%arg43 : memref<!tpu.dma_semaphore, #tpu.memory_space<semaphore_mem>>)
      %dma_start3A_244 = arith.constant 80 : i32
      %dma_start3A_245 = tpu.memref_slice %arg27[%dma_start3A_244] : memref<256xi32, #tpu.memory_space<vmem>> -> memref<16xi32, #tpu.memory_space<vmem>>
      %dma_start3A_246 = tpu.memref_slice %arg37[%multiple_of3A_237] : memref<25600xi32, #tpu.memory_space<vmem_shared>> -> memref<16xi32, #tpu.memory_space<vmem_shared>>
      %dma_start3A_247 = arith.constant 80 : i32
      %dma_start3A_248 = tpu.memref_slice %arg27[%dma_start3A_247] : memref<256xi32, #tpu.memory_space<vmem>> -> memref<16xi32, #tpu.memory_space<vmem>>
      %dma_start3A_249 = tpu.memref_slice %arg37[%multiple_of3A_237] : memref<25600xi32, #tpu.memory_space<vmem_shared>> -> memref<16xi32, #tpu.memory_space<vmem_shared>>
      tpu.enqueue_dma source(%dma_start3A_249 : memref<16xi32, #tpu.memory_space<vmem_shared>>) target(%dma_start3A_248 : memref<16xi32, #tpu.memory_space<vmem>>) target_semaphore(%arg43 : memref<!tpu.dma_semaphore, #tpu.memory_space<semaphore_mem>>)
      %dma_start3A_250 = arith.constant 80 : i32
      %dma_start3A_251 = tpu.memref_slice %arg28[%dma_start3A_250] : memref<256xf32, #tpu.memory_space<vmem>> -> memref<16xf32, #tpu.memory_space<vmem>>
      %dma_start3A_252 = tpu.memref_slice %arg38[%multiple_of3A_237] : memref<25600xf32, #tpu.memory_space<vmem_shared>> -> memref<16xf32, #tpu.memory_space<vmem_shared>>
      %dma_start3A_253 = arith.constant 80 : i32
      %dma_start3A_254 = tpu.memref_slice %arg28[%dma_start3A_253] : memref<256xf32, #tpu.memory_space<vmem>> -> memref<16xf32, #tpu.memory_space<vmem>>
      %dma_start3A_255 = tpu.memref_slice %arg38[%multiple_of3A_237] : memref<25600xf32, #tpu.memory_space<vmem_shared>> -> memref<16xf32, #tpu.memory_space<vmem_shared>>
      tpu.enqueue_dma source(%dma_start3A_255 : memref<16xf32, #tpu.memory_space<vmem_shared>>) target(%dma_start3A_254 : memref<16xf32, #tpu.memory_space<vmem>>) target_semaphore(%arg43 : memref<!tpu.dma_semaphore, #tpu.memory_space<semaphore_mem>>)
      %dma_start3A_256 = arith.constant 80 : i32
      %dma_start3A_257 = tpu.memref_slice %arg29[%dma_start3A_256] : memref<256xf32, #tpu.memory_space<vmem>> -> memref<16xf32, #tpu.memory_space<vmem>>
      %dma_start3A_258 = tpu.memref_slice %arg39[%multiple_of3A_237] : memref<25600xf32, #tpu.memory_space<vmem_shared>> -> memref<16xf32, #tpu.memory_space<vmem_shared>>
      %dma_start3A_259 = arith.constant 80 : i32
      %dma_start3A_260 = tpu.memref_slice %arg29[%dma_start3A_259] : memref<256xf32, #tpu.memory_space<vmem>> -> memref<16xf32, #tpu.memory_space<vmem>>
      %dma_start3A_261 = tpu.memref_slice %arg39[%multiple_of3A_237] : memref<25600xf32, #tpu.memory_space<vmem_shared>> -> memref<16xf32, #tpu.memory_space<vmem_shared>>
      tpu.enqueue_dma source(%dma_start3A_261 : memref<16xf32, #tpu.memory_space<vmem_shared>>) target(%dma_start3A_260 : memref<16xf32, #tpu.memory_space<vmem>>) target_semaphore(%arg43 : memref<!tpu.dma_semaphore, #tpu.memory_space<semaphore_mem>>)
      %dma_start3A_262 = arith.constant 80 : i32
      %dma_start3A_263 = tpu.memref_slice %arg30[%dma_start3A_262] : memref<256xf32, #tpu.memory_space<vmem>> -> memref<16xf32, #tpu.memory_space<vmem>>
      %dma_start3A_264 = tpu.memref_slice %arg40[%multiple_of3A_237] : memref<25600xf32, #tpu.memory_space<vmem_shared>> -> memref<16xf32, #tpu.memory_space<vmem_shared>>
      %dma_start3A_265 = arith.constant 80 : i32
      %dma_start3A_266 = tpu.memref_slice %arg30[%dma_start3A_265] : memref<256xf32, #tpu.memory_space<vmem>> -> memref<16xf32, #tpu.memory_space<vmem>>
      %dma_start3A_267 = tpu.memref_slice %arg40[%multiple_of3A_237] : memref<25600xf32, #tpu.memory_space<vmem_shared>> -> memref<16xf32, #tpu.memory_space<vmem_shared>>
      tpu.enqueue_dma source(%dma_start3A_267 : memref<16xf32, #tpu.memory_space<vmem_shared>>) target(%dma_start3A_266 : memref<16xf32, #tpu.memory_space<vmem>>) target_semaphore(%arg43 : memref<!tpu.dma_semaphore, #tpu.memory_space<semaphore_mem>>)
      %mul3A_268 = arith.constant 16 : i32
      %mul3A_269 = arith.muli %while3A_58, %mul3A_268 : i32
      %add3A_270 = arith.constant 9600 : i32
      %add3A_271 = arith.addi %add3A_270, %mul3A_269 : i32
      %multiple_of3A_272 = tpu.assume_multiple %add3A_271, 16 : i32
      %dma_start3A_273 = arith.constant 96 : i32
      %dma_start3A_274 = tpu.memref_slice %arg26[%dma_start3A_273] : memref<256xf32, #tpu.memory_space<vmem>> -> memref<16xf32, #tpu.memory_space<vmem>>
      %dma_start3A_275 = tpu.memref_slice %arg36[%multiple_of3A_272] : memref<25600xf32, #tpu.memory_space<vmem_shared>> -> memref<16xf32, #tpu.memory_space<vmem_shared>>
      %dma_start3A_276 = arith.constant 96 : i32
      %dma_start3A_277 = tpu.memref_slice %arg26[%dma_start3A_276] : memref<256xf32, #tpu.memory_space<vmem>> -> memref<16xf32, #tpu.memory_space<vmem>>
      %dma_start3A_278 = tpu.memref_slice %arg36[%multiple_of3A_272] : memref<25600xf32, #tpu.memory_space<vmem_shared>> -> memref<16xf32, #tpu.memory_space<vmem_shared>>
      tpu.enqueue_dma source(%dma_start3A_278 : memref<16xf32, #tpu.memory_space<vmem_shared>>) target(%dma_start3A_277 : memref<16xf32, #tpu.memory_space<vmem>>) target_semaphore(%arg43 : memref<!tpu.dma_semaphore, #tpu.memory_space<semaphore_mem>>)
      %dma_start3A_279 = arith.constant 96 : i32
      %dma_start3A_280 = tpu.memref_slice %arg27[%dma_start3A_279] : memref<256xi32, #tpu.memory_space<vmem>> -> memref<16xi32, #tpu.memory_space<vmem>>
      %dma_start3A_281 = tpu.memref_slice %arg37[%multiple_of3A_272] : memref<25600xi32, #tpu.memory_space<vmem_shared>> -> memref<16xi32, #tpu.memory_space<vmem_shared>>
      %dma_start3A_282 = arith.constant 96 : i32
      %dma_start3A_283 = tpu.memref_slice %arg27[%dma_start3A_282] : memref<256xi32, #tpu.memory_space<vmem>> -> memref<16xi32, #tpu.memory_space<vmem>>
      %dma_start3A_284 = tpu.memref_slice %arg37[%multiple_of3A_272] : memref<25600xi32, #tpu.memory_space<vmem_shared>> -> memref<16xi32, #tpu.memory_space<vmem_shared>>
      tpu.enqueue_dma source(%dma_start3A_284 : memref<16xi32, #tpu.memory_space<vmem_shared>>) target(%dma_start3A_283 : memref<16xi32, #tpu.memory_space<vmem>>) target_semaphore(%arg43 : memref<!tpu.dma_semaphore, #tpu.memory_space<semaphore_mem>>)
      %dma_start3A_285 = arith.constant 96 : i32
      %dma_start3A_286 = tpu.memref_slice %arg28[%dma_start3A_285] : memref<256xf32, #tpu.memory_space<vmem>> -> memref<16xf32, #tpu.memory_space<vmem>>
      %dma_start3A_287 = tpu.memref_slice %arg38[%multiple_of3A_272] : memref<25600xf32, #tpu.memory_space<vmem_shared>> -> memref<16xf32, #tpu.memory_space<vmem_shared>>
      %dma_start3A_288 = arith.constant 96 : i32
      %dma_start3A_289 = tpu.memref_slice %arg28[%dma_start3A_288] : memref<256xf32, #tpu.memory_space<vmem>> -> memref<16xf32, #tpu.memory_space<vmem>>
      %dma_start3A_290 = tpu.memref_slice %arg38[%multiple_of3A_272] : memref<25600xf32, #tpu.memory_space<vmem_shared>> -> memref<16xf32, #tpu.memory_space<vmem_shared>>
      tpu.enqueue_dma source(%dma_start3A_290 : memref<16xf32, #tpu.memory_space<vmem_shared>>) target(%dma_start3A_289 : memref<16xf32, #tpu.memory_space<vmem>>) target_semaphore(%arg43 : memref<!tpu.dma_semaphore, #tpu.memory_space<semaphore_mem>>)
      %dma_start3A_291 = arith.constant 96 : i32
      %dma_start3A_292 = tpu.memref_slice %arg29[%dma_start3A_291] : memref<256xf32, #tpu.memory_space<vmem>> -> memref<16xf32, #tpu.memory_space<vmem>>
      %dma_start3A_293 = tpu.memref_slice %arg39[%multiple_of3A_272] : memref<25600xf32, #tpu.memory_space<vmem_shared>> -> memref<16xf32, #tpu.memory_space<vmem_shared>>
      %dma_start3A_294 = arith.constant 96 : i32
      %dma_start3A_295 = tpu.memref_slice %arg29[%dma_start3A_294] : memref<256xf32, #tpu.memory_space<vmem>> -> memref<16xf32, #tpu.memory_space<vmem>>
      %dma_start3A_296 = tpu.memref_slice %arg39[%multiple_of3A_272] : memref<25600xf32, #tpu.memory_space<vmem_shared>> -> memref<16xf32, #tpu.memory_space<vmem_shared>>
      tpu.enqueue_dma source(%dma_start3A_296 : memref<16xf32, #tpu.memory_space<vmem_shared>>) target(%dma_start3A_295 : memref<16xf32, #tpu.memory_space<vmem>>) target_semaphore(%arg43 : memref<!tpu.dma_semaphore, #tpu.memory_space<semaphore_mem>>)
      %dma_start3A_297 = arith.constant 96 : i32
      %dma_start3A_298 = tpu.memref_slice %arg30[%dma_start3A_297] : memref<256xf32, #tpu.memory_space<vmem>> -> memref<16xf32, #tpu.memory_space<vmem>>
      %dma_start3A_299 = tpu.memref_slice %arg40[%multiple_of3A_272] : memref<25600xf32, #tpu.memory_space<vmem_shared>> -> memref<16xf32, #tpu.memory_space<vmem_shared>>
      %dma_start3A_300 = arith.constant 96 : i32
      %dma_start3A_301 = tpu.memref_slice %arg30[%dma_start3A_300] : memref<256xf32, #tpu.memory_space<vmem>> -> memref<16xf32, #tpu.memory_space<vmem>>
      %dma_start3A_302 = tpu.memref_slice %arg40[%multiple_of3A_272] : memref<25600xf32, #tpu.memory_space<vmem_shared>> -> memref<16xf32, #tpu.memory_space<vmem_shared>>
      tpu.enqueue_dma source(%dma_start3A_302 : memref<16xf32, #tpu.memory_space<vmem_shared>>) target(%dma_start3A_301 : memref<16xf32, #tpu.memory_space<vmem>>) target_semaphore(%arg43 : memref<!tpu.dma_semaphore, #tpu.memory_space<semaphore_mem>>)
      %mul3A_303 = arith.constant 16 : i32
      %mul3A_304 = arith.muli %while3A_58, %mul3A_303 : i32
      %add3A_305 = arith.constant 11200 : i32
      %add3A_306 = arith.addi %add3A_305, %mul3A_304 : i32
      %multiple_of3A_307 = tpu.assume_multiple %add3A_306, 16 : i32
      %dma_start3A_308 = arith.constant 112 : i32
      %dma_start3A_309 = tpu.memref_slice %arg26[%dma_start3A_308] : memref<256xf32, #tpu.memory_space<vmem>> -> memref<16xf32, #tpu.memory_space<vmem>>
      %dma_start3A_310 = tpu.memref_slice %arg36[%multiple_of3A_307] : memref<25600xf32, #tpu.memory_space<vmem_shared>> -> memref<16xf32, #tpu.memory_space<vmem_shared>>
      %dma_start3A_311 = arith.constant 112 : i32
      %dma_start3A_312 = tpu.memref_slice %arg26[%dma_start3A_311] : memref<256xf32, #tpu.memory_space<vmem>> -> memref<16xf32, #tpu.memory_space<vmem>>
      %dma_start3A_313 = tpu.memref_slice %arg36[%multiple_of3A_307] : memref<25600xf32, #tpu.memory_space<vmem_shared>> -> memref<16xf32, #tpu.memory_space<vmem_shared>>
      tpu.enqueue_dma source(%dma_start3A_313 : memref<16xf32, #tpu.memory_space<vmem_shared>>) target(%dma_start3A_312 : memref<16xf32, #tpu.memory_space<vmem>>) target_semaphore(%arg43 : memref<!tpu.dma_semaphore, #tpu.memory_space<semaphore_mem>>)
      %dma_start3A_314 = arith.constant 112 : i32
      %dma_start3A_315 = tpu.memref_slice %arg27[%dma_start3A_314] : memref<256xi32, #tpu.memory_space<vmem>> -> memref<16xi32, #tpu.memory_space<vmem>>
      %dma_start3A_316 = tpu.memref_slice %arg37[%multiple_of3A_307] : memref<25600xi32, #tpu.memory_space<vmem_shared>> -> memref<16xi32, #tpu.memory_space<vmem_shared>>
      %dma_start3A_317 = arith.constant 112 : i32
      %dma_start3A_318 = tpu.memref_slice %arg27[%dma_start3A_317] : memref<256xi32, #tpu.memory_space<vmem>> -> memref<16xi32, #tpu.memory_space<vmem>>
      %dma_start3A_319 = tpu.memref_slice %arg37[%multiple_of3A_307] : memref<25600xi32, #tpu.memory_space<vmem_shared>> -> memref<16xi32, #tpu.memory_space<vmem_shared>>
      tpu.enqueue_dma source(%dma_start3A_319 : memref<16xi32, #tpu.memory_space<vmem_shared>>) target(%dma_start3A_318 : memref<16xi32, #tpu.memory_space<vmem>>) target_semaphore(%arg43 : memref<!tpu.dma_semaphore, #tpu.memory_space<semaphore_mem>>)
      %dma_start3A_320 = arith.constant 112 : i32
      %dma_start3A_321 = tpu.memref_slice %arg28[%dma_start3A_320] : memref<256xf32, #tpu.memory_space<vmem>> -> memref<16xf32, #tpu.memory_space<vmem>>
      %dma_start3A_322 = tpu.memref_slice %arg38[%multiple_of3A_307] : memref<25600xf32, #tpu.memory_space<vmem_shared>> -> memref<16xf32, #tpu.memory_space<vmem_shared>>
      %dma_start3A_323 = arith.constant 112 : i32
      %dma_start3A_324 = tpu.memref_slice %arg28[%dma_start3A_323] : memref<256xf32, #tpu.memory_space<vmem>> -> memref<16xf32, #tpu.memory_space<vmem>>
      %dma_start3A_325 = tpu.memref_slice %arg38[%multiple_of3A_307] : memref<25600xf32, #tpu.memory_space<vmem_shared>> -> memref<16xf32, #tpu.memory_space<vmem_shared>>
      tpu.enqueue_dma source(%dma_start3A_325 : memref<16xf32, #tpu.memory_space<vmem_shared>>) target(%dma_start3A_324 : memref<16xf32, #tpu.memory_space<vmem>>) target_semaphore(%arg43 : memref<!tpu.dma_semaphore, #tpu.memory_space<semaphore_mem>>)
      %dma_start3A_326 = arith.constant 112 : i32
      %dma_start3A_327 = tpu.memref_slice %arg29[%dma_start3A_326] : memref<256xf32, #tpu.memory_space<vmem>> -> memref<16xf32, #tpu.memory_space<vmem>>
      %dma_start3A_328 = tpu.memref_slice %arg39[%multiple_of3A_307] : memref<25600xf32, #tpu.memory_space<vmem_shared>> -> memref<16xf32, #tpu.memory_space<vmem_shared>>
      %dma_start3A_329 = arith.constant 112 : i32
      %dma_start3A_330 = tpu.memref_slice %arg29[%dma_start3A_329] : memref<256xf32, #tpu.memory_space<vmem>> -> memref<16xf32, #tpu.memory_space<vmem>>
      %dma_start3A_331 = tpu.memref_slice %arg39[%multiple_of3A_307] : memref<25600xf32, #tpu.memory_space<vmem_shared>> -> memref<16xf32, #tpu.memory_space<vmem_shared>>
      tpu.enqueue_dma source(%dma_start3A_331 : memref<16xf32, #tpu.memory_space<vmem_shared>>) target(%dma_start3A_330 : memref<16xf32, #tpu.memory_space<vmem>>) target_semaphore(%arg43 : memref<!tpu.dma_semaphore, #tpu.memory_space<semaphore_mem>>)
      %dma_start3A_332 = arith.constant 112 : i32
      %dma_start3A_333 = tpu.memref_slice %arg30[%dma_start3A_332] : memref<256xf32, #tpu.memory_space<vmem>> -> memref<16xf32, #tpu.memory_space<vmem>>
      %dma_start3A_334 = tpu.memref_slice %arg40[%multiple_of3A_307] : memref<25600xf32, #tpu.memory_space<vmem_shared>> -> memref<16xf32, #tpu.memory_space<vmem_shared>>
      %dma_start3A_335 = arith.constant 112 : i32
      %dma_start3A_336 = tpu.memref_slice %arg30[%dma_start3A_335] : memref<256xf32, #tpu.memory_space<vmem>> -> memref<16xf32, #tpu.memory_space<vmem>>
      %dma_start3A_337 = tpu.memref_slice %arg40[%multiple_of3A_307] : memref<25600xf32, #tpu.memory_space<vmem_shared>> -> memref<16xf32, #tpu.memory_space<vmem_shared>>
      tpu.enqueue_dma source(%dma_start3A_337 : memref<16xf32, #tpu.memory_space<vmem_shared>>) target(%dma_start3A_336 : memref<16xf32, #tpu.memory_space<vmem>>) target_semaphore(%arg43 : memref<!tpu.dma_semaphore, #tpu.memory_space<semaphore_mem>>)
      %mul3A_338 = arith.constant 16 : i32
      %mul3A_339 = arith.muli %while3A_58, %mul3A_338 : i32
      %add3A_340 = arith.constant 12800 : i32
      %add3A_341 = arith.addi %add3A_340, %mul3A_339 : i32
      %multiple_of3A_342 = tpu.assume_multiple %add3A_341, 16 : i32
      %dma_start3A_343 = arith.constant 128 : i32
      %dma_start3A_344 = tpu.memref_slice %arg26[%dma_start3A_343] : memref<256xf32, #tpu.memory_space<vmem>> -> memref<16xf32, #tpu.memory_space<vmem>>
      %dma_start3A_345 = tpu.memref_slice %arg36[%multiple_of3A_342] : memref<25600xf32, #tpu.memory_space<vmem_shared>> -> memref<16xf32, #tpu.memory_space<vmem_shared>>
      %dma_start3A_346 = arith.constant 128 : i32
      %dma_start3A_347 = tpu.memref_slice %arg26[%dma_start3A_346] : memref<256xf32, #tpu.memory_space<vmem>> -> memref<16xf32, #tpu.memory_space<vmem>>
      %dma_start3A_348 = tpu.memref_slice %arg36[%multiple_of3A_342] : memref<25600xf32, #tpu.memory_space<vmem_shared>> -> memref<16xf32, #tpu.memory_space<vmem_shared>>
      tpu.enqueue_dma source(%dma_start3A_348 : memref<16xf32, #tpu.memory_space<vmem_shared>>) target(%dma_start3A_347 : memref<16xf32, #tpu.memory_space<vmem>>) target_semaphore(%arg43 : memref<!tpu.dma_semaphore, #tpu.memory_space<semaphore_mem>>)
      %dma_start3A_349 = arith.constant 128 : i32
      %dma_start3A_350 = tpu.memref_slice %arg27[%dma_start3A_349] : memref<256xi32, #tpu.memory_space<vmem>> -> memref<16xi32, #tpu.memory_space<vmem>>
      %dma_start3A_351 = tpu.memref_slice %arg37[%multiple_of3A_342] : memref<25600xi32, #tpu.memory_space<vmem_shared>> -> memref<16xi32, #tpu.memory_space<vmem_shared>>
      %dma_start3A_352 = arith.constant 128 : i32
      %dma_start3A_353 = tpu.memref_slice %arg27[%dma_start3A_352] : memref<256xi32, #tpu.memory_space<vmem>> -> memref<16xi32, #tpu.memory_space<vmem>>
      %dma_start3A_354 = tpu.memref_slice %arg37[%multiple_of3A_342] : memref<25600xi32, #tpu.memory_space<vmem_shared>> -> memref<16xi32, #tpu.memory_space<vmem_shared>>
      tpu.enqueue_dma source(%dma_start3A_354 : memref<16xi32, #tpu.memory_space<vmem_shared>>) target(%dma_start3A_353 : memref<16xi32, #tpu.memory_space<vmem>>) target_semaphore(%arg43 : memref<!tpu.dma_semaphore, #tpu.memory_space<semaphore_mem>>)
      %dma_start3A_355 = arith.constant 128 : i32
      %dma_start3A_356 = tpu.memref_slice %arg28[%dma_start3A_355] : memref<256xf32, #tpu.memory_space<vmem>> -> memref<16xf32, #tpu.memory_space<vmem>>
      %dma_start3A_357 = tpu.memref_slice %arg38[%multiple_of3A_342] : memref<25600xf32, #tpu.memory_space<vmem_shared>> -> memref<16xf32, #tpu.memory_space<vmem_shared>>
      %dma_start3A_358 = arith.constant 128 : i32
      %dma_start3A_359 = tpu.memref_slice %arg28[%dma_start3A_358] : memref<256xf32, #tpu.memory_space<vmem>> -> memref<16xf32, #tpu.memory_space<vmem>>
      %dma_start3A_360 = tpu.memref_slice %arg38[%multiple_of3A_342] : memref<25600xf32, #tpu.memory_space<vmem_shared>> -> memref<16xf32, #tpu.memory_space<vmem_shared>>
      tpu.enqueue_dma source(%dma_start3A_360 : memref<16xf32, #tpu.memory_space<vmem_shared>>) target(%dma_start3A_359 : memref<16xf32, #tpu.memory_space<vmem>>) target_semaphore(%arg43 : memref<!tpu.dma_semaphore, #tpu.memory_space<semaphore_mem>>)
      %dma_start3A_361 = arith.constant 128 : i32
      %dma_start3A_362 = tpu.memref_slice %arg29[%dma_start3A_361] : memref<256xf32, #tpu.memory_space<vmem>> -> memref<16xf32, #tpu.memory_space<vmem>>
      %dma_start3A_363 = tpu.memref_slice %arg39[%multiple_of3A_342] : memref<25600xf32, #tpu.memory_space<vmem_shared>> -> memref<16xf32, #tpu.memory_space<vmem_shared>>
      %dma_start3A_364 = arith.constant 128 : i32
      %dma_start3A_365 = tpu.memref_slice %arg29[%dma_start3A_364] : memref<256xf32, #tpu.memory_space<vmem>> -> memref<16xf32, #tpu.memory_space<vmem>>
      %dma_start3A_366 = tpu.memref_slice %arg39[%multiple_of3A_342] : memref<25600xf32, #tpu.memory_space<vmem_shared>> -> memref<16xf32, #tpu.memory_space<vmem_shared>>
      tpu.enqueue_dma source(%dma_start3A_366 : memref<16xf32, #tpu.memory_space<vmem_shared>>) target(%dma_start3A_365 : memref<16xf32, #tpu.memory_space<vmem>>) target_semaphore(%arg43 : memref<!tpu.dma_semaphore, #tpu.memory_space<semaphore_mem>>)
      %dma_start3A_367 = arith.constant 128 : i32
      %dma_start3A_368 = tpu.memref_slice %arg30[%dma_start3A_367] : memref<256xf32, #tpu.memory_space<vmem>> -> memref<16xf32, #tpu.memory_space<vmem>>
      %dma_start3A_369 = tpu.memref_slice %arg40[%multiple_of3A_342] : memref<25600xf32, #tpu.memory_space<vmem_shared>> -> memref<16xf32, #tpu.memory_space<vmem_shared>>
      %dma_start3A_370 = arith.constant 128 : i32
      %dma_start3A_371 = tpu.memref_slice %arg30[%dma_start3A_370] : memref<256xf32, #tpu.memory_space<vmem>> -> memref<16xf32, #tpu.memory_space<vmem>>
      %dma_start3A_372 = tpu.memref_slice %arg40[%multiple_of3A_342] : memref<25600xf32, #tpu.memory_space<vmem_shared>> -> memref<16xf32, #tpu.memory_space<vmem_shared>>
      tpu.enqueue_dma source(%dma_start3A_372 : memref<16xf32, #tpu.memory_space<vmem_shared>>) target(%dma_start3A_371 : memref<16xf32, #tpu.memory_space<vmem>>) target_semaphore(%arg43 : memref<!tpu.dma_semaphore, #tpu.memory_space<semaphore_mem>>)
      %mul3A_373 = arith.constant 16 : i32
      %mul3A_374 = arith.muli %while3A_58, %mul3A_373 : i32
      %add3A_375 = arith.constant 14400 : i32
      %add3A_376 = arith.addi %add3A_375, %mul3A_374 : i32
      %multiple_of3A_377 = tpu.assume_multiple %add3A_376, 16 : i32
      %dma_start3A_378 = arith.constant 144 : i32
      %dma_start3A_379 = tpu.memref_slice %arg26[%dma_start3A_378] : memref<256xf32, #tpu.memory_space<vmem>> -> memref<16xf32, #tpu.memory_space<vmem>>
      %dma_start3A_380 = tpu.memref_slice %arg36[%multiple_of3A_377] : memref<25600xf32, #tpu.memory_space<vmem_shared>> -> memref<16xf32, #tpu.memory_space<vmem_shared>>
      %dma_start3A_381 = arith.constant 144 : i32
      %dma_start3A_382 = tpu.memref_slice %arg26[%dma_start3A_381] : memref<256xf32, #tpu.memory_space<vmem>> -> memref<16xf32, #tpu.memory_space<vmem>>
      %dma_start3A_383 = tpu.memref_slice %arg36[%multiple_of3A_377] : memref<25600xf32, #tpu.memory_space<vmem_shared>> -> memref<16xf32, #tpu.memory_space<vmem_shared>>
      tpu.enqueue_dma source(%dma_start3A_383 : memref<16xf32, #tpu.memory_space<vmem_shared>>) target(%dma_start3A_382 : memref<16xf32, #tpu.memory_space<vmem>>) target_semaphore(%arg43 : memref<!tpu.dma_semaphore, #tpu.memory_space<semaphore_mem>>)
      %dma_start3A_384 = arith.constant 144 : i32
      %dma_start3A_385 = tpu.memref_slice %arg27[%dma_start3A_384] : memref<256xi32, #tpu.memory_space<vmem>> -> memref<16xi32, #tpu.memory_space<vmem>>
      %dma_start3A_386 = tpu.memref_slice %arg37[%multiple_of3A_377] : memref<25600xi32, #tpu.memory_space<vmem_shared>> -> memref<16xi32, #tpu.memory_space<vmem_shared>>
      %dma_start3A_387 = arith.constant 144 : i32
      %dma_start3A_388 = tpu.memref_slice %arg27[%dma_start3A_387] : memref<256xi32, #tpu.memory_space<vmem>> -> memref<16xi32, #tpu.memory_space<vmem>>
      %dma_start3A_389 = tpu.memref_slice %arg37[%multiple_of3A_377] : memref<25600xi32, #tpu.memory_space<vmem_shared>> -> memref<16xi32, #tpu.memory_space<vmem_shared>>
      tpu.enqueue_dma source(%dma_start3A_389 : memref<16xi32, #tpu.memory_space<vmem_shared>>) target(%dma_start3A_388 : memref<16xi32, #tpu.memory_space<vmem>>) target_semaphore(%arg43 : memref<!tpu.dma_semaphore, #tpu.memory_space<semaphore_mem>>)
      %dma_start3A_390 = arith.constant 144 : i32
      %dma_start3A_391 = tpu.memref_slice %arg28[%dma_start3A_390] : memref<256xf32, #tpu.memory_space<vmem>> -> memref<16xf32, #tpu.memory_space<vmem>>
      %dma_start3A_392 = tpu.memref_slice %arg38[%multiple_of3A_377] : memref<25600xf32, #tpu.memory_space<vmem_shared>> -> memref<16xf32, #tpu.memory_space<vmem_shared>>
      %dma_start3A_393 = arith.constant 144 : i32
      %dma_start3A_394 = tpu.memref_slice %arg28[%dma_start3A_393] : memref<256xf32, #tpu.memory_space<vmem>> -> memref<16xf32, #tpu.memory_space<vmem>>
      %dma_start3A_395 = tpu.memref_slice %arg38[%multiple_of3A_377] : memref<25600xf32, #tpu.memory_space<vmem_shared>> -> memref<16xf32, #tpu.memory_space<vmem_shared>>
      tpu.enqueue_dma source(%dma_start3A_395 : memref<16xf32, #tpu.memory_space<vmem_shared>>) target(%dma_start3A_394 : memref<16xf32, #tpu.memory_space<vmem>>) target_semaphore(%arg43 : memref<!tpu.dma_semaphore, #tpu.memory_space<semaphore_mem>>)
      %dma_start3A_396 = arith.constant 144 : i32
      %dma_start3A_397 = tpu.memref_slice %arg29[%dma_start3A_396] : memref<256xf32, #tpu.memory_space<vmem>> -> memref<16xf32, #tpu.memory_space<vmem>>
      %dma_start3A_398 = tpu.memref_slice %arg39[%multiple_of3A_377] : memref<25600xf32, #tpu.memory_space<vmem_shared>> -> memref<16xf32, #tpu.memory_space<vmem_shared>>
      %dma_start3A_399 = arith.constant 144 : i32
      %dma_start3A_400 = tpu.memref_slice %arg29[%dma_start3A_399] : memref<256xf32, #tpu.memory_space<vmem>> -> memref<16xf32, #tpu.memory_space<vmem>>
      %dma_start3A_401 = tpu.memref_slice %arg39[%multiple_of3A_377] : memref<25600xf32, #tpu.memory_space<vmem_shared>> -> memref<16xf32, #tpu.memory_space<vmem_shared>>
      tpu.enqueue_dma source(%dma_start3A_401 : memref<16xf32, #tpu.memory_space<vmem_shared>>) target(%dma_start3A_400 : memref<16xf32, #tpu.memory_space<vmem>>) target_semaphore(%arg43 : memref<!tpu.dma_semaphore, #tpu.memory_space<semaphore_mem>>)
      %dma_start3A_402 = arith.constant 144 : i32
      %dma_start3A_403 = tpu.memref_slice %arg30[%dma_start3A_402] : memref<256xf32, #tpu.memory_space<vmem>> -> memref<16xf32, #tpu.memory_space<vmem>>
      %dma_start3A_404 = tpu.memref_slice %arg40[%multiple_of3A_377] : memref<25600xf32, #tpu.memory_space<vmem_shared>> -> memref<16xf32, #tpu.memory_space<vmem_shared>>
      %dma_start3A_405 = arith.constant 144 : i32
      %dma_start3A_406 = tpu.memref_slice %arg30[%dma_start3A_405] : memref<256xf32, #tpu.memory_space<vmem>> -> memref<16xf32, #tpu.memory_space<vmem>>
      %dma_start3A_407 = tpu.memref_slice %arg40[%multiple_of3A_377] : memref<25600xf32, #tpu.memory_space<vmem_shared>> -> memref<16xf32, #tpu.memory_space<vmem_shared>>
      tpu.enqueue_dma source(%dma_start3A_407 : memref<16xf32, #tpu.memory_space<vmem_shared>>) target(%dma_start3A_406 : memref<16xf32, #tpu.memory_space<vmem>>) target_semaphore(%arg43 : memref<!tpu.dma_semaphore, #tpu.memory_space<semaphore_mem>>)
      %mul3A_408 = arith.constant 16 : i32
      %mul3A_409 = arith.muli %while3A_58, %mul3A_408 : i32
      %add3A_410 = arith.constant 16000 : i32
      %add3A_411 = arith.addi %add3A_410, %mul3A_409 : i32
      %multiple_of3A_412 = tpu.assume_multiple %add3A_411, 16 : i32
      %dma_start3A_413 = arith.constant 160 : i32
      %dma_start3A_414 = tpu.memref_slice %arg26[%dma_start3A_413] : memref<256xf32, #tpu.memory_space<vmem>> -> memref<16xf32, #tpu.memory_space<vmem>>
      %dma_start3A_415 = tpu.memref_slice %arg36[%multiple_of3A_412] : memref<25600xf32, #tpu.memory_space<vmem_shared>> -> memref<16xf32, #tpu.memory_space<vmem_shared>>
      %dma_start3A_416 = arith.constant 160 : i32
      %dma_start3A_417 = tpu.memref_slice %arg26[%dma_start3A_416] : memref<256xf32, #tpu.memory_space<vmem>> -> memref<16xf32, #tpu.memory_space<vmem>>
      %dma_start3A_418 = tpu.memref_slice %arg36[%multiple_of3A_412] : memref<25600xf32, #tpu.memory_space<vmem_shared>> -> memref<16xf32, #tpu.memory_space<vmem_shared>>
      tpu.enqueue_dma source(%dma_start3A_418 : memref<16xf32, #tpu.memory_space<vmem_shared>>) target(%dma_start3A_417 : memref<16xf32, #tpu.memory_space<vmem>>) target_semaphore(%arg43 : memref<!tpu.dma_semaphore, #tpu.memory_space<semaphore_mem>>)
      %dma_start3A_419 = arith.constant 160 : i32
      %dma_start3A_420 = tpu.memref_slice %arg27[%dma_start3A_419] : memref<256xi32, #tpu.memory_space<vmem>> -> memref<16xi32, #tpu.memory_space<vmem>>
      %dma_start3A_421 = tpu.memref_slice %arg37[%multiple_of3A_412] : memref<25600xi32, #tpu.memory_space<vmem_shared>> -> memref<16xi32, #tpu.memory_space<vmem_shared>>
      %dma_start3A_422 = arith.constant 160 : i32
      %dma_start3A_423 = tpu.memref_slice %arg27[%dma_start3A_422] : memref<256xi32, #tpu.memory_space<vmem>> -> memref<16xi32, #tpu.memory_space<vmem>>
      %dma_start3A_424 = tpu.memref_slice %arg37[%multiple_of3A_412] : memref<25600xi32, #tpu.memory_space<vmem_shared>> -> memref<16xi32, #tpu.memory_space<vmem_shared>>
      tpu.enqueue_dma source(%dma_start3A_424 : memref<16xi32, #tpu.memory_space<vmem_shared>>) target(%dma_start3A_423 : memref<16xi32, #tpu.memory_space<vmem>>) target_semaphore(%arg43 : memref<!tpu.dma_semaphore, #tpu.memory_space<semaphore_mem>>)
      %dma_start3A_425 = arith.constant 160 : i32
      %dma_start3A_426 = tpu.memref_slice %arg28[%dma_start3A_425] : memref<256xf32, #tpu.memory_space<vmem>> -> memref<16xf32, #tpu.memory_space<vmem>>
      %dma_start3A_427 = tpu.memref_slice %arg38[%multiple_of3A_412] : memref<25600xf32, #tpu.memory_space<vmem_shared>> -> memref<16xf32, #tpu.memory_space<vmem_shared>>
      %dma_start3A_428 = arith.constant 160 : i32
      %dma_start3A_429 = tpu.memref_slice %arg28[%dma_start3A_428] : memref<256xf32, #tpu.memory_space<vmem>> -> memref<16xf32, #tpu.memory_space<vmem>>
      %dma_start3A_430 = tpu.memref_slice %arg38[%multiple_of3A_412] : memref<25600xf32, #tpu.memory_space<vmem_shared>> -> memref<16xf32, #tpu.memory_space<vmem_shared>>
      tpu.enqueue_dma source(%dma_start3A_430 : memref<16xf32, #tpu.memory_space<vmem_shared>>) target(%dma_start3A_429 : memref<16xf32, #tpu.memory_space<vmem>>) target_semaphore(%arg43 : memref<!tpu.dma_semaphore, #tpu.memory_space<semaphore_mem>>)
      %dma_start3A_431 = arith.constant 160 : i32
      %dma_start3A_432 = tpu.memref_slice %arg29[%dma_start3A_431] : memref<256xf32, #tpu.memory_space<vmem>> -> memref<16xf32, #tpu.memory_space<vmem>>
      %dma_start3A_433 = tpu.memref_slice %arg39[%multiple_of3A_412] : memref<25600xf32, #tpu.memory_space<vmem_shared>> -> memref<16xf32, #tpu.memory_space<vmem_shared>>
      %dma_start3A_434 = arith.constant 160 : i32
      %dma_start3A_435 = tpu.memref_slice %arg29[%dma_start3A_434] : memref<256xf32, #tpu.memory_space<vmem>> -> memref<16xf32, #tpu.memory_space<vmem>>
      %dma_start3A_436 = tpu.memref_slice %arg39[%multiple_of3A_412] : memref<25600xf32, #tpu.memory_space<vmem_shared>> -> memref<16xf32, #tpu.memory_space<vmem_shared>>
      tpu.enqueue_dma source(%dma_start3A_436 : memref<16xf32, #tpu.memory_space<vmem_shared>>) target(%dma_start3A_435 : memref<16xf32, #tpu.memory_space<vmem>>) target_semaphore(%arg43 : memref<!tpu.dma_semaphore, #tpu.memory_space<semaphore_mem>>)
      %dma_start3A_437 = arith.constant 160 : i32
      %dma_start3A_438 = tpu.memref_slice %arg30[%dma_start3A_437] : memref<256xf32, #tpu.memory_space<vmem>> -> memref<16xf32, #tpu.memory_space<vmem>>
      %dma_start3A_439 = tpu.memref_slice %arg40[%multiple_of3A_412] : memref<25600xf32, #tpu.memory_space<vmem_shared>> -> memref<16xf32, #tpu.memory_space<vmem_shared>>
      %dma_start3A_440 = arith.constant 160 : i32
      %dma_start3A_441 = tpu.memref_slice %arg30[%dma_start3A_440] : memref<256xf32, #tpu.memory_space<vmem>> -> memref<16xf32, #tpu.memory_space<vmem>>
      %dma_start3A_442 = tpu.memref_slice %arg40[%multiple_of3A_412] : memref<25600xf32, #tpu.memory_space<vmem_shared>> -> memref<16xf32, #tpu.memory_space<vmem_shared>>
      tpu.enqueue_dma source(%dma_start3A_442 : memref<16xf32, #tpu.memory_space<vmem_shared>>) target(%dma_start3A_441 : memref<16xf32, #tpu.memory_space<vmem>>) target_semaphore(%arg43 : memref<!tpu.dma_semaphore, #tpu.memory_space<semaphore_mem>>)
      %mul3A_443 = arith.constant 16 : i32
      %mul3A_444 = arith.muli %while3A_58, %mul3A_443 : i32
      %add3A_445 = arith.constant 17600 : i32
      %add3A_446 = arith.addi %add3A_445, %mul3A_444 : i32
      %multiple_of3A_447 = tpu.assume_multiple %add3A_446, 16 : i32
      %dma_start3A_448 = arith.constant 176 : i32
      %dma_start3A_449 = tpu.memref_slice %arg26[%dma_start3A_448] : memref<256xf32, #tpu.memory_space<vmem>> -> memref<16xf32, #tpu.memory_space<vmem>>
      %dma_start3A_450 = tpu.memref_slice %arg36[%multiple_of3A_447] : memref<25600xf32, #tpu.memory_space<vmem_shared>> -> memref<16xf32, #tpu.memory_space<vmem_shared>>
      %dma_start3A_451 = arith.constant 176 : i32
      %dma_start3A_452 = tpu.memref_slice %arg26[%dma_start3A_451] : memref<256xf32, #tpu.memory_space<vmem>> -> memref<16xf32, #tpu.memory_space<vmem>>
      %dma_start3A_453 = tpu.memref_slice %arg36[%multiple_of3A_447] : memref<25600xf32, #tpu.memory_space<vmem_shared>> -> memref<16xf32, #tpu.memory_space<vmem_shared>>
      tpu.enqueue_dma source(%dma_start3A_453 : memref<16xf32, #tpu.memory_space<vmem_shared>>) target(%dma_start3A_452 : memref<16xf32, #tpu.memory_space<vmem>>) target_semaphore(%arg43 : memref<!tpu.dma_semaphore, #tpu.memory_space<semaphore_mem>>)
      %dma_start3A_454 = arith.constant 176 : i32
      %dma_start3A_455 = tpu.memref_slice %arg27[%dma_start3A_454] : memref<256xi32, #tpu.memory_space<vmem>> -> memref<16xi32, #tpu.memory_space<vmem>>
      %dma_start3A_456 = tpu.memref_slice %arg37[%multiple_of3A_447] : memref<25600xi32, #tpu.memory_space<vmem_shared>> -> memref<16xi32, #tpu.memory_space<vmem_shared>>
      %dma_start3A_457 = arith.constant 176 : i32
      %dma_start3A_458 = tpu.memref_slice %arg27[%dma_start3A_457] : memref<256xi32, #tpu.memory_space<vmem>> -> memref<16xi32, #tpu.memory_space<vmem>>
      %dma_start3A_459 = tpu.memref_slice %arg37[%multiple_of3A_447] : memref<25600xi32, #tpu.memory_space<vmem_shared>> -> memref<16xi32, #tpu.memory_space<vmem_shared>>
      tpu.enqueue_dma source(%dma_start3A_459 : memref<16xi32, #tpu.memory_space<vmem_shared>>) target(%dma_start3A_458 : memref<16xi32, #tpu.memory_space<vmem>>) target_semaphore(%arg43 : memref<!tpu.dma_semaphore, #tpu.memory_space<semaphore_mem>>)
      %dma_start3A_460 = arith.constant 176 : i32
      %dma_start3A_461 = tpu.memref_slice %arg28[%dma_start3A_460] : memref<256xf32, #tpu.memory_space<vmem>> -> memref<16xf32, #tpu.memory_space<vmem>>
      %dma_start3A_462 = tpu.memref_slice %arg38[%multiple_of3A_447] : memref<25600xf32, #tpu.memory_space<vmem_shared>> -> memref<16xf32, #tpu.memory_space<vmem_shared>>
      %dma_start3A_463 = arith.constant 176 : i32
      %dma_start3A_464 = tpu.memref_slice %arg28[%dma_start3A_463] : memref<256xf32, #tpu.memory_space<vmem>> -> memref<16xf32, #tpu.memory_space<vmem>>
      %dma_start3A_465 = tpu.memref_slice %arg38[%multiple_of3A_447] : memref<25600xf32, #tpu.memory_space<vmem_shared>> -> memref<16xf32, #tpu.memory_space<vmem_shared>>
      tpu.enqueue_dma source(%dma_start3A_465 : memref<16xf32, #tpu.memory_space<vmem_shared>>) target(%dma_start3A_464 : memref<16xf32, #tpu.memory_space<vmem>>) target_semaphore(%arg43 : memref<!tpu.dma_semaphore, #tpu.memory_space<semaphore_mem>>)
      %dma_start3A_466 = arith.constant 176 : i32
      %dma_start3A_467 = tpu.memref_slice %arg29[%dma_start3A_466] : memref<256xf32, #tpu.memory_space<vmem>> -> memref<16xf32, #tpu.memory_space<vmem>>
      %dma_start3A_468 = tpu.memref_slice %arg39[%multiple_of3A_447] : memref<25600xf32, #tpu.memory_space<vmem_shared>> -> memref<16xf32, #tpu.memory_space<vmem_shared>>
      %dma_start3A_469 = arith.constant 176 : i32
      %dma_start3A_470 = tpu.memref_slice %arg29[%dma_start3A_469] : memref<256xf32, #tpu.memory_space<vmem>> -> memref<16xf32, #tpu.memory_space<vmem>>
      %dma_start3A_471 = tpu.memref_slice %arg39[%multiple_of3A_447] : memref<25600xf32, #tpu.memory_space<vmem_shared>> -> memref<16xf32, #tpu.memory_space<vmem_shared>>
      tpu.enqueue_dma source(%dma_start3A_471 : memref<16xf32, #tpu.memory_space<vmem_shared>>) target(%dma_start3A_470 : memref<16xf32, #tpu.memory_space<vmem>>) target_semaphore(%arg43 : memref<!tpu.dma_semaphore, #tpu.memory_space<semaphore_mem>>)
      %dma_start3A_472 = arith.constant 176 : i32
      %dma_start3A_473 = tpu.memref_slice %arg30[%dma_start3A_472] : memref<256xf32, #tpu.memory_space<vmem>> -> memref<16xf32, #tpu.memory_space<vmem>>
      %dma_start3A_474 = tpu.memref_slice %arg40[%multiple_of3A_447] : memref<25600xf32, #tpu.memory_space<vmem_shared>> -> memref<16xf32, #tpu.memory_space<vmem_shared>>
      %dma_start3A_475 = arith.constant 176 : i32
      %dma_start3A_476 = tpu.memref_slice %arg30[%dma_start3A_475] : memref<256xf32, #tpu.memory_space<vmem>> -> memref<16xf32, #tpu.memory_space<vmem>>
      %dma_start3A_477 = tpu.memref_slice %arg40[%multiple_of3A_447] : memref<25600xf32, #tpu.memory_space<vmem_shared>> -> memref<16xf32, #tpu.memory_space<vmem_shared>>
      tpu.enqueue_dma source(%dma_start3A_477 : memref<16xf32, #tpu.memory_space<vmem_shared>>) target(%dma_start3A_476 : memref<16xf32, #tpu.memory_space<vmem>>) target_semaphore(%arg43 : memref<!tpu.dma_semaphore, #tpu.memory_space<semaphore_mem>>)
      %mul3A_478 = arith.constant 16 : i32
      %mul3A_479 = arith.muli %while3A_58, %mul3A_478 : i32
      %add3A_480 = arith.constant 19200 : i32
      %add3A_481 = arith.addi %add3A_480, %mul3A_479 : i32
      %multiple_of3A_482 = tpu.assume_multiple %add3A_481, 16 : i32
      %dma_start3A_483 = arith.constant 192 : i32
      %dma_start3A_484 = tpu.memref_slice %arg26[%dma_start3A_483] : memref<256xf32, #tpu.memory_space<vmem>> -> memref<16xf32, #tpu.memory_space<vmem>>
      %dma_start3A_485 = tpu.memref_slice %arg36[%multiple_of3A_482] : memref<25600xf32, #tpu.memory_space<vmem_shared>> -> memref<16xf32, #tpu.memory_space<vmem_shared>>
      %dma_start3A_486 = arith.constant 192 : i32
      %dma_start3A_487 = tpu.memref_slice %arg26[%dma_start3A_486] : memref<256xf32, #tpu.memory_space<vmem>> -> memref<16xf32, #tpu.memory_space<vmem>>
      %dma_start3A_488 = tpu.memref_slice %arg36[%multiple_of3A_482] : memref<25600xf32, #tpu.memory_space<vmem_shared>> -> memref<16xf32, #tpu.memory_space<vmem_shared>>
      tpu.enqueue_dma source(%dma_start3A_488 : memref<16xf32, #tpu.memory_space<vmem_shared>>) target(%dma_start3A_487 : memref<16xf32, #tpu.memory_space<vmem>>) target_semaphore(%arg43 : memref<!tpu.dma_semaphore, #tpu.memory_space<semaphore_mem>>)
      %dma_start3A_489 = arith.constant 192 : i32
      %dma_start3A_490 = tpu.memref_slice %arg27[%dma_start3A_489] : memref<256xi32, #tpu.memory_space<vmem>> -> memref<16xi32, #tpu.memory_space<vmem>>
      %dma_start3A_491 = tpu.memref_slice %arg37[%multiple_of3A_482] : memref<25600xi32, #tpu.memory_space<vmem_shared>> -> memref<16xi32, #tpu.memory_space<vmem_shared>>
      %dma_start3A_492 = arith.constant 192 : i32
      %dma_start3A_493 = tpu.memref_slice %arg27[%dma_start3A_492] : memref<256xi32, #tpu.memory_space<vmem>> -> memref<16xi32, #tpu.memory_space<vmem>>
      %dma_start3A_494 = tpu.memref_slice %arg37[%multiple_of3A_482] : memref<25600xi32, #tpu.memory_space<vmem_shared>> -> memref<16xi32, #tpu.memory_space<vmem_shared>>
      tpu.enqueue_dma source(%dma_start3A_494 : memref<16xi32, #tpu.memory_space<vmem_shared>>) target(%dma_start3A_493 : memref<16xi32, #tpu.memory_space<vmem>>) target_semaphore(%arg43 : memref<!tpu.dma_semaphore, #tpu.memory_space<semaphore_mem>>)
      %dma_start3A_495 = arith.constant 192 : i32
      %dma_start3A_496 = tpu.memref_slice %arg28[%dma_start3A_495] : memref<256xf32, #tpu.memory_space<vmem>> -> memref<16xf32, #tpu.memory_space<vmem>>
      %dma_start3A_497 = tpu.memref_slice %arg38[%multiple_of3A_482] : memref<25600xf32, #tpu.memory_space<vmem_shared>> -> memref<16xf32, #tpu.memory_space<vmem_shared>>
      %dma_start3A_498 = arith.constant 192 : i32
      %dma_start3A_499 = tpu.memref_slice %arg28[%dma_start3A_498] : memref<256xf32, #tpu.memory_space<vmem>> -> memref<16xf32, #tpu.memory_space<vmem>>
      %dma_start3A_500 = tpu.memref_slice %arg38[%multiple_of3A_482] : memref<25600xf32, #tpu.memory_space<vmem_shared>> -> memref<16xf32, #tpu.memory_space<vmem_shared>>
      tpu.enqueue_dma source(%dma_start3A_500 : memref<16xf32, #tpu.memory_space<vmem_shared>>) target(%dma_start3A_499 : memref<16xf32, #tpu.memory_space<vmem>>) target_semaphore(%arg43 : memref<!tpu.dma_semaphore, #tpu.memory_space<semaphore_mem>>)
      %dma_start3A_501 = arith.constant 192 : i32
      %dma_start3A_502 = tpu.memref_slice %arg29[%dma_start3A_501] : memref<256xf32, #tpu.memory_space<vmem>> -> memref<16xf32, #tpu.memory_space<vmem>>
      %dma_start3A_503 = tpu.memref_slice %arg39[%multiple_of3A_482] : memref<25600xf32, #tpu.memory_space<vmem_shared>> -> memref<16xf32, #tpu.memory_space<vmem_shared>>
      %dma_start3A_504 = arith.constant 192 : i32
      %dma_start3A_505 = tpu.memref_slice %arg29[%dma_start3A_504] : memref<256xf32, #tpu.memory_space<vmem>> -> memref<16xf32, #tpu.memory_space<vmem>>
      %dma_start3A_506 = tpu.memref_slice %arg39[%multiple_of3A_482] : memref<25600xf32, #tpu.memory_space<vmem_shared>> -> memref<16xf32, #tpu.memory_space<vmem_shared>>
      tpu.enqueue_dma source(%dma_start3A_506 : memref<16xf32, #tpu.memory_space<vmem_shared>>) target(%dma_start3A_505 : memref<16xf32, #tpu.memory_space<vmem>>) target_semaphore(%arg43 : memref<!tpu.dma_semaphore, #tpu.memory_space<semaphore_mem>>)
      %dma_start3A_507 = arith.constant 192 : i32
      %dma_start3A_508 = tpu.memref_slice %arg30[%dma_start3A_507] : memref<256xf32, #tpu.memory_space<vmem>> -> memref<16xf32, #tpu.memory_space<vmem>>
      %dma_start3A_509 = tpu.memref_slice %arg40[%multiple_of3A_482] : memref<25600xf32, #tpu.memory_space<vmem_shared>> -> memref<16xf32, #tpu.memory_space<vmem_shared>>
      %dma_start3A_510 = arith.constant 192 : i32
      %dma_start3A_511 = tpu.memref_slice %arg30[%dma_start3A_510] : memref<256xf32, #tpu.memory_space<vmem>> -> memref<16xf32, #tpu.memory_space<vmem>>
      %dma_start3A_512 = tpu.memref_slice %arg40[%multiple_of3A_482] : memref<25600xf32, #tpu.memory_space<vmem_shared>> -> memref<16xf32, #tpu.memory_space<vmem_shared>>
      tpu.enqueue_dma source(%dma_start3A_512 : memref<16xf32, #tpu.memory_space<vmem_shared>>) target(%dma_start3A_511 : memref<16xf32, #tpu.memory_space<vmem>>) target_semaphore(%arg43 : memref<!tpu.dma_semaphore, #tpu.memory_space<semaphore_mem>>)
      %mul3A_513 = arith.constant 16 : i32
      %mul3A_514 = arith.muli %while3A_58, %mul3A_513 : i32
      %add3A_515 = arith.constant 20800 : i32
      %add3A_516 = arith.addi %add3A_515, %mul3A_514 : i32
      %multiple_of3A_517 = tpu.assume_multiple %add3A_516, 16 : i32
      %dma_start3A_518 = arith.constant 208 : i32
      %dma_start3A_519 = tpu.memref_slice %arg26[%dma_start3A_518] : memref<256xf32, #tpu.memory_space<vmem>> -> memref<16xf32, #tpu.memory_space<vmem>>
      %dma_start3A_520 = tpu.memref_slice %arg36[%multiple_of3A_517] : memref<25600xf32, #tpu.memory_space<vmem_shared>> -> memref<16xf32, #tpu.memory_space<vmem_shared>>
      %dma_start3A_521 = arith.constant 208 : i32
      %dma_start3A_522 = tpu.memref_slice %arg26[%dma_start3A_521] : memref<256xf32, #tpu.memory_space<vmem>> -> memref<16xf32, #tpu.memory_space<vmem>>
      %dma_start3A_523 = tpu.memref_slice %arg36[%multiple_of3A_517] : memref<25600xf32, #tpu.memory_space<vmem_shared>> -> memref<16xf32, #tpu.memory_space<vmem_shared>>
      tpu.enqueue_dma source(%dma_start3A_523 : memref<16xf32, #tpu.memory_space<vmem_shared>>) target(%dma_start3A_522 : memref<16xf32, #tpu.memory_space<vmem>>) target_semaphore(%arg43 : memref<!tpu.dma_semaphore, #tpu.memory_space<semaphore_mem>>)
      %dma_start3A_524 = arith.constant 208 : i32
      %dma_start3A_525 = tpu.memref_slice %arg27[%dma_start3A_524] : memref<256xi32, #tpu.memory_space<vmem>> -> memref<16xi32, #tpu.memory_space<vmem>>
      %dma_start3A_526 = tpu.memref_slice %arg37[%multiple_of3A_517] : memref<25600xi32, #tpu.memory_space<vmem_shared>> -> memref<16xi32, #tpu.memory_space<vmem_shared>>
      %dma_start3A_527 = arith.constant 208 : i32
      %dma_start3A_528 = tpu.memref_slice %arg27[%dma_start3A_527] : memref<256xi32, #tpu.memory_space<vmem>> -> memref<16xi32, #tpu.memory_space<vmem>>
      %dma_start3A_529 = tpu.memref_slice %arg37[%multiple_of3A_517] : memref<25600xi32, #tpu.memory_space<vmem_shared>> -> memref<16xi32, #tpu.memory_space<vmem_shared>>
      tpu.enqueue_dma source(%dma_start3A_529 : memref<16xi32, #tpu.memory_space<vmem_shared>>) target(%dma_start3A_528 : memref<16xi32, #tpu.memory_space<vmem>>) target_semaphore(%arg43 : memref<!tpu.dma_semaphore, #tpu.memory_space<semaphore_mem>>)
      %dma_start3A_530 = arith.constant 208 : i32
      %dma_start3A_531 = tpu.memref_slice %arg28[%dma_start3A_530] : memref<256xf32, #tpu.memory_space<vmem>> -> memref<16xf32, #tpu.memory_space<vmem>>
      %dma_start3A_532 = tpu.memref_slice %arg38[%multiple_of3A_517] : memref<25600xf32, #tpu.memory_space<vmem_shared>> -> memref<16xf32, #tpu.memory_space<vmem_shared>>
      %dma_start3A_533 = arith.constant 208 : i32
      %dma_start3A_534 = tpu.memref_slice %arg28[%dma_start3A_533] : memref<256xf32, #tpu.memory_space<vmem>> -> memref<16xf32, #tpu.memory_space<vmem>>
      %dma_start3A_535 = tpu.memref_slice %arg38[%multiple_of3A_517] : memref<25600xf32, #tpu.memory_space<vmem_shared>> -> memref<16xf32, #tpu.memory_space<vmem_shared>>
      tpu.enqueue_dma source(%dma_start3A_535 : memref<16xf32, #tpu.memory_space<vmem_shared>>) target(%dma_start3A_534 : memref<16xf32, #tpu.memory_space<vmem>>) target_semaphore(%arg43 : memref<!tpu.dma_semaphore, #tpu.memory_space<semaphore_mem>>)
      %dma_start3A_536 = arith.constant 208 : i32
      %dma_start3A_537 = tpu.memref_slice %arg29[%dma_start3A_536] : memref<256xf32, #tpu.memory_space<vmem>> -> memref<16xf32, #tpu.memory_space<vmem>>
      %dma_start3A_538 = tpu.memref_slice %arg39[%multiple_of3A_517] : memref<25600xf32, #tpu.memory_space<vmem_shared>> -> memref<16xf32, #tpu.memory_space<vmem_shared>>
      %dma_start3A_539 = arith.constant 208 : i32
      %dma_start3A_540 = tpu.memref_slice %arg29[%dma_start3A_539] : memref<256xf32, #tpu.memory_space<vmem>> -> memref<16xf32, #tpu.memory_space<vmem>>
      %dma_start3A_541 = tpu.memref_slice %arg39[%multiple_of3A_517] : memref<25600xf32, #tpu.memory_space<vmem_shared>> -> memref<16xf32, #tpu.memory_space<vmem_shared>>
      tpu.enqueue_dma source(%dma_start3A_541 : memref<16xf32, #tpu.memory_space<vmem_shared>>) target(%dma_start3A_540 : memref<16xf32, #tpu.memory_space<vmem>>) target_semaphore(%arg43 : memref<!tpu.dma_semaphore, #tpu.memory_space<semaphore_mem>>)
      %dma_start3A_542 = arith.constant 208 : i32
      %dma_start3A_543 = tpu.memref_slice %arg30[%dma_start3A_542] : memref<256xf32, #tpu.memory_space<vmem>> -> memref<16xf32, #tpu.memory_space<vmem>>
      %dma_start3A_544 = tpu.memref_slice %arg40[%multiple_of3A_517] : memref<25600xf32, #tpu.memory_space<vmem_shared>> -> memref<16xf32, #tpu.memory_space<vmem_shared>>
      %dma_start3A_545 = arith.constant 208 : i32
      %dma_start3A_546 = tpu.memref_slice %arg30[%dma_start3A_545] : memref<256xf32, #tpu.memory_space<vmem>> -> memref<16xf32, #tpu.memory_space<vmem>>
      %dma_start3A_547 = tpu.memref_slice %arg40[%multiple_of3A_517] : memref<25600xf32, #tpu.memory_space<vmem_shared>> -> memref<16xf32, #tpu.memory_space<vmem_shared>>
      tpu.enqueue_dma source(%dma_start3A_547 : memref<16xf32, #tpu.memory_space<vmem_shared>>) target(%dma_start3A_546 : memref<16xf32, #tpu.memory_space<vmem>>) target_semaphore(%arg43 : memref<!tpu.dma_semaphore, #tpu.memory_space<semaphore_mem>>)
      %mul3A_548 = arith.constant 16 : i32
      %mul3A_549 = arith.muli %while3A_58, %mul3A_548 : i32
      %add3A_550 = arith.constant 22400 : i32
      %add3A_551 = arith.addi %add3A_550, %mul3A_549 : i32
      %multiple_of3A_552 = tpu.assume_multiple %add3A_551, 16 : i32
      %dma_start3A_553 = arith.constant 224 : i32
      %dma_start3A_554 = tpu.memref_slice %arg26[%dma_start3A_553] : memref<256xf32, #tpu.memory_space<vmem>> -> memref<16xf32, #tpu.memory_space<vmem>>
      %dma_start3A_555 = tpu.memref_slice %arg36[%multiple_of3A_552] : memref<25600xf32, #tpu.memory_space<vmem_shared>> -> memref<16xf32, #tpu.memory_space<vmem_shared>>
      %dma_start3A_556 = arith.constant 224 : i32
      %dma_start3A_557 = tpu.memref_slice %arg26[%dma_start3A_556] : memref<256xf32, #tpu.memory_space<vmem>> -> memref<16xf32, #tpu.memory_space<vmem>>
      %dma_start3A_558 = tpu.memref_slice %arg36[%multiple_of3A_552] : memref<25600xf32, #tpu.memory_space<vmem_shared>> -> memref<16xf32, #tpu.memory_space<vmem_shared>>
      tpu.enqueue_dma source(%dma_start3A_558 : memref<16xf32, #tpu.memory_space<vmem_shared>>) target(%dma_start3A_557 : memref<16xf32, #tpu.memory_space<vmem>>) target_semaphore(%arg43 : memref<!tpu.dma_semaphore, #tpu.memory_space<semaphore_mem>>)
      %dma_start3A_559 = arith.constant 224 : i32
      %dma_start3A_560 = tpu.memref_slice %arg27[%dma_start3A_559] : memref<256xi32, #tpu.memory_space<vmem>> -> memref<16xi32, #tpu.memory_space<vmem>>
      %dma_start3A_561 = tpu.memref_slice %arg37[%multiple_of3A_552] : memref<25600xi32, #tpu.memory_space<vmem_shared>> -> memref<16xi32, #tpu.memory_space<vmem_shared>>
      %dma_start3A_562 = arith.constant 224 : i32
      %dma_start3A_563 = tpu.memref_slice %arg27[%dma_start3A_562] : memref<256xi32, #tpu.memory_space<vmem>> -> memref<16xi32, #tpu.memory_space<vmem>>
      %dma_start3A_564 = tpu.memref_slice %arg37[%multiple_of3A_552] : memref<25600xi32, #tpu.memory_space<vmem_shared>> -> memref<16xi32, #tpu.memory_space<vmem_shared>>
      tpu.enqueue_dma source(%dma_start3A_564 : memref<16xi32, #tpu.memory_space<vmem_shared>>) target(%dma_start3A_563 : memref<16xi32, #tpu.memory_space<vmem>>) target_semaphore(%arg43 : memref<!tpu.dma_semaphore, #tpu.memory_space<semaphore_mem>>)
      %dma_start3A_565 = arith.constant 224 : i32
      %dma_start3A_566 = tpu.memref_slice %arg28[%dma_start3A_565] : memref<256xf32, #tpu.memory_space<vmem>> -> memref<16xf32, #tpu.memory_space<vmem>>
      %dma_start3A_567 = tpu.memref_slice %arg38[%multiple_of3A_552] : memref<25600xf32, #tpu.memory_space<vmem_shared>> -> memref<16xf32, #tpu.memory_space<vmem_shared>>
      %dma_start3A_568 = arith.constant 224 : i32
      %dma_start3A_569 = tpu.memref_slice %arg28[%dma_start3A_568] : memref<256xf32, #tpu.memory_space<vmem>> -> memref<16xf32, #tpu.memory_space<vmem>>
      %dma_start3A_570 = tpu.memref_slice %arg38[%multiple_of3A_552] : memref<25600xf32, #tpu.memory_space<vmem_shared>> -> memref<16xf32, #tpu.memory_space<vmem_shared>>
      tpu.enqueue_dma source(%dma_start3A_570 : memref<16xf32, #tpu.memory_space<vmem_shared>>) target(%dma_start3A_569 : memref<16xf32, #tpu.memory_space<vmem>>) target_semaphore(%arg43 : memref<!tpu.dma_semaphore, #tpu.memory_space<semaphore_mem>>)
      %dma_start3A_571 = arith.constant 224 : i32
      %dma_start3A_572 = tpu.memref_slice %arg29[%dma_start3A_571] : memref<256xf32, #tpu.memory_space<vmem>> -> memref<16xf32, #tpu.memory_space<vmem>>
      %dma_start3A_573 = tpu.memref_slice %arg39[%multiple_of3A_552] : memref<25600xf32, #tpu.memory_space<vmem_shared>> -> memref<16xf32, #tpu.memory_space<vmem_shared>>
      %dma_start3A_574 = arith.constant 224 : i32
      %dma_start3A_575 = tpu.memref_slice %arg29[%dma_start3A_574] : memref<256xf32, #tpu.memory_space<vmem>> -> memref<16xf32, #tpu.memory_space<vmem>>
      %dma_start3A_576 = tpu.memref_slice %arg39[%multiple_of3A_552] : memref<25600xf32, #tpu.memory_space<vmem_shared>> -> memref<16xf32, #tpu.memory_space<vmem_shared>>
      tpu.enqueue_dma source(%dma_start3A_576 : memref<16xf32, #tpu.memory_space<vmem_shared>>) target(%dma_start3A_575 : memref<16xf32, #tpu.memory_space<vmem>>) target_semaphore(%arg43 : memref<!tpu.dma_semaphore, #tpu.memory_space<semaphore_mem>>)
      %dma_start3A_577 = arith.constant 224 : i32
      %dma_start3A_578 = tpu.memref_slice %arg30[%dma_start3A_577] : memref<256xf32, #tpu.memory_space<vmem>> -> memref<16xf32, #tpu.memory_space<vmem>>
      %dma_start3A_579 = tpu.memref_slice %arg40[%multiple_of3A_552] : memref<25600xf32, #tpu.memory_space<vmem_shared>> -> memref<16xf32, #tpu.memory_space<vmem_shared>>
      %dma_start3A_580 = arith.constant 224 : i32
      %dma_start3A_581 = tpu.memref_slice %arg30[%dma_start3A_580] : memref<256xf32, #tpu.memory_space<vmem>> -> memref<16xf32, #tpu.memory_space<vmem>>
      %dma_start3A_582 = tpu.memref_slice %arg40[%multiple_of3A_552] : memref<25600xf32, #tpu.memory_space<vmem_shared>> -> memref<16xf32, #tpu.memory_space<vmem_shared>>
      tpu.enqueue_dma source(%dma_start3A_582 : memref<16xf32, #tpu.memory_space<vmem_shared>>) target(%dma_start3A_581 : memref<16xf32, #tpu.memory_space<vmem>>) target_semaphore(%arg43 : memref<!tpu.dma_semaphore, #tpu.memory_space<semaphore_mem>>)
      %mul3A_583 = arith.constant 16 : i32
      %mul3A_584 = arith.muli %while3A_58, %mul3A_583 : i32
      %add3A_585 = arith.constant 24000 : i32
      %add3A_586 = arith.addi %add3A_585, %mul3A_584 : i32
      %multiple_of3A_587 = tpu.assume_multiple %add3A_586, 16 : i32
      %dma_start3A_588 = arith.constant 240 : i32
      %dma_start3A_589 = tpu.memref_slice %arg26[%dma_start3A_588] : memref<256xf32, #tpu.memory_space<vmem>> -> memref<16xf32, #tpu.memory_space<vmem>>
      %dma_start3A_590 = tpu.memref_slice %arg36[%multiple_of3A_587] : memref<25600xf32, #tpu.memory_space<vmem_shared>> -> memref<16xf32, #tpu.memory_space<vmem_shared>>
      %dma_start3A_591 = arith.constant 240 : i32
      %dma_start3A_592 = tpu.memref_slice %arg26[%dma_start3A_591] : memref<256xf32, #tpu.memory_space<vmem>> -> memref<16xf32, #tpu.memory_space<vmem>>
      %dma_start3A_593 = tpu.memref_slice %arg36[%multiple_of3A_587] : memref<25600xf32, #tpu.memory_space<vmem_shared>> -> memref<16xf32, #tpu.memory_space<vmem_shared>>
      tpu.enqueue_dma source(%dma_start3A_593 : memref<16xf32, #tpu.memory_space<vmem_shared>>) target(%dma_start3A_592 : memref<16xf32, #tpu.memory_space<vmem>>) target_semaphore(%arg43 : memref<!tpu.dma_semaphore, #tpu.memory_space<semaphore_mem>>)
      %dma_start3A_594 = arith.constant 240 : i32
      %dma_start3A_595 = tpu.memref_slice %arg27[%dma_start3A_594] : memref<256xi32, #tpu.memory_space<vmem>> -> memref<16xi32, #tpu.memory_space<vmem>>
      %dma_start3A_596 = tpu.memref_slice %arg37[%multiple_of3A_587] : memref<25600xi32, #tpu.memory_space<vmem_shared>> -> memref<16xi32, #tpu.memory_space<vmem_shared>>
      %dma_start3A_597 = arith.constant 240 : i32
      %dma_start3A_598 = tpu.memref_slice %arg27[%dma_start3A_597] : memref<256xi32, #tpu.memory_space<vmem>> -> memref<16xi32, #tpu.memory_space<vmem>>
      %dma_start3A_599 = tpu.memref_slice %arg37[%multiple_of3A_587] : memref<25600xi32, #tpu.memory_space<vmem_shared>> -> memref<16xi32, #tpu.memory_space<vmem_shared>>
      tpu.enqueue_dma source(%dma_start3A_599 : memref<16xi32, #tpu.memory_space<vmem_shared>>) target(%dma_start3A_598 : memref<16xi32, #tpu.memory_space<vmem>>) target_semaphore(%arg43 : memref<!tpu.dma_semaphore, #tpu.memory_space<semaphore_mem>>)
      %dma_start3A_600 = arith.constant 240 : i32
      %dma_start3A_601 = tpu.memref_slice %arg28[%dma_start3A_600] : memref<256xf32, #tpu.memory_space<vmem>> -> memref<16xf32, #tpu.memory_space<vmem>>
      %dma_start3A_602 = tpu.memref_slice %arg38[%multiple_of3A_587] : memref<25600xf32, #tpu.memory_space<vmem_shared>> -> memref<16xf32, #tpu.memory_space<vmem_shared>>
      %dma_start3A_603 = arith.constant 240 : i32
      %dma_start3A_604 = tpu.memref_slice %arg28[%dma_start3A_603] : memref<256xf32, #tpu.memory_space<vmem>> -> memref<16xf32, #tpu.memory_space<vmem>>
      %dma_start3A_605 = tpu.memref_slice %arg38[%multiple_of3A_587] : memref<25600xf32, #tpu.memory_space<vmem_shared>> -> memref<16xf32, #tpu.memory_space<vmem_shared>>
      tpu.enqueue_dma source(%dma_start3A_605 : memref<16xf32, #tpu.memory_space<vmem_shared>>) target(%dma_start3A_604 : memref<16xf32, #tpu.memory_space<vmem>>) target_semaphore(%arg43 : memref<!tpu.dma_semaphore, #tpu.memory_space<semaphore_mem>>)
      %dma_start3A_606 = arith.constant 240 : i32
      %dma_start3A_607 = tpu.memref_slice %arg29[%dma_start3A_606] : memref<256xf32, #tpu.memory_space<vmem>> -> memref<16xf32, #tpu.memory_space<vmem>>
      %dma_start3A_608 = tpu.memref_slice %arg39[%multiple_of3A_587] : memref<25600xf32, #tpu.memory_space<vmem_shared>> -> memref<16xf32, #tpu.memory_space<vmem_shared>>
      %dma_start3A_609 = arith.constant 240 : i32
      %dma_start3A_610 = tpu.memref_slice %arg29[%dma_start3A_609] : memref<256xf32, #tpu.memory_space<vmem>> -> memref<16xf32, #tpu.memory_space<vmem>>
      %dma_start3A_611 = tpu.memref_slice %arg39[%multiple_of3A_587] : memref<25600xf32, #tpu.memory_space<vmem_shared>> -> memref<16xf32, #tpu.memory_space<vmem_shared>>
      tpu.enqueue_dma source(%dma_start3A_611 : memref<16xf32, #tpu.memory_space<vmem_shared>>) target(%dma_start3A_610 : memref<16xf32, #tpu.memory_space<vmem>>) target_semaphore(%arg43 : memref<!tpu.dma_semaphore, #tpu.memory_space<semaphore_mem>>)
      %dma_start3A_612 = arith.constant 240 : i32
      %dma_start3A_613 = tpu.memref_slice %arg30[%dma_start3A_612] : memref<256xf32, #tpu.memory_space<vmem>> -> memref<16xf32, #tpu.memory_space<vmem>>
      %dma_start3A_614 = tpu.memref_slice %arg40[%multiple_of3A_587] : memref<25600xf32, #tpu.memory_space<vmem_shared>> -> memref<16xf32, #tpu.memory_space<vmem_shared>>
      %dma_start3A_615 = arith.constant 240 : i32
      %dma_start3A_616 = tpu.memref_slice %arg30[%dma_start3A_615] : memref<256xf32, #tpu.memory_space<vmem>> -> memref<16xf32, #tpu.memory_space<vmem>>
      %dma_start3A_617 = tpu.memref_slice %arg40[%multiple_of3A_587] : memref<25600xf32, #tpu.memory_space<vmem_shared>> -> memref<16xf32, #tpu.memory_space<vmem_shared>>
      tpu.enqueue_dma source(%dma_start3A_617 : memref<16xf32, #tpu.memory_space<vmem_shared>>) target(%dma_start3A_616 : memref<16xf32, #tpu.memory_space<vmem>>) target_semaphore(%arg43 : memref<!tpu.dma_semaphore, #tpu.memory_space<semaphore_mem>>)
      %dma_wait3A = arith.constant 0 : i32
      %dma_wait3A_618 = tpu.memref_slice %arg26[%dma_wait3A] : memref<256xf32, #tpu.memory_space<vmem>> -> memref<16xf32, #tpu.memory_space<vmem>>
      %dma_wait3A_619 = tpu.memref_slice %arg36[%multiple_of3A] : memref<25600xf32, #tpu.memory_space<vmem_shared>> -> memref<16xf32, #tpu.memory_space<vmem_shared>>
      %dma_wait3A_620 = arith.constant 0 : i32
      %dma_wait3A_621 = tpu.memref_slice %arg26[%dma_wait3A_620] : memref<256xf32, #tpu.memory_space<vmem>> -> memref<16xf32, #tpu.memory_space<vmem>>
      %dma_wait3A_622 = tpu.memref_slice %arg36[%multiple_of3A] : memref<25600xf32, #tpu.memory_space<vmem_shared>> -> memref<16xf32, #tpu.memory_space<vmem_shared>>
      tpu.wait_dma2 semaphore(%arg43 : memref<!tpu.dma_semaphore, #tpu.memory_space<semaphore_mem>>) src(%dma_wait3A_622 : memref<16xf32, #tpu.memory_space<vmem_shared>>) dst(%dma_wait3A_621 : memref<16xf32, #tpu.memory_space<vmem>>)
      %dma_wait3A_623 = arith.constant 0 : i32
      %dma_wait3A_624 = tpu.memref_slice %arg27[%dma_wait3A_623] : memref<256xi32, #tpu.memory_space<vmem>> -> memref<16xi32, #tpu.memory_space<vmem>>
      %dma_wait3A_625 = tpu.memref_slice %arg37[%multiple_of3A] : memref<25600xi32, #tpu.memory_space<vmem_shared>> -> memref<16xi32, #tpu.memory_space<vmem_shared>>
      %dma_wait3A_626 = arith.constant 0 : i32
      %dma_wait3A_627 = tpu.memref_slice %arg27[%dma_wait3A_626] : memref<256xi32, #tpu.memory_space<vmem>> -> memref<16xi32, #tpu.memory_space<vmem>>
      %dma_wait3A_628 = tpu.memref_slice %arg37[%multiple_of3A] : memref<25600xi32, #tpu.memory_space<vmem_shared>> -> memref<16xi32, #tpu.memory_space<vmem_shared>>
      tpu.wait_dma2 semaphore(%arg43 : memref<!tpu.dma_semaphore, #tpu.memory_space<semaphore_mem>>) src(%dma_wait3A_628 : memref<16xi32, #tpu.memory_space<vmem_shared>>) dst(%dma_wait3A_627 : memref<16xi32, #tpu.memory_space<vmem>>)
      %dma_wait3A_629 = arith.constant 0 : i32
      %dma_wait3A_630 = tpu.memref_slice %arg28[%dma_wait3A_629] : memref<256xf32, #tpu.memory_space<vmem>> -> memref<16xf32, #tpu.memory_space<vmem>>
      %dma_wait3A_631 = tpu.memref_slice %arg38[%multiple_of3A] : memref<25600xf32, #tpu.memory_space<vmem_shared>> -> memref<16xf32, #tpu.memory_space<vmem_shared>>
      %dma_wait3A_632 = arith.constant 0 : i32
      %dma_wait3A_633 = tpu.memref_slice %arg28[%dma_wait3A_632] : memref<256xf32, #tpu.memory_space<vmem>> -> memref<16xf32, #tpu.memory_space<vmem>>
      %dma_wait3A_634 = tpu.memref_slice %arg38[%multiple_of3A] : memref<25600xf32, #tpu.memory_space<vmem_shared>> -> memref<16xf32, #tpu.memory_space<vmem_shared>>
      tpu.wait_dma2 semaphore(%arg43 : memref<!tpu.dma_semaphore, #tpu.memory_space<semaphore_mem>>) src(%dma_wait3A_634 : memref<16xf32, #tpu.memory_space<vmem_shared>>) dst(%dma_wait3A_633 : memref<16xf32, #tpu.memory_space<vmem>>)
      %dma_wait3A_635 = arith.constant 0 : i32
      %dma_wait3A_636 = tpu.memref_slice %arg29[%dma_wait3A_635] : memref<256xf32, #tpu.memory_space<vmem>> -> memref<16xf32, #tpu.memory_space<vmem>>
      %dma_wait3A_637 = tpu.memref_slice %arg39[%multiple_of3A] : memref<25600xf32, #tpu.memory_space<vmem_shared>> -> memref<16xf32, #tpu.memory_space<vmem_shared>>
      %dma_wait3A_638 = arith.constant 0 : i32
      %dma_wait3A_639 = tpu.memref_slice %arg29[%dma_wait3A_638] : memref<256xf32, #tpu.memory_space<vmem>> -> memref<16xf32, #tpu.memory_space<vmem>>
      %dma_wait3A_640 = tpu.memref_slice %arg39[%multiple_of3A] : memref<25600xf32, #tpu.memory_space<vmem_shared>> -> memref<16xf32, #tpu.memory_space<vmem_shared>>
      tpu.wait_dma2 semaphore(%arg43 : memref<!tpu.dma_semaphore, #tpu.memory_space<semaphore_mem>>) src(%dma_wait3A_640 : memref<16xf32, #tpu.memory_space<vmem_shared>>) dst(%dma_wait3A_639 : memref<16xf32, #tpu.memory_space<vmem>>)
      %dma_wait3A_641 = arith.constant 0 : i32
      %dma_wait3A_642 = tpu.memref_slice %arg30[%dma_wait3A_641] : memref<256xf32, #tpu.memory_space<vmem>> -> memref<16xf32, #tpu.memory_space<vmem>>
      %dma_wait3A_643 = tpu.memref_slice %arg40[%multiple_of3A] : memref<25600xf32, #tpu.memory_space<vmem_shared>> -> memref<16xf32, #tpu.memory_space<vmem_shared>>
      %dma_wait3A_644 = arith.constant 0 : i32
      %dma_wait3A_645 = tpu.memref_slice %arg30[%dma_wait3A_644] : memref<256xf32, #tpu.memory_space<vmem>> -> memref<16xf32, #tpu.memory_space<vmem>>
      %dma_wait3A_646 = tpu.memref_slice %arg40[%multiple_of3A] : memref<25600xf32, #tpu.memory_space<vmem_shared>> -> memref<16xf32, #tpu.memory_space<vmem_shared>>
      tpu.wait_dma2 semaphore(%arg43 : memref<!tpu.dma_semaphore, #tpu.memory_space<semaphore_mem>>) src(%dma_wait3A_646 : memref<16xf32, #tpu.memory_space<vmem_shared>>) dst(%dma_wait3A_645 : memref<16xf32, #tpu.memory_space<vmem>>)
      %dma_wait3A_647 = arith.constant 16 : i32
      %dma_wait3A_648 = tpu.memref_slice %arg26[%dma_wait3A_647] : memref<256xf32, #tpu.memory_space<vmem>> -> memref<16xf32, #tpu.memory_space<vmem>>
      %dma_wait3A_649 = tpu.memref_slice %arg36[%multiple_of3A_97] : memref<25600xf32, #tpu.memory_space<vmem_shared>> -> memref<16xf32, #tpu.memory_space<vmem_shared>>
      %dma_wait3A_650 = arith.constant 16 : i32
      %dma_wait3A_651 = tpu.memref_slice %arg26[%dma_wait3A_650] : memref<256xf32, #tpu.memory_space<vmem>> -> memref<16xf32, #tpu.memory_space<vmem>>
      %dma_wait3A_652 = tpu.memref_slice %arg36[%multiple_of3A_97] : memref<25600xf32, #tpu.memory_space<vmem_shared>> -> memref<16xf32, #tpu.memory_space<vmem_shared>>
      tpu.wait_dma2 semaphore(%arg43 : memref<!tpu.dma_semaphore, #tpu.memory_space<semaphore_mem>>) src(%dma_wait3A_652 : memref<16xf32, #tpu.memory_space<vmem_shared>>) dst(%dma_wait3A_651 : memref<16xf32, #tpu.memory_space<vmem>>)
      %dma_wait3A_653 = arith.constant 16 : i32
      %dma_wait3A_654 = tpu.memref_slice %arg27[%dma_wait3A_653] : memref<256xi32, #tpu.memory_space<vmem>> -> memref<16xi32, #tpu.memory_space<vmem>>
      %dma_wait3A_655 = tpu.memref_slice %arg37[%multiple_of3A_97] : memref<25600xi32, #tpu.memory_space<vmem_shared>> -> memref<16xi32, #tpu.memory_space<vmem_shared>>
      %dma_wait3A_656 = arith.constant 16 : i32
      %dma_wait3A_657 = tpu.memref_slice %arg27[%dma_wait3A_656] : memref<256xi32, #tpu.memory_space<vmem>> -> memref<16xi32, #tpu.memory_space<vmem>>
      %dma_wait3A_658 = tpu.memref_slice %arg37[%multiple_of3A_97] : memref<25600xi32, #tpu.memory_space<vmem_shared>> -> memref<16xi32, #tpu.memory_space<vmem_shared>>
      tpu.wait_dma2 semaphore(%arg43 : memref<!tpu.dma_semaphore, #tpu.memory_space<semaphore_mem>>) src(%dma_wait3A_658 : memref<16xi32, #tpu.memory_space<vmem_shared>>) dst(%dma_wait3A_657 : memref<16xi32, #tpu.memory_space<vmem>>)
      %dma_wait3A_659 = arith.constant 16 : i32
      %dma_wait3A_660 = tpu.memref_slice %arg28[%dma_wait3A_659] : memref<256xf32, #tpu.memory_space<vmem>> -> memref<16xf32, #tpu.memory_space<vmem>>
      %dma_wait3A_661 = tpu.memref_slice %arg38[%multiple_of3A_97] : memref<25600xf32, #tpu.memory_space<vmem_shared>> -> memref<16xf32, #tpu.memory_space<vmem_shared>>
      %dma_wait3A_662 = arith.constant 16 : i32
      %dma_wait3A_663 = tpu.memref_slice %arg28[%dma_wait3A_662] : memref<256xf32, #tpu.memory_space<vmem>> -> memref<16xf32, #tpu.memory_space<vmem>>
      %dma_wait3A_664 = tpu.memref_slice %arg38[%multiple_of3A_97] : memref<25600xf32, #tpu.memory_space<vmem_shared>> -> memref<16xf32, #tpu.memory_space<vmem_shared>>
      tpu.wait_dma2 semaphore(%arg43 : memref<!tpu.dma_semaphore, #tpu.memory_space<semaphore_mem>>) src(%dma_wait3A_664 : memref<16xf32, #tpu.memory_space<vmem_shared>>) dst(%dma_wait3A_663 : memref<16xf32, #tpu.memory_space<vmem>>)
      %dma_wait3A_665 = arith.constant 16 : i32
      %dma_wait3A_666 = tpu.memref_slice %arg29[%dma_wait3A_665] : memref<256xf32, #tpu.memory_space<vmem>> -> memref<16xf32, #tpu.memory_space<vmem>>
      %dma_wait3A_667 = tpu.memref_slice %arg39[%multiple_of3A_97] : memref<25600xf32, #tpu.memory_space<vmem_shared>> -> memref<16xf32, #tpu.memory_space<vmem_shared>>
      %dma_wait3A_668 = arith.constant 16 : i32
      %dma_wait3A_669 = tpu.memref_slice %arg29[%dma_wait3A_668] : memref<256xf32, #tpu.memory_space<vmem>> -> memref<16xf32, #tpu.memory_space<vmem>>
      %dma_wait3A_670 = tpu.memref_slice %arg39[%multiple_of3A_97] : memref<25600xf32, #tpu.memory_space<vmem_shared>> -> memref<16xf32, #tpu.memory_space<vmem_shared>>
      tpu.wait_dma2 semaphore(%arg43 : memref<!tpu.dma_semaphore, #tpu.memory_space<semaphore_mem>>) src(%dma_wait3A_670 : memref<16xf32, #tpu.memory_space<vmem_shared>>) dst(%dma_wait3A_669 : memref<16xf32, #tpu.memory_space<vmem>>)
      %dma_wait3A_671 = arith.constant 16 : i32
      %dma_wait3A_672 = tpu.memref_slice %arg30[%dma_wait3A_671] : memref<256xf32, #tpu.memory_space<vmem>> -> memref<16xf32, #tpu.memory_space<vmem>>
      %dma_wait3A_673 = tpu.memref_slice %arg40[%multiple_of3A_97] : memref<25600xf32, #tpu.memory_space<vmem_shared>> -> memref<16xf32, #tpu.memory_space<vmem_shared>>
      %dma_wait3A_674 = arith.constant 16 : i32
      %dma_wait3A_675 = tpu.memref_slice %arg30[%dma_wait3A_674] : memref<256xf32, #tpu.memory_space<vmem>> -> memref<16xf32, #tpu.memory_space<vmem>>
      %dma_wait3A_676 = tpu.memref_slice %arg40[%multiple_of3A_97] : memref<25600xf32, #tpu.memory_space<vmem_shared>> -> memref<16xf32, #tpu.memory_space<vmem_shared>>
      tpu.wait_dma2 semaphore(%arg43 : memref<!tpu.dma_semaphore, #tpu.memory_space<semaphore_mem>>) src(%dma_wait3A_676 : memref<16xf32, #tpu.memory_space<vmem_shared>>) dst(%dma_wait3A_675 : memref<16xf32, #tpu.memory_space<vmem>>)
      %dma_wait3A_677 = arith.constant 32 : i32
      %dma_wait3A_678 = tpu.memref_slice %arg26[%dma_wait3A_677] : memref<256xf32, #tpu.memory_space<vmem>> -> memref<16xf32, #tpu.memory_space<vmem>>
      %dma_wait3A_679 = tpu.memref_slice %arg36[%multiple_of3A_132] : memref<25600xf32, #tpu.memory_space<vmem_shared>> -> memref<16xf32, #tpu.memory_space<vmem_shared>>
      %dma_wait3A_680 = arith.constant 32 : i32
      %dma_wait3A_681 = tpu.memref_slice %arg26[%dma_wait3A_680] : memref<256xf32, #tpu.memory_space<vmem>> -> memref<16xf32, #tpu.memory_space<vmem>>
      %dma_wait3A_682 = tpu.memref_slice %arg36[%multiple_of3A_132] : memref<25600xf32, #tpu.memory_space<vmem_shared>> -> memref<16xf32, #tpu.memory_space<vmem_shared>>
      tpu.wait_dma2 semaphore(%arg43 : memref<!tpu.dma_semaphore, #tpu.memory_space<semaphore_mem>>) src(%dma_wait3A_682 : memref<16xf32, #tpu.memory_space<vmem_shared>>) dst(%dma_wait3A_681 : memref<16xf32, #tpu.memory_space<vmem>>)
      %dma_wait3A_683 = arith.constant 32 : i32
      %dma_wait3A_684 = tpu.memref_slice %arg27[%dma_wait3A_683] : memref<256xi32, #tpu.memory_space<vmem>> -> memref<16xi32, #tpu.memory_space<vmem>>
      %dma_wait3A_685 = tpu.memref_slice %arg37[%multiple_of3A_132] : memref<25600xi32, #tpu.memory_space<vmem_shared>> -> memref<16xi32, #tpu.memory_space<vmem_shared>>
      %dma_wait3A_686 = arith.constant 32 : i32
      %dma_wait3A_687 = tpu.memref_slice %arg27[%dma_wait3A_686] : memref<256xi32, #tpu.memory_space<vmem>> -> memref<16xi32, #tpu.memory_space<vmem>>
      %dma_wait3A_688 = tpu.memref_slice %arg37[%multiple_of3A_132] : memref<25600xi32, #tpu.memory_space<vmem_shared>> -> memref<16xi32, #tpu.memory_space<vmem_shared>>
      tpu.wait_dma2 semaphore(%arg43 : memref<!tpu.dma_semaphore, #tpu.memory_space<semaphore_mem>>) src(%dma_wait3A_688 : memref<16xi32, #tpu.memory_space<vmem_shared>>) dst(%dma_wait3A_687 : memref<16xi32, #tpu.memory_space<vmem>>)
      %dma_wait3A_689 = arith.constant 32 : i32
      %dma_wait3A_690 = tpu.memref_slice %arg28[%dma_wait3A_689] : memref<256xf32, #tpu.memory_space<vmem>> -> memref<16xf32, #tpu.memory_space<vmem>>
      %dma_wait3A_691 = tpu.memref_slice %arg38[%multiple_of3A_132] : memref<25600xf32, #tpu.memory_space<vmem_shared>> -> memref<16xf32, #tpu.memory_space<vmem_shared>>
      %dma_wait3A_692 = arith.constant 32 : i32
      %dma_wait3A_693 = tpu.memref_slice %arg28[%dma_wait3A_692] : memref<256xf32, #tpu.memory_space<vmem>> -> memref<16xf32, #tpu.memory_space<vmem>>
      %dma_wait3A_694 = tpu.memref_slice %arg38[%multiple_of3A_132] : memref<25600xf32, #tpu.memory_space<vmem_shared>> -> memref<16xf32, #tpu.memory_space<vmem_shared>>
      tpu.wait_dma2 semaphore(%arg43 : memref<!tpu.dma_semaphore, #tpu.memory_space<semaphore_mem>>) src(%dma_wait3A_694 : memref<16xf32, #tpu.memory_space<vmem_shared>>) dst(%dma_wait3A_693 : memref<16xf32, #tpu.memory_space<vmem>>)
      %dma_wait3A_695 = arith.constant 32 : i32
      %dma_wait3A_696 = tpu.memref_slice %arg29[%dma_wait3A_695] : memref<256xf32, #tpu.memory_space<vmem>> -> memref<16xf32, #tpu.memory_space<vmem>>
      %dma_wait3A_697 = tpu.memref_slice %arg39[%multiple_of3A_132] : memref<25600xf32, #tpu.memory_space<vmem_shared>> -> memref<16xf32, #tpu.memory_space<vmem_shared>>
      %dma_wait3A_698 = arith.constant 32 : i32
      %dma_wait3A_699 = tpu.memref_slice %arg29[%dma_wait3A_698] : memref<256xf32, #tpu.memory_space<vmem>> -> memref<16xf32, #tpu.memory_space<vmem>>
      %dma_wait3A_700 = tpu.memref_slice %arg39[%multiple_of3A_132] : memref<25600xf32, #tpu.memory_space<vmem_shared>> -> memref<16xf32, #tpu.memory_space<vmem_shared>>
      tpu.wait_dma2 semaphore(%arg43 : memref<!tpu.dma_semaphore, #tpu.memory_space<semaphore_mem>>) src(%dma_wait3A_700 : memref<16xf32, #tpu.memory_space<vmem_shared>>) dst(%dma_wait3A_699 : memref<16xf32, #tpu.memory_space<vmem>>)
      %dma_wait3A_701 = arith.constant 32 : i32
      %dma_wait3A_702 = tpu.memref_slice %arg30[%dma_wait3A_701] : memref<256xf32, #tpu.memory_space<vmem>> -> memref<16xf32, #tpu.memory_space<vmem>>
      %dma_wait3A_703 = tpu.memref_slice %arg40[%multiple_of3A_132] : memref<25600xf32, #tpu.memory_space<vmem_shared>> -> memref<16xf32, #tpu.memory_space<vmem_shared>>
      %dma_wait3A_704 = arith.constant 32 : i32
      %dma_wait3A_705 = tpu.memref_slice %arg30[%dma_wait3A_704] : memref<256xf32, #tpu.memory_space<vmem>> -> memref<16xf32, #tpu.memory_space<vmem>>
      %dma_wait3A_706 = tpu.memref_slice %arg40[%multiple_of3A_132] : memref<25600xf32, #tpu.memory_space<vmem_shared>> -> memref<16xf32, #tpu.memory_space<vmem_shared>>
      tpu.wait_dma2 semaphore(%arg43 : memref<!tpu.dma_semaphore, #tpu.memory_space<semaphore_mem>>) src(%dma_wait3A_706 : memref<16xf32, #tpu.memory_space<vmem_shared>>) dst(%dma_wait3A_705 : memref<16xf32, #tpu.memory_space<vmem>>)
      %dma_wait3A_707 = arith.constant 48 : i32
      %dma_wait3A_708 = tpu.memref_slice %arg26[%dma_wait3A_707] : memref<256xf32, #tpu.memory_space<vmem>> -> memref<16xf32, #tpu.memory_space<vmem>>
      %dma_wait3A_709 = tpu.memref_slice %arg36[%multiple_of3A_167] : memref<25600xf32, #tpu.memory_space<vmem_shared>> -> memref<16xf32, #tpu.memory_space<vmem_shared>>
      %dma_wait3A_710 = arith.constant 48 : i32
      %dma_wait3A_711 = tpu.memref_slice %arg26[%dma_wait3A_710] : memref<256xf32, #tpu.memory_space<vmem>> -> memref<16xf32, #tpu.memory_space<vmem>>
      %dma_wait3A_712 = tpu.memref_slice %arg36[%multiple_of3A_167] : memref<25600xf32, #tpu.memory_space<vmem_shared>> -> memref<16xf32, #tpu.memory_space<vmem_shared>>
      tpu.wait_dma2 semaphore(%arg43 : memref<!tpu.dma_semaphore, #tpu.memory_space<semaphore_mem>>) src(%dma_wait3A_712 : memref<16xf32, #tpu.memory_space<vmem_shared>>) dst(%dma_wait3A_711 : memref<16xf32, #tpu.memory_space<vmem>>)
      %dma_wait3A_713 = arith.constant 48 : i32
      %dma_wait3A_714 = tpu.memref_slice %arg27[%dma_wait3A_713] : memref<256xi32, #tpu.memory_space<vmem>> -> memref<16xi32, #tpu.memory_space<vmem>>
      %dma_wait3A_715 = tpu.memref_slice %arg37[%multiple_of3A_167] : memref<25600xi32, #tpu.memory_space<vmem_shared>> -> memref<16xi32, #tpu.memory_space<vmem_shared>>
      %dma_wait3A_716 = arith.constant 48 : i32
      %dma_wait3A_717 = tpu.memref_slice %arg27[%dma_wait3A_716] : memref<256xi32, #tpu.memory_space<vmem>> -> memref<16xi32, #tpu.memory_space<vmem>>
      %dma_wait3A_718 = tpu.memref_slice %arg37[%multiple_of3A_167] : memref<25600xi32, #tpu.memory_space<vmem_shared>> -> memref<16xi32, #tpu.memory_space<vmem_shared>>
      tpu.wait_dma2 semaphore(%arg43 : memref<!tpu.dma_semaphore, #tpu.memory_space<semaphore_mem>>) src(%dma_wait3A_718 : memref<16xi32, #tpu.memory_space<vmem_shared>>) dst(%dma_wait3A_717 : memref<16xi32, #tpu.memory_space<vmem>>)
      %dma_wait3A_719 = arith.constant 48 : i32
      %dma_wait3A_720 = tpu.memref_slice %arg28[%dma_wait3A_719] : memref<256xf32, #tpu.memory_space<vmem>> -> memref<16xf32, #tpu.memory_space<vmem>>
      %dma_wait3A_721 = tpu.memref_slice %arg38[%multiple_of3A_167] : memref<25600xf32, #tpu.memory_space<vmem_shared>> -> memref<16xf32, #tpu.memory_space<vmem_shared>>
      %dma_wait3A_722 = arith.constant 48 : i32
      %dma_wait3A_723 = tpu.memref_slice %arg28[%dma_wait3A_722] : memref<256xf32, #tpu.memory_space<vmem>> -> memref<16xf32, #tpu.memory_space<vmem>>
      %dma_wait3A_724 = tpu.memref_slice %arg38[%multiple_of3A_167] : memref<25600xf32, #tpu.memory_space<vmem_shared>> -> memref<16xf32, #tpu.memory_space<vmem_shared>>
      tpu.wait_dma2 semaphore(%arg43 : memref<!tpu.dma_semaphore, #tpu.memory_space<semaphore_mem>>) src(%dma_wait3A_724 : memref<16xf32, #tpu.memory_space<vmem_shared>>) dst(%dma_wait3A_723 : memref<16xf32, #tpu.memory_space<vmem>>)
      %dma_wait3A_725 = arith.constant 48 : i32
      %dma_wait3A_726 = tpu.memref_slice %arg29[%dma_wait3A_725] : memref<256xf32, #tpu.memory_space<vmem>> -> memref<16xf32, #tpu.memory_space<vmem>>
      %dma_wait3A_727 = tpu.memref_slice %arg39[%multiple_of3A_167] : memref<25600xf32, #tpu.memory_space<vmem_shared>> -> memref<16xf32, #tpu.memory_space<vmem_shared>>
      %dma_wait3A_728 = arith.constant 48 : i32
      %dma_wait3A_729 = tpu.memref_slice %arg29[%dma_wait3A_728] : memref<256xf32, #tpu.memory_space<vmem>> -> memref<16xf32, #tpu.memory_space<vmem>>
      %dma_wait3A_730 = tpu.memref_slice %arg39[%multiple_of3A_167] : memref<25600xf32, #tpu.memory_space<vmem_shared>> -> memref<16xf32, #tpu.memory_space<vmem_shared>>
      tpu.wait_dma2 semaphore(%arg43 : memref<!tpu.dma_semaphore, #tpu.memory_space<semaphore_mem>>) src(%dma_wait3A_730 : memref<16xf32, #tpu.memory_space<vmem_shared>>) dst(%dma_wait3A_729 : memref<16xf32, #tpu.memory_space<vmem>>)
      %dma_wait3A_731 = arith.constant 48 : i32
      %dma_wait3A_732 = tpu.memref_slice %arg30[%dma_wait3A_731] : memref<256xf32, #tpu.memory_space<vmem>> -> memref<16xf32, #tpu.memory_space<vmem>>
      %dma_wait3A_733 = tpu.memref_slice %arg40[%multiple_of3A_167] : memref<25600xf32, #tpu.memory_space<vmem_shared>> -> memref<16xf32, #tpu.memory_space<vmem_shared>>
      %dma_wait3A_734 = arith.constant 48 : i32
      %dma_wait3A_735 = tpu.memref_slice %arg30[%dma_wait3A_734] : memref<256xf32, #tpu.memory_space<vmem>> -> memref<16xf32, #tpu.memory_space<vmem>>
      %dma_wait3A_736 = tpu.memref_slice %arg40[%multiple_of3A_167] : memref<25600xf32, #tpu.memory_space<vmem_shared>> -> memref<16xf32, #tpu.memory_space<vmem_shared>>
      tpu.wait_dma2 semaphore(%arg43 : memref<!tpu.dma_semaphore, #tpu.memory_space<semaphore_mem>>) src(%dma_wait3A_736 : memref<16xf32, #tpu.memory_space<vmem_shared>>) dst(%dma_wait3A_735 : memref<16xf32, #tpu.memory_space<vmem>>)
      %dma_wait3A_737 = arith.constant 64 : i32
      %dma_wait3A_738 = tpu.memref_slice %arg26[%dma_wait3A_737] : memref<256xf32, #tpu.memory_space<vmem>> -> memref<16xf32, #tpu.memory_space<vmem>>
      %dma_wait3A_739 = tpu.memref_slice %arg36[%multiple_of3A_202] : memref<25600xf32, #tpu.memory_space<vmem_shared>> -> memref<16xf32, #tpu.memory_space<vmem_shared>>
      %dma_wait3A_740 = arith.constant 64 : i32
      %dma_wait3A_741 = tpu.memref_slice %arg26[%dma_wait3A_740] : memref<256xf32, #tpu.memory_space<vmem>> -> memref<16xf32, #tpu.memory_space<vmem>>
      %dma_wait3A_742 = tpu.memref_slice %arg36[%multiple_of3A_202] : memref<25600xf32, #tpu.memory_space<vmem_shared>> -> memref<16xf32, #tpu.memory_space<vmem_shared>>
      tpu.wait_dma2 semaphore(%arg43 : memref<!tpu.dma_semaphore, #tpu.memory_space<semaphore_mem>>) src(%dma_wait3A_742 : memref<16xf32, #tpu.memory_space<vmem_shared>>) dst(%dma_wait3A_741 : memref<16xf32, #tpu.memory_space<vmem>>)
      %dma_wait3A_743 = arith.constant 64 : i32
      %dma_wait3A_744 = tpu.memref_slice %arg27[%dma_wait3A_743] : memref<256xi32, #tpu.memory_space<vmem>> -> memref<16xi32, #tpu.memory_space<vmem>>
      %dma_wait3A_745 = tpu.memref_slice %arg37[%multiple_of3A_202] : memref<25600xi32, #tpu.memory_space<vmem_shared>> -> memref<16xi32, #tpu.memory_space<vmem_shared>>
      %dma_wait3A_746 = arith.constant 64 : i32
      %dma_wait3A_747 = tpu.memref_slice %arg27[%dma_wait3A_746] : memref<256xi32, #tpu.memory_space<vmem>> -> memref<16xi32, #tpu.memory_space<vmem>>
      %dma_wait3A_748 = tpu.memref_slice %arg37[%multiple_of3A_202] : memref<25600xi32, #tpu.memory_space<vmem_shared>> -> memref<16xi32, #tpu.memory_space<vmem_shared>>
      tpu.wait_dma2 semaphore(%arg43 : memref<!tpu.dma_semaphore, #tpu.memory_space<semaphore_mem>>) src(%dma_wait3A_748 : memref<16xi32, #tpu.memory_space<vmem_shared>>) dst(%dma_wait3A_747 : memref<16xi32, #tpu.memory_space<vmem>>)
      %dma_wait3A_749 = arith.constant 64 : i32
      %dma_wait3A_750 = tpu.memref_slice %arg28[%dma_wait3A_749] : memref<256xf32, #tpu.memory_space<vmem>> -> memref<16xf32, #tpu.memory_space<vmem>>
      %dma_wait3A_751 = tpu.memref_slice %arg38[%multiple_of3A_202] : memref<25600xf32, #tpu.memory_space<vmem_shared>> -> memref<16xf32, #tpu.memory_space<vmem_shared>>
      %dma_wait3A_752 = arith.constant 64 : i32
      %dma_wait3A_753 = tpu.memref_slice %arg28[%dma_wait3A_752] : memref<256xf32, #tpu.memory_space<vmem>> -> memref<16xf32, #tpu.memory_space<vmem>>
      %dma_wait3A_754 = tpu.memref_slice %arg38[%multiple_of3A_202] : memref<25600xf32, #tpu.memory_space<vmem_shared>> -> memref<16xf32, #tpu.memory_space<vmem_shared>>
      tpu.wait_dma2 semaphore(%arg43 : memref<!tpu.dma_semaphore, #tpu.memory_space<semaphore_mem>>) src(%dma_wait3A_754 : memref<16xf32, #tpu.memory_space<vmem_shared>>) dst(%dma_wait3A_753 : memref<16xf32, #tpu.memory_space<vmem>>)
      %dma_wait3A_755 = arith.constant 64 : i32
      %dma_wait3A_756 = tpu.memref_slice %arg29[%dma_wait3A_755] : memref<256xf32, #tpu.memory_space<vmem>> -> memref<16xf32, #tpu.memory_space<vmem>>
      %dma_wait3A_757 = tpu.memref_slice %arg39[%multiple_of3A_202] : memref<25600xf32, #tpu.memory_space<vmem_shared>> -> memref<16xf32, #tpu.memory_space<vmem_shared>>
      %dma_wait3A_758 = arith.constant 64 : i32
      %dma_wait3A_759 = tpu.memref_slice %arg29[%dma_wait3A_758] : memref<256xf32, #tpu.memory_space<vmem>> -> memref<16xf32, #tpu.memory_space<vmem>>
      %dma_wait3A_760 = tpu.memref_slice %arg39[%multiple_of3A_202] : memref<25600xf32, #tpu.memory_space<vmem_shared>> -> memref<16xf32, #tpu.memory_space<vmem_shared>>
      tpu.wait_dma2 semaphore(%arg43 : memref<!tpu.dma_semaphore, #tpu.memory_space<semaphore_mem>>) src(%dma_wait3A_760 : memref<16xf32, #tpu.memory_space<vmem_shared>>) dst(%dma_wait3A_759 : memref<16xf32, #tpu.memory_space<vmem>>)
      %dma_wait3A_761 = arith.constant 64 : i32
      %dma_wait3A_762 = tpu.memref_slice %arg30[%dma_wait3A_761] : memref<256xf32, #tpu.memory_space<vmem>> -> memref<16xf32, #tpu.memory_space<vmem>>
      %dma_wait3A_763 = tpu.memref_slice %arg40[%multiple_of3A_202] : memref<25600xf32, #tpu.memory_space<vmem_shared>> -> memref<16xf32, #tpu.memory_space<vmem_shared>>
      %dma_wait3A_764 = arith.constant 64 : i32
      %dma_wait3A_765 = tpu.memref_slice %arg30[%dma_wait3A_764] : memref<256xf32, #tpu.memory_space<vmem>> -> memref<16xf32, #tpu.memory_space<vmem>>
      %dma_wait3A_766 = tpu.memref_slice %arg40[%multiple_of3A_202] : memref<25600xf32, #tpu.memory_space<vmem_shared>> -> memref<16xf32, #tpu.memory_space<vmem_shared>>
      tpu.wait_dma2 semaphore(%arg43 : memref<!tpu.dma_semaphore, #tpu.memory_space<semaphore_mem>>) src(%dma_wait3A_766 : memref<16xf32, #tpu.memory_space<vmem_shared>>) dst(%dma_wait3A_765 : memref<16xf32, #tpu.memory_space<vmem>>)
      %dma_wait3A_767 = arith.constant 80 : i32
      %dma_wait3A_768 = tpu.memref_slice %arg26[%dma_wait3A_767] : memref<256xf32, #tpu.memory_space<vmem>> -> memref<16xf32, #tpu.memory_space<vmem>>
      %dma_wait3A_769 = tpu.memref_slice %arg36[%multiple_of3A_237] : memref<25600xf32, #tpu.memory_space<vmem_shared>> -> memref<16xf32, #tpu.memory_space<vmem_shared>>
      %dma_wait3A_770 = arith.constant 80 : i32
      %dma_wait3A_771 = tpu.memref_slice %arg26[%dma_wait3A_770] : memref<256xf32, #tpu.memory_space<vmem>> -> memref<16xf32, #tpu.memory_space<vmem>>
      %dma_wait3A_772 = tpu.memref_slice %arg36[%multiple_of3A_237] : memref<25600xf32, #tpu.memory_space<vmem_shared>> -> memref<16xf32, #tpu.memory_space<vmem_shared>>
      tpu.wait_dma2 semaphore(%arg43 : memref<!tpu.dma_semaphore, #tpu.memory_space<semaphore_mem>>) src(%dma_wait3A_772 : memref<16xf32, #tpu.memory_space<vmem_shared>>) dst(%dma_wait3A_771 : memref<16xf32, #tpu.memory_space<vmem>>)
      %dma_wait3A_773 = arith.constant 80 : i32
      %dma_wait3A_774 = tpu.memref_slice %arg27[%dma_wait3A_773] : memref<256xi32, #tpu.memory_space<vmem>> -> memref<16xi32, #tpu.memory_space<vmem>>
      %dma_wait3A_775 = tpu.memref_slice %arg37[%multiple_of3A_237] : memref<25600xi32, #tpu.memory_space<vmem_shared>> -> memref<16xi32, #tpu.memory_space<vmem_shared>>
      %dma_wait3A_776 = arith.constant 80 : i32
      %dma_wait3A_777 = tpu.memref_slice %arg27[%dma_wait3A_776] : memref<256xi32, #tpu.memory_space<vmem>> -> memref<16xi32, #tpu.memory_space<vmem>>
      %dma_wait3A_778 = tpu.memref_slice %arg37[%multiple_of3A_237] : memref<25600xi32, #tpu.memory_space<vmem_shared>> -> memref<16xi32, #tpu.memory_space<vmem_shared>>
      tpu.wait_dma2 semaphore(%arg43 : memref<!tpu.dma_semaphore, #tpu.memory_space<semaphore_mem>>) src(%dma_wait3A_778 : memref<16xi32, #tpu.memory_space<vmem_shared>>) dst(%dma_wait3A_777 : memref<16xi32, #tpu.memory_space<vmem>>)
      %dma_wait3A_779 = arith.constant 80 : i32
      %dma_wait3A_780 = tpu.memref_slice %arg28[%dma_wait3A_779] : memref<256xf32, #tpu.memory_space<vmem>> -> memref<16xf32, #tpu.memory_space<vmem>>
      %dma_wait3A_781 = tpu.memref_slice %arg38[%multiple_of3A_237] : memref<25600xf32, #tpu.memory_space<vmem_shared>> -> memref<16xf32, #tpu.memory_space<vmem_shared>>
      %dma_wait3A_782 = arith.constant 80 : i32
      %dma_wait3A_783 = tpu.memref_slice %arg28[%dma_wait3A_782] : memref<256xf32, #tpu.memory_space<vmem>> -> memref<16xf32, #tpu.memory_space<vmem>>
      %dma_wait3A_784 = tpu.memref_slice %arg38[%multiple_of3A_237] : memref<25600xf32, #tpu.memory_space<vmem_shared>> -> memref<16xf32, #tpu.memory_space<vmem_shared>>
      tpu.wait_dma2 semaphore(%arg43 : memref<!tpu.dma_semaphore, #tpu.memory_space<semaphore_mem>>) src(%dma_wait3A_784 : memref<16xf32, #tpu.memory_space<vmem_shared>>) dst(%dma_wait3A_783 : memref<16xf32, #tpu.memory_space<vmem>>)
      %dma_wait3A_785 = arith.constant 80 : i32
      %dma_wait3A_786 = tpu.memref_slice %arg29[%dma_wait3A_785] : memref<256xf32, #tpu.memory_space<vmem>> -> memref<16xf32, #tpu.memory_space<vmem>>
      %dma_wait3A_787 = tpu.memref_slice %arg39[%multiple_of3A_237] : memref<25600xf32, #tpu.memory_space<vmem_shared>> -> memref<16xf32, #tpu.memory_space<vmem_shared>>
      %dma_wait3A_788 = arith.constant 80 : i32
      %dma_wait3A_789 = tpu.memref_slice %arg29[%dma_wait3A_788] : memref<256xf32, #tpu.memory_space<vmem>> -> memref<16xf32, #tpu.memory_space<vmem>>
      %dma_wait3A_790 = tpu.memref_slice %arg39[%multiple_of3A_237] : memref<25600xf32, #tpu.memory_space<vmem_shared>> -> memref<16xf32, #tpu.memory_space<vmem_shared>>
      tpu.wait_dma2 semaphore(%arg43 : memref<!tpu.dma_semaphore, #tpu.memory_space<semaphore_mem>>) src(%dma_wait3A_790 : memref<16xf32, #tpu.memory_space<vmem_shared>>) dst(%dma_wait3A_789 : memref<16xf32, #tpu.memory_space<vmem>>)
      %dma_wait3A_791 = arith.constant 80 : i32
      %dma_wait3A_792 = tpu.memref_slice %arg30[%dma_wait3A_791] : memref<256xf32, #tpu.memory_space<vmem>> -> memref<16xf32, #tpu.memory_space<vmem>>
      %dma_wait3A_793 = tpu.memref_slice %arg40[%multiple_of3A_237] : memref<25600xf32, #tpu.memory_space<vmem_shared>> -> memref<16xf32, #tpu.memory_space<vmem_shared>>
      %dma_wait3A_794 = arith.constant 80 : i32
      %dma_wait3A_795 = tpu.memref_slice %arg30[%dma_wait3A_794] : memref<256xf32, #tpu.memory_space<vmem>> -> memref<16xf32, #tpu.memory_space<vmem>>
      %dma_wait3A_796 = tpu.memref_slice %arg40[%multiple_of3A_237] : memref<25600xf32, #tpu.memory_space<vmem_shared>> -> memref<16xf32, #tpu.memory_space<vmem_shared>>
      tpu.wait_dma2 semaphore(%arg43 : memref<!tpu.dma_semaphore, #tpu.memory_space<semaphore_mem>>) src(%dma_wait3A_796 : memref<16xf32, #tpu.memory_space<vmem_shared>>) dst(%dma_wait3A_795 : memref<16xf32, #tpu.memory_space<vmem>>)
      %dma_wait3A_797 = arith.constant 96 : i32
      %dma_wait3A_798 = tpu.memref_slice %arg26[%dma_wait3A_797] : memref<256xf32, #tpu.memory_space<vmem>> -> memref<16xf32, #tpu.memory_space<vmem>>
      %dma_wait3A_799 = tpu.memref_slice %arg36[%multiple_of3A_272] : memref<25600xf32, #tpu.memory_space<vmem_shared>> -> memref<16xf32, #tpu.memory_space<vmem_shared>>
      %dma_wait3A_800 = arith.constant 96 : i32
      %dma_wait3A_801 = tpu.memref_slice %arg26[%dma_wait3A_800] : memref<256xf32, #tpu.memory_space<vmem>> -> memref<16xf32, #tpu.memory_space<vmem>>
      %dma_wait3A_802 = tpu.memref_slice %arg36[%multiple_of3A_272] : memref<25600xf32, #tpu.memory_space<vmem_shared>> -> memref<16xf32, #tpu.memory_space<vmem_shared>>
      tpu.wait_dma2 semaphore(%arg43 : memref<!tpu.dma_semaphore, #tpu.memory_space<semaphore_mem>>) src(%dma_wait3A_802 : memref<16xf32, #tpu.memory_space<vmem_shared>>) dst(%dma_wait3A_801 : memref<16xf32, #tpu.memory_space<vmem>>)
      %dma_wait3A_803 = arith.constant 96 : i32
      %dma_wait3A_804 = tpu.memref_slice %arg27[%dma_wait3A_803] : memref<256xi32, #tpu.memory_space<vmem>> -> memref<16xi32, #tpu.memory_space<vmem>>
      %dma_wait3A_805 = tpu.memref_slice %arg37[%multiple_of3A_272] : memref<25600xi32, #tpu.memory_space<vmem_shared>> -> memref<16xi32, #tpu.memory_space<vmem_shared>>
      %dma_wait3A_806 = arith.constant 96 : i32
      %dma_wait3A_807 = tpu.memref_slice %arg27[%dma_wait3A_806] : memref<256xi32, #tpu.memory_space<vmem>> -> memref<16xi32, #tpu.memory_space<vmem>>
      %dma_wait3A_808 = tpu.memref_slice %arg37[%multiple_of3A_272] : memref<25600xi32, #tpu.memory_space<vmem_shared>> -> memref<16xi32, #tpu.memory_space<vmem_shared>>
      tpu.wait_dma2 semaphore(%arg43 : memref<!tpu.dma_semaphore, #tpu.memory_space<semaphore_mem>>) src(%dma_wait3A_808 : memref<16xi32, #tpu.memory_space<vmem_shared>>) dst(%dma_wait3A_807 : memref<16xi32, #tpu.memory_space<vmem>>)
      %dma_wait3A_809 = arith.constant 96 : i32
      %dma_wait3A_810 = tpu.memref_slice %arg28[%dma_wait3A_809] : memref<256xf32, #tpu.memory_space<vmem>> -> memref<16xf32, #tpu.memory_space<vmem>>
      %dma_wait3A_811 = tpu.memref_slice %arg38[%multiple_of3A_272] : memref<25600xf32, #tpu.memory_space<vmem_shared>> -> memref<16xf32, #tpu.memory_space<vmem_shared>>
      %dma_wait3A_812 = arith.constant 96 : i32
      %dma_wait3A_813 = tpu.memref_slice %arg28[%dma_wait3A_812] : memref<256xf32, #tpu.memory_space<vmem>> -> memref<16xf32, #tpu.memory_space<vmem>>
      %dma_wait3A_814 = tpu.memref_slice %arg38[%multiple_of3A_272] : memref<25600xf32, #tpu.memory_space<vmem_shared>> -> memref<16xf32, #tpu.memory_space<vmem_shared>>
      tpu.wait_dma2 semaphore(%arg43 : memref<!tpu.dma_semaphore, #tpu.memory_space<semaphore_mem>>) src(%dma_wait3A_814 : memref<16xf32, #tpu.memory_space<vmem_shared>>) dst(%dma_wait3A_813 : memref<16xf32, #tpu.memory_space<vmem>>)
      %dma_wait3A_815 = arith.constant 96 : i32
      %dma_wait3A_816 = tpu.memref_slice %arg29[%dma_wait3A_815] : memref<256xf32, #tpu.memory_space<vmem>> -> memref<16xf32, #tpu.memory_space<vmem>>
      %dma_wait3A_817 = tpu.memref_slice %arg39[%multiple_of3A_272] : memref<25600xf32, #tpu.memory_space<vmem_shared>> -> memref<16xf32, #tpu.memory_space<vmem_shared>>
      %dma_wait3A_818 = arith.constant 96 : i32
      %dma_wait3A_819 = tpu.memref_slice %arg29[%dma_wait3A_818] : memref<256xf32, #tpu.memory_space<vmem>> -> memref<16xf32, #tpu.memory_space<vmem>>
      %dma_wait3A_820 = tpu.memref_slice %arg39[%multiple_of3A_272] : memref<25600xf32, #tpu.memory_space<vmem_shared>> -> memref<16xf32, #tpu.memory_space<vmem_shared>>
      tpu.wait_dma2 semaphore(%arg43 : memref<!tpu.dma_semaphore, #tpu.memory_space<semaphore_mem>>) src(%dma_wait3A_820 : memref<16xf32, #tpu.memory_space<vmem_shared>>) dst(%dma_wait3A_819 : memref<16xf32, #tpu.memory_space<vmem>>)
      %dma_wait3A_821 = arith.constant 96 : i32
      %dma_wait3A_822 = tpu.memref_slice %arg30[%dma_wait3A_821] : memref<256xf32, #tpu.memory_space<vmem>> -> memref<16xf32, #tpu.memory_space<vmem>>
      %dma_wait3A_823 = tpu.memref_slice %arg40[%multiple_of3A_272] : memref<25600xf32, #tpu.memory_space<vmem_shared>> -> memref<16xf32, #tpu.memory_space<vmem_shared>>
      %dma_wait3A_824 = arith.constant 96 : i32
      %dma_wait3A_825 = tpu.memref_slice %arg30[%dma_wait3A_824] : memref<256xf32, #tpu.memory_space<vmem>> -> memref<16xf32, #tpu.memory_space<vmem>>
      %dma_wait3A_826 = tpu.memref_slice %arg40[%multiple_of3A_272] : memref<25600xf32, #tpu.memory_space<vmem_shared>> -> memref<16xf32, #tpu.memory_space<vmem_shared>>
      tpu.wait_dma2 semaphore(%arg43 : memref<!tpu.dma_semaphore, #tpu.memory_space<semaphore_mem>>) src(%dma_wait3A_826 : memref<16xf32, #tpu.memory_space<vmem_shared>>) dst(%dma_wait3A_825 : memref<16xf32, #tpu.memory_space<vmem>>)
      %dma_wait3A_827 = arith.constant 112 : i32
      %dma_wait3A_828 = tpu.memref_slice %arg26[%dma_wait3A_827] : memref<256xf32, #tpu.memory_space<vmem>> -> memref<16xf32, #tpu.memory_space<vmem>>
      %dma_wait3A_829 = tpu.memref_slice %arg36[%multiple_of3A_307] : memref<25600xf32, #tpu.memory_space<vmem_shared>> -> memref<16xf32, #tpu.memory_space<vmem_shared>>
      %dma_wait3A_830 = arith.constant 112 : i32
      %dma_wait3A_831 = tpu.memref_slice %arg26[%dma_wait3A_830] : memref<256xf32, #tpu.memory_space<vmem>> -> memref<16xf32, #tpu.memory_space<vmem>>
      %dma_wait3A_832 = tpu.memref_slice %arg36[%multiple_of3A_307] : memref<25600xf32, #tpu.memory_space<vmem_shared>> -> memref<16xf32, #tpu.memory_space<vmem_shared>>
      tpu.wait_dma2 semaphore(%arg43 : memref<!tpu.dma_semaphore, #tpu.memory_space<semaphore_mem>>) src(%dma_wait3A_832 : memref<16xf32, #tpu.memory_space<vmem_shared>>) dst(%dma_wait3A_831 : memref<16xf32, #tpu.memory_space<vmem>>)
      %dma_wait3A_833 = arith.constant 112 : i32
      %dma_wait3A_834 = tpu.memref_slice %arg27[%dma_wait3A_833] : memref<256xi32, #tpu.memory_space<vmem>> -> memref<16xi32, #tpu.memory_space<vmem>>
      %dma_wait3A_835 = tpu.memref_slice %arg37[%multiple_of3A_307] : memref<25600xi32, #tpu.memory_space<vmem_shared>> -> memref<16xi32, #tpu.memory_space<vmem_shared>>
      %dma_wait3A_836 = arith.constant 112 : i32
      %dma_wait3A_837 = tpu.memref_slice %arg27[%dma_wait3A_836] : memref<256xi32, #tpu.memory_space<vmem>> -> memref<16xi32, #tpu.memory_space<vmem>>
      %dma_wait3A_838 = tpu.memref_slice %arg37[%multiple_of3A_307] : memref<25600xi32, #tpu.memory_space<vmem_shared>> -> memref<16xi32, #tpu.memory_space<vmem_shared>>
      tpu.wait_dma2 semaphore(%arg43 : memref<!tpu.dma_semaphore, #tpu.memory_space<semaphore_mem>>) src(%dma_wait3A_838 : memref<16xi32, #tpu.memory_space<vmem_shared>>) dst(%dma_wait3A_837 : memref<16xi32, #tpu.memory_space<vmem>>)
      %dma_wait3A_839 = arith.constant 112 : i32
      %dma_wait3A_840 = tpu.memref_slice %arg28[%dma_wait3A_839] : memref<256xf32, #tpu.memory_space<vmem>> -> memref<16xf32, #tpu.memory_space<vmem>>
      %dma_wait3A_841 = tpu.memref_slice %arg38[%multiple_of3A_307] : memref<25600xf32, #tpu.memory_space<vmem_shared>> -> memref<16xf32, #tpu.memory_space<vmem_shared>>
      %dma_wait3A_842 = arith.constant 112 : i32
      %dma_wait3A_843 = tpu.memref_slice %arg28[%dma_wait3A_842] : memref<256xf32, #tpu.memory_space<vmem>> -> memref<16xf32, #tpu.memory_space<vmem>>
      %dma_wait3A_844 = tpu.memref_slice %arg38[%multiple_of3A_307] : memref<25600xf32, #tpu.memory_space<vmem_shared>> -> memref<16xf32, #tpu.memory_space<vmem_shared>>
      tpu.wait_dma2 semaphore(%arg43 : memref<!tpu.dma_semaphore, #tpu.memory_space<semaphore_mem>>) src(%dma_wait3A_844 : memref<16xf32, #tpu.memory_space<vmem_shared>>) dst(%dma_wait3A_843 : memref<16xf32, #tpu.memory_space<vmem>>)
      %dma_wait3A_845 = arith.constant 112 : i32
      %dma_wait3A_846 = tpu.memref_slice %arg29[%dma_wait3A_845] : memref<256xf32, #tpu.memory_space<vmem>> -> memref<16xf32, #tpu.memory_space<vmem>>
      %dma_wait3A_847 = tpu.memref_slice %arg39[%multiple_of3A_307] : memref<25600xf32, #tpu.memory_space<vmem_shared>> -> memref<16xf32, #tpu.memory_space<vmem_shared>>
      %dma_wait3A_848 = arith.constant 112 : i32
      %dma_wait3A_849 = tpu.memref_slice %arg29[%dma_wait3A_848] : memref<256xf32, #tpu.memory_space<vmem>> -> memref<16xf32, #tpu.memory_space<vmem>>
      %dma_wait3A_850 = tpu.memref_slice %arg39[%multiple_of3A_307] : memref<25600xf32, #tpu.memory_space<vmem_shared>> -> memref<16xf32, #tpu.memory_space<vmem_shared>>
      tpu.wait_dma2 semaphore(%arg43 : memref<!tpu.dma_semaphore, #tpu.memory_space<semaphore_mem>>) src(%dma_wait3A_850 : memref<16xf32, #tpu.memory_space<vmem_shared>>) dst(%dma_wait3A_849 : memref<16xf32, #tpu.memory_space<vmem>>)
      %dma_wait3A_851 = arith.constant 112 : i32
      %dma_wait3A_852 = tpu.memref_slice %arg30[%dma_wait3A_851] : memref<256xf32, #tpu.memory_space<vmem>> -> memref<16xf32, #tpu.memory_space<vmem>>
      %dma_wait3A_853 = tpu.memref_slice %arg40[%multiple_of3A_307] : memref<25600xf32, #tpu.memory_space<vmem_shared>> -> memref<16xf32, #tpu.memory_space<vmem_shared>>
      %dma_wait3A_854 = arith.constant 112 : i32
      %dma_wait3A_855 = tpu.memref_slice %arg30[%dma_wait3A_854] : memref<256xf32, #tpu.memory_space<vmem>> -> memref<16xf32, #tpu.memory_space<vmem>>
      %dma_wait3A_856 = tpu.memref_slice %arg40[%multiple_of3A_307] : memref<25600xf32, #tpu.memory_space<vmem_shared>> -> memref<16xf32, #tpu.memory_space<vmem_shared>>
      tpu.wait_dma2 semaphore(%arg43 : memref<!tpu.dma_semaphore, #tpu.memory_space<semaphore_mem>>) src(%dma_wait3A_856 : memref<16xf32, #tpu.memory_space<vmem_shared>>) dst(%dma_wait3A_855 : memref<16xf32, #tpu.memory_space<vmem>>)
      %dma_wait3A_857 = arith.constant 128 : i32
      %dma_wait3A_858 = tpu.memref_slice %arg26[%dma_wait3A_857] : memref<256xf32, #tpu.memory_space<vmem>> -> memref<16xf32, #tpu.memory_space<vmem>>
      %dma_wait3A_859 = tpu.memref_slice %arg36[%multiple_of3A_342] : memref<25600xf32, #tpu.memory_space<vmem_shared>> -> memref<16xf32, #tpu.memory_space<vmem_shared>>
      %dma_wait3A_860 = arith.constant 128 : i32
      %dma_wait3A_861 = tpu.memref_slice %arg26[%dma_wait3A_860] : memref<256xf32, #tpu.memory_space<vmem>> -> memref<16xf32, #tpu.memory_space<vmem>>
      %dma_wait3A_862 = tpu.memref_slice %arg36[%multiple_of3A_342] : memref<25600xf32, #tpu.memory_space<vmem_shared>> -> memref<16xf32, #tpu.memory_space<vmem_shared>>
      tpu.wait_dma2 semaphore(%arg43 : memref<!tpu.dma_semaphore, #tpu.memory_space<semaphore_mem>>) src(%dma_wait3A_862 : memref<16xf32, #tpu.memory_space<vmem_shared>>) dst(%dma_wait3A_861 : memref<16xf32, #tpu.memory_space<vmem>>)
      %dma_wait3A_863 = arith.constant 128 : i32
      %dma_wait3A_864 = tpu.memref_slice %arg27[%dma_wait3A_863] : memref<256xi32, #tpu.memory_space<vmem>> -> memref<16xi32, #tpu.memory_space<vmem>>
      %dma_wait3A_865 = tpu.memref_slice %arg37[%multiple_of3A_342] : memref<25600xi32, #tpu.memory_space<vmem_shared>> -> memref<16xi32, #tpu.memory_space<vmem_shared>>
      %dma_wait3A_866 = arith.constant 128 : i32
      %dma_wait3A_867 = tpu.memref_slice %arg27[%dma_wait3A_866] : memref<256xi32, #tpu.memory_space<vmem>> -> memref<16xi32, #tpu.memory_space<vmem>>
      %dma_wait3A_868 = tpu.memref_slice %arg37[%multiple_of3A_342] : memref<25600xi32, #tpu.memory_space<vmem_shared>> -> memref<16xi32, #tpu.memory_space<vmem_shared>>
      tpu.wait_dma2 semaphore(%arg43 : memref<!tpu.dma_semaphore, #tpu.memory_space<semaphore_mem>>) src(%dma_wait3A_868 : memref<16xi32, #tpu.memory_space<vmem_shared>>) dst(%dma_wait3A_867 : memref<16xi32, #tpu.memory_space<vmem>>)
      %dma_wait3A_869 = arith.constant 128 : i32
      %dma_wait3A_870 = tpu.memref_slice %arg28[%dma_wait3A_869] : memref<256xf32, #tpu.memory_space<vmem>> -> memref<16xf32, #tpu.memory_space<vmem>>
      %dma_wait3A_871 = tpu.memref_slice %arg38[%multiple_of3A_342] : memref<25600xf32, #tpu.memory_space<vmem_shared>> -> memref<16xf32, #tpu.memory_space<vmem_shared>>
      %dma_wait3A_872 = arith.constant 128 : i32
      %dma_wait3A_873 = tpu.memref_slice %arg28[%dma_wait3A_872] : memref<256xf32, #tpu.memory_space<vmem>> -> memref<16xf32, #tpu.memory_space<vmem>>
      %dma_wait3A_874 = tpu.memref_slice %arg38[%multiple_of3A_342] : memref<25600xf32, #tpu.memory_space<vmem_shared>> -> memref<16xf32, #tpu.memory_space<vmem_shared>>
      tpu.wait_dma2 semaphore(%arg43 : memref<!tpu.dma_semaphore, #tpu.memory_space<semaphore_mem>>) src(%dma_wait3A_874 : memref<16xf32, #tpu.memory_space<vmem_shared>>) dst(%dma_wait3A_873 : memref<16xf32, #tpu.memory_space<vmem>>)
      %dma_wait3A_875 = arith.constant 128 : i32
      %dma_wait3A_876 = tpu.memref_slice %arg29[%dma_wait3A_875] : memref<256xf32, #tpu.memory_space<vmem>> -> memref<16xf32, #tpu.memory_space<vmem>>
      %dma_wait3A_877 = tpu.memref_slice %arg39[%multiple_of3A_342] : memref<25600xf32, #tpu.memory_space<vmem_shared>> -> memref<16xf32, #tpu.memory_space<vmem_shared>>
      %dma_wait3A_878 = arith.constant 128 : i32
      %dma_wait3A_879 = tpu.memref_slice %arg29[%dma_wait3A_878] : memref<256xf32, #tpu.memory_space<vmem>> -> memref<16xf32, #tpu.memory_space<vmem>>
      %dma_wait3A_880 = tpu.memref_slice %arg39[%multiple_of3A_342] : memref<25600xf32, #tpu.memory_space<vmem_shared>> -> memref<16xf32, #tpu.memory_space<vmem_shared>>
      tpu.wait_dma2 semaphore(%arg43 : memref<!tpu.dma_semaphore, #tpu.memory_space<semaphore_mem>>) src(%dma_wait3A_880 : memref<16xf32, #tpu.memory_space<vmem_shared>>) dst(%dma_wait3A_879 : memref<16xf32, #tpu.memory_space<vmem>>)
      %dma_wait3A_881 = arith.constant 128 : i32
      %dma_wait3A_882 = tpu.memref_slice %arg30[%dma_wait3A_881] : memref<256xf32, #tpu.memory_space<vmem>> -> memref<16xf32, #tpu.memory_space<vmem>>
      %dma_wait3A_883 = tpu.memref_slice %arg40[%multiple_of3A_342] : memref<25600xf32, #tpu.memory_space<vmem_shared>> -> memref<16xf32, #tpu.memory_space<vmem_shared>>
      %dma_wait3A_884 = arith.constant 128 : i32
      %dma_wait3A_885 = tpu.memref_slice %arg30[%dma_wait3A_884] : memref<256xf32, #tpu.memory_space<vmem>> -> memref<16xf32, #tpu.memory_space<vmem>>
      %dma_wait3A_886 = tpu.memref_slice %arg40[%multiple_of3A_342] : memref<25600xf32, #tpu.memory_space<vmem_shared>> -> memref<16xf32, #tpu.memory_space<vmem_shared>>
      tpu.wait_dma2 semaphore(%arg43 : memref<!tpu.dma_semaphore, #tpu.memory_space<semaphore_mem>>) src(%dma_wait3A_886 : memref<16xf32, #tpu.memory_space<vmem_shared>>) dst(%dma_wait3A_885 : memref<16xf32, #tpu.memory_space<vmem>>)
      %dma_wait3A_887 = arith.constant 144 : i32
      %dma_wait3A_888 = tpu.memref_slice %arg26[%dma_wait3A_887] : memref<256xf32, #tpu.memory_space<vmem>> -> memref<16xf32, #tpu.memory_space<vmem>>
      %dma_wait3A_889 = tpu.memref_slice %arg36[%multiple_of3A_377] : memref<25600xf32, #tpu.memory_space<vmem_shared>> -> memref<16xf32, #tpu.memory_space<vmem_shared>>
      %dma_wait3A_890 = arith.constant 144 : i32
      %dma_wait3A_891 = tpu.memref_slice %arg26[%dma_wait3A_890] : memref<256xf32, #tpu.memory_space<vmem>> -> memref<16xf32, #tpu.memory_space<vmem>>
      %dma_wait3A_892 = tpu.memref_slice %arg36[%multiple_of3A_377] : memref<25600xf32, #tpu.memory_space<vmem_shared>> -> memref<16xf32, #tpu.memory_space<vmem_shared>>
      tpu.wait_dma2 semaphore(%arg43 : memref<!tpu.dma_semaphore, #tpu.memory_space<semaphore_mem>>) src(%dma_wait3A_892 : memref<16xf32, #tpu.memory_space<vmem_shared>>) dst(%dma_wait3A_891 : memref<16xf32, #tpu.memory_space<vmem>>)
      %dma_wait3A_893 = arith.constant 144 : i32
      %dma_wait3A_894 = tpu.memref_slice %arg27[%dma_wait3A_893] : memref<256xi32, #tpu.memory_space<vmem>> -> memref<16xi32, #tpu.memory_space<vmem>>
      %dma_wait3A_895 = tpu.memref_slice %arg37[%multiple_of3A_377] : memref<25600xi32, #tpu.memory_space<vmem_shared>> -> memref<16xi32, #tpu.memory_space<vmem_shared>>
      %dma_wait3A_896 = arith.constant 144 : i32
      %dma_wait3A_897 = tpu.memref_slice %arg27[%dma_wait3A_896] : memref<256xi32, #tpu.memory_space<vmem>> -> memref<16xi32, #tpu.memory_space<vmem>>
      %dma_wait3A_898 = tpu.memref_slice %arg37[%multiple_of3A_377] : memref<25600xi32, #tpu.memory_space<vmem_shared>> -> memref<16xi32, #tpu.memory_space<vmem_shared>>
      tpu.wait_dma2 semaphore(%arg43 : memref<!tpu.dma_semaphore, #tpu.memory_space<semaphore_mem>>) src(%dma_wait3A_898 : memref<16xi32, #tpu.memory_space<vmem_shared>>) dst(%dma_wait3A_897 : memref<16xi32, #tpu.memory_space<vmem>>)
      %dma_wait3A_899 = arith.constant 144 : i32
      %dma_wait3A_900 = tpu.memref_slice %arg28[%dma_wait3A_899] : memref<256xf32, #tpu.memory_space<vmem>> -> memref<16xf32, #tpu.memory_space<vmem>>
      %dma_wait3A_901 = tpu.memref_slice %arg38[%multiple_of3A_377] : memref<25600xf32, #tpu.memory_space<vmem_shared>> -> memref<16xf32, #tpu.memory_space<vmem_shared>>
      %dma_wait3A_902 = arith.constant 144 : i32
      %dma_wait3A_903 = tpu.memref_slice %arg28[%dma_wait3A_902] : memref<256xf32, #tpu.memory_space<vmem>> -> memref<16xf32, #tpu.memory_space<vmem>>
      %dma_wait3A_904 = tpu.memref_slice %arg38[%multiple_of3A_377] : memref<25600xf32, #tpu.memory_space<vmem_shared>> -> memref<16xf32, #tpu.memory_space<vmem_shared>>
      tpu.wait_dma2 semaphore(%arg43 : memref<!tpu.dma_semaphore, #tpu.memory_space<semaphore_mem>>) src(%dma_wait3A_904 : memref<16xf32, #tpu.memory_space<vmem_shared>>) dst(%dma_wait3A_903 : memref<16xf32, #tpu.memory_space<vmem>>)
      %dma_wait3A_905 = arith.constant 144 : i32
      %dma_wait3A_906 = tpu.memref_slice %arg29[%dma_wait3A_905] : memref<256xf32, #tpu.memory_space<vmem>> -> memref<16xf32, #tpu.memory_space<vmem>>
      %dma_wait3A_907 = tpu.memref_slice %arg39[%multiple_of3A_377] : memref<25600xf32, #tpu.memory_space<vmem_shared>> -> memref<16xf32, #tpu.memory_space<vmem_shared>>
      %dma_wait3A_908 = arith.constant 144 : i32
      %dma_wait3A_909 = tpu.memref_slice %arg29[%dma_wait3A_908] : memref<256xf32, #tpu.memory_space<vmem>> -> memref<16xf32, #tpu.memory_space<vmem>>
      %dma_wait3A_910 = tpu.memref_slice %arg39[%multiple_of3A_377] : memref<25600xf32, #tpu.memory_space<vmem_shared>> -> memref<16xf32, #tpu.memory_space<vmem_shared>>
      tpu.wait_dma2 semaphore(%arg43 : memref<!tpu.dma_semaphore, #tpu.memory_space<semaphore_mem>>) src(%dma_wait3A_910 : memref<16xf32, #tpu.memory_space<vmem_shared>>) dst(%dma_wait3A_909 : memref<16xf32, #tpu.memory_space<vmem>>)
      %dma_wait3A_911 = arith.constant 144 : i32
      %dma_wait3A_912 = tpu.memref_slice %arg30[%dma_wait3A_911] : memref<256xf32, #tpu.memory_space<vmem>> -> memref<16xf32, #tpu.memory_space<vmem>>
      %dma_wait3A_913 = tpu.memref_slice %arg40[%multiple_of3A_377] : memref<25600xf32, #tpu.memory_space<vmem_shared>> -> memref<16xf32, #tpu.memory_space<vmem_shared>>
      %dma_wait3A_914 = arith.constant 144 : i32
      %dma_wait3A_915 = tpu.memref_slice %arg30[%dma_wait3A_914] : memref<256xf32, #tpu.memory_space<vmem>> -> memref<16xf32, #tpu.memory_space<vmem>>
      %dma_wait3A_916 = tpu.memref_slice %arg40[%multiple_of3A_377] : memref<25600xf32, #tpu.memory_space<vmem_shared>> -> memref<16xf32, #tpu.memory_space<vmem_shared>>
      tpu.wait_dma2 semaphore(%arg43 : memref<!tpu.dma_semaphore, #tpu.memory_space<semaphore_mem>>) src(%dma_wait3A_916 : memref<16xf32, #tpu.memory_space<vmem_shared>>) dst(%dma_wait3A_915 : memref<16xf32, #tpu.memory_space<vmem>>)
      %dma_wait3A_917 = arith.constant 160 : i32
      %dma_wait3A_918 = tpu.memref_slice %arg26[%dma_wait3A_917] : memref<256xf32, #tpu.memory_space<vmem>> -> memref<16xf32, #tpu.memory_space<vmem>>
      %dma_wait3A_919 = tpu.memref_slice %arg36[%multiple_of3A_412] : memref<25600xf32, #tpu.memory_space<vmem_shared>> -> memref<16xf32, #tpu.memory_space<vmem_shared>>
      %dma_wait3A_920 = arith.constant 160 : i32
      %dma_wait3A_921 = tpu.memref_slice %arg26[%dma_wait3A_920] : memref<256xf32, #tpu.memory_space<vmem>> -> memref<16xf32, #tpu.memory_space<vmem>>
      %dma_wait3A_922 = tpu.memref_slice %arg36[%multiple_of3A_412] : memref<25600xf32, #tpu.memory_space<vmem_shared>> -> memref<16xf32, #tpu.memory_space<vmem_shared>>
      tpu.wait_dma2 semaphore(%arg43 : memref<!tpu.dma_semaphore, #tpu.memory_space<semaphore_mem>>) src(%dma_wait3A_922 : memref<16xf32, #tpu.memory_space<vmem_shared>>) dst(%dma_wait3A_921 : memref<16xf32, #tpu.memory_space<vmem>>)
      %dma_wait3A_923 = arith.constant 160 : i32
      %dma_wait3A_924 = tpu.memref_slice %arg27[%dma_wait3A_923] : memref<256xi32, #tpu.memory_space<vmem>> -> memref<16xi32, #tpu.memory_space<vmem>>
      %dma_wait3A_925 = tpu.memref_slice %arg37[%multiple_of3A_412] : memref<25600xi32, #tpu.memory_space<vmem_shared>> -> memref<16xi32, #tpu.memory_space<vmem_shared>>
      %dma_wait3A_926 = arith.constant 160 : i32
      %dma_wait3A_927 = tpu.memref_slice %arg27[%dma_wait3A_926] : memref<256xi32, #tpu.memory_space<vmem>> -> memref<16xi32, #tpu.memory_space<vmem>>
      %dma_wait3A_928 = tpu.memref_slice %arg37[%multiple_of3A_412] : memref<25600xi32, #tpu.memory_space<vmem_shared>> -> memref<16xi32, #tpu.memory_space<vmem_shared>>
      tpu.wait_dma2 semaphore(%arg43 : memref<!tpu.dma_semaphore, #tpu.memory_space<semaphore_mem>>) src(%dma_wait3A_928 : memref<16xi32, #tpu.memory_space<vmem_shared>>) dst(%dma_wait3A_927 : memref<16xi32, #tpu.memory_space<vmem>>)
      %dma_wait3A_929 = arith.constant 160 : i32
      %dma_wait3A_930 = tpu.memref_slice %arg28[%dma_wait3A_929] : memref<256xf32, #tpu.memory_space<vmem>> -> memref<16xf32, #tpu.memory_space<vmem>>
      %dma_wait3A_931 = tpu.memref_slice %arg38[%multiple_of3A_412] : memref<25600xf32, #tpu.memory_space<vmem_shared>> -> memref<16xf32, #tpu.memory_space<vmem_shared>>
      %dma_wait3A_932 = arith.constant 160 : i32
      %dma_wait3A_933 = tpu.memref_slice %arg28[%dma_wait3A_932] : memref<256xf32, #tpu.memory_space<vmem>> -> memref<16xf32, #tpu.memory_space<vmem>>
      %dma_wait3A_934 = tpu.memref_slice %arg38[%multiple_of3A_412] : memref<25600xf32, #tpu.memory_space<vmem_shared>> -> memref<16xf32, #tpu.memory_space<vmem_shared>>
      tpu.wait_dma2 semaphore(%arg43 : memref<!tpu.dma_semaphore, #tpu.memory_space<semaphore_mem>>) src(%dma_wait3A_934 : memref<16xf32, #tpu.memory_space<vmem_shared>>) dst(%dma_wait3A_933 : memref<16xf32, #tpu.memory_space<vmem>>)
      %dma_wait3A_935 = arith.constant 160 : i32
      %dma_wait3A_936 = tpu.memref_slice %arg29[%dma_wait3A_935] : memref<256xf32, #tpu.memory_space<vmem>> -> memref<16xf32, #tpu.memory_space<vmem>>
      %dma_wait3A_937 = tpu.memref_slice %arg39[%multiple_of3A_412] : memref<25600xf32, #tpu.memory_space<vmem_shared>> -> memref<16xf32, #tpu.memory_space<vmem_shared>>
      %dma_wait3A_938 = arith.constant 160 : i32
      %dma_wait3A_939 = tpu.memref_slice %arg29[%dma_wait3A_938] : memref<256xf32, #tpu.memory_space<vmem>> -> memref<16xf32, #tpu.memory_space<vmem>>
      %dma_wait3A_940 = tpu.memref_slice %arg39[%multiple_of3A_412] : memref<25600xf32, #tpu.memory_space<vmem_shared>> -> memref<16xf32, #tpu.memory_space<vmem_shared>>
      tpu.wait_dma2 semaphore(%arg43 : memref<!tpu.dma_semaphore, #tpu.memory_space<semaphore_mem>>) src(%dma_wait3A_940 : memref<16xf32, #tpu.memory_space<vmem_shared>>) dst(%dma_wait3A_939 : memref<16xf32, #tpu.memory_space<vmem>>)
      %dma_wait3A_941 = arith.constant 160 : i32
      %dma_wait3A_942 = tpu.memref_slice %arg30[%dma_wait3A_941] : memref<256xf32, #tpu.memory_space<vmem>> -> memref<16xf32, #tpu.memory_space<vmem>>
      %dma_wait3A_943 = tpu.memref_slice %arg40[%multiple_of3A_412] : memref<25600xf32, #tpu.memory_space<vmem_shared>> -> memref<16xf32, #tpu.memory_space<vmem_shared>>
      %dma_wait3A_944 = arith.constant 160 : i32
      %dma_wait3A_945 = tpu.memref_slice %arg30[%dma_wait3A_944] : memref<256xf32, #tpu.memory_space<vmem>> -> memref<16xf32, #tpu.memory_space<vmem>>
      %dma_wait3A_946 = tpu.memref_slice %arg40[%multiple_of3A_412] : memref<25600xf32, #tpu.memory_space<vmem_shared>> -> memref<16xf32, #tpu.memory_space<vmem_shared>>
      tpu.wait_dma2 semaphore(%arg43 : memref<!tpu.dma_semaphore, #tpu.memory_space<semaphore_mem>>) src(%dma_wait3A_946 : memref<16xf32, #tpu.memory_space<vmem_shared>>) dst(%dma_wait3A_945 : memref<16xf32, #tpu.memory_space<vmem>>)
      %dma_wait3A_947 = arith.constant 176 : i32
      %dma_wait3A_948 = tpu.memref_slice %arg26[%dma_wait3A_947] : memref<256xf32, #tpu.memory_space<vmem>> -> memref<16xf32, #tpu.memory_space<vmem>>
      %dma_wait3A_949 = tpu.memref_slice %arg36[%multiple_of3A_447] : memref<25600xf32, #tpu.memory_space<vmem_shared>> -> memref<16xf32, #tpu.memory_space<vmem_shared>>
      %dma_wait3A_950 = arith.constant 176 : i32
      %dma_wait3A_951 = tpu.memref_slice %arg26[%dma_wait3A_950] : memref<256xf32, #tpu.memory_space<vmem>> -> memref<16xf32, #tpu.memory_space<vmem>>
      %dma_wait3A_952 = tpu.memref_slice %arg36[%multiple_of3A_447] : memref<25600xf32, #tpu.memory_space<vmem_shared>> -> memref<16xf32, #tpu.memory_space<vmem_shared>>
      tpu.wait_dma2 semaphore(%arg43 : memref<!tpu.dma_semaphore, #tpu.memory_space<semaphore_mem>>) src(%dma_wait3A_952 : memref<16xf32, #tpu.memory_space<vmem_shared>>) dst(%dma_wait3A_951 : memref<16xf32, #tpu.memory_space<vmem>>)
      %dma_wait3A_953 = arith.constant 176 : i32
      %dma_wait3A_954 = tpu.memref_slice %arg27[%dma_wait3A_953] : memref<256xi32, #tpu.memory_space<vmem>> -> memref<16xi32, #tpu.memory_space<vmem>>
      %dma_wait3A_955 = tpu.memref_slice %arg37[%multiple_of3A_447] : memref<25600xi32, #tpu.memory_space<vmem_shared>> -> memref<16xi32, #tpu.memory_space<vmem_shared>>
      %dma_wait3A_956 = arith.constant 176 : i32
      %dma_wait3A_957 = tpu.memref_slice %arg27[%dma_wait3A_956] : memref<256xi32, #tpu.memory_space<vmem>> -> memref<16xi32, #tpu.memory_space<vmem>>
      %dma_wait3A_958 = tpu.memref_slice %arg37[%multiple_of3A_447] : memref<25600xi32, #tpu.memory_space<vmem_shared>> -> memref<16xi32, #tpu.memory_space<vmem_shared>>
      tpu.wait_dma2 semaphore(%arg43 : memref<!tpu.dma_semaphore, #tpu.memory_space<semaphore_mem>>) src(%dma_wait3A_958 : memref<16xi32, #tpu.memory_space<vmem_shared>>) dst(%dma_wait3A_957 : memref<16xi32, #tpu.memory_space<vmem>>)
      %dma_wait3A_959 = arith.constant 176 : i32
      %dma_wait3A_960 = tpu.memref_slice %arg28[%dma_wait3A_959] : memref<256xf32, #tpu.memory_space<vmem>> -> memref<16xf32, #tpu.memory_space<vmem>>
      %dma_wait3A_961 = tpu.memref_slice %arg38[%multiple_of3A_447] : memref<25600xf32, #tpu.memory_space<vmem_shared>> -> memref<16xf32, #tpu.memory_space<vmem_shared>>
      %dma_wait3A_962 = arith.constant 176 : i32
      %dma_wait3A_963 = tpu.memref_slice %arg28[%dma_wait3A_962] : memref<256xf32, #tpu.memory_space<vmem>> -> memref<16xf32, #tpu.memory_space<vmem>>
      %dma_wait3A_964 = tpu.memref_slice %arg38[%multiple_of3A_447] : memref<25600xf32, #tpu.memory_space<vmem_shared>> -> memref<16xf32, #tpu.memory_space<vmem_shared>>
      tpu.wait_dma2 semaphore(%arg43 : memref<!tpu.dma_semaphore, #tpu.memory_space<semaphore_mem>>) src(%dma_wait3A_964 : memref<16xf32, #tpu.memory_space<vmem_shared>>) dst(%dma_wait3A_963 : memref<16xf32, #tpu.memory_space<vmem>>)
      %dma_wait3A_965 = arith.constant 176 : i32
      %dma_wait3A_966 = tpu.memref_slice %arg29[%dma_wait3A_965] : memref<256xf32, #tpu.memory_space<vmem>> -> memref<16xf32, #tpu.memory_space<vmem>>
      %dma_wait3A_967 = tpu.memref_slice %arg39[%multiple_of3A_447] : memref<25600xf32, #tpu.memory_space<vmem_shared>> -> memref<16xf32, #tpu.memory_space<vmem_shared>>
      %dma_wait3A_968 = arith.constant 176 : i32
      %dma_wait3A_969 = tpu.memref_slice %arg29[%dma_wait3A_968] : memref<256xf32, #tpu.memory_space<vmem>> -> memref<16xf32, #tpu.memory_space<vmem>>
      %dma_wait3A_970 = tpu.memref_slice %arg39[%multiple_of3A_447] : memref<25600xf32, #tpu.memory_space<vmem_shared>> -> memref<16xf32, #tpu.memory_space<vmem_shared>>
      tpu.wait_dma2 semaphore(%arg43 : memref<!tpu.dma_semaphore, #tpu.memory_space<semaphore_mem>>) src(%dma_wait3A_970 : memref<16xf32, #tpu.memory_space<vmem_shared>>) dst(%dma_wait3A_969 : memref<16xf32, #tpu.memory_space<vmem>>)
      %dma_wait3A_971 = arith.constant 176 : i32
      %dma_wait3A_972 = tpu.memref_slice %arg30[%dma_wait3A_971] : memref<256xf32, #tpu.memory_space<vmem>> -> memref<16xf32, #tpu.memory_space<vmem>>
      %dma_wait3A_973 = tpu.memref_slice %arg40[%multiple_of3A_447] : memref<25600xf32, #tpu.memory_space<vmem_shared>> -> memref<16xf32, #tpu.memory_space<vmem_shared>>
      %dma_wait3A_974 = arith.constant 176 : i32
      %dma_wait3A_975 = tpu.memref_slice %arg30[%dma_wait3A_974] : memref<256xf32, #tpu.memory_space<vmem>> -> memref<16xf32, #tpu.memory_space<vmem>>
      %dma_wait3A_976 = tpu.memref_slice %arg40[%multiple_of3A_447] : memref<25600xf32, #tpu.memory_space<vmem_shared>> -> memref<16xf32, #tpu.memory_space<vmem_shared>>
      tpu.wait_dma2 semaphore(%arg43 : memref<!tpu.dma_semaphore, #tpu.memory_space<semaphore_mem>>) src(%dma_wait3A_976 : memref<16xf32, #tpu.memory_space<vmem_shared>>) dst(%dma_wait3A_975 : memref<16xf32, #tpu.memory_space<vmem>>)
      %dma_wait3A_977 = arith.constant 192 : i32
      %dma_wait3A_978 = tpu.memref_slice %arg26[%dma_wait3A_977] : memref<256xf32, #tpu.memory_space<vmem>> -> memref<16xf32, #tpu.memory_space<vmem>>
      %dma_wait3A_979 = tpu.memref_slice %arg36[%multiple_of3A_482] : memref<25600xf32, #tpu.memory_space<vmem_shared>> -> memref<16xf32, #tpu.memory_space<vmem_shared>>
      %dma_wait3A_980 = arith.constant 192 : i32
      %dma_wait3A_981 = tpu.memref_slice %arg26[%dma_wait3A_980] : memref<256xf32, #tpu.memory_space<vmem>> -> memref<16xf32, #tpu.memory_space<vmem>>
      %dma_wait3A_982 = tpu.memref_slice %arg36[%multiple_of3A_482] : memref<25600xf32, #tpu.memory_space<vmem_shared>> -> memref<16xf32, #tpu.memory_space<vmem_shared>>
      tpu.wait_dma2 semaphore(%arg43 : memref<!tpu.dma_semaphore, #tpu.memory_space<semaphore_mem>>) src(%dma_wait3A_982 : memref<16xf32, #tpu.memory_space<vmem_shared>>) dst(%dma_wait3A_981 : memref<16xf32, #tpu.memory_space<vmem>>)
      %dma_wait3A_983 = arith.constant 192 : i32
      %dma_wait3A_984 = tpu.memref_slice %arg27[%dma_wait3A_983] : memref<256xi32, #tpu.memory_space<vmem>> -> memref<16xi32, #tpu.memory_space<vmem>>
      %dma_wait3A_985 = tpu.memref_slice %arg37[%multiple_of3A_482] : memref<25600xi32, #tpu.memory_space<vmem_shared>> -> memref<16xi32, #tpu.memory_space<vmem_shared>>
      %dma_wait3A_986 = arith.constant 192 : i32
      %dma_wait3A_987 = tpu.memref_slice %arg27[%dma_wait3A_986] : memref<256xi32, #tpu.memory_space<vmem>> -> memref<16xi32, #tpu.memory_space<vmem>>
      %dma_wait3A_988 = tpu.memref_slice %arg37[%multiple_of3A_482] : memref<25600xi32, #tpu.memory_space<vmem_shared>> -> memref<16xi32, #tpu.memory_space<vmem_shared>>
      tpu.wait_dma2 semaphore(%arg43 : memref<!tpu.dma_semaphore, #tpu.memory_space<semaphore_mem>>) src(%dma_wait3A_988 : memref<16xi32, #tpu.memory_space<vmem_shared>>) dst(%dma_wait3A_987 : memref<16xi32, #tpu.memory_space<vmem>>)
      %dma_wait3A_989 = arith.constant 192 : i32
      %dma_wait3A_990 = tpu.memref_slice %arg28[%dma_wait3A_989] : memref<256xf32, #tpu.memory_space<vmem>> -> memref<16xf32, #tpu.memory_space<vmem>>
      %dma_wait3A_991 = tpu.memref_slice %arg38[%multiple_of3A_482] : memref<25600xf32, #tpu.memory_space<vmem_shared>> -> memref<16xf32, #tpu.memory_space<vmem_shared>>
      %dma_wait3A_992 = arith.constant 192 : i32
      %dma_wait3A_993 = tpu.memref_slice %arg28[%dma_wait3A_992] : memref<256xf32, #tpu.memory_space<vmem>> -> memref<16xf32, #tpu.memory_space<vmem>>
      %dma_wait3A_994 = tpu.memref_slice %arg38[%multiple_of3A_482] : memref<25600xf32, #tpu.memory_space<vmem_shared>> -> memref<16xf32, #tpu.memory_space<vmem_shared>>
      tpu.wait_dma2 semaphore(%arg43 : memref<!tpu.dma_semaphore, #tpu.memory_space<semaphore_mem>>) src(%dma_wait3A_994 : memref<16xf32, #tpu.memory_space<vmem_shared>>) dst(%dma_wait3A_993 : memref<16xf32, #tpu.memory_space<vmem>>)
      %dma_wait3A_995 = arith.constant 192 : i32
      %dma_wait3A_996 = tpu.memref_slice %arg29[%dma_wait3A_995] : memref<256xf32, #tpu.memory_space<vmem>> -> memref<16xf32, #tpu.memory_space<vmem>>
      %dma_wait3A_997 = tpu.memref_slice %arg39[%multiple_of3A_482] : memref<25600xf32, #tpu.memory_space<vmem_shared>> -> memref<16xf32, #tpu.memory_space<vmem_shared>>
      %dma_wait3A_998 = arith.constant 192 : i32
      %dma_wait3A_999 = tpu.memref_slice %arg29[%dma_wait3A_998] : memref<256xf32, #tpu.memory_space<vmem>> -> memref<16xf32, #tpu.memory_space<vmem>>
      %dma_wait3A_1000 = tpu.memref_slice %arg39[%multiple_of3A_482] : memref<25600xf32, #tpu.memory_space<vmem_shared>> -> memref<16xf32, #tpu.memory_space<vmem_shared>>
      tpu.wait_dma2 semaphore(%arg43 : memref<!tpu.dma_semaphore, #tpu.memory_space<semaphore_mem>>) src(%dma_wait3A_1000 : memref<16xf32, #tpu.memory_space<vmem_shared>>) dst(%dma_wait3A_999 : memref<16xf32, #tpu.memory_space<vmem>>)
      %dma_wait3A_1001 = arith.constant 192 : i32
      %dma_wait3A_1002 = tpu.memref_slice %arg30[%dma_wait3A_1001] : memref<256xf32, #tpu.memory_space<vmem>> -> memref<16xf32, #tpu.memory_space<vmem>>
      %dma_wait3A_1003 = tpu.memref_slice %arg40[%multiple_of3A_482] : memref<25600xf32, #tpu.memory_space<vmem_shared>> -> memref<16xf32, #tpu.memory_space<vmem_shared>>
      %dma_wait3A_1004 = arith.constant 192 : i32
      %dma_wait3A_1005 = tpu.memref_slice %arg30[%dma_wait3A_1004] : memref<256xf32, #tpu.memory_space<vmem>> -> memref<16xf32, #tpu.memory_space<vmem>>
      %dma_wait3A_1006 = tpu.memref_slice %arg40[%multiple_of3A_482] : memref<25600xf32, #tpu.memory_space<vmem_shared>> -> memref<16xf32, #tpu.memory_space<vmem_shared>>
      tpu.wait_dma2 semaphore(%arg43 : memref<!tpu.dma_semaphore, #tpu.memory_space<semaphore_mem>>) src(%dma_wait3A_1006 : memref<16xf32, #tpu.memory_space<vmem_shared>>) dst(%dma_wait3A_1005 : memref<16xf32, #tpu.memory_space<vmem>>)
      %dma_wait3A_1007 = arith.constant 208 : i32
      %dma_wait3A_1008 = tpu.memref_slice %arg26[%dma_wait3A_1007] : memref<256xf32, #tpu.memory_space<vmem>> -> memref<16xf32, #tpu.memory_space<vmem>>
      %dma_wait3A_1009 = tpu.memref_slice %arg36[%multiple_of3A_517] : memref<25600xf32, #tpu.memory_space<vmem_shared>> -> memref<16xf32, #tpu.memory_space<vmem_shared>>
      %dma_wait3A_1010 = arith.constant 208 : i32
      %dma_wait3A_1011 = tpu.memref_slice %arg26[%dma_wait3A_1010] : memref<256xf32, #tpu.memory_space<vmem>> -> memref<16xf32, #tpu.memory_space<vmem>>
      %dma_wait3A_1012 = tpu.memref_slice %arg36[%multiple_of3A_517] : memref<25600xf32, #tpu.memory_space<vmem_shared>> -> memref<16xf32, #tpu.memory_space<vmem_shared>>
      tpu.wait_dma2 semaphore(%arg43 : memref<!tpu.dma_semaphore, #tpu.memory_space<semaphore_mem>>) src(%dma_wait3A_1012 : memref<16xf32, #tpu.memory_space<vmem_shared>>) dst(%dma_wait3A_1011 : memref<16xf32, #tpu.memory_space<vmem>>)
      %dma_wait3A_1013 = arith.constant 208 : i32
      %dma_wait3A_1014 = tpu.memref_slice %arg27[%dma_wait3A_1013] : memref<256xi32, #tpu.memory_space<vmem>> -> memref<16xi32, #tpu.memory_space<vmem>>
      %dma_wait3A_1015 = tpu.memref_slice %arg37[%multiple_of3A_517] : memref<25600xi32, #tpu.memory_space<vmem_shared>> -> memref<16xi32, #tpu.memory_space<vmem_shared>>
      %dma_wait3A_1016 = arith.constant 208 : i32
      %dma_wait3A_1017 = tpu.memref_slice %arg27[%dma_wait3A_1016] : memref<256xi32, #tpu.memory_space<vmem>> -> memref<16xi32, #tpu.memory_space<vmem>>
      %dma_wait3A_1018 = tpu.memref_slice %arg37[%multiple_of3A_517] : memref<25600xi32, #tpu.memory_space<vmem_shared>> -> memref<16xi32, #tpu.memory_space<vmem_shared>>
      tpu.wait_dma2 semaphore(%arg43 : memref<!tpu.dma_semaphore, #tpu.memory_space<semaphore_mem>>) src(%dma_wait3A_1018 : memref<16xi32, #tpu.memory_space<vmem_shared>>) dst(%dma_wait3A_1017 : memref<16xi32, #tpu.memory_space<vmem>>)
      %dma_wait3A_1019 = arith.constant 208 : i32
      %dma_wait3A_1020 = tpu.memref_slice %arg28[%dma_wait3A_1019] : memref<256xf32, #tpu.memory_space<vmem>> -> memref<16xf32, #tpu.memory_space<vmem>>
      %dma_wait3A_1021 = tpu.memref_slice %arg38[%multiple_of3A_517] : memref<25600xf32, #tpu.memory_space<vmem_shared>> -> memref<16xf32, #tpu.memory_space<vmem_shared>>
      %dma_wait3A_1022 = arith.constant 208 : i32
      %dma_wait3A_1023 = tpu.memref_slice %arg28[%dma_wait3A_1022] : memref<256xf32, #tpu.memory_space<vmem>> -> memref<16xf32, #tpu.memory_space<vmem>>
      %dma_wait3A_1024 = tpu.memref_slice %arg38[%multiple_of3A_517] : memref<25600xf32, #tpu.memory_space<vmem_shared>> -> memref<16xf32, #tpu.memory_space<vmem_shared>>
      tpu.wait_dma2 semaphore(%arg43 : memref<!tpu.dma_semaphore, #tpu.memory_space<semaphore_mem>>) src(%dma_wait3A_1024 : memref<16xf32, #tpu.memory_space<vmem_shared>>) dst(%dma_wait3A_1023 : memref<16xf32, #tpu.memory_space<vmem>>)
      %dma_wait3A_1025 = arith.constant 208 : i32
      %dma_wait3A_1026 = tpu.memref_slice %arg29[%dma_wait3A_1025] : memref<256xf32, #tpu.memory_space<vmem>> -> memref<16xf32, #tpu.memory_space<vmem>>
      %dma_wait3A_1027 = tpu.memref_slice %arg39[%multiple_of3A_517] : memref<25600xf32, #tpu.memory_space<vmem_shared>> -> memref<16xf32, #tpu.memory_space<vmem_shared>>
      %dma_wait3A_1028 = arith.constant 208 : i32
      %dma_wait3A_1029 = tpu.memref_slice %arg29[%dma_wait3A_1028] : memref<256xf32, #tpu.memory_space<vmem>> -> memref<16xf32, #tpu.memory_space<vmem>>
      %dma_wait3A_1030 = tpu.memref_slice %arg39[%multiple_of3A_517] : memref<25600xf32, #tpu.memory_space<vmem_shared>> -> memref<16xf32, #tpu.memory_space<vmem_shared>>
      tpu.wait_dma2 semaphore(%arg43 : memref<!tpu.dma_semaphore, #tpu.memory_space<semaphore_mem>>) src(%dma_wait3A_1030 : memref<16xf32, #tpu.memory_space<vmem_shared>>) dst(%dma_wait3A_1029 : memref<16xf32, #tpu.memory_space<vmem>>)
      %dma_wait3A_1031 = arith.constant 208 : i32
      %dma_wait3A_1032 = tpu.memref_slice %arg30[%dma_wait3A_1031] : memref<256xf32, #tpu.memory_space<vmem>> -> memref<16xf32, #tpu.memory_space<vmem>>
      %dma_wait3A_1033 = tpu.memref_slice %arg40[%multiple_of3A_517] : memref<25600xf32, #tpu.memory_space<vmem_shared>> -> memref<16xf32, #tpu.memory_space<vmem_shared>>
      %dma_wait3A_1034 = arith.constant 208 : i32
      %dma_wait3A_1035 = tpu.memref_slice %arg30[%dma_wait3A_1034] : memref<256xf32, #tpu.memory_space<vmem>> -> memref<16xf32, #tpu.memory_space<vmem>>
      %dma_wait3A_1036 = tpu.memref_slice %arg40[%multiple_of3A_517] : memref<25600xf32, #tpu.memory_space<vmem_shared>> -> memref<16xf32, #tpu.memory_space<vmem_shared>>
      tpu.wait_dma2 semaphore(%arg43 : memref<!tpu.dma_semaphore, #tpu.memory_space<semaphore_mem>>) src(%dma_wait3A_1036 : memref<16xf32, #tpu.memory_space<vmem_shared>>) dst(%dma_wait3A_1035 : memref<16xf32, #tpu.memory_space<vmem>>)
      %dma_wait3A_1037 = arith.constant 224 : i32
      %dma_wait3A_1038 = tpu.memref_slice %arg26[%dma_wait3A_1037] : memref<256xf32, #tpu.memory_space<vmem>> -> memref<16xf32, #tpu.memory_space<vmem>>
      %dma_wait3A_1039 = tpu.memref_slice %arg36[%multiple_of3A_552] : memref<25600xf32, #tpu.memory_space<vmem_shared>> -> memref<16xf32, #tpu.memory_space<vmem_shared>>
      %dma_wait3A_1040 = arith.constant 224 : i32
      %dma_wait3A_1041 = tpu.memref_slice %arg26[%dma_wait3A_1040] : memref<256xf32, #tpu.memory_space<vmem>> -> memref<16xf32, #tpu.memory_space<vmem>>
      %dma_wait3A_1042 = tpu.memref_slice %arg36[%multiple_of3A_552] : memref<25600xf32, #tpu.memory_space<vmem_shared>> -> memref<16xf32, #tpu.memory_space<vmem_shared>>
      tpu.wait_dma2 semaphore(%arg43 : memref<!tpu.dma_semaphore, #tpu.memory_space<semaphore_mem>>) src(%dma_wait3A_1042 : memref<16xf32, #tpu.memory_space<vmem_shared>>) dst(%dma_wait3A_1041 : memref<16xf32, #tpu.memory_space<vmem>>)
      %dma_wait3A_1043 = arith.constant 224 : i32
      %dma_wait3A_1044 = tpu.memref_slice %arg27[%dma_wait3A_1043] : memref<256xi32, #tpu.memory_space<vmem>> -> memref<16xi32, #tpu.memory_space<vmem>>
      %dma_wait3A_1045 = tpu.memref_slice %arg37[%multiple_of3A_552] : memref<25600xi32, #tpu.memory_space<vmem_shared>> -> memref<16xi32, #tpu.memory_space<vmem_shared>>
      %dma_wait3A_1046 = arith.constant 224 : i32
      %dma_wait3A_1047 = tpu.memref_slice %arg27[%dma_wait3A_1046] : memref<256xi32, #tpu.memory_space<vmem>> -> memref<16xi32, #tpu.memory_space<vmem>>
      %dma_wait3A_1048 = tpu.memref_slice %arg37[%multiple_of3A_552] : memref<25600xi32, #tpu.memory_space<vmem_shared>> -> memref<16xi32, #tpu.memory_space<vmem_shared>>
      tpu.wait_dma2 semaphore(%arg43 : memref<!tpu.dma_semaphore, #tpu.memory_space<semaphore_mem>>) src(%dma_wait3A_1048 : memref<16xi32, #tpu.memory_space<vmem_shared>>) dst(%dma_wait3A_1047 : memref<16xi32, #tpu.memory_space<vmem>>)
      %dma_wait3A_1049 = arith.constant 224 : i32
      %dma_wait3A_1050 = tpu.memref_slice %arg28[%dma_wait3A_1049] : memref<256xf32, #tpu.memory_space<vmem>> -> memref<16xf32, #tpu.memory_space<vmem>>
      %dma_wait3A_1051 = tpu.memref_slice %arg38[%multiple_of3A_552] : memref<25600xf32, #tpu.memory_space<vmem_shared>> -> memref<16xf32, #tpu.memory_space<vmem_shared>>
      %dma_wait3A_1052 = arith.constant 224 : i32
      %dma_wait3A_1053 = tpu.memref_slice %arg28[%dma_wait3A_1052] : memref<256xf32, #tpu.memory_space<vmem>> -> memref<16xf32, #tpu.memory_space<vmem>>
      %dma_wait3A_1054 = tpu.memref_slice %arg38[%multiple_of3A_552] : memref<25600xf32, #tpu.memory_space<vmem_shared>> -> memref<16xf32, #tpu.memory_space<vmem_shared>>
      tpu.wait_dma2 semaphore(%arg43 : memref<!tpu.dma_semaphore, #tpu.memory_space<semaphore_mem>>) src(%dma_wait3A_1054 : memref<16xf32, #tpu.memory_space<vmem_shared>>) dst(%dma_wait3A_1053 : memref<16xf32, #tpu.memory_space<vmem>>)
      %dma_wait3A_1055 = arith.constant 224 : i32
      %dma_wait3A_1056 = tpu.memref_slice %arg29[%dma_wait3A_1055] : memref<256xf32, #tpu.memory_space<vmem>> -> memref<16xf32, #tpu.memory_space<vmem>>
      %dma_wait3A_1057 = tpu.memref_slice %arg39[%multiple_of3A_552] : memref<25600xf32, #tpu.memory_space<vmem_shared>> -> memref<16xf32, #tpu.memory_space<vmem_shared>>
      %dma_wait3A_1058 = arith.constant 224 : i32
      %dma_wait3A_1059 = tpu.memref_slice %arg29[%dma_wait3A_1058] : memref<256xf32, #tpu.memory_space<vmem>> -> memref<16xf32, #tpu.memory_space<vmem>>
      %dma_wait3A_1060 = tpu.memref_slice %arg39[%multiple_of3A_552] : memref<25600xf32, #tpu.memory_space<vmem_shared>> -> memref<16xf32, #tpu.memory_space<vmem_shared>>
      tpu.wait_dma2 semaphore(%arg43 : memref<!tpu.dma_semaphore, #tpu.memory_space<semaphore_mem>>) src(%dma_wait3A_1060 : memref<16xf32, #tpu.memory_space<vmem_shared>>) dst(%dma_wait3A_1059 : memref<16xf32, #tpu.memory_space<vmem>>)
      %dma_wait3A_1061 = arith.constant 224 : i32
      %dma_wait3A_1062 = tpu.memref_slice %arg30[%dma_wait3A_1061] : memref<256xf32, #tpu.memory_space<vmem>> -> memref<16xf32, #tpu.memory_space<vmem>>
      %dma_wait3A_1063 = tpu.memref_slice %arg40[%multiple_of3A_552] : memref<25600xf32, #tpu.memory_space<vmem_shared>> -> memref<16xf32, #tpu.memory_space<vmem_shared>>
      %dma_wait3A_1064 = arith.constant 224 : i32
      %dma_wait3A_1065 = tpu.memref_slice %arg30[%dma_wait3A_1064] : memref<256xf32, #tpu.memory_space<vmem>> -> memref<16xf32, #tpu.memory_space<vmem>>
      %dma_wait3A_1066 = tpu.memref_slice %arg40[%multiple_of3A_552] : memref<25600xf32, #tpu.memory_space<vmem_shared>> -> memref<16xf32, #tpu.memory_space<vmem_shared>>
      tpu.wait_dma2 semaphore(%arg43 : memref<!tpu.dma_semaphore, #tpu.memory_space<semaphore_mem>>) src(%dma_wait3A_1066 : memref<16xf32, #tpu.memory_space<vmem_shared>>) dst(%dma_wait3A_1065 : memref<16xf32, #tpu.memory_space<vmem>>)
      %dma_wait3A_1067 = arith.constant 240 : i32
      %dma_wait3A_1068 = tpu.memref_slice %arg26[%dma_wait3A_1067] : memref<256xf32, #tpu.memory_space<vmem>> -> memref<16xf32, #tpu.memory_space<vmem>>
      %dma_wait3A_1069 = tpu.memref_slice %arg36[%multiple_of3A_587] : memref<25600xf32, #tpu.memory_space<vmem_shared>> -> memref<16xf32, #tpu.memory_space<vmem_shared>>
      %dma_wait3A_1070 = arith.constant 240 : i32
      %dma_wait3A_1071 = tpu.memref_slice %arg26[%dma_wait3A_1070] : memref<256xf32, #tpu.memory_space<vmem>> -> memref<16xf32, #tpu.memory_space<vmem>>
      %dma_wait3A_1072 = tpu.memref_slice %arg36[%multiple_of3A_587] : memref<25600xf32, #tpu.memory_space<vmem_shared>> -> memref<16xf32, #tpu.memory_space<vmem_shared>>
      tpu.wait_dma2 semaphore(%arg43 : memref<!tpu.dma_semaphore, #tpu.memory_space<semaphore_mem>>) src(%dma_wait3A_1072 : memref<16xf32, #tpu.memory_space<vmem_shared>>) dst(%dma_wait3A_1071 : memref<16xf32, #tpu.memory_space<vmem>>)
      %dma_wait3A_1073 = arith.constant 240 : i32
      %dma_wait3A_1074 = tpu.memref_slice %arg27[%dma_wait3A_1073] : memref<256xi32, #tpu.memory_space<vmem>> -> memref<16xi32, #tpu.memory_space<vmem>>
      %dma_wait3A_1075 = tpu.memref_slice %arg37[%multiple_of3A_587] : memref<25600xi32, #tpu.memory_space<vmem_shared>> -> memref<16xi32, #tpu.memory_space<vmem_shared>>
      %dma_wait3A_1076 = arith.constant 240 : i32
      %dma_wait3A_1077 = tpu.memref_slice %arg27[%dma_wait3A_1076] : memref<256xi32, #tpu.memory_space<vmem>> -> memref<16xi32, #tpu.memory_space<vmem>>
      %dma_wait3A_1078 = tpu.memref_slice %arg37[%multiple_of3A_587] : memref<25600xi32, #tpu.memory_space<vmem_shared>> -> memref<16xi32, #tpu.memory_space<vmem_shared>>
      tpu.wait_dma2 semaphore(%arg43 : memref<!tpu.dma_semaphore, #tpu.memory_space<semaphore_mem>>) src(%dma_wait3A_1078 : memref<16xi32, #tpu.memory_space<vmem_shared>>) dst(%dma_wait3A_1077 : memref<16xi32, #tpu.memory_space<vmem>>)
      %dma_wait3A_1079 = arith.constant 240 : i32
      %dma_wait3A_1080 = tpu.memref_slice %arg28[%dma_wait3A_1079] : memref<256xf32, #tpu.memory_space<vmem>> -> memref<16xf32, #tpu.memory_space<vmem>>
      %dma_wait3A_1081 = tpu.memref_slice %arg38[%multiple_of3A_587] : memref<25600xf32, #tpu.memory_space<vmem_shared>> -> memref<16xf32, #tpu.memory_space<vmem_shared>>
      %dma_wait3A_1082 = arith.constant 240 : i32
      %dma_wait3A_1083 = tpu.memref_slice %arg28[%dma_wait3A_1082] : memref<256xf32, #tpu.memory_space<vmem>> -> memref<16xf32, #tpu.memory_space<vmem>>
      %dma_wait3A_1084 = tpu.memref_slice %arg38[%multiple_of3A_587] : memref<25600xf32, #tpu.memory_space<vmem_shared>> -> memref<16xf32, #tpu.memory_space<vmem_shared>>
      tpu.wait_dma2 semaphore(%arg43 : memref<!tpu.dma_semaphore, #tpu.memory_space<semaphore_mem>>) src(%dma_wait3A_1084 : memref<16xf32, #tpu.memory_space<vmem_shared>>) dst(%dma_wait3A_1083 : memref<16xf32, #tpu.memory_space<vmem>>)
      %dma_wait3A_1085 = arith.constant 240 : i32
      %dma_wait3A_1086 = tpu.memref_slice %arg29[%dma_wait3A_1085] : memref<256xf32, #tpu.memory_space<vmem>> -> memref<16xf32, #tpu.memory_space<vmem>>
      %dma_wait3A_1087 = tpu.memref_slice %arg39[%multiple_of3A_587] : memref<25600xf32, #tpu.memory_space<vmem_shared>> -> memref<16xf32, #tpu.memory_space<vmem_shared>>
      %dma_wait3A_1088 = arith.constant 240 : i32
      %dma_wait3A_1089 = tpu.memref_slice %arg29[%dma_wait3A_1088] : memref<256xf32, #tpu.memory_space<vmem>> -> memref<16xf32, #tpu.memory_space<vmem>>
      %dma_wait3A_1090 = tpu.memref_slice %arg39[%multiple_of3A_587] : memref<25600xf32, #tpu.memory_space<vmem_shared>> -> memref<16xf32, #tpu.memory_space<vmem_shared>>
      tpu.wait_dma2 semaphore(%arg43 : memref<!tpu.dma_semaphore, #tpu.memory_space<semaphore_mem>>) src(%dma_wait3A_1090 : memref<16xf32, #tpu.memory_space<vmem_shared>>) dst(%dma_wait3A_1089 : memref<16xf32, #tpu.memory_space<vmem>>)
      %dma_wait3A_1091 = arith.constant 240 : i32
      %dma_wait3A_1092 = tpu.memref_slice %arg30[%dma_wait3A_1091] : memref<256xf32, #tpu.memory_space<vmem>> -> memref<16xf32, #tpu.memory_space<vmem>>
      %dma_wait3A_1093 = tpu.memref_slice %arg40[%multiple_of3A_587] : memref<25600xf32, #tpu.memory_space<vmem_shared>> -> memref<16xf32, #tpu.memory_space<vmem_shared>>
      %dma_wait3A_1094 = arith.constant 240 : i32
      %dma_wait3A_1095 = tpu.memref_slice %arg30[%dma_wait3A_1094] : memref<256xf32, #tpu.memory_space<vmem>> -> memref<16xf32, #tpu.memory_space<vmem>>
      %dma_wait3A_1096 = tpu.memref_slice %arg40[%multiple_of3A_587] : memref<25600xf32, #tpu.memory_space<vmem_shared>> -> memref<16xf32, #tpu.memory_space<vmem_shared>>
      tpu.wait_dma2 semaphore(%arg43 : memref<!tpu.dma_semaphore, #tpu.memory_space<semaphore_mem>>) src(%dma_wait3A_1096 : memref<16xf32, #tpu.memory_space<vmem_shared>>) dst(%dma_wait3A_1095 : memref<16xf32, #tpu.memory_space<vmem>>)
      %get3A = arith.constant 0 : index
      %get3A_1097 = tpu.vector_load %arg26[%get3A] {strides = array<i32>} : memref<256xf32, #tpu.memory_space<vmem>>, vector<16xf32>,
      %scan3A_1098 = arith.constant 1 : i32
      %scan3A_1099 = arith.constant 15 : i32
      %scan3A_1100 = arith.addi %scan3A_1098, %scan3A_1099 : i32
      %scan3A_1101 = arith.constant 1 : i32
      %scan3A_1102:2 = scf.for %scan3A_1189 = %scan3A_1098 to %scan3A_1100 step %scan3A_1101 iter_args(%scan3A_1190 = %get3A_1097, %scan3A_1191 = %iota3A) -> (vector<16xf32>, vector<16xi32>)  : i32 {
        %mul3A_1192 = arith.constant 16 : i32
        %mul3A_1193 = arith.muli %scan3A_1189, %mul3A_1192 : i32
        %multiple_of3A_1194 = tpu.assume_multiple %mul3A_1193, 16 : i32
        %get3A_1195 = arith.index_cast %multiple_of3A_1194 : i32 to index
        %get3A_1196 = tpu.vector_load %arg26[%get3A_1195] {strides = array<i32>} : memref<256xf32, #tpu.memory_space<vmem>>, vector<16xf32>,
        %mul3A_1197 = arith.constant 16 : i32
        %mul3A_1198 = arith.muli %scan3A_1189, %mul3A_1197 : i32
        %add3A_1199 = vector.broadcast %mul3A_1198 : i32 to vector<16xi32>
        %add3A_1200 = arith.addi %add3A_1199, %iota3A : vector<16xi32>
        %rev3A = arith.constant 15 : i32
        %rev3A_1201 = vector.broadcast %rev3A : i32 to vector<16xi32>
        %rev3A_1202 = tpu.iota {dimensions = array<i32: 0>} : vector<16xi32>
        %rev3A_1203 = arith.subi %rev3A_1201, %rev3A_1202 : vector<16xi32>
        %rev3A_1204 = tpu.dynamic_gather %get3A_1196[%rev3A_1203] in [0] : vector<16xf32>, vector<16xi32> -> vector<16xf32>
        %rev3A_1205 = arith.constant 15 : i32
        %rev3A_1206 = vector.broadcast %rev3A_1205 : i32 to vector<16xi32>
        %rev3A_1207 = tpu.iota {dimensions = array<i32: 0>} : vector<16xi32>
        %rev3A_1208 = arith.subi %rev3A_1206, %rev3A_1207 : vector<16xi32>
        %rev3A_1209 = tpu.dynamic_gather %add3A_1200[%rev3A_1208] in [0] : vector<16xi32>, vector<16xi32> -> vector<16xi32>
        %le3A = arith.cmpf ole, %scan3A_1190, %rev3A_1204 : vector<16xf32>
        %select_n3A_1210 = arith.select %le3A, %scan3A_1190, %rev3A_1204 : vector<16xi1>, vector<16xf32>
        %select_n3A_1211 = arith.select %le3A, %scan3A_1191, %rev3A_1209 : vector<16xi1>, vector<16xi32>
        %masked_sort3A = arith.constant dense<true> : vector<16xi1>
        %masked_sort3A_1212, %masked_sort3A_1213, %masked_sort3A_1214 = tpu.sort %select_n3A_1210, %select_n3A_1211 masked %masked_sort3A : (vector<16xf32>, vector<16xi32>, vector<16xi1>) -> (vector<16xi1>, vector<16xf32>, vector<16xi32>)
        scf.yield %masked_sort3A_1213, %masked_sort3A_1214 : vector<16xf32>, vector<16xi32>
      }
      %scan3A_1103 = arith.constant 15 : i32
      %gather3A = tpu.vector_load_idx %arg27[%scan3A_1102#1] : memref<256xi32, #tpu.memory_space<vmem>>[vector<16xi32>], vector<16xi32>,
      %gather3A_1104 = tpu.vector_load_idx %arg28[%scan3A_1102#1] : memref<256xf32, #tpu.memory_space<vmem>>[vector<16xi32>], vector<16xf32>,
      %gather3A_1105 = tpu.vector_load_idx %arg29[%scan3A_1102#1] : memref<256xf32, #tpu.memory_space<vmem>>[vector<16xi32>], vector<16xf32>,
      %gather3A_1106 = tpu.vector_load_idx %arg30[%scan3A_1102#1] : memref<256xf32, #tpu.memory_space<vmem>>[vector<16xi32>], vector<16xf32>,
      %lt3A_1107 = arith.constant 9 : i32
      %lt3A_1108 = vector.broadcast %lt3A_1107 : i32 to vector<16xi32>
      %lt3A_1109 = arith.cmpi slt, %iota3A, %lt3A_1108 : vector<16xi32>
      %broadcast_in_dim3A_1110 = vector.broadcast %while3A_58 : i32 to vector<16xi32>
      %gather3A_1111 = tpu.vector_load_idx %arg17[%broadcast_in_dim3A_1110] : memref<128xf32, #tpu.memory_space<vmem>>[vector<16xi32>], vector<16xf32>,
      %gather3A_1112 = tpu.vector_load_idx %arg18[%broadcast_in_dim3A_1110] : memref<128xf32, #tpu.memory_space<vmem>>[vector<16xi32>], vector<16xf32>,
      %gather3A_1113 = tpu.vector_load_idx %arg19[%broadcast_in_dim3A_1110] : memref<128xf32, #tpu.memory_space<vmem>>[vector<16xi32>], vector<16xf32>,
      %gather3A_1114 = tpu.vector_load_idx %arg20[%broadcast_in_dim3A_1110] : memref<128xf32, #tpu.memory_space<vmem>>[vector<16xi32>], vector<16xf32>,
      %jit3A_1115 = arith.constant 0.000000e+00 : f32
      %broadcast_in_dim3A_1116 = vector.broadcast %jit3A_1115 : f32 to vector<16xf32>
      %select_n3A_1117 = arith.select %lt3A_1109, %gather3A_1104, %broadcast_in_dim3A_1116 : vector<16xi1>, vector<16xf32>
      %reduce_sum3A = arith.constant true
      %reduce_sum3A_1118 = vector.broadcast %reduce_sum3A : i1 to vector<16xi1>
      %reduce_sum3A_1119 = tpu.scan <sum>, %select_n3A_1117 masked %reduce_sum3A_1118 : vector<16xf32>, vector<16xi1> -> vector<16xf32>
      %reduce_sum3A_1120 = vector.extract %reduce_sum3A_1119[15] : f32 from vector<16xf32>
      %broadcast_in_dim3A_1121 = vector.broadcast %reduce_sum3A_1120 : f32 to vector<16xf32>
      %div3A = arith.constant 9.000000e+00 : f32
      %div3A_1122 = vector.broadcast %div3A : f32 to vector<16xf32>
      %div3A_1123 = arith.divf %broadcast_in_dim3A_1121, %div3A_1122 : vector<16xf32>
      %sub3A = arith.subf %gather3A_1104, %div3A_1123 : vector<16xf32>
      %jit3A_1124 = arith.constant 0.000000e+00 : f32
      %broadcast_in_dim3A_1125 = vector.broadcast %jit3A_1124 : f32 to vector<16xf32>
      %select_n3A_1126 = arith.select %lt3A_1109, %sub3A, %broadcast_in_dim3A_1125 : vector<16xi1>, vector<16xf32>
      %mul3A_1127 = arith.mulf %select_n3A_1126, %select_n3A_1126 : vector<16xf32>
      %reduce_sum3A_1128 = arith.constant true
      %reduce_sum3A_1129 = vector.broadcast %reduce_sum3A_1128 : i1 to vector<16xi1>
      %reduce_sum3A_1130 = tpu.scan <sum>, %mul3A_1127 masked %reduce_sum3A_1129 : vector<16xf32>, vector<16xi1> -> vector<16xf32>
      %reduce_sum3A_1131 = vector.extract %reduce_sum3A_1130[15] : f32 from vector<16xf32>
      %broadcast_in_dim3A_1132 = vector.broadcast %reduce_sum3A_1131 : f32 to vector<16xf32>
      %div3A_1133 = arith.constant 8.000000e+00 : f32
      %div3A_1134 = vector.broadcast %div3A_1133 : f32 to vector<16xf32>
      %div3A_1135 = arith.divf %broadcast_in_dim3A_1132, %div3A_1134 : vector<16xf32>
      %bitcast3A = vector.bitcast %div3A_1135 : vector<16xf32> to vector<16xi32>
      %shift_right_arithmetic3A = arith.constant 1 : i32
      %shift_right_arithmetic3A_1136 = vector.broadcast %shift_right_arithmetic3A : i32 to vector<16xi32>
      %shift_right_arithmetic3A_1137 = arith.shrsi %bitcast3A, %shift_right_arithmetic3A_1136 : vector<16xi32>
      %add3A_1138 = arith.constant 532487669 : i32
      %add3A_1139 = vector.broadcast %add3A_1138 : i32 to vector<16xi32>
      %add3A_1140 = arith.addi %shift_right_arithmetic3A_1137, %add3A_1139 : vector<16xi32>
      %bitcast3A_1141 = vector.bitcast %add3A_1140 : vector<16xi32> to vector<16xf32>
      %div3A_1142 = arith.divf %div3A_1135, %bitcast3A_1141 : vector<16xf32>
      %add3A_1143 = arith.addf %bitcast3A_1141, %div3A_1142 : vector<16xf32>
      %mul3A_1144 = arith.constant 5.000000e-01 : f32
      %mul3A_1145 = vector.broadcast %mul3A_1144 : f32 to vector<16xf32>
      %mul3A_1146 = arith.mulf %mul3A_1145, %add3A_1143 : vector<16xf32>
      %div3A_1147 = arith.divf %div3A_1135, %mul3A_1146 : vector<16xf32>
      %add3A_1148 = arith.addf %mul3A_1146, %div3A_1147 : vector<16xf32>
      %mul3A_1149 = arith.constant 5.000000e-01 : f32
      %mul3A_1150 = vector.broadcast %mul3A_1149 : f32 to vector<16xf32>
      %mul3A_1151 = arith.mulf %mul3A_1150, %add3A_1148 : vector<16xf32>
      %div3A_1152 = arith.divf %div3A_1135, %mul3A_1151 : vector<16xf32>
      %add3A_1153 = arith.addf %mul3A_1151, %div3A_1152 : vector<16xf32>
      %mul3A_1154 = arith.constant 5.000000e-01 : f32
      %mul3A_1155 = vector.broadcast %mul3A_1154 : f32 to vector<16xf32>
      %mul3A_1156 = arith.mulf %mul3A_1155, %add3A_1153 : vector<16xf32>
      %div3A_1157 = arith.divf %div3A_1135, %mul3A_1156 : vector<16xf32>
      %add3A_1158 = arith.addf %mul3A_1156, %div3A_1157 : vector<16xf32>
      %mul3A_1159 = arith.constant 5.000000e-01 : f32
      %mul3A_1160 = vector.broadcast %mul3A_1159 : f32 to vector<16xf32>
      %mul3A_1161 = arith.mulf %mul3A_1160, %add3A_1158 : vector<16xf32>
      %gt3A = arith.constant 0.000000e+00 : f32
      %gt3A_1162 = vector.broadcast %gt3A : f32 to vector<16xf32>
      %gt3A_1163 = arith.cmpf ogt, %div3A_1135, %gt3A_1162 : vector<16xf32>
      %jit3A_1164 = arith.constant 0.000000e+00 : f32
      %broadcast_in_dim3A_1165 = vector.broadcast %jit3A_1164 : f32 to vector<16xf32>
      %select_n3A_1166 = arith.select %gt3A_1163, %mul3A_1161, %broadcast_in_dim3A_1165 : vector<16xi1>, vector<16xf32>
      %add3A_1167 = arith.addf %div3A_1123, %select_n3A_1166 : vector<16xf32>
      %sub3A_1168 = arith.subf %gather3A_1105, %gather3A_1111 : vector<16xf32>
      %sub3A_1169 = arith.subf %gather3A_1106, %gather3A_1112 : vector<16xf32>
      %min3A_1170 = arith.minimumf %sub3A_1168, %sub3A_1169 : vector<16xf32>
      %sub3A_1171 = arith.subf %gather3A_1113, %gather3A_1105 : vector<16xf32>
      %sub3A_1172 = arith.subf %gather3A_1114, %gather3A_1106 : vector<16xf32>
      %min3A_1173 = arith.minimumf %sub3A_1171, %sub3A_1172 : vector<16xf32>
      %min3A_1174 = arith.minimumf %min3A_1170, %min3A_1173 : vector<16xf32>
      %gt3A_1175 = arith.constant 0.00999999977 : f32
      %gt3A_1176 = vector.broadcast %gt3A_1175 : f32 to vector<16xf32>
      %gt3A_1177 = arith.cmpf ogt, %min3A_1174, %gt3A_1176 : vector<16xf32>
      %ge3A = arith.cmpf oge, %gather3A_1104, %add3A_1167 : vector<16xf32>
      %and3A = arith.andi %lt3A_1109, %ge3A : vector<16xi1>
      %and3A_1178 = arith.andi %and3A, %gt3A_1177 : vector<16xi1>
      %jit3A_1179 = arith.constant -1 : i32
      %broadcast_in_dim3A_1180 = vector.broadcast %jit3A_1179 : i32 to vector<16xi32>
      %select_n3A_1181 = arith.select %and3A_1178, %gather3A, %broadcast_in_dim3A_1180 : vector<16xi1>, vector<16xi32>
      %swap3A = arith.constant 0 : index
      %swap3A_1182 = tpu.vector_load %arg27[%swap3A] {strides = array<i32>} : memref<256xi32, #tpu.memory_space<vmem>>, vector<16xi32>,
      tpu.vector_store %arg27[%swap3A], %select_n3A_1181 {strides = array<i32>} : memref<256xi32, #tpu.memory_space<vmem>>, vector<16xi32>,
      %swap3A_1183 = arith.constant 0 : index
      %swap3A_1184 = tpu.vector_load %arg28[%swap3A_1183] {strides = array<i32>} : memref<256xf32, #tpu.memory_space<vmem>>, vector<16xf32>,
      tpu.vector_store %arg28[%swap3A_1183], %gather3A_1104 {strides = array<i32>} : memref<256xf32, #tpu.memory_space<vmem>>, vector<16xf32>,
      %mul3A_1185 = arith.constant 16 : i32
      %mul3A_1186 = arith.muli %while3A_58, %mul3A_1185 : i32
      %multiple_of3A_1187 = tpu.assume_multiple %mul3A_1186, 16 : i32
      "tpu.region"() ({
        %run_scoped3A = tpu.sem_alloc : memref<!tpu.dma_semaphore, #tpu.memory_space<semaphore_mem>>
        %dma_start3A_1189 = arith.constant 0 : i32
        %dma_start3A_1190 = tpu.memref_slice %arg27[%dma_start3A_1189] : memref<256xi32, #tpu.memory_space<vmem>> -> memref<16xi32, #tpu.memory_space<vmem>>
        %dma_start3A_1191 = tpu.memref_slice %arg41[%multiple_of3A_1187] : memref<1600xi32, #tpu.memory_space<vmem_shared>> -> memref<16xi32, #tpu.memory_space<vmem_shared>>
        %dma_start3A_1192 = tpu.memref_slice %arg41[%multiple_of3A_1187] : memref<1600xi32, #tpu.memory_space<vmem_shared>> -> memref<16xi32, #tpu.memory_space<vmem_shared>>
        %dma_start3A_1193 = arith.constant 0 : i32
        %dma_start3A_1194 = tpu.memref_slice %arg27[%dma_start3A_1193] : memref<256xi32, #tpu.memory_space<vmem>> -> memref<16xi32, #tpu.memory_space<vmem>>
        tpu.enqueue_dma source(%dma_start3A_1194 : memref<16xi32, #tpu.memory_space<vmem>>) target(%dma_start3A_1192 : memref<16xi32, #tpu.memory_space<vmem_shared>>) target_semaphore(%run_scoped3A : memref<!tpu.dma_semaphore, #tpu.memory_space<semaphore_mem>>)
        %dma_wait3A_1195 = arith.constant 0 : i32
        %dma_wait3A_1196 = tpu.memref_slice %arg27[%dma_wait3A_1195] : memref<256xi32, #tpu.memory_space<vmem>> -> memref<16xi32, #tpu.memory_space<vmem>>
        %dma_wait3A_1197 = tpu.memref_slice %arg41[%multiple_of3A_1187] : memref<1600xi32, #tpu.memory_space<vmem_shared>> -> memref<16xi32, #tpu.memory_space<vmem_shared>>
        %dma_wait3A_1198 = tpu.memref_slice %arg41[%multiple_of3A_1187] : memref<1600xi32, #tpu.memory_space<vmem_shared>> -> memref<16xi32, #tpu.memory_space<vmem_shared>>
        %dma_wait3A_1199 = arith.constant 0 : i32
        %dma_wait3A_1200 = tpu.memref_slice %arg27[%dma_wait3A_1199] : memref<256xi32, #tpu.memory_space<vmem>> -> memref<16xi32, #tpu.memory_space<vmem>>
        tpu.wait_dma2 semaphore(%run_scoped3A : memref<!tpu.dma_semaphore, #tpu.memory_space<semaphore_mem>>) src(%dma_wait3A_1200 : memref<16xi32, #tpu.memory_space<vmem>>) dst(%dma_wait3A_1198 : memref<16xi32, #tpu.memory_space<vmem_shared>>)
        tpu.yield
      }) : () -> ()
      "tpu.region"() ({
        %run_scoped3A = tpu.sem_alloc : memref<!tpu.dma_semaphore, #tpu.memory_space<semaphore_mem>>
        %dma_start3A_1189 = arith.constant 0 : i32
        %dma_start3A_1190 = tpu.memref_slice %arg28[%dma_start3A_1189] : memref<256xf32, #tpu.memory_space<vmem>> -> memref<16xf32, #tpu.memory_space<vmem>>
        %dma_start3A_1191 = tpu.memref_slice %arg42[%multiple_of3A_1187] : memref<1600xf32, #tpu.memory_space<vmem_shared>> -> memref<16xf32, #tpu.memory_space<vmem_shared>>
        %dma_start3A_1192 = tpu.memref_slice %arg42[%multiple_of3A_1187] : memref<1600xf32, #tpu.memory_space<vmem_shared>> -> memref<16xf32, #tpu.memory_space<vmem_shared>>
        %dma_start3A_1193 = arith.constant 0 : i32
        %dma_start3A_1194 = tpu.memref_slice %arg28[%dma_start3A_1193] : memref<256xf32, #tpu.memory_space<vmem>> -> memref<16xf32, #tpu.memory_space<vmem>>
        tpu.enqueue_dma source(%dma_start3A_1194 : memref<16xf32, #tpu.memory_space<vmem>>) target(%dma_start3A_1192 : memref<16xf32, #tpu.memory_space<vmem_shared>>) target_semaphore(%run_scoped3A : memref<!tpu.dma_semaphore, #tpu.memory_space<semaphore_mem>>)
        %dma_wait3A_1195 = arith.constant 0 : i32
        %dma_wait3A_1196 = tpu.memref_slice %arg28[%dma_wait3A_1195] : memref<256xf32, #tpu.memory_space<vmem>> -> memref<16xf32, #tpu.memory_space<vmem>>
        %dma_wait3A_1197 = tpu.memref_slice %arg42[%multiple_of3A_1187] : memref<1600xf32, #tpu.memory_space<vmem_shared>> -> memref<16xf32, #tpu.memory_space<vmem_shared>>
        %dma_wait3A_1198 = tpu.memref_slice %arg42[%multiple_of3A_1187] : memref<1600xf32, #tpu.memory_space<vmem_shared>> -> memref<16xf32, #tpu.memory_space<vmem_shared>>
        %dma_wait3A_1199 = arith.constant 0 : i32
        %dma_wait3A_1200 = tpu.memref_slice %arg28[%dma_wait3A_1199] : memref<256xf32, #tpu.memory_space<vmem>> -> memref<16xf32, #tpu.memory_space<vmem>>
        tpu.wait_dma2 semaphore(%run_scoped3A : memref<!tpu.dma_semaphore, #tpu.memory_space<semaphore_mem>>) src(%dma_wait3A_1200 : memref<16xf32, #tpu.memory_space<vmem>>) dst(%dma_wait3A_1198 : memref<16xf32, #tpu.memory_space<vmem_shared>>)
        tpu.yield
      }) : () -> ()
      %while3A_1188 = arith.constant 0 : i32
      scf.yield %while3A_1188 : i32
    }
    %while3A_32 = arith.constant 1 : i32
    %while3A_33 = scf.for %while3A_58 = %while3A_29 to %while3A_25 step %while3A_32 iter_args(%while3A_59 = %while3A_31) -> (i32)  : i32 {
      %mul3A_60 = arith.constant 16 : i32
      %mul3A_61 = arith.muli %while3A_58, %mul3A_60 : i32
      %add3A_62 = arith.constant 0 : i32
      %add3A_63 = arith.addi %add3A_62, %mul3A_61 : i32
      %multiple_of3A = tpu.assume_multiple %add3A_63, 16 : i32
      %dma_start3A = arith.constant 0 : i32
      %dma_start3A_64 = tpu.memref_slice %arg26[%dma_start3A] : memref<256xf32, #tpu.memory_space<vmem>> -> memref<16xf32, #tpu.memory_space<vmem>>
      %dma_start3A_65 = tpu.memref_slice %arg36[%multiple_of3A] : memref<25600xf32, #tpu.memory_space<vmem_shared>> -> memref<16xf32, #tpu.memory_space<vmem_shared>>
      %dma_start3A_66 = arith.constant 0 : i32
      %dma_start3A_67 = tpu.memref_slice %arg26[%dma_start3A_66] : memref<256xf32, #tpu.memory_space<vmem>> -> memref<16xf32, #tpu.memory_space<vmem>>
      %dma_start3A_68 = tpu.memref_slice %arg36[%multiple_of3A] : memref<25600xf32, #tpu.memory_space<vmem_shared>> -> memref<16xf32, #tpu.memory_space<vmem_shared>>
      tpu.enqueue_dma source(%dma_start3A_68 : memref<16xf32, #tpu.memory_space<vmem_shared>>) target(%dma_start3A_67 : memref<16xf32, #tpu.memory_space<vmem>>) target_semaphore(%arg43 : memref<!tpu.dma_semaphore, #tpu.memory_space<semaphore_mem>>)
      %dma_start3A_69 = arith.constant 0 : i32
      %dma_start3A_70 = tpu.memref_slice %arg27[%dma_start3A_69] : memref<256xi32, #tpu.memory_space<vmem>> -> memref<16xi32, #tpu.memory_space<vmem>>
      %dma_start3A_71 = tpu.memref_slice %arg37[%multiple_of3A] : memref<25600xi32, #tpu.memory_space<vmem_shared>> -> memref<16xi32, #tpu.memory_space<vmem_shared>>
      %dma_start3A_72 = arith.constant 0 : i32
      %dma_start3A_73 = tpu.memref_slice %arg27[%dma_start3A_72] : memref<256xi32, #tpu.memory_space<vmem>> -> memref<16xi32, #tpu.memory_space<vmem>>
      %dma_start3A_74 = tpu.memref_slice %arg37[%multiple_of3A] : memref<25600xi32, #tpu.memory_space<vmem_shared>> -> memref<16xi32, #tpu.memory_space<vmem_shared>>
      tpu.enqueue_dma source(%dma_start3A_74 : memref<16xi32, #tpu.memory_space<vmem_shared>>) target(%dma_start3A_73 : memref<16xi32, #tpu.memory_space<vmem>>) target_semaphore(%arg43 : memref<!tpu.dma_semaphore, #tpu.memory_space<semaphore_mem>>)
      %dma_start3A_75 = arith.constant 0 : i32
      %dma_start3A_76 = tpu.memref_slice %arg28[%dma_start3A_75] : memref<256xf32, #tpu.memory_space<vmem>> -> memref<16xf32, #tpu.memory_space<vmem>>
      %dma_start3A_77 = tpu.memref_slice %arg38[%multiple_of3A] : memref<25600xf32, #tpu.memory_space<vmem_shared>> -> memref<16xf32, #tpu.memory_space<vmem_shared>>
      %dma_start3A_78 = arith.constant 0 : i32
      %dma_start3A_79 = tpu.memref_slice %arg28[%dma_start3A_78] : memref<256xf32, #tpu.memory_space<vmem>> -> memref<16xf32, #tpu.memory_space<vmem>>
      %dma_start3A_80 = tpu.memref_slice %arg38[%multiple_of3A] : memref<25600xf32, #tpu.memory_space<vmem_shared>> -> memref<16xf32, #tpu.memory_space<vmem_shared>>
      tpu.enqueue_dma source(%dma_start3A_80 : memref<16xf32, #tpu.memory_space<vmem_shared>>) target(%dma_start3A_79 : memref<16xf32, #tpu.memory_space<vmem>>) target_semaphore(%arg43 : memref<!tpu.dma_semaphore, #tpu.memory_space<semaphore_mem>>)
      %dma_start3A_81 = arith.constant 0 : i32
      %dma_start3A_82 = tpu.memref_slice %arg29[%dma_start3A_81] : memref<256xf32, #tpu.memory_space<vmem>> -> memref<16xf32, #tpu.memory_space<vmem>>
      %dma_start3A_83 = tpu.memref_slice %arg39[%multiple_of3A] : memref<25600xf32, #tpu.memory_space<vmem_shared>> -> memref<16xf32, #tpu.memory_space<vmem_shared>>
      %dma_start3A_84 = arith.constant 0 : i32
      %dma_start3A_85 = tpu.memref_slice %arg29[%dma_start3A_84] : memref<256xf32, #tpu.memory_space<vmem>> -> memref<16xf32, #tpu.memory_space<vmem>>
      %dma_start3A_86 = tpu.memref_slice %arg39[%multiple_of3A] : memref<25600xf32, #tpu.memory_space<vmem_shared>> -> memref<16xf32, #tpu.memory_space<vmem_shared>>
      tpu.enqueue_dma source(%dma_start3A_86 : memref<16xf32, #tpu.memory_space<vmem_shared>>) target(%dma_start3A_85 : memref<16xf32, #tpu.memory_space<vmem>>) target_semaphore(%arg43 : memref<!tpu.dma_semaphore, #tpu.memory_space<semaphore_mem>>)
      %dma_start3A_87 = arith.constant 0 : i32
      %dma_start3A_88 = tpu.memref_slice %arg30[%dma_start3A_87] : memref<256xf32, #tpu.memory_space<vmem>> -> memref<16xf32, #tpu.memory_space<vmem>>
      %dma_start3A_89 = tpu.memref_slice %arg40[%multiple_of3A] : memref<25600xf32, #tpu.memory_space<vmem_shared>> -> memref<16xf32, #tpu.memory_space<vmem_shared>>
      %dma_start3A_90 = arith.constant 0 : i32
      %dma_start3A_91 = tpu.memref_slice %arg30[%dma_start3A_90] : memref<256xf32, #tpu.memory_space<vmem>> -> memref<16xf32, #tpu.memory_space<vmem>>
      %dma_start3A_92 = tpu.memref_slice %arg40[%multiple_of3A] : memref<25600xf32, #tpu.memory_space<vmem_shared>> -> memref<16xf32, #tpu.memory_space<vmem_shared>>
      tpu.enqueue_dma source(%dma_start3A_92 : memref<16xf32, #tpu.memory_space<vmem_shared>>) target(%dma_start3A_91 : memref<16xf32, #tpu.memory_space<vmem>>) target_semaphore(%arg43 : memref<!tpu.dma_semaphore, #tpu.memory_space<semaphore_mem>>)
      %mul3A_93 = arith.constant 16 : i32
      %mul3A_94 = arith.muli %while3A_58, %mul3A_93 : i32
      %add3A_95 = arith.constant 1600 : i32
      %add3A_96 = arith.addi %add3A_95, %mul3A_94 : i32
      %multiple_of3A_97 = tpu.assume_multiple %add3A_96, 16 : i32
      %dma_start3A_98 = arith.constant 16 : i32
      %dma_start3A_99 = tpu.memref_slice %arg26[%dma_start3A_98] : memref<256xf32, #tpu.memory_space<vmem>> -> memref<16xf32, #tpu.memory_space<vmem>>
      %dma_start3A_100 = tpu.memref_slice %arg36[%multiple_of3A_97] : memref<25600xf32, #tpu.memory_space<vmem_shared>> -> memref<16xf32, #tpu.memory_space<vmem_shared>>
      %dma_start3A_101 = arith.constant 16 : i32
      %dma_start3A_102 = tpu.memref_slice %arg26[%dma_start3A_101] : memref<256xf32, #tpu.memory_space<vmem>> -> memref<16xf32, #tpu.memory_space<vmem>>
      %dma_start3A_103 = tpu.memref_slice %arg36[%multiple_of3A_97] : memref<25600xf32, #tpu.memory_space<vmem_shared>> -> memref<16xf32, #tpu.memory_space<vmem_shared>>
      tpu.enqueue_dma source(%dma_start3A_103 : memref<16xf32, #tpu.memory_space<vmem_shared>>) target(%dma_start3A_102 : memref<16xf32, #tpu.memory_space<vmem>>) target_semaphore(%arg43 : memref<!tpu.dma_semaphore, #tpu.memory_space<semaphore_mem>>)
      %dma_start3A_104 = arith.constant 16 : i32
      %dma_start3A_105 = tpu.memref_slice %arg27[%dma_start3A_104] : memref<256xi32, #tpu.memory_space<vmem>> -> memref<16xi32, #tpu.memory_space<vmem>>
      %dma_start3A_106 = tpu.memref_slice %arg37[%multiple_of3A_97] : memref<25600xi32, #tpu.memory_space<vmem_shared>> -> memref<16xi32, #tpu.memory_space<vmem_shared>>
      %dma_start3A_107 = arith.constant 16 : i32
      %dma_start3A_108 = tpu.memref_slice %arg27[%dma_start3A_107] : memref<256xi32, #tpu.memory_space<vmem>> -> memref<16xi32, #tpu.memory_space<vmem>>
      %dma_start3A_109 = tpu.memref_slice %arg37[%multiple_of3A_97] : memref<25600xi32, #tpu.memory_space<vmem_shared>> -> memref<16xi32, #tpu.memory_space<vmem_shared>>
      tpu.enqueue_dma source(%dma_start3A_109 : memref<16xi32, #tpu.memory_space<vmem_shared>>) target(%dma_start3A_108 : memref<16xi32, #tpu.memory_space<vmem>>) target_semaphore(%arg43 : memref<!tpu.dma_semaphore, #tpu.memory_space<semaphore_mem>>)
      %dma_start3A_110 = arith.constant 16 : i32
      %dma_start3A_111 = tpu.memref_slice %arg28[%dma_start3A_110] : memref<256xf32, #tpu.memory_space<vmem>> -> memref<16xf32, #tpu.memory_space<vmem>>
      %dma_start3A_112 = tpu.memref_slice %arg38[%multiple_of3A_97] : memref<25600xf32, #tpu.memory_space<vmem_shared>> -> memref<16xf32, #tpu.memory_space<vmem_shared>>
      %dma_start3A_113 = arith.constant 16 : i32
      %dma_start3A_114 = tpu.memref_slice %arg28[%dma_start3A_113] : memref<256xf32, #tpu.memory_space<vmem>> -> memref<16xf32, #tpu.memory_space<vmem>>
      %dma_start3A_115 = tpu.memref_slice %arg38[%multiple_of3A_97] : memref<25600xf32, #tpu.memory_space<vmem_shared>> -> memref<16xf32, #tpu.memory_space<vmem_shared>>
      tpu.enqueue_dma source(%dma_start3A_115 : memref<16xf32, #tpu.memory_space<vmem_shared>>) target(%dma_start3A_114 : memref<16xf32, #tpu.memory_space<vmem>>) target_semaphore(%arg43 : memref<!tpu.dma_semaphore, #tpu.memory_space<semaphore_mem>>)
      %dma_start3A_116 = arith.constant 16 : i32
      %dma_start3A_117 = tpu.memref_slice %arg29[%dma_start3A_116] : memref<256xf32, #tpu.memory_space<vmem>> -> memref<16xf32, #tpu.memory_space<vmem>>
      %dma_start3A_118 = tpu.memref_slice %arg39[%multiple_of3A_97] : memref<25600xf32, #tpu.memory_space<vmem_shared>> -> memref<16xf32, #tpu.memory_space<vmem_shared>>
      %dma_start3A_119 = arith.constant 16 : i32
      %dma_start3A_120 = tpu.memref_slice %arg29[%dma_start3A_119] : memref<256xf32, #tpu.memory_space<vmem>> -> memref<16xf32, #tpu.memory_space<vmem>>
      %dma_start3A_121 = tpu.memref_slice %arg39[%multiple_of3A_97] : memref<25600xf32, #tpu.memory_space<vmem_shared>> -> memref<16xf32, #tpu.memory_space<vmem_shared>>
      tpu.enqueue_dma source(%dma_start3A_121 : memref<16xf32, #tpu.memory_space<vmem_shared>>) target(%dma_start3A_120 : memref<16xf32, #tpu.memory_space<vmem>>) target_semaphore(%arg43 : memref<!tpu.dma_semaphore, #tpu.memory_space<semaphore_mem>>)
      %dma_start3A_122 = arith.constant 16 : i32
      %dma_start3A_123 = tpu.memref_slice %arg30[%dma_start3A_122] : memref<256xf32, #tpu.memory_space<vmem>> -> memref<16xf32, #tpu.memory_space<vmem>>
      %dma_start3A_124 = tpu.memref_slice %arg40[%multiple_of3A_97] : memref<25600xf32, #tpu.memory_space<vmem_shared>> -> memref<16xf32, #tpu.memory_space<vmem_shared>>
      %dma_start3A_125 = arith.constant 16 : i32
      %dma_start3A_126 = tpu.memref_slice %arg30[%dma_start3A_125] : memref<256xf32, #tpu.memory_space<vmem>> -> memref<16xf32, #tpu.memory_space<vmem>>
      %dma_start3A_127 = tpu.memref_slice %arg40[%multiple_of3A_97] : memref<25600xf32, #tpu.memory_space<vmem_shared>> -> memref<16xf32, #tpu.memory_space<vmem_shared>>
      tpu.enqueue_dma source(%dma_start3A_127 : memref<16xf32, #tpu.memory_space<vmem_shared>>) target(%dma_start3A_126 : memref<16xf32, #tpu.memory_space<vmem>>) target_semaphore(%arg43 : memref<!tpu.dma_semaphore, #tpu.memory_space<semaphore_mem>>)
      %mul3A_128 = arith.constant 16 : i32
      %mul3A_129 = arith.muli %while3A_58, %mul3A_128 : i32
      %add3A_130 = arith.constant 3200 : i32
      %add3A_131 = arith.addi %add3A_130, %mul3A_129 : i32
      %multiple_of3A_132 = tpu.assume_multiple %add3A_131, 16 : i32
      %dma_start3A_133 = arith.constant 32 : i32
      %dma_start3A_134 = tpu.memref_slice %arg26[%dma_start3A_133] : memref<256xf32, #tpu.memory_space<vmem>> -> memref<16xf32, #tpu.memory_space<vmem>>
      %dma_start3A_135 = tpu.memref_slice %arg36[%multiple_of3A_132] : memref<25600xf32, #tpu.memory_space<vmem_shared>> -> memref<16xf32, #tpu.memory_space<vmem_shared>>
      %dma_start3A_136 = arith.constant 32 : i32
      %dma_start3A_137 = tpu.memref_slice %arg26[%dma_start3A_136] : memref<256xf32, #tpu.memory_space<vmem>> -> memref<16xf32, #tpu.memory_space<vmem>>
      %dma_start3A_138 = tpu.memref_slice %arg36[%multiple_of3A_132] : memref<25600xf32, #tpu.memory_space<vmem_shared>> -> memref<16xf32, #tpu.memory_space<vmem_shared>>
      tpu.enqueue_dma source(%dma_start3A_138 : memref<16xf32, #tpu.memory_space<vmem_shared>>) target(%dma_start3A_137 : memref<16xf32, #tpu.memory_space<vmem>>) target_semaphore(%arg43 : memref<!tpu.dma_semaphore, #tpu.memory_space<semaphore_mem>>)
      %dma_start3A_139 = arith.constant 32 : i32
      %dma_start3A_140 = tpu.memref_slice %arg27[%dma_start3A_139] : memref<256xi32, #tpu.memory_space<vmem>> -> memref<16xi32, #tpu.memory_space<vmem>>
      %dma_start3A_141 = tpu.memref_slice %arg37[%multiple_of3A_132] : memref<25600xi32, #tpu.memory_space<vmem_shared>> -> memref<16xi32, #tpu.memory_space<vmem_shared>>
      %dma_start3A_142 = arith.constant 32 : i32
      %dma_start3A_143 = tpu.memref_slice %arg27[%dma_start3A_142] : memref<256xi32, #tpu.memory_space<vmem>> -> memref<16xi32, #tpu.memory_space<vmem>>
      %dma_start3A_144 = tpu.memref_slice %arg37[%multiple_of3A_132] : memref<25600xi32, #tpu.memory_space<vmem_shared>> -> memref<16xi32, #tpu.memory_space<vmem_shared>>
      tpu.enqueue_dma source(%dma_start3A_144 : memref<16xi32, #tpu.memory_space<vmem_shared>>) target(%dma_start3A_143 : memref<16xi32, #tpu.memory_space<vmem>>) target_semaphore(%arg43 : memref<!tpu.dma_semaphore, #tpu.memory_space<semaphore_mem>>)
      %dma_start3A_145 = arith.constant 32 : i32
      %dma_start3A_146 = tpu.memref_slice %arg28[%dma_start3A_145] : memref<256xf32, #tpu.memory_space<vmem>> -> memref<16xf32, #tpu.memory_space<vmem>>
      %dma_start3A_147 = tpu.memref_slice %arg38[%multiple_of3A_132] : memref<25600xf32, #tpu.memory_space<vmem_shared>> -> memref<16xf32, #tpu.memory_space<vmem_shared>>
      %dma_start3A_148 = arith.constant 32 : i32
      %dma_start3A_149 = tpu.memref_slice %arg28[%dma_start3A_148] : memref<256xf32, #tpu.memory_space<vmem>> -> memref<16xf32, #tpu.memory_space<vmem>>
      %dma_start3A_150 = tpu.memref_slice %arg38[%multiple_of3A_132] : memref<25600xf32, #tpu.memory_space<vmem_shared>> -> memref<16xf32, #tpu.memory_space<vmem_shared>>
      tpu.enqueue_dma source(%dma_start3A_150 : memref<16xf32, #tpu.memory_space<vmem_shared>>) target(%dma_start3A_149 : memref<16xf32, #tpu.memory_space<vmem>>) target_semaphore(%arg43 : memref<!tpu.dma_semaphore, #tpu.memory_space<semaphore_mem>>)
      %dma_start3A_151 = arith.constant 32 : i32
      %dma_start3A_152 = tpu.memref_slice %arg29[%dma_start3A_151] : memref<256xf32, #tpu.memory_space<vmem>> -> memref<16xf32, #tpu.memory_space<vmem>>
      %dma_start3A_153 = tpu.memref_slice %arg39[%multiple_of3A_132] : memref<25600xf32, #tpu.memory_space<vmem_shared>> -> memref<16xf32, #tpu.memory_space<vmem_shared>>
      %dma_start3A_154 = arith.constant 32 : i32
      %dma_start3A_155 = tpu.memref_slice %arg29[%dma_start3A_154] : memref<256xf32, #tpu.memory_space<vmem>> -> memref<16xf32, #tpu.memory_space<vmem>>
      %dma_start3A_156 = tpu.memref_slice %arg39[%multiple_of3A_132] : memref<25600xf32, #tpu.memory_space<vmem_shared>> -> memref<16xf32, #tpu.memory_space<vmem_shared>>
      tpu.enqueue_dma source(%dma_start3A_156 : memref<16xf32, #tpu.memory_space<vmem_shared>>) target(%dma_start3A_155 : memref<16xf32, #tpu.memory_space<vmem>>) target_semaphore(%arg43 : memref<!tpu.dma_semaphore, #tpu.memory_space<semaphore_mem>>)
      %dma_start3A_157 = arith.constant 32 : i32
      %dma_start3A_158 = tpu.memref_slice %arg30[%dma_start3A_157] : memref<256xf32, #tpu.memory_space<vmem>> -> memref<16xf32, #tpu.memory_space<vmem>>
      %dma_start3A_159 = tpu.memref_slice %arg40[%multiple_of3A_132] : memref<25600xf32, #tpu.memory_space<vmem_shared>> -> memref<16xf32, #tpu.memory_space<vmem_shared>>
      %dma_start3A_160 = arith.constant 32 : i32
      %dma_start3A_161 = tpu.memref_slice %arg30[%dma_start3A_160] : memref<256xf32, #tpu.memory_space<vmem>> -> memref<16xf32, #tpu.memory_space<vmem>>
      %dma_start3A_162 = tpu.memref_slice %arg40[%multiple_of3A_132] : memref<25600xf32, #tpu.memory_space<vmem_shared>> -> memref<16xf32, #tpu.memory_space<vmem_shared>>
      tpu.enqueue_dma source(%dma_start3A_162 : memref<16xf32, #tpu.memory_space<vmem_shared>>) target(%dma_start3A_161 : memref<16xf32, #tpu.memory_space<vmem>>) target_semaphore(%arg43 : memref<!tpu.dma_semaphore, #tpu.memory_space<semaphore_mem>>)
      %mul3A_163 = arith.constant 16 : i32
      %mul3A_164 = arith.muli %while3A_58, %mul3A_163 : i32
      %add3A_165 = arith.constant 4800 : i32
      %add3A_166 = arith.addi %add3A_165, %mul3A_164 : i32
      %multiple_of3A_167 = tpu.assume_multiple %add3A_166, 16 : i32
      %dma_start3A_168 = arith.constant 48 : i32
      %dma_start3A_169 = tpu.memref_slice %arg26[%dma_start3A_168] : memref<256xf32, #tpu.memory_space<vmem>> -> memref<16xf32, #tpu.memory_space<vmem>>
      %dma_start3A_170 = tpu.memref_slice %arg36[%multiple_of3A_167] : memref<25600xf32, #tpu.memory_space<vmem_shared>> -> memref<16xf32, #tpu.memory_space<vmem_shared>>
      %dma_start3A_171 = arith.constant 48 : i32
      %dma_start3A_172 = tpu.memref_slice %arg26[%dma_start3A_171] : memref<256xf32, #tpu.memory_space<vmem>> -> memref<16xf32, #tpu.memory_space<vmem>>
      %dma_start3A_173 = tpu.memref_slice %arg36[%multiple_of3A_167] : memref<25600xf32, #tpu.memory_space<vmem_shared>> -> memref<16xf32, #tpu.memory_space<vmem_shared>>
      tpu.enqueue_dma source(%dma_start3A_173 : memref<16xf32, #tpu.memory_space<vmem_shared>>) target(%dma_start3A_172 : memref<16xf32, #tpu.memory_space<vmem>>) target_semaphore(%arg43 : memref<!tpu.dma_semaphore, #tpu.memory_space<semaphore_mem>>)
      %dma_start3A_174 = arith.constant 48 : i32
      %dma_start3A_175 = tpu.memref_slice %arg27[%dma_start3A_174] : memref<256xi32, #tpu.memory_space<vmem>> -> memref<16xi32, #tpu.memory_space<vmem>>
      %dma_start3A_176 = tpu.memref_slice %arg37[%multiple_of3A_167] : memref<25600xi32, #tpu.memory_space<vmem_shared>> -> memref<16xi32, #tpu.memory_space<vmem_shared>>
      %dma_start3A_177 = arith.constant 48 : i32
      %dma_start3A_178 = tpu.memref_slice %arg27[%dma_start3A_177] : memref<256xi32, #tpu.memory_space<vmem>> -> memref<16xi32, #tpu.memory_space<vmem>>
      %dma_start3A_179 = tpu.memref_slice %arg37[%multiple_of3A_167] : memref<25600xi32, #tpu.memory_space<vmem_shared>> -> memref<16xi32, #tpu.memory_space<vmem_shared>>
      tpu.enqueue_dma source(%dma_start3A_179 : memref<16xi32, #tpu.memory_space<vmem_shared>>) target(%dma_start3A_178 : memref<16xi32, #tpu.memory_space<vmem>>) target_semaphore(%arg43 : memref<!tpu.dma_semaphore, #tpu.memory_space<semaphore_mem>>)
      %dma_start3A_180 = arith.constant 48 : i32
      %dma_start3A_181 = tpu.memref_slice %arg28[%dma_start3A_180] : memref<256xf32, #tpu.memory_space<vmem>> -> memref<16xf32, #tpu.memory_space<vmem>>
      %dma_start3A_182 = tpu.memref_slice %arg38[%multiple_of3A_167] : memref<25600xf32, #tpu.memory_space<vmem_shared>> -> memref<16xf32, #tpu.memory_space<vmem_shared>>
      %dma_start3A_183 = arith.constant 48 : i32
      %dma_start3A_184 = tpu.memref_slice %arg28[%dma_start3A_183] : memref<256xf32, #tpu.memory_space<vmem>> -> memref<16xf32, #tpu.memory_space<vmem>>
      %dma_start3A_185 = tpu.memref_slice %arg38[%multiple_of3A_167] : memref<25600xf32, #tpu.memory_space<vmem_shared>> -> memref<16xf32, #tpu.memory_space<vmem_shared>>
      tpu.enqueue_dma source(%dma_start3A_185 : memref<16xf32, #tpu.memory_space<vmem_shared>>) target(%dma_start3A_184 : memref<16xf32, #tpu.memory_space<vmem>>) target_semaphore(%arg43 : memref<!tpu.dma_semaphore, #tpu.memory_space<semaphore_mem>>)
      %dma_start3A_186 = arith.constant 48 : i32
      %dma_start3A_187 = tpu.memref_slice %arg29[%dma_start3A_186] : memref<256xf32, #tpu.memory_space<vmem>> -> memref<16xf32, #tpu.memory_space<vmem>>
      %dma_start3A_188 = tpu.memref_slice %arg39[%multiple_of3A_167] : memref<25600xf32, #tpu.memory_space<vmem_shared>> -> memref<16xf32, #tpu.memory_space<vmem_shared>>
      %dma_start3A_189 = arith.constant 48 : i32
      %dma_start3A_190 = tpu.memref_slice %arg29[%dma_start3A_189] : memref<256xf32, #tpu.memory_space<vmem>> -> memref<16xf32, #tpu.memory_space<vmem>>
      %dma_start3A_191 = tpu.memref_slice %arg39[%multiple_of3A_167] : memref<25600xf32, #tpu.memory_space<vmem_shared>> -> memref<16xf32, #tpu.memory_space<vmem_shared>>
      tpu.enqueue_dma source(%dma_start3A_191 : memref<16xf32, #tpu.memory_space<vmem_shared>>) target(%dma_start3A_190 : memref<16xf32, #tpu.memory_space<vmem>>) target_semaphore(%arg43 : memref<!tpu.dma_semaphore, #tpu.memory_space<semaphore_mem>>)
      %dma_start3A_192 = arith.constant 48 : i32
      %dma_start3A_193 = tpu.memref_slice %arg30[%dma_start3A_192] : memref<256xf32, #tpu.memory_space<vmem>> -> memref<16xf32, #tpu.memory_space<vmem>>
      %dma_start3A_194 = tpu.memref_slice %arg40[%multiple_of3A_167] : memref<25600xf32, #tpu.memory_space<vmem_shared>> -> memref<16xf32, #tpu.memory_space<vmem_shared>>
      %dma_start3A_195 = arith.constant 48 : i32
      %dma_start3A_196 = tpu.memref_slice %arg30[%dma_start3A_195] : memref<256xf32, #tpu.memory_space<vmem>> -> memref<16xf32, #tpu.memory_space<vmem>>
      %dma_start3A_197 = tpu.memref_slice %arg40[%multiple_of3A_167] : memref<25600xf32, #tpu.memory_space<vmem_shared>> -> memref<16xf32, #tpu.memory_space<vmem_shared>>
      tpu.enqueue_dma source(%dma_start3A_197 : memref<16xf32, #tpu.memory_space<vmem_shared>>) target(%dma_start3A_196 : memref<16xf32, #tpu.memory_space<vmem>>) target_semaphore(%arg43 : memref<!tpu.dma_semaphore, #tpu.memory_space<semaphore_mem>>)
      %mul3A_198 = arith.constant 16 : i32
      %mul3A_199 = arith.muli %while3A_58, %mul3A_198 : i32
      %add3A_200 = arith.constant 6400 : i32
      %add3A_201 = arith.addi %add3A_200, %mul3A_199 : i32
      %multiple_of3A_202 = tpu.assume_multiple %add3A_201, 16 : i32
      %dma_start3A_203 = arith.constant 64 : i32
      %dma_start3A_204 = tpu.memref_slice %arg26[%dma_start3A_203] : memref<256xf32, #tpu.memory_space<vmem>> -> memref<16xf32, #tpu.memory_space<vmem>>
      %dma_start3A_205 = tpu.memref_slice %arg36[%multiple_of3A_202] : memref<25600xf32, #tpu.memory_space<vmem_shared>> -> memref<16xf32, #tpu.memory_space<vmem_shared>>
      %dma_start3A_206 = arith.constant 64 : i32
      %dma_start3A_207 = tpu.memref_slice %arg26[%dma_start3A_206] : memref<256xf32, #tpu.memory_space<vmem>> -> memref<16xf32, #tpu.memory_space<vmem>>
      %dma_start3A_208 = tpu.memref_slice %arg36[%multiple_of3A_202] : memref<25600xf32, #tpu.memory_space<vmem_shared>> -> memref<16xf32, #tpu.memory_space<vmem_shared>>
      tpu.enqueue_dma source(%dma_start3A_208 : memref<16xf32, #tpu.memory_space<vmem_shared>>) target(%dma_start3A_207 : memref<16xf32, #tpu.memory_space<vmem>>) target_semaphore(%arg43 : memref<!tpu.dma_semaphore, #tpu.memory_space<semaphore_mem>>)
      %dma_start3A_209 = arith.constant 64 : i32
      %dma_start3A_210 = tpu.memref_slice %arg27[%dma_start3A_209] : memref<256xi32, #tpu.memory_space<vmem>> -> memref<16xi32, #tpu.memory_space<vmem>>
      %dma_start3A_211 = tpu.memref_slice %arg37[%multiple_of3A_202] : memref<25600xi32, #tpu.memory_space<vmem_shared>> -> memref<16xi32, #tpu.memory_space<vmem_shared>>
      %dma_start3A_212 = arith.constant 64 : i32
      %dma_start3A_213 = tpu.memref_slice %arg27[%dma_start3A_212] : memref<256xi32, #tpu.memory_space<vmem>> -> memref<16xi32, #tpu.memory_space<vmem>>
      %dma_start3A_214 = tpu.memref_slice %arg37[%multiple_of3A_202] : memref<25600xi32, #tpu.memory_space<vmem_shared>> -> memref<16xi32, #tpu.memory_space<vmem_shared>>
      tpu.enqueue_dma source(%dma_start3A_214 : memref<16xi32, #tpu.memory_space<vmem_shared>>) target(%dma_start3A_213 : memref<16xi32, #tpu.memory_space<vmem>>) target_semaphore(%arg43 : memref<!tpu.dma_semaphore, #tpu.memory_space<semaphore_mem>>)
      %dma_start3A_215 = arith.constant 64 : i32
      %dma_start3A_216 = tpu.memref_slice %arg28[%dma_start3A_215] : memref<256xf32, #tpu.memory_space<vmem>> -> memref<16xf32, #tpu.memory_space<vmem>>
      %dma_start3A_217 = tpu.memref_slice %arg38[%multiple_of3A_202] : memref<25600xf32, #tpu.memory_space<vmem_shared>> -> memref<16xf32, #tpu.memory_space<vmem_shared>>
      %dma_start3A_218 = arith.constant 64 : i32
      %dma_start3A_219 = tpu.memref_slice %arg28[%dma_start3A_218] : memref<256xf32, #tpu.memory_space<vmem>> -> memref<16xf32, #tpu.memory_space<vmem>>
      %dma_start3A_220 = tpu.memref_slice %arg38[%multiple_of3A_202] : memref<25600xf32, #tpu.memory_space<vmem_shared>> -> memref<16xf32, #tpu.memory_space<vmem_shared>>
      tpu.enqueue_dma source(%dma_start3A_220 : memref<16xf32, #tpu.memory_space<vmem_shared>>) target(%dma_start3A_219 : memref<16xf32, #tpu.memory_space<vmem>>) target_semaphore(%arg43 : memref<!tpu.dma_semaphore, #tpu.memory_space<semaphore_mem>>)
      %dma_start3A_221 = arith.constant 64 : i32
      %dma_start3A_222 = tpu.memref_slice %arg29[%dma_start3A_221] : memref<256xf32, #tpu.memory_space<vmem>> -> memref<16xf32, #tpu.memory_space<vmem>>
      %dma_start3A_223 = tpu.memref_slice %arg39[%multiple_of3A_202] : memref<25600xf32, #tpu.memory_space<vmem_shared>> -> memref<16xf32, #tpu.memory_space<vmem_shared>>
      %dma_start3A_224 = arith.constant 64 : i32
      %dma_start3A_225 = tpu.memref_slice %arg29[%dma_start3A_224] : memref<256xf32, #tpu.memory_space<vmem>> -> memref<16xf32, #tpu.memory_space<vmem>>
      %dma_start3A_226 = tpu.memref_slice %arg39[%multiple_of3A_202] : memref<25600xf32, #tpu.memory_space<vmem_shared>> -> memref<16xf32, #tpu.memory_space<vmem_shared>>
      tpu.enqueue_dma source(%dma_start3A_226 : memref<16xf32, #tpu.memory_space<vmem_shared>>) target(%dma_start3A_225 : memref<16xf32, #tpu.memory_space<vmem>>) target_semaphore(%arg43 : memref<!tpu.dma_semaphore, #tpu.memory_space<semaphore_mem>>)
      %dma_start3A_227 = arith.constant 64 : i32
      %dma_start3A_228 = tpu.memref_slice %arg30[%dma_start3A_227] : memref<256xf32, #tpu.memory_space<vmem>> -> memref<16xf32, #tpu.memory_space<vmem>>
      %dma_start3A_229 = tpu.memref_slice %arg40[%multiple_of3A_202] : memref<25600xf32, #tpu.memory_space<vmem_shared>> -> memref<16xf32, #tpu.memory_space<vmem_shared>>
      %dma_start3A_230 = arith.constant 64 : i32
      %dma_start3A_231 = tpu.memref_slice %arg30[%dma_start3A_230] : memref<256xf32, #tpu.memory_space<vmem>> -> memref<16xf32, #tpu.memory_space<vmem>>
      %dma_start3A_232 = tpu.memref_slice %arg40[%multiple_of3A_202] : memref<25600xf32, #tpu.memory_space<vmem_shared>> -> memref<16xf32, #tpu.memory_space<vmem_shared>>
      tpu.enqueue_dma source(%dma_start3A_232 : memref<16xf32, #tpu.memory_space<vmem_shared>>) target(%dma_start3A_231 : memref<16xf32, #tpu.memory_space<vmem>>) target_semaphore(%arg43 : memref<!tpu.dma_semaphore, #tpu.memory_space<semaphore_mem>>)
      %mul3A_233 = arith.constant 16 : i32
      %mul3A_234 = arith.muli %while3A_58, %mul3A_233 : i32
      %add3A_235 = arith.constant 8000 : i32
      %add3A_236 = arith.addi %add3A_235, %mul3A_234 : i32
      %multiple_of3A_237 = tpu.assume_multiple %add3A_236, 16 : i32
      %dma_start3A_238 = arith.constant 80 : i32
      %dma_start3A_239 = tpu.memref_slice %arg26[%dma_start3A_238] : memref<256xf32, #tpu.memory_space<vmem>> -> memref<16xf32, #tpu.memory_space<vmem>>
      %dma_start3A_240 = tpu.memref_slice %arg36[%multiple_of3A_237] : memref<25600xf32, #tpu.memory_space<vmem_shared>> -> memref<16xf32, #tpu.memory_space<vmem_shared>>
      %dma_start3A_241 = arith.constant 80 : i32
      %dma_start3A_242 = tpu.memref_slice %arg26[%dma_start3A_241] : memref<256xf32, #tpu.memory_space<vmem>> -> memref<16xf32, #tpu.memory_space<vmem>>
      %dma_start3A_243 = tpu.memref_slice %arg36[%multiple_of3A_237] : memref<25600xf32, #tpu.memory_space<vmem_shared>> -> memref<16xf32, #tpu.memory_space<vmem_shared>>
      tpu.enqueue_dma source(%dma_start3A_243 : memref<16xf32, #tpu.memory_space<vmem_shared>>) target(%dma_start3A_242 : memref<16xf32, #tpu.memory_space<vmem>>) target_semaphore(%arg43 : memref<!tpu.dma_semaphore, #tpu.memory_space<semaphore_mem>>)
      %dma_start3A_244 = arith.constant 80 : i32
      %dma_start3A_245 = tpu.memref_slice %arg27[%dma_start3A_244] : memref<256xi32, #tpu.memory_space<vmem>> -> memref<16xi32, #tpu.memory_space<vmem>>
      %dma_start3A_246 = tpu.memref_slice %arg37[%multiple_of3A_237] : memref<25600xi32, #tpu.memory_space<vmem_shared>> -> memref<16xi32, #tpu.memory_space<vmem_shared>>
      %dma_start3A_247 = arith.constant 80 : i32
      %dma_start3A_248 = tpu.memref_slice %arg27[%dma_start3A_247] : memref<256xi32, #tpu.memory_space<vmem>> -> memref<16xi32, #tpu.memory_space<vmem>>
      %dma_start3A_249 = tpu.memref_slice %arg37[%multiple_of3A_237] : memref<25600xi32, #tpu.memory_space<vmem_shared>> -> memref<16xi32, #tpu.memory_space<vmem_shared>>
      tpu.enqueue_dma source(%dma_start3A_249 : memref<16xi32, #tpu.memory_space<vmem_shared>>) target(%dma_start3A_248 : memref<16xi32, #tpu.memory_space<vmem>>) target_semaphore(%arg43 : memref<!tpu.dma_semaphore, #tpu.memory_space<semaphore_mem>>)
      %dma_start3A_250 = arith.constant 80 : i32
      %dma_start3A_251 = tpu.memref_slice %arg28[%dma_start3A_250] : memref<256xf32, #tpu.memory_space<vmem>> -> memref<16xf32, #tpu.memory_space<vmem>>
      %dma_start3A_252 = tpu.memref_slice %arg38[%multiple_of3A_237] : memref<25600xf32, #tpu.memory_space<vmem_shared>> -> memref<16xf32, #tpu.memory_space<vmem_shared>>
      %dma_start3A_253 = arith.constant 80 : i32
      %dma_start3A_254 = tpu.memref_slice %arg28[%dma_start3A_253] : memref<256xf32, #tpu.memory_space<vmem>> -> memref<16xf32, #tpu.memory_space<vmem>>
      %dma_start3A_255 = tpu.memref_slice %arg38[%multiple_of3A_237] : memref<25600xf32, #tpu.memory_space<vmem_shared>> -> memref<16xf32, #tpu.memory_space<vmem_shared>>
      tpu.enqueue_dma source(%dma_start3A_255 : memref<16xf32, #tpu.memory_space<vmem_shared>>) target(%dma_start3A_254 : memref<16xf32, #tpu.memory_space<vmem>>) target_semaphore(%arg43 : memref<!tpu.dma_semaphore, #tpu.memory_space<semaphore_mem>>)
      %dma_start3A_256 = arith.constant 80 : i32
      %dma_start3A_257 = tpu.memref_slice %arg29[%dma_start3A_256] : memref<256xf32, #tpu.memory_space<vmem>> -> memref<16xf32, #tpu.memory_space<vmem>>
      %dma_start3A_258 = tpu.memref_slice %arg39[%multiple_of3A_237] : memref<25600xf32, #tpu.memory_space<vmem_shared>> -> memref<16xf32, #tpu.memory_space<vmem_shared>>
      %dma_start3A_259 = arith.constant 80 : i32
      %dma_start3A_260 = tpu.memref_slice %arg29[%dma_start3A_259] : memref<256xf32, #tpu.memory_space<vmem>> -> memref<16xf32, #tpu.memory_space<vmem>>
      %dma_start3A_261 = tpu.memref_slice %arg39[%multiple_of3A_237] : memref<25600xf32, #tpu.memory_space<vmem_shared>> -> memref<16xf32, #tpu.memory_space<vmem_shared>>
      tpu.enqueue_dma source(%dma_start3A_261 : memref<16xf32, #tpu.memory_space<vmem_shared>>) target(%dma_start3A_260 : memref<16xf32, #tpu.memory_space<vmem>>) target_semaphore(%arg43 : memref<!tpu.dma_semaphore, #tpu.memory_space<semaphore_mem>>)
      %dma_start3A_262 = arith.constant 80 : i32
      %dma_start3A_263 = tpu.memref_slice %arg30[%dma_start3A_262] : memref<256xf32, #tpu.memory_space<vmem>> -> memref<16xf32, #tpu.memory_space<vmem>>
      %dma_start3A_264 = tpu.memref_slice %arg40[%multiple_of3A_237] : memref<25600xf32, #tpu.memory_space<vmem_shared>> -> memref<16xf32, #tpu.memory_space<vmem_shared>>
      %dma_start3A_265 = arith.constant 80 : i32
      %dma_start3A_266 = tpu.memref_slice %arg30[%dma_start3A_265] : memref<256xf32, #tpu.memory_space<vmem>> -> memref<16xf32, #tpu.memory_space<vmem>>
      %dma_start3A_267 = tpu.memref_slice %arg40[%multiple_of3A_237] : memref<25600xf32, #tpu.memory_space<vmem_shared>> -> memref<16xf32, #tpu.memory_space<vmem_shared>>
      tpu.enqueue_dma source(%dma_start3A_267 : memref<16xf32, #tpu.memory_space<vmem_shared>>) target(%dma_start3A_266 : memref<16xf32, #tpu.memory_space<vmem>>) target_semaphore(%arg43 : memref<!tpu.dma_semaphore, #tpu.memory_space<semaphore_mem>>)
      %mul3A_268 = arith.constant 16 : i32
      %mul3A_269 = arith.muli %while3A_58, %mul3A_268 : i32
      %add3A_270 = arith.constant 9600 : i32
      %add3A_271 = arith.addi %add3A_270, %mul3A_269 : i32
      %multiple_of3A_272 = tpu.assume_multiple %add3A_271, 16 : i32
      %dma_start3A_273 = arith.constant 96 : i32
      %dma_start3A_274 = tpu.memref_slice %arg26[%dma_start3A_273] : memref<256xf32, #tpu.memory_space<vmem>> -> memref<16xf32, #tpu.memory_space<vmem>>
      %dma_start3A_275 = tpu.memref_slice %arg36[%multiple_of3A_272] : memref<25600xf32, #tpu.memory_space<vmem_shared>> -> memref<16xf32, #tpu.memory_space<vmem_shared>>
      %dma_start3A_276 = arith.constant 96 : i32
      %dma_start3A_277 = tpu.memref_slice %arg26[%dma_start3A_276] : memref<256xf32, #tpu.memory_space<vmem>> -> memref<16xf32, #tpu.memory_space<vmem>>
      %dma_start3A_278 = tpu.memref_slice %arg36[%multiple_of3A_272] : memref<25600xf32, #tpu.memory_space<vmem_shared>> -> memref<16xf32, #tpu.memory_space<vmem_shared>>
      tpu.enqueue_dma source(%dma_start3A_278 : memref<16xf32, #tpu.memory_space<vmem_shared>>) target(%dma_start3A_277 : memref<16xf32, #tpu.memory_space<vmem>>) target_semaphore(%arg43 : memref<!tpu.dma_semaphore, #tpu.memory_space<semaphore_mem>>)
      %dma_start3A_279 = arith.constant 96 : i32
      %dma_start3A_280 = tpu.memref_slice %arg27[%dma_start3A_279] : memref<256xi32, #tpu.memory_space<vmem>> -> memref<16xi32, #tpu.memory_space<vmem>>
      %dma_start3A_281 = tpu.memref_slice %arg37[%multiple_of3A_272] : memref<25600xi32, #tpu.memory_space<vmem_shared>> -> memref<16xi32, #tpu.memory_space<vmem_shared>>
      %dma_start3A_282 = arith.constant 96 : i32
      %dma_start3A_283 = tpu.memref_slice %arg27[%dma_start3A_282] : memref<256xi32, #tpu.memory_space<vmem>> -> memref<16xi32, #tpu.memory_space<vmem>>
      %dma_start3A_284 = tpu.memref_slice %arg37[%multiple_of3A_272] : memref<25600xi32, #tpu.memory_space<vmem_shared>> -> memref<16xi32, #tpu.memory_space<vmem_shared>>
      tpu.enqueue_dma source(%dma_start3A_284 : memref<16xi32, #tpu.memory_space<vmem_shared>>) target(%dma_start3A_283 : memref<16xi32, #tpu.memory_space<vmem>>) target_semaphore(%arg43 : memref<!tpu.dma_semaphore, #tpu.memory_space<semaphore_mem>>)
      %dma_start3A_285 = arith.constant 96 : i32
      %dma_start3A_286 = tpu.memref_slice %arg28[%dma_start3A_285] : memref<256xf32, #tpu.memory_space<vmem>> -> memref<16xf32, #tpu.memory_space<vmem>>
      %dma_start3A_287 = tpu.memref_slice %arg38[%multiple_of3A_272] : memref<25600xf32, #tpu.memory_space<vmem_shared>> -> memref<16xf32, #tpu.memory_space<vmem_shared>>
      %dma_start3A_288 = arith.constant 96 : i32
      %dma_start3A_289 = tpu.memref_slice %arg28[%dma_start3A_288] : memref<256xf32, #tpu.memory_space<vmem>> -> memref<16xf32, #tpu.memory_space<vmem>>
      %dma_start3A_290 = tpu.memref_slice %arg38[%multiple_of3A_272] : memref<25600xf32, #tpu.memory_space<vmem_shared>> -> memref<16xf32, #tpu.memory_space<vmem_shared>>
      tpu.enqueue_dma source(%dma_start3A_290 : memref<16xf32, #tpu.memory_space<vmem_shared>>) target(%dma_start3A_289 : memref<16xf32, #tpu.memory_space<vmem>>) target_semaphore(%arg43 : memref<!tpu.dma_semaphore, #tpu.memory_space<semaphore_mem>>)
      %dma_start3A_291 = arith.constant 96 : i32
      %dma_start3A_292 = tpu.memref_slice %arg29[%dma_start3A_291] : memref<256xf32, #tpu.memory_space<vmem>> -> memref<16xf32, #tpu.memory_space<vmem>>
      %dma_start3A_293 = tpu.memref_slice %arg39[%multiple_of3A_272] : memref<25600xf32, #tpu.memory_space<vmem_shared>> -> memref<16xf32, #tpu.memory_space<vmem_shared>>
      %dma_start3A_294 = arith.constant 96 : i32
      %dma_start3A_295 = tpu.memref_slice %arg29[%dma_start3A_294] : memref<256xf32, #tpu.memory_space<vmem>> -> memref<16xf32, #tpu.memory_space<vmem>>
      %dma_start3A_296 = tpu.memref_slice %arg39[%multiple_of3A_272] : memref<25600xf32, #tpu.memory_space<vmem_shared>> -> memref<16xf32, #tpu.memory_space<vmem_shared>>
      tpu.enqueue_dma source(%dma_start3A_296 : memref<16xf32, #tpu.memory_space<vmem_shared>>) target(%dma_start3A_295 : memref<16xf32, #tpu.memory_space<vmem>>) target_semaphore(%arg43 : memref<!tpu.dma_semaphore, #tpu.memory_space<semaphore_mem>>)
      %dma_start3A_297 = arith.constant 96 : i32
      %dma_start3A_298 = tpu.memref_slice %arg30[%dma_start3A_297] : memref<256xf32, #tpu.memory_space<vmem>> -> memref<16xf32, #tpu.memory_space<vmem>>
      %dma_start3A_299 = tpu.memref_slice %arg40[%multiple_of3A_272] : memref<25600xf32, #tpu.memory_space<vmem_shared>> -> memref<16xf32, #tpu.memory_space<vmem_shared>>
      %dma_start3A_300 = arith.constant 96 : i32
      %dma_start3A_301 = tpu.memref_slice %arg30[%dma_start3A_300] : memref<256xf32, #tpu.memory_space<vmem>> -> memref<16xf32, #tpu.memory_space<vmem>>
      %dma_start3A_302 = tpu.memref_slice %arg40[%multiple_of3A_272] : memref<25600xf32, #tpu.memory_space<vmem_shared>> -> memref<16xf32, #tpu.memory_space<vmem_shared>>
      tpu.enqueue_dma source(%dma_start3A_302 : memref<16xf32, #tpu.memory_space<vmem_shared>>) target(%dma_start3A_301 : memref<16xf32, #tpu.memory_space<vmem>>) target_semaphore(%arg43 : memref<!tpu.dma_semaphore, #tpu.memory_space<semaphore_mem>>)
      %mul3A_303 = arith.constant 16 : i32
      %mul3A_304 = arith.muli %while3A_58, %mul3A_303 : i32
      %add3A_305 = arith.constant 11200 : i32
      %add3A_306 = arith.addi %add3A_305, %mul3A_304 : i32
      %multiple_of3A_307 = tpu.assume_multiple %add3A_306, 16 : i32
      %dma_start3A_308 = arith.constant 112 : i32
      %dma_start3A_309 = tpu.memref_slice %arg26[%dma_start3A_308] : memref<256xf32, #tpu.memory_space<vmem>> -> memref<16xf32, #tpu.memory_space<vmem>>
      %dma_start3A_310 = tpu.memref_slice %arg36[%multiple_of3A_307] : memref<25600xf32, #tpu.memory_space<vmem_shared>> -> memref<16xf32, #tpu.memory_space<vmem_shared>>
      %dma_start3A_311 = arith.constant 112 : i32
      %dma_start3A_312 = tpu.memref_slice %arg26[%dma_start3A_311] : memref<256xf32, #tpu.memory_space<vmem>> -> memref<16xf32, #tpu.memory_space<vmem>>
      %dma_start3A_313 = tpu.memref_slice %arg36[%multiple_of3A_307] : memref<25600xf32, #tpu.memory_space<vmem_shared>> -> memref<16xf32, #tpu.memory_space<vmem_shared>>
      tpu.enqueue_dma source(%dma_start3A_313 : memref<16xf32, #tpu.memory_space<vmem_shared>>) target(%dma_start3A_312 : memref<16xf32, #tpu.memory_space<vmem>>) target_semaphore(%arg43 : memref<!tpu.dma_semaphore, #tpu.memory_space<semaphore_mem>>)
      %dma_start3A_314 = arith.constant 112 : i32
      %dma_start3A_315 = tpu.memref_slice %arg27[%dma_start3A_314] : memref<256xi32, #tpu.memory_space<vmem>> -> memref<16xi32, #tpu.memory_space<vmem>>
      %dma_start3A_316 = tpu.memref_slice %arg37[%multiple_of3A_307] : memref<25600xi32, #tpu.memory_space<vmem_shared>> -> memref<16xi32, #tpu.memory_space<vmem_shared>>
      %dma_start3A_317 = arith.constant 112 : i32
      %dma_start3A_318 = tpu.memref_slice %arg27[%dma_start3A_317] : memref<256xi32, #tpu.memory_space<vmem>> -> memref<16xi32, #tpu.memory_space<vmem>>
      %dma_start3A_319 = tpu.memref_slice %arg37[%multiple_of3A_307] : memref<25600xi32, #tpu.memory_space<vmem_shared>> -> memref<16xi32, #tpu.memory_space<vmem_shared>>
      tpu.enqueue_dma source(%dma_start3A_319 : memref<16xi32, #tpu.memory_space<vmem_shared>>) target(%dma_start3A_318 : memref<16xi32, #tpu.memory_space<vmem>>) target_semaphore(%arg43 : memref<!tpu.dma_semaphore, #tpu.memory_space<semaphore_mem>>)
      %dma_start3A_320 = arith.constant 112 : i32
      %dma_start3A_321 = tpu.memref_slice %arg28[%dma_start3A_320] : memref<256xf32, #tpu.memory_space<vmem>> -> memref<16xf32, #tpu.memory_space<vmem>>
      %dma_start3A_322 = tpu.memref_slice %arg38[%multiple_of3A_307] : memref<25600xf32, #tpu.memory_space<vmem_shared>> -> memref<16xf32, #tpu.memory_space<vmem_shared>>
      %dma_start3A_323 = arith.constant 112 : i32
      %dma_start3A_324 = tpu.memref_slice %arg28[%dma_start3A_323] : memref<256xf32, #tpu.memory_space<vmem>> -> memref<16xf32, #tpu.memory_space<vmem>>
      %dma_start3A_325 = tpu.memref_slice %arg38[%multiple_of3A_307] : memref<25600xf32, #tpu.memory_space<vmem_shared>> -> memref<16xf32, #tpu.memory_space<vmem_shared>>
      tpu.enqueue_dma source(%dma_start3A_325 : memref<16xf32, #tpu.memory_space<vmem_shared>>) target(%dma_start3A_324 : memref<16xf32, #tpu.memory_space<vmem>>) target_semaphore(%arg43 : memref<!tpu.dma_semaphore, #tpu.memory_space<semaphore_mem>>)
      %dma_start3A_326 = arith.constant 112 : i32
      %dma_start3A_327 = tpu.memref_slice %arg29[%dma_start3A_326] : memref<256xf32, #tpu.memory_space<vmem>> -> memref<16xf32, #tpu.memory_space<vmem>>
      %dma_start3A_328 = tpu.memref_slice %arg39[%multiple_of3A_307] : memref<25600xf32, #tpu.memory_space<vmem_shared>> -> memref<16xf32, #tpu.memory_space<vmem_shared>>
      %dma_start3A_329 = arith.constant 112 : i32
      %dma_start3A_330 = tpu.memref_slice %arg29[%dma_start3A_329] : memref<256xf32, #tpu.memory_space<vmem>> -> memref<16xf32, #tpu.memory_space<vmem>>
      %dma_start3A_331 = tpu.memref_slice %arg39[%multiple_of3A_307] : memref<25600xf32, #tpu.memory_space<vmem_shared>> -> memref<16xf32, #tpu.memory_space<vmem_shared>>
      tpu.enqueue_dma source(%dma_start3A_331 : memref<16xf32, #tpu.memory_space<vmem_shared>>) target(%dma_start3A_330 : memref<16xf32, #tpu.memory_space<vmem>>) target_semaphore(%arg43 : memref<!tpu.dma_semaphore, #tpu.memory_space<semaphore_mem>>)
      %dma_start3A_332 = arith.constant 112 : i32
      %dma_start3A_333 = tpu.memref_slice %arg30[%dma_start3A_332] : memref<256xf32, #tpu.memory_space<vmem>> -> memref<16xf32, #tpu.memory_space<vmem>>
      %dma_start3A_334 = tpu.memref_slice %arg40[%multiple_of3A_307] : memref<25600xf32, #tpu.memory_space<vmem_shared>> -> memref<16xf32, #tpu.memory_space<vmem_shared>>
      %dma_start3A_335 = arith.constant 112 : i32
      %dma_start3A_336 = tpu.memref_slice %arg30[%dma_start3A_335] : memref<256xf32, #tpu.memory_space<vmem>> -> memref<16xf32, #tpu.memory_space<vmem>>
      %dma_start3A_337 = tpu.memref_slice %arg40[%multiple_of3A_307] : memref<25600xf32, #tpu.memory_space<vmem_shared>> -> memref<16xf32, #tpu.memory_space<vmem_shared>>
      tpu.enqueue_dma source(%dma_start3A_337 : memref<16xf32, #tpu.memory_space<vmem_shared>>) target(%dma_start3A_336 : memref<16xf32, #tpu.memory_space<vmem>>) target_semaphore(%arg43 : memref<!tpu.dma_semaphore, #tpu.memory_space<semaphore_mem>>)
      %mul3A_338 = arith.constant 16 : i32
      %mul3A_339 = arith.muli %while3A_58, %mul3A_338 : i32
      %add3A_340 = arith.constant 12800 : i32
      %add3A_341 = arith.addi %add3A_340, %mul3A_339 : i32
      %multiple_of3A_342 = tpu.assume_multiple %add3A_341, 16 : i32
      %dma_start3A_343 = arith.constant 128 : i32
      %dma_start3A_344 = tpu.memref_slice %arg26[%dma_start3A_343] : memref<256xf32, #tpu.memory_space<vmem>> -> memref<16xf32, #tpu.memory_space<vmem>>
      %dma_start3A_345 = tpu.memref_slice %arg36[%multiple_of3A_342] : memref<25600xf32, #tpu.memory_space<vmem_shared>> -> memref<16xf32, #tpu.memory_space<vmem_shared>>
      %dma_start3A_346 = arith.constant 128 : i32
      %dma_start3A_347 = tpu.memref_slice %arg26[%dma_start3A_346] : memref<256xf32, #tpu.memory_space<vmem>> -> memref<16xf32, #tpu.memory_space<vmem>>
      %dma_start3A_348 = tpu.memref_slice %arg36[%multiple_of3A_342] : memref<25600xf32, #tpu.memory_space<vmem_shared>> -> memref<16xf32, #tpu.memory_space<vmem_shared>>
      tpu.enqueue_dma source(%dma_start3A_348 : memref<16xf32, #tpu.memory_space<vmem_shared>>) target(%dma_start3A_347 : memref<16xf32, #tpu.memory_space<vmem>>) target_semaphore(%arg43 : memref<!tpu.dma_semaphore, #tpu.memory_space<semaphore_mem>>)
      %dma_start3A_349 = arith.constant 128 : i32
      %dma_start3A_350 = tpu.memref_slice %arg27[%dma_start3A_349] : memref<256xi32, #tpu.memory_space<vmem>> -> memref<16xi32, #tpu.memory_space<vmem>>
      %dma_start3A_351 = tpu.memref_slice %arg37[%multiple_of3A_342] : memref<25600xi32, #tpu.memory_space<vmem_shared>> -> memref<16xi32, #tpu.memory_space<vmem_shared>>
      %dma_start3A_352 = arith.constant 128 : i32
      %dma_start3A_353 = tpu.memref_slice %arg27[%dma_start3A_352] : memref<256xi32, #tpu.memory_space<vmem>> -> memref<16xi32, #tpu.memory_space<vmem>>
      %dma_start3A_354 = tpu.memref_slice %arg37[%multiple_of3A_342] : memref<25600xi32, #tpu.memory_space<vmem_shared>> -> memref<16xi32, #tpu.memory_space<vmem_shared>>
      tpu.enqueue_dma source(%dma_start3A_354 : memref<16xi32, #tpu.memory_space<vmem_shared>>) target(%dma_start3A_353 : memref<16xi32, #tpu.memory_space<vmem>>) target_semaphore(%arg43 : memref<!tpu.dma_semaphore, #tpu.memory_space<semaphore_mem>>)
      %dma_start3A_355 = arith.constant 128 : i32
      %dma_start3A_356 = tpu.memref_slice %arg28[%dma_start3A_355] : memref<256xf32, #tpu.memory_space<vmem>> -> memref<16xf32, #tpu.memory_space<vmem>>
      %dma_start3A_357 = tpu.memref_slice %arg38[%multiple_of3A_342] : memref<25600xf32, #tpu.memory_space<vmem_shared>> -> memref<16xf32, #tpu.memory_space<vmem_shared>>
      %dma_start3A_358 = arith.constant 128 : i32
      %dma_start3A_359 = tpu.memref_slice %arg28[%dma_start3A_358] : memref<256xf32, #tpu.memory_space<vmem>> -> memref<16xf32, #tpu.memory_space<vmem>>
      %dma_start3A_360 = tpu.memref_slice %arg38[%multiple_of3A_342] : memref<25600xf32, #tpu.memory_space<vmem_shared>> -> memref<16xf32, #tpu.memory_space<vmem_shared>>
      tpu.enqueue_dma source(%dma_start3A_360 : memref<16xf32, #tpu.memory_space<vmem_shared>>) target(%dma_start3A_359 : memref<16xf32, #tpu.memory_space<vmem>>) target_semaphore(%arg43 : memref<!tpu.dma_semaphore, #tpu.memory_space<semaphore_mem>>)
      %dma_start3A_361 = arith.constant 128 : i32
      %dma_start3A_362 = tpu.memref_slice %arg29[%dma_start3A_361] : memref<256xf32, #tpu.memory_space<vmem>> -> memref<16xf32, #tpu.memory_space<vmem>>
      %dma_start3A_363 = tpu.memref_slice %arg39[%multiple_of3A_342] : memref<25600xf32, #tpu.memory_space<vmem_shared>> -> memref<16xf32, #tpu.memory_space<vmem_shared>>
      %dma_start3A_364 = arith.constant 128 : i32
      %dma_start3A_365 = tpu.memref_slice %arg29[%dma_start3A_364] : memref<256xf32, #tpu.memory_space<vmem>> -> memref<16xf32, #tpu.memory_space<vmem>>
      %dma_start3A_366 = tpu.memref_slice %arg39[%multiple_of3A_342] : memref<25600xf32, #tpu.memory_space<vmem_shared>> -> memref<16xf32, #tpu.memory_space<vmem_shared>>
      tpu.enqueue_dma source(%dma_start3A_366 : memref<16xf32, #tpu.memory_space<vmem_shared>>) target(%dma_start3A_365 : memref<16xf32, #tpu.memory_space<vmem>>) target_semaphore(%arg43 : memref<!tpu.dma_semaphore, #tpu.memory_space<semaphore_mem>>)
      %dma_start3A_367 = arith.constant 128 : i32
      %dma_start3A_368 = tpu.memref_slice %arg30[%dma_start3A_367] : memref<256xf32, #tpu.memory_space<vmem>> -> memref<16xf32, #tpu.memory_space<vmem>>
      %dma_start3A_369 = tpu.memref_slice %arg40[%multiple_of3A_342] : memref<25600xf32, #tpu.memory_space<vmem_shared>> -> memref<16xf32, #tpu.memory_space<vmem_shared>>
      %dma_start3A_370 = arith.constant 128 : i32
      %dma_start3A_371 = tpu.memref_slice %arg30[%dma_start3A_370] : memref<256xf32, #tpu.memory_space<vmem>> -> memref<16xf32, #tpu.memory_space<vmem>>
      %dma_start3A_372 = tpu.memref_slice %arg40[%multiple_of3A_342] : memref<25600xf32, #tpu.memory_space<vmem_shared>> -> memref<16xf32, #tpu.memory_space<vmem_shared>>
      tpu.enqueue_dma source(%dma_start3A_372 : memref<16xf32, #tpu.memory_space<vmem_shared>>) target(%dma_start3A_371 : memref<16xf32, #tpu.memory_space<vmem>>) target_semaphore(%arg43 : memref<!tpu.dma_semaphore, #tpu.memory_space<semaphore_mem>>)
      %mul3A_373 = arith.constant 16 : i32
      %mul3A_374 = arith.muli %while3A_58, %mul3A_373 : i32
      %add3A_375 = arith.constant 14400 : i32
      %add3A_376 = arith.addi %add3A_375, %mul3A_374 : i32
      %multiple_of3A_377 = tpu.assume_multiple %add3A_376, 16 : i32
      %dma_start3A_378 = arith.constant 144 : i32
      %dma_start3A_379 = tpu.memref_slice %arg26[%dma_start3A_378] : memref<256xf32, #tpu.memory_space<vmem>> -> memref<16xf32, #tpu.memory_space<vmem>>
      %dma_start3A_380 = tpu.memref_slice %arg36[%multiple_of3A_377] : memref<25600xf32, #tpu.memory_space<vmem_shared>> -> memref<16xf32, #tpu.memory_space<vmem_shared>>
      %dma_start3A_381 = arith.constant 144 : i32
      %dma_start3A_382 = tpu.memref_slice %arg26[%dma_start3A_381] : memref<256xf32, #tpu.memory_space<vmem>> -> memref<16xf32, #tpu.memory_space<vmem>>
      %dma_start3A_383 = tpu.memref_slice %arg36[%multiple_of3A_377] : memref<25600xf32, #tpu.memory_space<vmem_shared>> -> memref<16xf32, #tpu.memory_space<vmem_shared>>
      tpu.enqueue_dma source(%dma_start3A_383 : memref<16xf32, #tpu.memory_space<vmem_shared>>) target(%dma_start3A_382 : memref<16xf32, #tpu.memory_space<vmem>>) target_semaphore(%arg43 : memref<!tpu.dma_semaphore, #tpu.memory_space<semaphore_mem>>)
      %dma_start3A_384 = arith.constant 144 : i32
      %dma_start3A_385 = tpu.memref_slice %arg27[%dma_start3A_384] : memref<256xi32, #tpu.memory_space<vmem>> -> memref<16xi32, #tpu.memory_space<vmem>>
      %dma_start3A_386 = tpu.memref_slice %arg37[%multiple_of3A_377] : memref<25600xi32, #tpu.memory_space<vmem_shared>> -> memref<16xi32, #tpu.memory_space<vmem_shared>>
      %dma_start3A_387 = arith.constant 144 : i32
      %dma_start3A_388 = tpu.memref_slice %arg27[%dma_start3A_387] : memref<256xi32, #tpu.memory_space<vmem>> -> memref<16xi32, #tpu.memory_space<vmem>>
      %dma_start3A_389 = tpu.memref_slice %arg37[%multiple_of3A_377] : memref<25600xi32, #tpu.memory_space<vmem_shared>> -> memref<16xi32, #tpu.memory_space<vmem_shared>>
      tpu.enqueue_dma source(%dma_start3A_389 : memref<16xi32, #tpu.memory_space<vmem_shared>>) target(%dma_start3A_388 : memref<16xi32, #tpu.memory_space<vmem>>) target_semaphore(%arg43 : memref<!tpu.dma_semaphore, #tpu.memory_space<semaphore_mem>>)
      %dma_start3A_390 = arith.constant 144 : i32
      %dma_start3A_391 = tpu.memref_slice %arg28[%dma_start3A_390] : memref<256xf32, #tpu.memory_space<vmem>> -> memref<16xf32, #tpu.memory_space<vmem>>
      %dma_start3A_392 = tpu.memref_slice %arg38[%multiple_of3A_377] : memref<25600xf32, #tpu.memory_space<vmem_shared>> -> memref<16xf32, #tpu.memory_space<vmem_shared>>
      %dma_start3A_393 = arith.constant 144 : i32
      %dma_start3A_394 = tpu.memref_slice %arg28[%dma_start3A_393] : memref<256xf32, #tpu.memory_space<vmem>> -> memref<16xf32, #tpu.memory_space<vmem>>
      %dma_start3A_395 = tpu.memref_slice %arg38[%multiple_of3A_377] : memref<25600xf32, #tpu.memory_space<vmem_shared>> -> memref<16xf32, #tpu.memory_space<vmem_shared>>
      tpu.enqueue_dma source(%dma_start3A_395 : memref<16xf32, #tpu.memory_space<vmem_shared>>) target(%dma_start3A_394 : memref<16xf32, #tpu.memory_space<vmem>>) target_semaphore(%arg43 : memref<!tpu.dma_semaphore, #tpu.memory_space<semaphore_mem>>)
      %dma_start3A_396 = arith.constant 144 : i32
      %dma_start3A_397 = tpu.memref_slice %arg29[%dma_start3A_396] : memref<256xf32, #tpu.memory_space<vmem>> -> memref<16xf32, #tpu.memory_space<vmem>>
      %dma_start3A_398 = tpu.memref_slice %arg39[%multiple_of3A_377] : memref<25600xf32, #tpu.memory_space<vmem_shared>> -> memref<16xf32, #tpu.memory_space<vmem_shared>>
      %dma_start3A_399 = arith.constant 144 : i32
      %dma_start3A_400 = tpu.memref_slice %arg29[%dma_start3A_399] : memref<256xf32, #tpu.memory_space<vmem>> -> memref<16xf32, #tpu.memory_space<vmem>>
      %dma_start3A_401 = tpu.memref_slice %arg39[%multiple_of3A_377] : memref<25600xf32, #tpu.memory_space<vmem_shared>> -> memref<16xf32, #tpu.memory_space<vmem_shared>>
      tpu.enqueue_dma source(%dma_start3A_401 : memref<16xf32, #tpu.memory_space<vmem_shared>>) target(%dma_start3A_400 : memref<16xf32, #tpu.memory_space<vmem>>) target_semaphore(%arg43 : memref<!tpu.dma_semaphore, #tpu.memory_space<semaphore_mem>>)
      %dma_start3A_402 = arith.constant 144 : i32
      %dma_start3A_403 = tpu.memref_slice %arg30[%dma_start3A_402] : memref<256xf32, #tpu.memory_space<vmem>> -> memref<16xf32, #tpu.memory_space<vmem>>
      %dma_start3A_404 = tpu.memref_slice %arg40[%multiple_of3A_377] : memref<25600xf32, #tpu.memory_space<vmem_shared>> -> memref<16xf32, #tpu.memory_space<vmem_shared>>
      %dma_start3A_405 = arith.constant 144 : i32
      %dma_start3A_406 = tpu.memref_slice %arg30[%dma_start3A_405] : memref<256xf32, #tpu.memory_space<vmem>> -> memref<16xf32, #tpu.memory_space<vmem>>
      %dma_start3A_407 = tpu.memref_slice %arg40[%multiple_of3A_377] : memref<25600xf32, #tpu.memory_space<vmem_shared>> -> memref<16xf32, #tpu.memory_space<vmem_shared>>
      tpu.enqueue_dma source(%dma_start3A_407 : memref<16xf32, #tpu.memory_space<vmem_shared>>) target(%dma_start3A_406 : memref<16xf32, #tpu.memory_space<vmem>>) target_semaphore(%arg43 : memref<!tpu.dma_semaphore, #tpu.memory_space<semaphore_mem>>)
      %mul3A_408 = arith.constant 16 : i32
      %mul3A_409 = arith.muli %while3A_58, %mul3A_408 : i32
      %add3A_410 = arith.constant 16000 : i32
      %add3A_411 = arith.addi %add3A_410, %mul3A_409 : i32
      %multiple_of3A_412 = tpu.assume_multiple %add3A_411, 16 : i32
      %dma_start3A_413 = arith.constant 160 : i32
      %dma_start3A_414 = tpu.memref_slice %arg26[%dma_start3A_413] : memref<256xf32, #tpu.memory_space<vmem>> -> memref<16xf32, #tpu.memory_space<vmem>>
      %dma_start3A_415 = tpu.memref_slice %arg36[%multiple_of3A_412] : memref<25600xf32, #tpu.memory_space<vmem_shared>> -> memref<16xf32, #tpu.memory_space<vmem_shared>>
      %dma_start3A_416 = arith.constant 160 : i32
      %dma_start3A_417 = tpu.memref_slice %arg26[%dma_start3A_416] : memref<256xf32, #tpu.memory_space<vmem>> -> memref<16xf32, #tpu.memory_space<vmem>>
      %dma_start3A_418 = tpu.memref_slice %arg36[%multiple_of3A_412] : memref<25600xf32, #tpu.memory_space<vmem_shared>> -> memref<16xf32, #tpu.memory_space<vmem_shared>>
      tpu.enqueue_dma source(%dma_start3A_418 : memref<16xf32, #tpu.memory_space<vmem_shared>>) target(%dma_start3A_417 : memref<16xf32, #tpu.memory_space<vmem>>) target_semaphore(%arg43 : memref<!tpu.dma_semaphore, #tpu.memory_space<semaphore_mem>>)
      %dma_start3A_419 = arith.constant 160 : i32
      %dma_start3A_420 = tpu.memref_slice %arg27[%dma_start3A_419] : memref<256xi32, #tpu.memory_space<vmem>> -> memref<16xi32, #tpu.memory_space<vmem>>
      %dma_start3A_421 = tpu.memref_slice %arg37[%multiple_of3A_412] : memref<25600xi32, #tpu.memory_space<vmem_shared>> -> memref<16xi32, #tpu.memory_space<vmem_shared>>
      %dma_start3A_422 = arith.constant 160 : i32
      %dma_start3A_423 = tpu.memref_slice %arg27[%dma_start3A_422] : memref<256xi32, #tpu.memory_space<vmem>> -> memref<16xi32, #tpu.memory_space<vmem>>
      %dma_start3A_424 = tpu.memref_slice %arg37[%multiple_of3A_412] : memref<25600xi32, #tpu.memory_space<vmem_shared>> -> memref<16xi32, #tpu.memory_space<vmem_shared>>
      tpu.enqueue_dma source(%dma_start3A_424 : memref<16xi32, #tpu.memory_space<vmem_shared>>) target(%dma_start3A_423 : memref<16xi32, #tpu.memory_space<vmem>>) target_semaphore(%arg43 : memref<!tpu.dma_semaphore, #tpu.memory_space<semaphore_mem>>)
      %dma_start3A_425 = arith.constant 160 : i32
      %dma_start3A_426 = tpu.memref_slice %arg28[%dma_start3A_425] : memref<256xf32, #tpu.memory_space<vmem>> -> memref<16xf32, #tpu.memory_space<vmem>>
      %dma_start3A_427 = tpu.memref_slice %arg38[%multiple_of3A_412] : memref<25600xf32, #tpu.memory_space<vmem_shared>> -> memref<16xf32, #tpu.memory_space<vmem_shared>>
      %dma_start3A_428 = arith.constant 160 : i32
      %dma_start3A_429 = tpu.memref_slice %arg28[%dma_start3A_428] : memref<256xf32, #tpu.memory_space<vmem>> -> memref<16xf32, #tpu.memory_space<vmem>>
      %dma_start3A_430 = tpu.memref_slice %arg38[%multiple_of3A_412] : memref<25600xf32, #tpu.memory_space<vmem_shared>> -> memref<16xf32, #tpu.memory_space<vmem_shared>>
      tpu.enqueue_dma source(%dma_start3A_430 : memref<16xf32, #tpu.memory_space<vmem_shared>>) target(%dma_start3A_429 : memref<16xf32, #tpu.memory_space<vmem>>) target_semaphore(%arg43 : memref<!tpu.dma_semaphore, #tpu.memory_space<semaphore_mem>>)
      %dma_start3A_431 = arith.constant 160 : i32
      %dma_start3A_432 = tpu.memref_slice %arg29[%dma_start3A_431] : memref<256xf32, #tpu.memory_space<vmem>> -> memref<16xf32, #tpu.memory_space<vmem>>
      %dma_start3A_433 = tpu.memref_slice %arg39[%multiple_of3A_412] : memref<25600xf32, #tpu.memory_space<vmem_shared>> -> memref<16xf32, #tpu.memory_space<vmem_shared>>
      %dma_start3A_434 = arith.constant 160 : i32
      %dma_start3A_435 = tpu.memref_slice %arg29[%dma_start3A_434] : memref<256xf32, #tpu.memory_space<vmem>> -> memref<16xf32, #tpu.memory_space<vmem>>
      %dma_start3A_436 = tpu.memref_slice %arg39[%multiple_of3A_412] : memref<25600xf32, #tpu.memory_space<vmem_shared>> -> memref<16xf32, #tpu.memory_space<vmem_shared>>
      tpu.enqueue_dma source(%dma_start3A_436 : memref<16xf32, #tpu.memory_space<vmem_shared>>) target(%dma_start3A_435 : memref<16xf32, #tpu.memory_space<vmem>>) target_semaphore(%arg43 : memref<!tpu.dma_semaphore, #tpu.memory_space<semaphore_mem>>)
      %dma_start3A_437 = arith.constant 160 : i32
      %dma_start3A_438 = tpu.memref_slice %arg30[%dma_start3A_437] : memref<256xf32, #tpu.memory_space<vmem>> -> memref<16xf32, #tpu.memory_space<vmem>>
      %dma_start3A_439 = tpu.memref_slice %arg40[%multiple_of3A_412] : memref<25600xf32, #tpu.memory_space<vmem_shared>> -> memref<16xf32, #tpu.memory_space<vmem_shared>>
      %dma_start3A_440 = arith.constant 160 : i32
      %dma_start3A_441 = tpu.memref_slice %arg30[%dma_start3A_440] : memref<256xf32, #tpu.memory_space<vmem>> -> memref<16xf32, #tpu.memory_space<vmem>>
      %dma_start3A_442 = tpu.memref_slice %arg40[%multiple_of3A_412] : memref<25600xf32, #tpu.memory_space<vmem_shared>> -> memref<16xf32, #tpu.memory_space<vmem_shared>>
      tpu.enqueue_dma source(%dma_start3A_442 : memref<16xf32, #tpu.memory_space<vmem_shared>>) target(%dma_start3A_441 : memref<16xf32, #tpu.memory_space<vmem>>) target_semaphore(%arg43 : memref<!tpu.dma_semaphore, #tpu.memory_space<semaphore_mem>>)
      %mul3A_443 = arith.constant 16 : i32
      %mul3A_444 = arith.muli %while3A_58, %mul3A_443 : i32
      %add3A_445 = arith.constant 17600 : i32
      %add3A_446 = arith.addi %add3A_445, %mul3A_444 : i32
      %multiple_of3A_447 = tpu.assume_multiple %add3A_446, 16 : i32
      %dma_start3A_448 = arith.constant 176 : i32
      %dma_start3A_449 = tpu.memref_slice %arg26[%dma_start3A_448] : memref<256xf32, #tpu.memory_space<vmem>> -> memref<16xf32, #tpu.memory_space<vmem>>
      %dma_start3A_450 = tpu.memref_slice %arg36[%multiple_of3A_447] : memref<25600xf32, #tpu.memory_space<vmem_shared>> -> memref<16xf32, #tpu.memory_space<vmem_shared>>
      %dma_start3A_451 = arith.constant 176 : i32
      %dma_start3A_452 = tpu.memref_slice %arg26[%dma_start3A_451] : memref<256xf32, #tpu.memory_space<vmem>> -> memref<16xf32, #tpu.memory_space<vmem>>
      %dma_start3A_453 = tpu.memref_slice %arg36[%multiple_of3A_447] : memref<25600xf32, #tpu.memory_space<vmem_shared>> -> memref<16xf32, #tpu.memory_space<vmem_shared>>
      tpu.enqueue_dma source(%dma_start3A_453 : memref<16xf32, #tpu.memory_space<vmem_shared>>) target(%dma_start3A_452 : memref<16xf32, #tpu.memory_space<vmem>>) target_semaphore(%arg43 : memref<!tpu.dma_semaphore, #tpu.memory_space<semaphore_mem>>)
      %dma_start3A_454 = arith.constant 176 : i32
      %dma_start3A_455 = tpu.memref_slice %arg27[%dma_start3A_454] : memref<256xi32, #tpu.memory_space<vmem>> -> memref<16xi32, #tpu.memory_space<vmem>>
      %dma_start3A_456 = tpu.memref_slice %arg37[%multiple_of3A_447] : memref<25600xi32, #tpu.memory_space<vmem_shared>> -> memref<16xi32, #tpu.memory_space<vmem_shared>>
      %dma_start3A_457 = arith.constant 176 : i32
      %dma_start3A_458 = tpu.memref_slice %arg27[%dma_start3A_457] : memref<256xi32, #tpu.memory_space<vmem>> -> memref<16xi32, #tpu.memory_space<vmem>>
      %dma_start3A_459 = tpu.memref_slice %arg37[%multiple_of3A_447] : memref<25600xi32, #tpu.memory_space<vmem_shared>> -> memref<16xi32, #tpu.memory_space<vmem_shared>>
      tpu.enqueue_dma source(%dma_start3A_459 : memref<16xi32, #tpu.memory_space<vmem_shared>>) target(%dma_start3A_458 : memref<16xi32, #tpu.memory_space<vmem>>) target_semaphore(%arg43 : memref<!tpu.dma_semaphore, #tpu.memory_space<semaphore_mem>>)
      %dma_start3A_460 = arith.constant 176 : i32
      %dma_start3A_461 = tpu.memref_slice %arg28[%dma_start3A_460] : memref<256xf32, #tpu.memory_space<vmem>> -> memref<16xf32, #tpu.memory_space<vmem>>
      %dma_start3A_462 = tpu.memref_slice %arg38[%multiple_of3A_447] : memref<25600xf32, #tpu.memory_space<vmem_shared>> -> memref<16xf32, #tpu.memory_space<vmem_shared>>
      %dma_start3A_463 = arith.constant 176 : i32
      %dma_start3A_464 = tpu.memref_slice %arg28[%dma_start3A_463] : memref<256xf32, #tpu.memory_space<vmem>> -> memref<16xf32, #tpu.memory_space<vmem>>
      %dma_start3A_465 = tpu.memref_slice %arg38[%multiple_of3A_447] : memref<25600xf32, #tpu.memory_space<vmem_shared>> -> memref<16xf32, #tpu.memory_space<vmem_shared>>
      tpu.enqueue_dma source(%dma_start3A_465 : memref<16xf32, #tpu.memory_space<vmem_shared>>) target(%dma_start3A_464 : memref<16xf32, #tpu.memory_space<vmem>>) target_semaphore(%arg43 : memref<!tpu.dma_semaphore, #tpu.memory_space<semaphore_mem>>)
      %dma_start3A_466 = arith.constant 176 : i32
      %dma_start3A_467 = tpu.memref_slice %arg29[%dma_start3A_466] : memref<256xf32, #tpu.memory_space<vmem>> -> memref<16xf32, #tpu.memory_space<vmem>>
      %dma_start3A_468 = tpu.memref_slice %arg39[%multiple_of3A_447] : memref<25600xf32, #tpu.memory_space<vmem_shared>> -> memref<16xf32, #tpu.memory_space<vmem_shared>>
      %dma_start3A_469 = arith.constant 176 : i32
      %dma_start3A_470 = tpu.memref_slice %arg29[%dma_start3A_469] : memref<256xf32, #tpu.memory_space<vmem>> -> memref<16xf32, #tpu.memory_space<vmem>>
      %dma_start3A_471 = tpu.memref_slice %arg39[%multiple_of3A_447] : memref<25600xf32, #tpu.memory_space<vmem_shared>> -> memref<16xf32, #tpu.memory_space<vmem_shared>>
      tpu.enqueue_dma source(%dma_start3A_471 : memref<16xf32, #tpu.memory_space<vmem_shared>>) target(%dma_start3A_470 : memref<16xf32, #tpu.memory_space<vmem>>) target_semaphore(%arg43 : memref<!tpu.dma_semaphore, #tpu.memory_space<semaphore_mem>>)
      %dma_start3A_472 = arith.constant 176 : i32
      %dma_start3A_473 = tpu.memref_slice %arg30[%dma_start3A_472] : memref<256xf32, #tpu.memory_space<vmem>> -> memref<16xf32, #tpu.memory_space<vmem>>
      %dma_start3A_474 = tpu.memref_slice %arg40[%multiple_of3A_447] : memref<25600xf32, #tpu.memory_space<vmem_shared>> -> memref<16xf32, #tpu.memory_space<vmem_shared>>
      %dma_start3A_475 = arith.constant 176 : i32
      %dma_start3A_476 = tpu.memref_slice %arg30[%dma_start3A_475] : memref<256xf32, #tpu.memory_space<vmem>> -> memref<16xf32, #tpu.memory_space<vmem>>
      %dma_start3A_477 = tpu.memref_slice %arg40[%multiple_of3A_447] : memref<25600xf32, #tpu.memory_space<vmem_shared>> -> memref<16xf32, #tpu.memory_space<vmem_shared>>
      tpu.enqueue_dma source(%dma_start3A_477 : memref<16xf32, #tpu.memory_space<vmem_shared>>) target(%dma_start3A_476 : memref<16xf32, #tpu.memory_space<vmem>>) target_semaphore(%arg43 : memref<!tpu.dma_semaphore, #tpu.memory_space<semaphore_mem>>)
      %mul3A_478 = arith.constant 16 : i32
      %mul3A_479 = arith.muli %while3A_58, %mul3A_478 : i32
      %add3A_480 = arith.constant 19200 : i32
      %add3A_481 = arith.addi %add3A_480, %mul3A_479 : i32
      %multiple_of3A_482 = tpu.assume_multiple %add3A_481, 16 : i32
      %dma_start3A_483 = arith.constant 192 : i32
      %dma_start3A_484 = tpu.memref_slice %arg26[%dma_start3A_483] : memref<256xf32, #tpu.memory_space<vmem>> -> memref<16xf32, #tpu.memory_space<vmem>>
      %dma_start3A_485 = tpu.memref_slice %arg36[%multiple_of3A_482] : memref<25600xf32, #tpu.memory_space<vmem_shared>> -> memref<16xf32, #tpu.memory_space<vmem_shared>>
      %dma_start3A_486 = arith.constant 192 : i32
      %dma_start3A_487 = tpu.memref_slice %arg26[%dma_start3A_486] : memref<256xf32, #tpu.memory_space<vmem>> -> memref<16xf32, #tpu.memory_space<vmem>>
      %dma_start3A_488 = tpu.memref_slice %arg36[%multiple_of3A_482] : memref<25600xf32, #tpu.memory_space<vmem_shared>> -> memref<16xf32, #tpu.memory_space<vmem_shared>>
      tpu.enqueue_dma source(%dma_start3A_488 : memref<16xf32, #tpu.memory_space<vmem_shared>>) target(%dma_start3A_487 : memref<16xf32, #tpu.memory_space<vmem>>) target_semaphore(%arg43 : memref<!tpu.dma_semaphore, #tpu.memory_space<semaphore_mem>>)
      %dma_start3A_489 = arith.constant 192 : i32
      %dma_start3A_490 = tpu.memref_slice %arg27[%dma_start3A_489] : memref<256xi32, #tpu.memory_space<vmem>> -> memref<16xi32, #tpu.memory_space<vmem>>
      %dma_start3A_491 = tpu.memref_slice %arg37[%multiple_of3A_482] : memref<25600xi32, #tpu.memory_space<vmem_shared>> -> memref<16xi32, #tpu.memory_space<vmem_shared>>
      %dma_start3A_492 = arith.constant 192 : i32
      %dma_start3A_493 = tpu.memref_slice %arg27[%dma_start3A_492] : memref<256xi32, #tpu.memory_space<vmem>> -> memref<16xi32, #tpu.memory_space<vmem>>
      %dma_start3A_494 = tpu.memref_slice %arg37[%multiple_of3A_482] : memref<25600xi32, #tpu.memory_space<vmem_shared>> -> memref<16xi32, #tpu.memory_space<vmem_shared>>
      tpu.enqueue_dma source(%dma_start3A_494 : memref<16xi32, #tpu.memory_space<vmem_shared>>) target(%dma_start3A_493 : memref<16xi32, #tpu.memory_space<vmem>>) target_semaphore(%arg43 : memref<!tpu.dma_semaphore, #tpu.memory_space<semaphore_mem>>)
      %dma_start3A_495 = arith.constant 192 : i32
      %dma_start3A_496 = tpu.memref_slice %arg28[%dma_start3A_495] : memref<256xf32, #tpu.memory_space<vmem>> -> memref<16xf32, #tpu.memory_space<vmem>>
      %dma_start3A_497 = tpu.memref_slice %arg38[%multiple_of3A_482] : memref<25600xf32, #tpu.memory_space<vmem_shared>> -> memref<16xf32, #tpu.memory_space<vmem_shared>>
      %dma_start3A_498 = arith.constant 192 : i32
      %dma_start3A_499 = tpu.memref_slice %arg28[%dma_start3A_498] : memref<256xf32, #tpu.memory_space<vmem>> -> memref<16xf32, #tpu.memory_space<vmem>>
      %dma_start3A_500 = tpu.memref_slice %arg38[%multiple_of3A_482] : memref<25600xf32, #tpu.memory_space<vmem_shared>> -> memref<16xf32, #tpu.memory_space<vmem_shared>>
      tpu.enqueue_dma source(%dma_start3A_500 : memref<16xf32, #tpu.memory_space<vmem_shared>>) target(%dma_start3A_499 : memref<16xf32, #tpu.memory_space<vmem>>) target_semaphore(%arg43 : memref<!tpu.dma_semaphore, #tpu.memory_space<semaphore_mem>>)
      %dma_start3A_501 = arith.constant 192 : i32
      %dma_start3A_502 = tpu.memref_slice %arg29[%dma_start3A_501] : memref<256xf32, #tpu.memory_space<vmem>> -> memref<16xf32, #tpu.memory_space<vmem>>
      %dma_start3A_503 = tpu.memref_slice %arg39[%multiple_of3A_482] : memref<25600xf32, #tpu.memory_space<vmem_shared>> -> memref<16xf32, #tpu.memory_space<vmem_shared>>
      %dma_start3A_504 = arith.constant 192 : i32
      %dma_start3A_505 = tpu.memref_slice %arg29[%dma_start3A_504] : memref<256xf32, #tpu.memory_space<vmem>> -> memref<16xf32, #tpu.memory_space<vmem>>
      %dma_start3A_506 = tpu.memref_slice %arg39[%multiple_of3A_482] : memref<25600xf32, #tpu.memory_space<vmem_shared>> -> memref<16xf32, #tpu.memory_space<vmem_shared>>
      tpu.enqueue_dma source(%dma_start3A_506 : memref<16xf32, #tpu.memory_space<vmem_shared>>) target(%dma_start3A_505 : memref<16xf32, #tpu.memory_space<vmem>>) target_semaphore(%arg43 : memref<!tpu.dma_semaphore, #tpu.memory_space<semaphore_mem>>)
      %dma_start3A_507 = arith.constant 192 : i32
      %dma_start3A_508 = tpu.memref_slice %arg30[%dma_start3A_507] : memref<256xf32, #tpu.memory_space<vmem>> -> memref<16xf32, #tpu.memory_space<vmem>>
      %dma_start3A_509 = tpu.memref_slice %arg40[%multiple_of3A_482] : memref<25600xf32, #tpu.memory_space<vmem_shared>> -> memref<16xf32, #tpu.memory_space<vmem_shared>>
      %dma_start3A_510 = arith.constant 192 : i32
      %dma_start3A_511 = tpu.memref_slice %arg30[%dma_start3A_510] : memref<256xf32, #tpu.memory_space<vmem>> -> memref<16xf32, #tpu.memory_space<vmem>>
      %dma_start3A_512 = tpu.memref_slice %arg40[%multiple_of3A_482] : memref<25600xf32, #tpu.memory_space<vmem_shared>> -> memref<16xf32, #tpu.memory_space<vmem_shared>>
      tpu.enqueue_dma source(%dma_start3A_512 : memref<16xf32, #tpu.memory_space<vmem_shared>>) target(%dma_start3A_511 : memref<16xf32, #tpu.memory_space<vmem>>) target_semaphore(%arg43 : memref<!tpu.dma_semaphore, #tpu.memory_space<semaphore_mem>>)
      %mul3A_513 = arith.constant 16 : i32
      %mul3A_514 = arith.muli %while3A_58, %mul3A_513 : i32
      %add3A_515 = arith.constant 20800 : i32
      %add3A_516 = arith.addi %add3A_515, %mul3A_514 : i32
      %multiple_of3A_517 = tpu.assume_multiple %add3A_516, 16 : i32
      %dma_start3A_518 = arith.constant 208 : i32
      %dma_start3A_519 = tpu.memref_slice %arg26[%dma_start3A_518] : memref<256xf32, #tpu.memory_space<vmem>> -> memref<16xf32, #tpu.memory_space<vmem>>
      %dma_start3A_520 = tpu.memref_slice %arg36[%multiple_of3A_517] : memref<25600xf32, #tpu.memory_space<vmem_shared>> -> memref<16xf32, #tpu.memory_space<vmem_shared>>
      %dma_start3A_521 = arith.constant 208 : i32
      %dma_start3A_522 = tpu.memref_slice %arg26[%dma_start3A_521] : memref<256xf32, #tpu.memory_space<vmem>> -> memref<16xf32, #tpu.memory_space<vmem>>
      %dma_start3A_523 = tpu.memref_slice %arg36[%multiple_of3A_517] : memref<25600xf32, #tpu.memory_space<vmem_shared>> -> memref<16xf32, #tpu.memory_space<vmem_shared>>
      tpu.enqueue_dma source(%dma_start3A_523 : memref<16xf32, #tpu.memory_space<vmem_shared>>) target(%dma_start3A_522 : memref<16xf32, #tpu.memory_space<vmem>>) target_semaphore(%arg43 : memref<!tpu.dma_semaphore, #tpu.memory_space<semaphore_mem>>)
      %dma_start3A_524 = arith.constant 208 : i32
      %dma_start3A_525 = tpu.memref_slice %arg27[%dma_start3A_524] : memref<256xi32, #tpu.memory_space<vmem>> -> memref<16xi32, #tpu.memory_space<vmem>>
      %dma_start3A_526 = tpu.memref_slice %arg37[%multiple_of3A_517] : memref<25600xi32, #tpu.memory_space<vmem_shared>> -> memref<16xi32, #tpu.memory_space<vmem_shared>>
      %dma_start3A_527 = arith.constant 208 : i32
      %dma_start3A_528 = tpu.memref_slice %arg27[%dma_start3A_527] : memref<256xi32, #tpu.memory_space<vmem>> -> memref<16xi32, #tpu.memory_space<vmem>>
      %dma_start3A_529 = tpu.memref_slice %arg37[%multiple_of3A_517] : memref<25600xi32, #tpu.memory_space<vmem_shared>> -> memref<16xi32, #tpu.memory_space<vmem_shared>>
      tpu.enqueue_dma source(%dma_start3A_529 : memref<16xi32, #tpu.memory_space<vmem_shared>>) target(%dma_start3A_528 : memref<16xi32, #tpu.memory_space<vmem>>) target_semaphore(%arg43 : memref<!tpu.dma_semaphore, #tpu.memory_space<semaphore_mem>>)
      %dma_start3A_530 = arith.constant 208 : i32
      %dma_start3A_531 = tpu.memref_slice %arg28[%dma_start3A_530] : memref<256xf32, #tpu.memory_space<vmem>> -> memref<16xf32, #tpu.memory_space<vmem>>
      %dma_start3A_532 = tpu.memref_slice %arg38[%multiple_of3A_517] : memref<25600xf32, #tpu.memory_space<vmem_shared>> -> memref<16xf32, #tpu.memory_space<vmem_shared>>
      %dma_start3A_533 = arith.constant 208 : i32
      %dma_start3A_534 = tpu.memref_slice %arg28[%dma_start3A_533] : memref<256xf32, #tpu.memory_space<vmem>> -> memref<16xf32, #tpu.memory_space<vmem>>
      %dma_start3A_535 = tpu.memref_slice %arg38[%multiple_of3A_517] : memref<25600xf32, #tpu.memory_space<vmem_shared>> -> memref<16xf32, #tpu.memory_space<vmem_shared>>
      tpu.enqueue_dma source(%dma_start3A_535 : memref<16xf32, #tpu.memory_space<vmem_shared>>) target(%dma_start3A_534 : memref<16xf32, #tpu.memory_space<vmem>>) target_semaphore(%arg43 : memref<!tpu.dma_semaphore, #tpu.memory_space<semaphore_mem>>)
      %dma_start3A_536 = arith.constant 208 : i32
      %dma_start3A_537 = tpu.memref_slice %arg29[%dma_start3A_536] : memref<256xf32, #tpu.memory_space<vmem>> -> memref<16xf32, #tpu.memory_space<vmem>>
      %dma_start3A_538 = tpu.memref_slice %arg39[%multiple_of3A_517] : memref<25600xf32, #tpu.memory_space<vmem_shared>> -> memref<16xf32, #tpu.memory_space<vmem_shared>>
      %dma_start3A_539 = arith.constant 208 : i32
      %dma_start3A_540 = tpu.memref_slice %arg29[%dma_start3A_539] : memref<256xf32, #tpu.memory_space<vmem>> -> memref<16xf32, #tpu.memory_space<vmem>>
      %dma_start3A_541 = tpu.memref_slice %arg39[%multiple_of3A_517] : memref<25600xf32, #tpu.memory_space<vmem_shared>> -> memref<16xf32, #tpu.memory_space<vmem_shared>>
      tpu.enqueue_dma source(%dma_start3A_541 : memref<16xf32, #tpu.memory_space<vmem_shared>>) target(%dma_start3A_540 : memref<16xf32, #tpu.memory_space<vmem>>) target_semaphore(%arg43 : memref<!tpu.dma_semaphore, #tpu.memory_space<semaphore_mem>>)
      %dma_start3A_542 = arith.constant 208 : i32
      %dma_start3A_543 = tpu.memref_slice %arg30[%dma_start3A_542] : memref<256xf32, #tpu.memory_space<vmem>> -> memref<16xf32, #tpu.memory_space<vmem>>
      %dma_start3A_544 = tpu.memref_slice %arg40[%multiple_of3A_517] : memref<25600xf32, #tpu.memory_space<vmem_shared>> -> memref<16xf32, #tpu.memory_space<vmem_shared>>
      %dma_start3A_545 = arith.constant 208 : i32
      %dma_start3A_546 = tpu.memref_slice %arg30[%dma_start3A_545] : memref<256xf32, #tpu.memory_space<vmem>> -> memref<16xf32, #tpu.memory_space<vmem>>
      %dma_start3A_547 = tpu.memref_slice %arg40[%multiple_of3A_517] : memref<25600xf32, #tpu.memory_space<vmem_shared>> -> memref<16xf32, #tpu.memory_space<vmem_shared>>
      tpu.enqueue_dma source(%dma_start3A_547 : memref<16xf32, #tpu.memory_space<vmem_shared>>) target(%dma_start3A_546 : memref<16xf32, #tpu.memory_space<vmem>>) target_semaphore(%arg43 : memref<!tpu.dma_semaphore, #tpu.memory_space<semaphore_mem>>)
      %mul3A_548 = arith.constant 16 : i32
      %mul3A_549 = arith.muli %while3A_58, %mul3A_548 : i32
      %add3A_550 = arith.constant 22400 : i32
      %add3A_551 = arith.addi %add3A_550, %mul3A_549 : i32
      %multiple_of3A_552 = tpu.assume_multiple %add3A_551, 16 : i32
      %dma_start3A_553 = arith.constant 224 : i32
      %dma_start3A_554 = tpu.memref_slice %arg26[%dma_start3A_553] : memref<256xf32, #tpu.memory_space<vmem>> -> memref<16xf32, #tpu.memory_space<vmem>>
      %dma_start3A_555 = tpu.memref_slice %arg36[%multiple_of3A_552] : memref<25600xf32, #tpu.memory_space<vmem_shared>> -> memref<16xf32, #tpu.memory_space<vmem_shared>>
      %dma_start3A_556 = arith.constant 224 : i32
      %dma_start3A_557 = tpu.memref_slice %arg26[%dma_start3A_556] : memref<256xf32, #tpu.memory_space<vmem>> -> memref<16xf32, #tpu.memory_space<vmem>>
      %dma_start3A_558 = tpu.memref_slice %arg36[%multiple_of3A_552] : memref<25600xf32, #tpu.memory_space<vmem_shared>> -> memref<16xf32, #tpu.memory_space<vmem_shared>>
      tpu.enqueue_dma source(%dma_start3A_558 : memref<16xf32, #tpu.memory_space<vmem_shared>>) target(%dma_start3A_557 : memref<16xf32, #tpu.memory_space<vmem>>) target_semaphore(%arg43 : memref<!tpu.dma_semaphore, #tpu.memory_space<semaphore_mem>>)
      %dma_start3A_559 = arith.constant 224 : i32
      %dma_start3A_560 = tpu.memref_slice %arg27[%dma_start3A_559] : memref<256xi32, #tpu.memory_space<vmem>> -> memref<16xi32, #tpu.memory_space<vmem>>
      %dma_start3A_561 = tpu.memref_slice %arg37[%multiple_of3A_552] : memref<25600xi32, #tpu.memory_space<vmem_shared>> -> memref<16xi32, #tpu.memory_space<vmem_shared>>
      %dma_start3A_562 = arith.constant 224 : i32
      %dma_start3A_563 = tpu.memref_slice %arg27[%dma_start3A_562] : memref<256xi32, #tpu.memory_space<vmem>> -> memref<16xi32, #tpu.memory_space<vmem>>
      %dma_start3A_564 = tpu.memref_slice %arg37[%multiple_of3A_552] : memref<25600xi32, #tpu.memory_space<vmem_shared>> -> memref<16xi32, #tpu.memory_space<vmem_shared>>
      tpu.enqueue_dma source(%dma_start3A_564 : memref<16xi32, #tpu.memory_space<vmem_shared>>) target(%dma_start3A_563 : memref<16xi32, #tpu.memory_space<vmem>>) target_semaphore(%arg43 : memref<!tpu.dma_semaphore, #tpu.memory_space<semaphore_mem>>)
      %dma_start3A_565 = arith.constant 224 : i32
      %dma_start3A_566 = tpu.memref_slice %arg28[%dma_start3A_565] : memref<256xf32, #tpu.memory_space<vmem>> -> memref<16xf32, #tpu.memory_space<vmem>>
      %dma_start3A_567 = tpu.memref_slice %arg38[%multiple_of3A_552] : memref<25600xf32, #tpu.memory_space<vmem_shared>> -> memref<16xf32, #tpu.memory_space<vmem_shared>>
      %dma_start3A_568 = arith.constant 224 : i32
      %dma_start3A_569 = tpu.memref_slice %arg28[%dma_start3A_568] : memref<256xf32, #tpu.memory_space<vmem>> -> memref<16xf32, #tpu.memory_space<vmem>>
      %dma_start3A_570 = tpu.memref_slice %arg38[%multiple_of3A_552] : memref<25600xf32, #tpu.memory_space<vmem_shared>> -> memref<16xf32, #tpu.memory_space<vmem_shared>>
      tpu.enqueue_dma source(%dma_start3A_570 : memref<16xf32, #tpu.memory_space<vmem_shared>>) target(%dma_start3A_569 : memref<16xf32, #tpu.memory_space<vmem>>) target_semaphore(%arg43 : memref<!tpu.dma_semaphore, #tpu.memory_space<semaphore_mem>>)
      %dma_start3A_571 = arith.constant 224 : i32
      %dma_start3A_572 = tpu.memref_slice %arg29[%dma_start3A_571] : memref<256xf32, #tpu.memory_space<vmem>> -> memref<16xf32, #tpu.memory_space<vmem>>
      %dma_start3A_573 = tpu.memref_slice %arg39[%multiple_of3A_552] : memref<25600xf32, #tpu.memory_space<vmem_shared>> -> memref<16xf32, #tpu.memory_space<vmem_shared>>
      %dma_start3A_574 = arith.constant 224 : i32
      %dma_start3A_575 = tpu.memref_slice %arg29[%dma_start3A_574] : memref<256xf32, #tpu.memory_space<vmem>> -> memref<16xf32, #tpu.memory_space<vmem>>
      %dma_start3A_576 = tpu.memref_slice %arg39[%multiple_of3A_552] : memref<25600xf32, #tpu.memory_space<vmem_shared>> -> memref<16xf32, #tpu.memory_space<vmem_shared>>
      tpu.enqueue_dma source(%dma_start3A_576 : memref<16xf32, #tpu.memory_space<vmem_shared>>) target(%dma_start3A_575 : memref<16xf32, #tpu.memory_space<vmem>>) target_semaphore(%arg43 : memref<!tpu.dma_semaphore, #tpu.memory_space<semaphore_mem>>)
      %dma_start3A_577 = arith.constant 224 : i32
      %dma_start3A_578 = tpu.memref_slice %arg30[%dma_start3A_577] : memref<256xf32, #tpu.memory_space<vmem>> -> memref<16xf32, #tpu.memory_space<vmem>>
      %dma_start3A_579 = tpu.memref_slice %arg40[%multiple_of3A_552] : memref<25600xf32, #tpu.memory_space<vmem_shared>> -> memref<16xf32, #tpu.memory_space<vmem_shared>>
      %dma_start3A_580 = arith.constant 224 : i32
      %dma_start3A_581 = tpu.memref_slice %arg30[%dma_start3A_580] : memref<256xf32, #tpu.memory_space<vmem>> -> memref<16xf32, #tpu.memory_space<vmem>>
      %dma_start3A_582 = tpu.memref_slice %arg40[%multiple_of3A_552] : memref<25600xf32, #tpu.memory_space<vmem_shared>> -> memref<16xf32, #tpu.memory_space<vmem_shared>>
      tpu.enqueue_dma source(%dma_start3A_582 : memref<16xf32, #tpu.memory_space<vmem_shared>>) target(%dma_start3A_581 : memref<16xf32, #tpu.memory_space<vmem>>) target_semaphore(%arg43 : memref<!tpu.dma_semaphore, #tpu.memory_space<semaphore_mem>>)
      %mul3A_583 = arith.constant 16 : i32
      %mul3A_584 = arith.muli %while3A_58, %mul3A_583 : i32
      %add3A_585 = arith.constant 24000 : i32
      %add3A_586 = arith.addi %add3A_585, %mul3A_584 : i32
      %multiple_of3A_587 = tpu.assume_multiple %add3A_586, 16 : i32
      %dma_start3A_588 = arith.constant 240 : i32
      %dma_start3A_589 = tpu.memref_slice %arg26[%dma_start3A_588] : memref<256xf32, #tpu.memory_space<vmem>> -> memref<16xf32, #tpu.memory_space<vmem>>
      %dma_start3A_590 = tpu.memref_slice %arg36[%multiple_of3A_587] : memref<25600xf32, #tpu.memory_space<vmem_shared>> -> memref<16xf32, #tpu.memory_space<vmem_shared>>
      %dma_start3A_591 = arith.constant 240 : i32
      %dma_start3A_592 = tpu.memref_slice %arg26[%dma_start3A_591] : memref<256xf32, #tpu.memory_space<vmem>> -> memref<16xf32, #tpu.memory_space<vmem>>
      %dma_start3A_593 = tpu.memref_slice %arg36[%multiple_of3A_587] : memref<25600xf32, #tpu.memory_space<vmem_shared>> -> memref<16xf32, #tpu.memory_space<vmem_shared>>
      tpu.enqueue_dma source(%dma_start3A_593 : memref<16xf32, #tpu.memory_space<vmem_shared>>) target(%dma_start3A_592 : memref<16xf32, #tpu.memory_space<vmem>>) target_semaphore(%arg43 : memref<!tpu.dma_semaphore, #tpu.memory_space<semaphore_mem>>)
      %dma_start3A_594 = arith.constant 240 : i32
      %dma_start3A_595 = tpu.memref_slice %arg27[%dma_start3A_594] : memref<256xi32, #tpu.memory_space<vmem>> -> memref<16xi32, #tpu.memory_space<vmem>>
      %dma_start3A_596 = tpu.memref_slice %arg37[%multiple_of3A_587] : memref<25600xi32, #tpu.memory_space<vmem_shared>> -> memref<16xi32, #tpu.memory_space<vmem_shared>>
      %dma_start3A_597 = arith.constant 240 : i32
      %dma_start3A_598 = tpu.memref_slice %arg27[%dma_start3A_597] : memref<256xi32, #tpu.memory_space<vmem>> -> memref<16xi32, #tpu.memory_space<vmem>>
      %dma_start3A_599 = tpu.memref_slice %arg37[%multiple_of3A_587] : memref<25600xi32, #tpu.memory_space<vmem_shared>> -> memref<16xi32, #tpu.memory_space<vmem_shared>>
      tpu.enqueue_dma source(%dma_start3A_599 : memref<16xi32, #tpu.memory_space<vmem_shared>>) target(%dma_start3A_598 : memref<16xi32, #tpu.memory_space<vmem>>) target_semaphore(%arg43 : memref<!tpu.dma_semaphore, #tpu.memory_space<semaphore_mem>>)
      %dma_start3A_600 = arith.constant 240 : i32
      %dma_start3A_601 = tpu.memref_slice %arg28[%dma_start3A_600] : memref<256xf32, #tpu.memory_space<vmem>> -> memref<16xf32, #tpu.memory_space<vmem>>
      %dma_start3A_602 = tpu.memref_slice %arg38[%multiple_of3A_587] : memref<25600xf32, #tpu.memory_space<vmem_shared>> -> memref<16xf32, #tpu.memory_space<vmem_shared>>
      %dma_start3A_603 = arith.constant 240 : i32
      %dma_start3A_604 = tpu.memref_slice %arg28[%dma_start3A_603] : memref<256xf32, #tpu.memory_space<vmem>> -> memref<16xf32, #tpu.memory_space<vmem>>
      %dma_start3A_605 = tpu.memref_slice %arg38[%multiple_of3A_587] : memref<25600xf32, #tpu.memory_space<vmem_shared>> -> memref<16xf32, #tpu.memory_space<vmem_shared>>
      tpu.enqueue_dma source(%dma_start3A_605 : memref<16xf32, #tpu.memory_space<vmem_shared>>) target(%dma_start3A_604 : memref<16xf32, #tpu.memory_space<vmem>>) target_semaphore(%arg43 : memref<!tpu.dma_semaphore, #tpu.memory_space<semaphore_mem>>)
      %dma_start3A_606 = arith.constant 240 : i32
      %dma_start3A_607 = tpu.memref_slice %arg29[%dma_start3A_606] : memref<256xf32, #tpu.memory_space<vmem>> -> memref<16xf32, #tpu.memory_space<vmem>>
      %dma_start3A_608 = tpu.memref_slice %arg39[%multiple_of3A_587] : memref<25600xf32, #tpu.memory_space<vmem_shared>> -> memref<16xf32, #tpu.memory_space<vmem_shared>>
      %dma_start3A_609 = arith.constant 240 : i32
      %dma_start3A_610 = tpu.memref_slice %arg29[%dma_start3A_609] : memref<256xf32, #tpu.memory_space<vmem>> -> memref<16xf32, #tpu.memory_space<vmem>>
      %dma_start3A_611 = tpu.memref_slice %arg39[%multiple_of3A_587] : memref<25600xf32, #tpu.memory_space<vmem_shared>> -> memref<16xf32, #tpu.memory_space<vmem_shared>>
      tpu.enqueue_dma source(%dma_start3A_611 : memref<16xf32, #tpu.memory_space<vmem_shared>>) target(%dma_start3A_610 : memref<16xf32, #tpu.memory_space<vmem>>) target_semaphore(%arg43 : memref<!tpu.dma_semaphore, #tpu.memory_space<semaphore_mem>>)
      %dma_start3A_612 = arith.constant 240 : i32
      %dma_start3A_613 = tpu.memref_slice %arg30[%dma_start3A_612] : memref<256xf32, #tpu.memory_space<vmem>> -> memref<16xf32, #tpu.memory_space<vmem>>
      %dma_start3A_614 = tpu.memref_slice %arg40[%multiple_of3A_587] : memref<25600xf32, #tpu.memory_space<vmem_shared>> -> memref<16xf32, #tpu.memory_space<vmem_shared>>
      %dma_start3A_615 = arith.constant 240 : i32
      %dma_start3A_616 = tpu.memref_slice %arg30[%dma_start3A_615] : memref<256xf32, #tpu.memory_space<vmem>> -> memref<16xf32, #tpu.memory_space<vmem>>
      %dma_start3A_617 = tpu.memref_slice %arg40[%multiple_of3A_587] : memref<25600xf32, #tpu.memory_space<vmem_shared>> -> memref<16xf32, #tpu.memory_space<vmem_shared>>
      tpu.enqueue_dma source(%dma_start3A_617 : memref<16xf32, #tpu.memory_space<vmem_shared>>) target(%dma_start3A_616 : memref<16xf32, #tpu.memory_space<vmem>>) target_semaphore(%arg43 : memref<!tpu.dma_semaphore, #tpu.memory_space<semaphore_mem>>)
      %dma_wait3A = arith.constant 0 : i32
      %dma_wait3A_618 = tpu.memref_slice %arg26[%dma_wait3A] : memref<256xf32, #tpu.memory_space<vmem>> -> memref<16xf32, #tpu.memory_space<vmem>>
      %dma_wait3A_619 = tpu.memref_slice %arg36[%multiple_of3A] : memref<25600xf32, #tpu.memory_space<vmem_shared>> -> memref<16xf32, #tpu.memory_space<vmem_shared>>
      %dma_wait3A_620 = arith.constant 0 : i32
      %dma_wait3A_621 = tpu.memref_slice %arg26[%dma_wait3A_620] : memref<256xf32, #tpu.memory_space<vmem>> -> memref<16xf32, #tpu.memory_space<vmem>>
      %dma_wait3A_622 = tpu.memref_slice %arg36[%multiple_of3A] : memref<25600xf32, #tpu.memory_space<vmem_shared>> -> memref<16xf32, #tpu.memory_space<vmem_shared>>
      tpu.wait_dma2 semaphore(%arg43 : memref<!tpu.dma_semaphore, #tpu.memory_space<semaphore_mem>>) src(%dma_wait3A_622 : memref<16xf32, #tpu.memory_space<vmem_shared>>) dst(%dma_wait3A_621 : memref<16xf32, #tpu.memory_space<vmem>>)
      %dma_wait3A_623 = arith.constant 0 : i32
      %dma_wait3A_624 = tpu.memref_slice %arg27[%dma_wait3A_623] : memref<256xi32, #tpu.memory_space<vmem>> -> memref<16xi32, #tpu.memory_space<vmem>>
      %dma_wait3A_625 = tpu.memref_slice %arg37[%multiple_of3A] : memref<25600xi32, #tpu.memory_space<vmem_shared>> -> memref<16xi32, #tpu.memory_space<vmem_shared>>
      %dma_wait3A_626 = arith.constant 0 : i32
      %dma_wait3A_627 = tpu.memref_slice %arg27[%dma_wait3A_626] : memref<256xi32, #tpu.memory_space<vmem>> -> memref<16xi32, #tpu.memory_space<vmem>>
      %dma_wait3A_628 = tpu.memref_slice %arg37[%multiple_of3A] : memref<25600xi32, #tpu.memory_space<vmem_shared>> -> memref<16xi32, #tpu.memory_space<vmem_shared>>
      tpu.wait_dma2 semaphore(%arg43 : memref<!tpu.dma_semaphore, #tpu.memory_space<semaphore_mem>>) src(%dma_wait3A_628 : memref<16xi32, #tpu.memory_space<vmem_shared>>) dst(%dma_wait3A_627 : memref<16xi32, #tpu.memory_space<vmem>>)
      %dma_wait3A_629 = arith.constant 0 : i32
      %dma_wait3A_630 = tpu.memref_slice %arg28[%dma_wait3A_629] : memref<256xf32, #tpu.memory_space<vmem>> -> memref<16xf32, #tpu.memory_space<vmem>>
      %dma_wait3A_631 = tpu.memref_slice %arg38[%multiple_of3A] : memref<25600xf32, #tpu.memory_space<vmem_shared>> -> memref<16xf32, #tpu.memory_space<vmem_shared>>
      %dma_wait3A_632 = arith.constant 0 : i32
      %dma_wait3A_633 = tpu.memref_slice %arg28[%dma_wait3A_632] : memref<256xf32, #tpu.memory_space<vmem>> -> memref<16xf32, #tpu.memory_space<vmem>>
      %dma_wait3A_634 = tpu.memref_slice %arg38[%multiple_of3A] : memref<25600xf32, #tpu.memory_space<vmem_shared>> -> memref<16xf32, #tpu.memory_space<vmem_shared>>
      tpu.wait_dma2 semaphore(%arg43 : memref<!tpu.dma_semaphore, #tpu.memory_space<semaphore_mem>>) src(%dma_wait3A_634 : memref<16xf32, #tpu.memory_space<vmem_shared>>) dst(%dma_wait3A_633 : memref<16xf32, #tpu.memory_space<vmem>>)
      %dma_wait3A_635 = arith.constant 0 : i32
      %dma_wait3A_636 = tpu.memref_slice %arg29[%dma_wait3A_635] : memref<256xf32, #tpu.memory_space<vmem>> -> memref<16xf32, #tpu.memory_space<vmem>>
      %dma_wait3A_637 = tpu.memref_slice %arg39[%multiple_of3A] : memref<25600xf32, #tpu.memory_space<vmem_shared>> -> memref<16xf32, #tpu.memory_space<vmem_shared>>
      %dma_wait3A_638 = arith.constant 0 : i32
      %dma_wait3A_639 = tpu.memref_slice %arg29[%dma_wait3A_638] : memref<256xf32, #tpu.memory_space<vmem>> -> memref<16xf32, #tpu.memory_space<vmem>>
      %dma_wait3A_640 = tpu.memref_slice %arg39[%multiple_of3A] : memref<25600xf32, #tpu.memory_space<vmem_shared>> -> memref<16xf32, #tpu.memory_space<vmem_shared>>
      tpu.wait_dma2 semaphore(%arg43 : memref<!tpu.dma_semaphore, #tpu.memory_space<semaphore_mem>>) src(%dma_wait3A_640 : memref<16xf32, #tpu.memory_space<vmem_shared>>) dst(%dma_wait3A_639 : memref<16xf32, #tpu.memory_space<vmem>>)
      %dma_wait3A_641 = arith.constant 0 : i32
      %dma_wait3A_642 = tpu.memref_slice %arg30[%dma_wait3A_641] : memref<256xf32, #tpu.memory_space<vmem>> -> memref<16xf32, #tpu.memory_space<vmem>>
      %dma_wait3A_643 = tpu.memref_slice %arg40[%multiple_of3A] : memref<25600xf32, #tpu.memory_space<vmem_shared>> -> memref<16xf32, #tpu.memory_space<vmem_shared>>
      %dma_wait3A_644 = arith.constant 0 : i32
      %dma_wait3A_645 = tpu.memref_slice %arg30[%dma_wait3A_644] : memref<256xf32, #tpu.memory_space<vmem>> -> memref<16xf32, #tpu.memory_space<vmem>>
      %dma_wait3A_646 = tpu.memref_slice %arg40[%multiple_of3A] : memref<25600xf32, #tpu.memory_space<vmem_shared>> -> memref<16xf32, #tpu.memory_space<vmem_shared>>
      tpu.wait_dma2 semaphore(%arg43 : memref<!tpu.dma_semaphore, #tpu.memory_space<semaphore_mem>>) src(%dma_wait3A_646 : memref<16xf32, #tpu.memory_space<vmem_shared>>) dst(%dma_wait3A_645 : memref<16xf32, #tpu.memory_space<vmem>>)
      %dma_wait3A_647 = arith.constant 16 : i32
      %dma_wait3A_648 = tpu.memref_slice %arg26[%dma_wait3A_647] : memref<256xf32, #tpu.memory_space<vmem>> -> memref<16xf32, #tpu.memory_space<vmem>>
      %dma_wait3A_649 = tpu.memref_slice %arg36[%multiple_of3A_97] : memref<25600xf32, #tpu.memory_space<vmem_shared>> -> memref<16xf32, #tpu.memory_space<vmem_shared>>
      %dma_wait3A_650 = arith.constant 16 : i32
      %dma_wait3A_651 = tpu.memref_slice %arg26[%dma_wait3A_650] : memref<256xf32, #tpu.memory_space<vmem>> -> memref<16xf32, #tpu.memory_space<vmem>>
      %dma_wait3A_652 = tpu.memref_slice %arg36[%multiple_of3A_97] : memref<25600xf32, #tpu.memory_space<vmem_shared>> -> memref<16xf32, #tpu.memory_space<vmem_shared>>
      tpu.wait_dma2 semaphore(%arg43 : memref<!tpu.dma_semaphore, #tpu.memory_space<semaphore_mem>>) src(%dma_wait3A_652 : memref<16xf32, #tpu.memory_space<vmem_shared>>) dst(%dma_wait3A_651 : memref<16xf32, #tpu.memory_space<vmem>>)
      %dma_wait3A_653 = arith.constant 16 : i32
      %dma_wait3A_654 = tpu.memref_slice %arg27[%dma_wait3A_653] : memref<256xi32, #tpu.memory_space<vmem>> -> memref<16xi32, #tpu.memory_space<vmem>>
      %dma_wait3A_655 = tpu.memref_slice %arg37[%multiple_of3A_97] : memref<25600xi32, #tpu.memory_space<vmem_shared>> -> memref<16xi32, #tpu.memory_space<vmem_shared>>
      %dma_wait3A_656 = arith.constant 16 : i32
      %dma_wait3A_657 = tpu.memref_slice %arg27[%dma_wait3A_656] : memref<256xi32, #tpu.memory_space<vmem>> -> memref<16xi32, #tpu.memory_space<vmem>>
      %dma_wait3A_658 = tpu.memref_slice %arg37[%multiple_of3A_97] : memref<25600xi32, #tpu.memory_space<vmem_shared>> -> memref<16xi32, #tpu.memory_space<vmem_shared>>
      tpu.wait_dma2 semaphore(%arg43 : memref<!tpu.dma_semaphore, #tpu.memory_space<semaphore_mem>>) src(%dma_wait3A_658 : memref<16xi32, #tpu.memory_space<vmem_shared>>) dst(%dma_wait3A_657 : memref<16xi32, #tpu.memory_space<vmem>>)
      %dma_wait3A_659 = arith.constant 16 : i32
      %dma_wait3A_660 = tpu.memref_slice %arg28[%dma_wait3A_659] : memref<256xf32, #tpu.memory_space<vmem>> -> memref<16xf32, #tpu.memory_space<vmem>>
      %dma_wait3A_661 = tpu.memref_slice %arg38[%multiple_of3A_97] : memref<25600xf32, #tpu.memory_space<vmem_shared>> -> memref<16xf32, #tpu.memory_space<vmem_shared>>
      %dma_wait3A_662 = arith.constant 16 : i32
      %dma_wait3A_663 = tpu.memref_slice %arg28[%dma_wait3A_662] : memref<256xf32, #tpu.memory_space<vmem>> -> memref<16xf32, #tpu.memory_space<vmem>>
      %dma_wait3A_664 = tpu.memref_slice %arg38[%multiple_of3A_97] : memref<25600xf32, #tpu.memory_space<vmem_shared>> -> memref<16xf32, #tpu.memory_space<vmem_shared>>
      tpu.wait_dma2 semaphore(%arg43 : memref<!tpu.dma_semaphore, #tpu.memory_space<semaphore_mem>>) src(%dma_wait3A_664 : memref<16xf32, #tpu.memory_space<vmem_shared>>) dst(%dma_wait3A_663 : memref<16xf32, #tpu.memory_space<vmem>>)
      %dma_wait3A_665 = arith.constant 16 : i32
      %dma_wait3A_666 = tpu.memref_slice %arg29[%dma_wait3A_665] : memref<256xf32, #tpu.memory_space<vmem>> -> memref<16xf32, #tpu.memory_space<vmem>>
      %dma_wait3A_667 = tpu.memref_slice %arg39[%multiple_of3A_97] : memref<25600xf32, #tpu.memory_space<vmem_shared>> -> memref<16xf32, #tpu.memory_space<vmem_shared>>
      %dma_wait3A_668 = arith.constant 16 : i32
      %dma_wait3A_669 = tpu.memref_slice %arg29[%dma_wait3A_668] : memref<256xf32, #tpu.memory_space<vmem>> -> memref<16xf32, #tpu.memory_space<vmem>>
      %dma_wait3A_670 = tpu.memref_slice %arg39[%multiple_of3A_97] : memref<25600xf32, #tpu.memory_space<vmem_shared>> -> memref<16xf32, #tpu.memory_space<vmem_shared>>
      tpu.wait_dma2 semaphore(%arg43 : memref<!tpu.dma_semaphore, #tpu.memory_space<semaphore_mem>>) src(%dma_wait3A_670 : memref<16xf32, #tpu.memory_space<vmem_shared>>) dst(%dma_wait3A_669 : memref<16xf32, #tpu.memory_space<vmem>>)
      %dma_wait3A_671 = arith.constant 16 : i32
      %dma_wait3A_672 = tpu.memref_slice %arg30[%dma_wait3A_671] : memref<256xf32, #tpu.memory_space<vmem>> -> memref<16xf32, #tpu.memory_space<vmem>>
      %dma_wait3A_673 = tpu.memref_slice %arg40[%multiple_of3A_97] : memref<25600xf32, #tpu.memory_space<vmem_shared>> -> memref<16xf32, #tpu.memory_space<vmem_shared>>
      %dma_wait3A_674 = arith.constant 16 : i32
      %dma_wait3A_675 = tpu.memref_slice %arg30[%dma_wait3A_674] : memref<256xf32, #tpu.memory_space<vmem>> -> memref<16xf32, #tpu.memory_space<vmem>>
      %dma_wait3A_676 = tpu.memref_slice %arg40[%multiple_of3A_97] : memref<25600xf32, #tpu.memory_space<vmem_shared>> -> memref<16xf32, #tpu.memory_space<vmem_shared>>
      tpu.wait_dma2 semaphore(%arg43 : memref<!tpu.dma_semaphore, #tpu.memory_space<semaphore_mem>>) src(%dma_wait3A_676 : memref<16xf32, #tpu.memory_space<vmem_shared>>) dst(%dma_wait3A_675 : memref<16xf32, #tpu.memory_space<vmem>>)
      %dma_wait3A_677 = arith.constant 32 : i32
      %dma_wait3A_678 = tpu.memref_slice %arg26[%dma_wait3A_677] : memref<256xf32, #tpu.memory_space<vmem>> -> memref<16xf32, #tpu.memory_space<vmem>>
      %dma_wait3A_679 = tpu.memref_slice %arg36[%multiple_of3A_132] : memref<25600xf32, #tpu.memory_space<vmem_shared>> -> memref<16xf32, #tpu.memory_space<vmem_shared>>
      %dma_wait3A_680 = arith.constant 32 : i32
      %dma_wait3A_681 = tpu.memref_slice %arg26[%dma_wait3A_680] : memref<256xf32, #tpu.memory_space<vmem>> -> memref<16xf32, #tpu.memory_space<vmem>>
      %dma_wait3A_682 = tpu.memref_slice %arg36[%multiple_of3A_132] : memref<25600xf32, #tpu.memory_space<vmem_shared>> -> memref<16xf32, #tpu.memory_space<vmem_shared>>
      tpu.wait_dma2 semaphore(%arg43 : memref<!tpu.dma_semaphore, #tpu.memory_space<semaphore_mem>>) src(%dma_wait3A_682 : memref<16xf32, #tpu.memory_space<vmem_shared>>) dst(%dma_wait3A_681 : memref<16xf32, #tpu.memory_space<vmem>>)
      %dma_wait3A_683 = arith.constant 32 : i32
      %dma_wait3A_684 = tpu.memref_slice %arg27[%dma_wait3A_683] : memref<256xi32, #tpu.memory_space<vmem>> -> memref<16xi32, #tpu.memory_space<vmem>>
      %dma_wait3A_685 = tpu.memref_slice %arg37[%multiple_of3A_132] : memref<25600xi32, #tpu.memory_space<vmem_shared>> -> memref<16xi32, #tpu.memory_space<vmem_shared>>
      %dma_wait3A_686 = arith.constant 32 : i32
      %dma_wait3A_687 = tpu.memref_slice %arg27[%dma_wait3A_686] : memref<256xi32, #tpu.memory_space<vmem>> -> memref<16xi32, #tpu.memory_space<vmem>>
      %dma_wait3A_688 = tpu.memref_slice %arg37[%multiple_of3A_132] : memref<25600xi32, #tpu.memory_space<vmem_shared>> -> memref<16xi32, #tpu.memory_space<vmem_shared>>
      tpu.wait_dma2 semaphore(%arg43 : memref<!tpu.dma_semaphore, #tpu.memory_space<semaphore_mem>>) src(%dma_wait3A_688 : memref<16xi32, #tpu.memory_space<vmem_shared>>) dst(%dma_wait3A_687 : memref<16xi32, #tpu.memory_space<vmem>>)
      %dma_wait3A_689 = arith.constant 32 : i32
      %dma_wait3A_690 = tpu.memref_slice %arg28[%dma_wait3A_689] : memref<256xf32, #tpu.memory_space<vmem>> -> memref<16xf32, #tpu.memory_space<vmem>>
      %dma_wait3A_691 = tpu.memref_slice %arg38[%multiple_of3A_132] : memref<25600xf32, #tpu.memory_space<vmem_shared>> -> memref<16xf32, #tpu.memory_space<vmem_shared>>
      %dma_wait3A_692 = arith.constant 32 : i32
      %dma_wait3A_693 = tpu.memref_slice %arg28[%dma_wait3A_692] : memref<256xf32, #tpu.memory_space<vmem>> -> memref<16xf32, #tpu.memory_space<vmem>>
      %dma_wait3A_694 = tpu.memref_slice %arg38[%multiple_of3A_132] : memref<25600xf32, #tpu.memory_space<vmem_shared>> -> memref<16xf32, #tpu.memory_space<vmem_shared>>
      tpu.wait_dma2 semaphore(%arg43 : memref<!tpu.dma_semaphore, #tpu.memory_space<semaphore_mem>>) src(%dma_wait3A_694 : memref<16xf32, #tpu.memory_space<vmem_shared>>) dst(%dma_wait3A_693 : memref<16xf32, #tpu.memory_space<vmem>>)
      %dma_wait3A_695 = arith.constant 32 : i32
      %dma_wait3A_696 = tpu.memref_slice %arg29[%dma_wait3A_695] : memref<256xf32, #tpu.memory_space<vmem>> -> memref<16xf32, #tpu.memory_space<vmem>>
      %dma_wait3A_697 = tpu.memref_slice %arg39[%multiple_of3A_132] : memref<25600xf32, #tpu.memory_space<vmem_shared>> -> memref<16xf32, #tpu.memory_space<vmem_shared>>
      %dma_wait3A_698 = arith.constant 32 : i32
      %dma_wait3A_699 = tpu.memref_slice %arg29[%dma_wait3A_698] : memref<256xf32, #tpu.memory_space<vmem>> -> memref<16xf32, #tpu.memory_space<vmem>>
      %dma_wait3A_700 = tpu.memref_slice %arg39[%multiple_of3A_132] : memref<25600xf32, #tpu.memory_space<vmem_shared>> -> memref<16xf32, #tpu.memory_space<vmem_shared>>
      tpu.wait_dma2 semaphore(%arg43 : memref<!tpu.dma_semaphore, #tpu.memory_space<semaphore_mem>>) src(%dma_wait3A_700 : memref<16xf32, #tpu.memory_space<vmem_shared>>) dst(%dma_wait3A_699 : memref<16xf32, #tpu.memory_space<vmem>>)
      %dma_wait3A_701 = arith.constant 32 : i32
      %dma_wait3A_702 = tpu.memref_slice %arg30[%dma_wait3A_701] : memref<256xf32, #tpu.memory_space<vmem>> -> memref<16xf32, #tpu.memory_space<vmem>>
      %dma_wait3A_703 = tpu.memref_slice %arg40[%multiple_of3A_132] : memref<25600xf32, #tpu.memory_space<vmem_shared>> -> memref<16xf32, #tpu.memory_space<vmem_shared>>
      %dma_wait3A_704 = arith.constant 32 : i32
      %dma_wait3A_705 = tpu.memref_slice %arg30[%dma_wait3A_704] : memref<256xf32, #tpu.memory_space<vmem>> -> memref<16xf32, #tpu.memory_space<vmem>>
      %dma_wait3A_706 = tpu.memref_slice %arg40[%multiple_of3A_132] : memref<25600xf32, #tpu.memory_space<vmem_shared>> -> memref<16xf32, #tpu.memory_space<vmem_shared>>
      tpu.wait_dma2 semaphore(%arg43 : memref<!tpu.dma_semaphore, #tpu.memory_space<semaphore_mem>>) src(%dma_wait3A_706 : memref<16xf32, #tpu.memory_space<vmem_shared>>) dst(%dma_wait3A_705 : memref<16xf32, #tpu.memory_space<vmem>>)
      %dma_wait3A_707 = arith.constant 48 : i32
      %dma_wait3A_708 = tpu.memref_slice %arg26[%dma_wait3A_707] : memref<256xf32, #tpu.memory_space<vmem>> -> memref<16xf32, #tpu.memory_space<vmem>>
      %dma_wait3A_709 = tpu.memref_slice %arg36[%multiple_of3A_167] : memref<25600xf32, #tpu.memory_space<vmem_shared>> -> memref<16xf32, #tpu.memory_space<vmem_shared>>
      %dma_wait3A_710 = arith.constant 48 : i32
      %dma_wait3A_711 = tpu.memref_slice %arg26[%dma_wait3A_710] : memref<256xf32, #tpu.memory_space<vmem>> -> memref<16xf32, #tpu.memory_space<vmem>>
      %dma_wait3A_712 = tpu.memref_slice %arg36[%multiple_of3A_167] : memref<25600xf32, #tpu.memory_space<vmem_shared>> -> memref<16xf32, #tpu.memory_space<vmem_shared>>
      tpu.wait_dma2 semaphore(%arg43 : memref<!tpu.dma_semaphore, #tpu.memory_space<semaphore_mem>>) src(%dma_wait3A_712 : memref<16xf32, #tpu.memory_space<vmem_shared>>) dst(%dma_wait3A_711 : memref<16xf32, #tpu.memory_space<vmem>>)
      %dma_wait3A_713 = arith.constant 48 : i32
      %dma_wait3A_714 = tpu.memref_slice %arg27[%dma_wait3A_713] : memref<256xi32, #tpu.memory_space<vmem>> -> memref<16xi32, #tpu.memory_space<vmem>>
      %dma_wait3A_715 = tpu.memref_slice %arg37[%multiple_of3A_167] : memref<25600xi32, #tpu.memory_space<vmem_shared>> -> memref<16xi32, #tpu.memory_space<vmem_shared>>
      %dma_wait3A_716 = arith.constant 48 : i32
      %dma_wait3A_717 = tpu.memref_slice %arg27[%dma_wait3A_716] : memref<256xi32, #tpu.memory_space<vmem>> -> memref<16xi32, #tpu.memory_space<vmem>>
      %dma_wait3A_718 = tpu.memref_slice %arg37[%multiple_of3A_167] : memref<25600xi32, #tpu.memory_space<vmem_shared>> -> memref<16xi32, #tpu.memory_space<vmem_shared>>
      tpu.wait_dma2 semaphore(%arg43 : memref<!tpu.dma_semaphore, #tpu.memory_space<semaphore_mem>>) src(%dma_wait3A_718 : memref<16xi32, #tpu.memory_space<vmem_shared>>) dst(%dma_wait3A_717 : memref<16xi32, #tpu.memory_space<vmem>>)
      %dma_wait3A_719 = arith.constant 48 : i32
      %dma_wait3A_720 = tpu.memref_slice %arg28[%dma_wait3A_719] : memref<256xf32, #tpu.memory_space<vmem>> -> memref<16xf32, #tpu.memory_space<vmem>>
      %dma_wait3A_721 = tpu.memref_slice %arg38[%multiple_of3A_167] : memref<25600xf32, #tpu.memory_space<vmem_shared>> -> memref<16xf32, #tpu.memory_space<vmem_shared>>
      %dma_wait3A_722 = arith.constant 48 : i32
      %dma_wait3A_723 = tpu.memref_slice %arg28[%dma_wait3A_722] : memref<256xf32, #tpu.memory_space<vmem>> -> memref<16xf32, #tpu.memory_space<vmem>>
      %dma_wait3A_724 = tpu.memref_slice %arg38[%multiple_of3A_167] : memref<25600xf32, #tpu.memory_space<vmem_shared>> -> memref<16xf32, #tpu.memory_space<vmem_shared>>
      tpu.wait_dma2 semaphore(%arg43 : memref<!tpu.dma_semaphore, #tpu.memory_space<semaphore_mem>>) src(%dma_wait3A_724 : memref<16xf32, #tpu.memory_space<vmem_shared>>) dst(%dma_wait3A_723 : memref<16xf32, #tpu.memory_space<vmem>>)
      %dma_wait3A_725 = arith.constant 48 : i32
      %dma_wait3A_726 = tpu.memref_slice %arg29[%dma_wait3A_725] : memref<256xf32, #tpu.memory_space<vmem>> -> memref<16xf32, #tpu.memory_space<vmem>>
      %dma_wait3A_727 = tpu.memref_slice %arg39[%multiple_of3A_167] : memref<25600xf32, #tpu.memory_space<vmem_shared>> -> memref<16xf32, #tpu.memory_space<vmem_shared>>
      %dma_wait3A_728 = arith.constant 48 : i32
      %dma_wait3A_729 = tpu.memref_slice %arg29[%dma_wait3A_728] : memref<256xf32, #tpu.memory_space<vmem>> -> memref<16xf32, #tpu.memory_space<vmem>>
      %dma_wait3A_730 = tpu.memref_slice %arg39[%multiple_of3A_167] : memref<25600xf32, #tpu.memory_space<vmem_shared>> -> memref<16xf32, #tpu.memory_space<vmem_shared>>
      tpu.wait_dma2 semaphore(%arg43 : memref<!tpu.dma_semaphore, #tpu.memory_space<semaphore_mem>>) src(%dma_wait3A_730 : memref<16xf32, #tpu.memory_space<vmem_shared>>) dst(%dma_wait3A_729 : memref<16xf32, #tpu.memory_space<vmem>>)
      %dma_wait3A_731 = arith.constant 48 : i32
      %dma_wait3A_732 = tpu.memref_slice %arg30[%dma_wait3A_731] : memref<256xf32, #tpu.memory_space<vmem>> -> memref<16xf32, #tpu.memory_space<vmem>>
      %dma_wait3A_733 = tpu.memref_slice %arg40[%multiple_of3A_167] : memref<25600xf32, #tpu.memory_space<vmem_shared>> -> memref<16xf32, #tpu.memory_space<vmem_shared>>
      %dma_wait3A_734 = arith.constant 48 : i32
      %dma_wait3A_735 = tpu.memref_slice %arg30[%dma_wait3A_734] : memref<256xf32, #tpu.memory_space<vmem>> -> memref<16xf32, #tpu.memory_space<vmem>>
      %dma_wait3A_736 = tpu.memref_slice %arg40[%multiple_of3A_167] : memref<25600xf32, #tpu.memory_space<vmem_shared>> -> memref<16xf32, #tpu.memory_space<vmem_shared>>
      tpu.wait_dma2 semaphore(%arg43 : memref<!tpu.dma_semaphore, #tpu.memory_space<semaphore_mem>>) src(%dma_wait3A_736 : memref<16xf32, #tpu.memory_space<vmem_shared>>) dst(%dma_wait3A_735 : memref<16xf32, #tpu.memory_space<vmem>>)
      %dma_wait3A_737 = arith.constant 64 : i32
      %dma_wait3A_738 = tpu.memref_slice %arg26[%dma_wait3A_737] : memref<256xf32, #tpu.memory_space<vmem>> -> memref<16xf32, #tpu.memory_space<vmem>>
      %dma_wait3A_739 = tpu.memref_slice %arg36[%multiple_of3A_202] : memref<25600xf32, #tpu.memory_space<vmem_shared>> -> memref<16xf32, #tpu.memory_space<vmem_shared>>
      %dma_wait3A_740 = arith.constant 64 : i32
      %dma_wait3A_741 = tpu.memref_slice %arg26[%dma_wait3A_740] : memref<256xf32, #tpu.memory_space<vmem>> -> memref<16xf32, #tpu.memory_space<vmem>>
      %dma_wait3A_742 = tpu.memref_slice %arg36[%multiple_of3A_202] : memref<25600xf32, #tpu.memory_space<vmem_shared>> -> memref<16xf32, #tpu.memory_space<vmem_shared>>
      tpu.wait_dma2 semaphore(%arg43 : memref<!tpu.dma_semaphore, #tpu.memory_space<semaphore_mem>>) src(%dma_wait3A_742 : memref<16xf32, #tpu.memory_space<vmem_shared>>) dst(%dma_wait3A_741 : memref<16xf32, #tpu.memory_space<vmem>>)
      %dma_wait3A_743 = arith.constant 64 : i32
      %dma_wait3A_744 = tpu.memref_slice %arg27[%dma_wait3A_743] : memref<256xi32, #tpu.memory_space<vmem>> -> memref<16xi32, #tpu.memory_space<vmem>>
      %dma_wait3A_745 = tpu.memref_slice %arg37[%multiple_of3A_202] : memref<25600xi32, #tpu.memory_space<vmem_shared>> -> memref<16xi32, #tpu.memory_space<vmem_shared>>
      %dma_wait3A_746 = arith.constant 64 : i32
      %dma_wait3A_747 = tpu.memref_slice %arg27[%dma_wait3A_746] : memref<256xi32, #tpu.memory_space<vmem>> -> memref<16xi32, #tpu.memory_space<vmem>>
      %dma_wait3A_748 = tpu.memref_slice %arg37[%multiple_of3A_202] : memref<25600xi32, #tpu.memory_space<vmem_shared>> -> memref<16xi32, #tpu.memory_space<vmem_shared>>
      tpu.wait_dma2 semaphore(%arg43 : memref<!tpu.dma_semaphore, #tpu.memory_space<semaphore_mem>>) src(%dma_wait3A_748 : memref<16xi32, #tpu.memory_space<vmem_shared>>) dst(%dma_wait3A_747 : memref<16xi32, #tpu.memory_space<vmem>>)
      %dma_wait3A_749 = arith.constant 64 : i32
      %dma_wait3A_750 = tpu.memref_slice %arg28[%dma_wait3A_749] : memref<256xf32, #tpu.memory_space<vmem>> -> memref<16xf32, #tpu.memory_space<vmem>>
      %dma_wait3A_751 = tpu.memref_slice %arg38[%multiple_of3A_202] : memref<25600xf32, #tpu.memory_space<vmem_shared>> -> memref<16xf32, #tpu.memory_space<vmem_shared>>
      %dma_wait3A_752 = arith.constant 64 : i32
      %dma_wait3A_753 = tpu.memref_slice %arg28[%dma_wait3A_752] : memref<256xf32, #tpu.memory_space<vmem>> -> memref<16xf32, #tpu.memory_space<vmem>>
      %dma_wait3A_754 = tpu.memref_slice %arg38[%multiple_of3A_202] : memref<25600xf32, #tpu.memory_space<vmem_shared>> -> memref<16xf32, #tpu.memory_space<vmem_shared>>
      tpu.wait_dma2 semaphore(%arg43 : memref<!tpu.dma_semaphore, #tpu.memory_space<semaphore_mem>>) src(%dma_wait3A_754 : memref<16xf32, #tpu.memory_space<vmem_shared>>) dst(%dma_wait3A_753 : memref<16xf32, #tpu.memory_space<vmem>>)
      %dma_wait3A_755 = arith.constant 64 : i32
      %dma_wait3A_756 = tpu.memref_slice %arg29[%dma_wait3A_755] : memref<256xf32, #tpu.memory_space<vmem>> -> memref<16xf32, #tpu.memory_space<vmem>>
      %dma_wait3A_757 = tpu.memref_slice %arg39[%multiple_of3A_202] : memref<25600xf32, #tpu.memory_space<vmem_shared>> -> memref<16xf32, #tpu.memory_space<vmem_shared>>
      %dma_wait3A_758 = arith.constant 64 : i32
      %dma_wait3A_759 = tpu.memref_slice %arg29[%dma_wait3A_758] : memref<256xf32, #tpu.memory_space<vmem>> -> memref<16xf32, #tpu.memory_space<vmem>>
      %dma_wait3A_760 = tpu.memref_slice %arg39[%multiple_of3A_202] : memref<25600xf32, #tpu.memory_space<vmem_shared>> -> memref<16xf32, #tpu.memory_space<vmem_shared>>
      tpu.wait_dma2 semaphore(%arg43 : memref<!tpu.dma_semaphore, #tpu.memory_space<semaphore_mem>>) src(%dma_wait3A_760 : memref<16xf32, #tpu.memory_space<vmem_shared>>) dst(%dma_wait3A_759 : memref<16xf32, #tpu.memory_space<vmem>>)
      %dma_wait3A_761 = arith.constant 64 : i32
      %dma_wait3A_762 = tpu.memref_slice %arg30[%dma_wait3A_761] : memref<256xf32, #tpu.memory_space<vmem>> -> memref<16xf32, #tpu.memory_space<vmem>>
      %dma_wait3A_763 = tpu.memref_slice %arg40[%multiple_of3A_202] : memref<25600xf32, #tpu.memory_space<vmem_shared>> -> memref<16xf32, #tpu.memory_space<vmem_shared>>
      %dma_wait3A_764 = arith.constant 64 : i32
      %dma_wait3A_765 = tpu.memref_slice %arg30[%dma_wait3A_764] : memref<256xf32, #tpu.memory_space<vmem>> -> memref<16xf32, #tpu.memory_space<vmem>>
      %dma_wait3A_766 = tpu.memref_slice %arg40[%multiple_of3A_202] : memref<25600xf32, #tpu.memory_space<vmem_shared>> -> memref<16xf32, #tpu.memory_space<vmem_shared>>
      tpu.wait_dma2 semaphore(%arg43 : memref<!tpu.dma_semaphore, #tpu.memory_space<semaphore_mem>>) src(%dma_wait3A_766 : memref<16xf32, #tpu.memory_space<vmem_shared>>) dst(%dma_wait3A_765 : memref<16xf32, #tpu.memory_space<vmem>>)
      %dma_wait3A_767 = arith.constant 80 : i32
      %dma_wait3A_768 = tpu.memref_slice %arg26[%dma_wait3A_767] : memref<256xf32, #tpu.memory_space<vmem>> -> memref<16xf32, #tpu.memory_space<vmem>>
      %dma_wait3A_769 = tpu.memref_slice %arg36[%multiple_of3A_237] : memref<25600xf32, #tpu.memory_space<vmem_shared>> -> memref<16xf32, #tpu.memory_space<vmem_shared>>
      %dma_wait3A_770 = arith.constant 80 : i32
      %dma_wait3A_771 = tpu.memref_slice %arg26[%dma_wait3A_770] : memref<256xf32, #tpu.memory_space<vmem>> -> memref<16xf32, #tpu.memory_space<vmem>>
      %dma_wait3A_772 = tpu.memref_slice %arg36[%multiple_of3A_237] : memref<25600xf32, #tpu.memory_space<vmem_shared>> -> memref<16xf32, #tpu.memory_space<vmem_shared>>
      tpu.wait_dma2 semaphore(%arg43 : memref<!tpu.dma_semaphore, #tpu.memory_space<semaphore_mem>>) src(%dma_wait3A_772 : memref<16xf32, #tpu.memory_space<vmem_shared>>) dst(%dma_wait3A_771 : memref<16xf32, #tpu.memory_space<vmem>>)
      %dma_wait3A_773 = arith.constant 80 : i32
      %dma_wait3A_774 = tpu.memref_slice %arg27[%dma_wait3A_773] : memref<256xi32, #tpu.memory_space<vmem>> -> memref<16xi32, #tpu.memory_space<vmem>>
      %dma_wait3A_775 = tpu.memref_slice %arg37[%multiple_of3A_237] : memref<25600xi32, #tpu.memory_space<vmem_shared>> -> memref<16xi32, #tpu.memory_space<vmem_shared>>
      %dma_wait3A_776 = arith.constant 80 : i32
      %dma_wait3A_777 = tpu.memref_slice %arg27[%dma_wait3A_776] : memref<256xi32, #tpu.memory_space<vmem>> -> memref<16xi32, #tpu.memory_space<vmem>>
      %dma_wait3A_778 = tpu.memref_slice %arg37[%multiple_of3A_237] : memref<25600xi32, #tpu.memory_space<vmem_shared>> -> memref<16xi32, #tpu.memory_space<vmem_shared>>
      tpu.wait_dma2 semaphore(%arg43 : memref<!tpu.dma_semaphore, #tpu.memory_space<semaphore_mem>>) src(%dma_wait3A_778 : memref<16xi32, #tpu.memory_space<vmem_shared>>) dst(%dma_wait3A_777 : memref<16xi32, #tpu.memory_space<vmem>>)
      %dma_wait3A_779 = arith.constant 80 : i32
      %dma_wait3A_780 = tpu.memref_slice %arg28[%dma_wait3A_779] : memref<256xf32, #tpu.memory_space<vmem>> -> memref<16xf32, #tpu.memory_space<vmem>>
      %dma_wait3A_781 = tpu.memref_slice %arg38[%multiple_of3A_237] : memref<25600xf32, #tpu.memory_space<vmem_shared>> -> memref<16xf32, #tpu.memory_space<vmem_shared>>
      %dma_wait3A_782 = arith.constant 80 : i32
      %dma_wait3A_783 = tpu.memref_slice %arg28[%dma_wait3A_782] : memref<256xf32, #tpu.memory_space<vmem>> -> memref<16xf32, #tpu.memory_space<vmem>>
      %dma_wait3A_784 = tpu.memref_slice %arg38[%multiple_of3A_237] : memref<25600xf32, #tpu.memory_space<vmem_shared>> -> memref<16xf32, #tpu.memory_space<vmem_shared>>
      tpu.wait_dma2 semaphore(%arg43 : memref<!tpu.dma_semaphore, #tpu.memory_space<semaphore_mem>>) src(%dma_wait3A_784 : memref<16xf32, #tpu.memory_space<vmem_shared>>) dst(%dma_wait3A_783 : memref<16xf32, #tpu.memory_space<vmem>>)
      %dma_wait3A_785 = arith.constant 80 : i32
      %dma_wait3A_786 = tpu.memref_slice %arg29[%dma_wait3A_785] : memref<256xf32, #tpu.memory_space<vmem>> -> memref<16xf32, #tpu.memory_space<vmem>>
      %dma_wait3A_787 = tpu.memref_slice %arg39[%multiple_of3A_237] : memref<25600xf32, #tpu.memory_space<vmem_shared>> -> memref<16xf32, #tpu.memory_space<vmem_shared>>
      %dma_wait3A_788 = arith.constant 80 : i32
      %dma_wait3A_789 = tpu.memref_slice %arg29[%dma_wait3A_788] : memref<256xf32, #tpu.memory_space<vmem>> -> memref<16xf32, #tpu.memory_space<vmem>>
      %dma_wait3A_790 = tpu.memref_slice %arg39[%multiple_of3A_237] : memref<25600xf32, #tpu.memory_space<vmem_shared>> -> memref<16xf32, #tpu.memory_space<vmem_shared>>
      tpu.wait_dma2 semaphore(%arg43 : memref<!tpu.dma_semaphore, #tpu.memory_space<semaphore_mem>>) src(%dma_wait3A_790 : memref<16xf32, #tpu.memory_space<vmem_shared>>) dst(%dma_wait3A_789 : memref<16xf32, #tpu.memory_space<vmem>>)
      %dma_wait3A_791 = arith.constant 80 : i32
      %dma_wait3A_792 = tpu.memref_slice %arg30[%dma_wait3A_791] : memref<256xf32, #tpu.memory_space<vmem>> -> memref<16xf32, #tpu.memory_space<vmem>>
      %dma_wait3A_793 = tpu.memref_slice %arg40[%multiple_of3A_237] : memref<25600xf32, #tpu.memory_space<vmem_shared>> -> memref<16xf32, #tpu.memory_space<vmem_shared>>
      %dma_wait3A_794 = arith.constant 80 : i32
      %dma_wait3A_795 = tpu.memref_slice %arg30[%dma_wait3A_794] : memref<256xf32, #tpu.memory_space<vmem>> -> memref<16xf32, #tpu.memory_space<vmem>>
      %dma_wait3A_796 = tpu.memref_slice %arg40[%multiple_of3A_237] : memref<25600xf32, #tpu.memory_space<vmem_shared>> -> memref<16xf32, #tpu.memory_space<vmem_shared>>
      tpu.wait_dma2 semaphore(%arg43 : memref<!tpu.dma_semaphore, #tpu.memory_space<semaphore_mem>>) src(%dma_wait3A_796 : memref<16xf32, #tpu.memory_space<vmem_shared>>) dst(%dma_wait3A_795 : memref<16xf32, #tpu.memory_space<vmem>>)
      %dma_wait3A_797 = arith.constant 96 : i32
      %dma_wait3A_798 = tpu.memref_slice %arg26[%dma_wait3A_797] : memref<256xf32, #tpu.memory_space<vmem>> -> memref<16xf32, #tpu.memory_space<vmem>>
      %dma_wait3A_799 = tpu.memref_slice %arg36[%multiple_of3A_272] : memref<25600xf32, #tpu.memory_space<vmem_shared>> -> memref<16xf32, #tpu.memory_space<vmem_shared>>
      %dma_wait3A_800 = arith.constant 96 : i32
      %dma_wait3A_801 = tpu.memref_slice %arg26[%dma_wait3A_800] : memref<256xf32, #tpu.memory_space<vmem>> -> memref<16xf32, #tpu.memory_space<vmem>>
      %dma_wait3A_802 = tpu.memref_slice %arg36[%multiple_of3A_272] : memref<25600xf32, #tpu.memory_space<vmem_shared>> -> memref<16xf32, #tpu.memory_space<vmem_shared>>
      tpu.wait_dma2 semaphore(%arg43 : memref<!tpu.dma_semaphore, #tpu.memory_space<semaphore_mem>>) src(%dma_wait3A_802 : memref<16xf32, #tpu.memory_space<vmem_shared>>) dst(%dma_wait3A_801 : memref<16xf32, #tpu.memory_space<vmem>>)
      %dma_wait3A_803 = arith.constant 96 : i32
      %dma_wait3A_804 = tpu.memref_slice %arg27[%dma_wait3A_803] : memref<256xi32, #tpu.memory_space<vmem>> -> memref<16xi32, #tpu.memory_space<vmem>>
      %dma_wait3A_805 = tpu.memref_slice %arg37[%multiple_of3A_272] : memref<25600xi32, #tpu.memory_space<vmem_shared>> -> memref<16xi32, #tpu.memory_space<vmem_shared>>
      %dma_wait3A_806 = arith.constant 96 : i32
      %dma_wait3A_807 = tpu.memref_slice %arg27[%dma_wait3A_806] : memref<256xi32, #tpu.memory_space<vmem>> -> memref<16xi32, #tpu.memory_space<vmem>>
      %dma_wait3A_808 = tpu.memref_slice %arg37[%multiple_of3A_272] : memref<25600xi32, #tpu.memory_space<vmem_shared>> -> memref<16xi32, #tpu.memory_space<vmem_shared>>
      tpu.wait_dma2 semaphore(%arg43 : memref<!tpu.dma_semaphore, #tpu.memory_space<semaphore_mem>>) src(%dma_wait3A_808 : memref<16xi32, #tpu.memory_space<vmem_shared>>) dst(%dma_wait3A_807 : memref<16xi32, #tpu.memory_space<vmem>>)
      %dma_wait3A_809 = arith.constant 96 : i32
      %dma_wait3A_810 = tpu.memref_slice %arg28[%dma_wait3A_809] : memref<256xf32, #tpu.memory_space<vmem>> -> memref<16xf32, #tpu.memory_space<vmem>>
      %dma_wait3A_811 = tpu.memref_slice %arg38[%multiple_of3A_272] : memref<25600xf32, #tpu.memory_space<vmem_shared>> -> memref<16xf32, #tpu.memory_space<vmem_shared>>
      %dma_wait3A_812 = arith.constant 96 : i32
      %dma_wait3A_813 = tpu.memref_slice %arg28[%dma_wait3A_812] : memref<256xf32, #tpu.memory_space<vmem>> -> memref<16xf32, #tpu.memory_space<vmem>>
      %dma_wait3A_814 = tpu.memref_slice %arg38[%multiple_of3A_272] : memref<25600xf32, #tpu.memory_space<vmem_shared>> -> memref<16xf32, #tpu.memory_space<vmem_shared>>
      tpu.wait_dma2 semaphore(%arg43 : memref<!tpu.dma_semaphore, #tpu.memory_space<semaphore_mem>>) src(%dma_wait3A_814 : memref<16xf32, #tpu.memory_space<vmem_shared>>) dst(%dma_wait3A_813 : memref<16xf32, #tpu.memory_space<vmem>>)
      %dma_wait3A_815 = arith.constant 96 : i32
      %dma_wait3A_816 = tpu.memref_slice %arg29[%dma_wait3A_815] : memref<256xf32, #tpu.memory_space<vmem>> -> memref<16xf32, #tpu.memory_space<vmem>>
      %dma_wait3A_817 = tpu.memref_slice %arg39[%multiple_of3A_272] : memref<25600xf32, #tpu.memory_space<vmem_shared>> -> memref<16xf32, #tpu.memory_space<vmem_shared>>
      %dma_wait3A_818 = arith.constant 96 : i32
      %dma_wait3A_819 = tpu.memref_slice %arg29[%dma_wait3A_818] : memref<256xf32, #tpu.memory_space<vmem>> -> memref<16xf32, #tpu.memory_space<vmem>>
      %dma_wait3A_820 = tpu.memref_slice %arg39[%multiple_of3A_272] : memref<25600xf32, #tpu.memory_space<vmem_shared>> -> memref<16xf32, #tpu.memory_space<vmem_shared>>
      tpu.wait_dma2 semaphore(%arg43 : memref<!tpu.dma_semaphore, #tpu.memory_space<semaphore_mem>>) src(%dma_wait3A_820 : memref<16xf32, #tpu.memory_space<vmem_shared>>) dst(%dma_wait3A_819 : memref<16xf32, #tpu.memory_space<vmem>>)
      %dma_wait3A_821 = arith.constant 96 : i32
      %dma_wait3A_822 = tpu.memref_slice %arg30[%dma_wait3A_821] : memref<256xf32, #tpu.memory_space<vmem>> -> memref<16xf32, #tpu.memory_space<vmem>>
      %dma_wait3A_823 = tpu.memref_slice %arg40[%multiple_of3A_272] : memref<25600xf32, #tpu.memory_space<vmem_shared>> -> memref<16xf32, #tpu.memory_space<vmem_shared>>
      %dma_wait3A_824 = arith.constant 96 : i32
      %dma_wait3A_825 = tpu.memref_slice %arg30[%dma_wait3A_824] : memref<256xf32, #tpu.memory_space<vmem>> -> memref<16xf32, #tpu.memory_space<vmem>>
      %dma_wait3A_826 = tpu.memref_slice %arg40[%multiple_of3A_272] : memref<25600xf32, #tpu.memory_space<vmem_shared>> -> memref<16xf32, #tpu.memory_space<vmem_shared>>
      tpu.wait_dma2 semaphore(%arg43 : memref<!tpu.dma_semaphore, #tpu.memory_space<semaphore_mem>>) src(%dma_wait3A_826 : memref<16xf32, #tpu.memory_space<vmem_shared>>) dst(%dma_wait3A_825 : memref<16xf32, #tpu.memory_space<vmem>>)
      %dma_wait3A_827 = arith.constant 112 : i32
      %dma_wait3A_828 = tpu.memref_slice %arg26[%dma_wait3A_827] : memref<256xf32, #tpu.memory_space<vmem>> -> memref<16xf32, #tpu.memory_space<vmem>>
      %dma_wait3A_829 = tpu.memref_slice %arg36[%multiple_of3A_307] : memref<25600xf32, #tpu.memory_space<vmem_shared>> -> memref<16xf32, #tpu.memory_space<vmem_shared>>
      %dma_wait3A_830 = arith.constant 112 : i32
      %dma_wait3A_831 = tpu.memref_slice %arg26[%dma_wait3A_830] : memref<256xf32, #tpu.memory_space<vmem>> -> memref<16xf32, #tpu.memory_space<vmem>>
      %dma_wait3A_832 = tpu.memref_slice %arg36[%multiple_of3A_307] : memref<25600xf32, #tpu.memory_space<vmem_shared>> -> memref<16xf32, #tpu.memory_space<vmem_shared>>
      tpu.wait_dma2 semaphore(%arg43 : memref<!tpu.dma_semaphore, #tpu.memory_space<semaphore_mem>>) src(%dma_wait3A_832 : memref<16xf32, #tpu.memory_space<vmem_shared>>) dst(%dma_wait3A_831 : memref<16xf32, #tpu.memory_space<vmem>>)
      %dma_wait3A_833 = arith.constant 112 : i32
      %dma_wait3A_834 = tpu.memref_slice %arg27[%dma_wait3A_833] : memref<256xi32, #tpu.memory_space<vmem>> -> memref<16xi32, #tpu.memory_space<vmem>>
      %dma_wait3A_835 = tpu.memref_slice %arg37[%multiple_of3A_307] : memref<25600xi32, #tpu.memory_space<vmem_shared>> -> memref<16xi32, #tpu.memory_space<vmem_shared>>
      %dma_wait3A_836 = arith.constant 112 : i32
      %dma_wait3A_837 = tpu.memref_slice %arg27[%dma_wait3A_836] : memref<256xi32, #tpu.memory_space<vmem>> -> memref<16xi32, #tpu.memory_space<vmem>>
      %dma_wait3A_838 = tpu.memref_slice %arg37[%multiple_of3A_307] : memref<25600xi32, #tpu.memory_space<vmem_shared>> -> memref<16xi32, #tpu.memory_space<vmem_shared>>
      tpu.wait_dma2 semaphore(%arg43 : memref<!tpu.dma_semaphore, #tpu.memory_space<semaphore_mem>>) src(%dma_wait3A_838 : memref<16xi32, #tpu.memory_space<vmem_shared>>) dst(%dma_wait3A_837 : memref<16xi32, #tpu.memory_space<vmem>>)
      %dma_wait3A_839 = arith.constant 112 : i32
      %dma_wait3A_840 = tpu.memref_slice %arg28[%dma_wait3A_839] : memref<256xf32, #tpu.memory_space<vmem>> -> memref<16xf32, #tpu.memory_space<vmem>>
      %dma_wait3A_841 = tpu.memref_slice %arg38[%multiple_of3A_307] : memref<25600xf32, #tpu.memory_space<vmem_shared>> -> memref<16xf32, #tpu.memory_space<vmem_shared>>
      %dma_wait3A_842 = arith.constant 112 : i32
      %dma_wait3A_843 = tpu.memref_slice %arg28[%dma_wait3A_842] : memref<256xf32, #tpu.memory_space<vmem>> -> memref<16xf32, #tpu.memory_space<vmem>>
      %dma_wait3A_844 = tpu.memref_slice %arg38[%multiple_of3A_307] : memref<25600xf32, #tpu.memory_space<vmem_shared>> -> memref<16xf32, #tpu.memory_space<vmem_shared>>
      tpu.wait_dma2 semaphore(%arg43 : memref<!tpu.dma_semaphore, #tpu.memory_space<semaphore_mem>>) src(%dma_wait3A_844 : memref<16xf32, #tpu.memory_space<vmem_shared>>) dst(%dma_wait3A_843 : memref<16xf32, #tpu.memory_space<vmem>>)
      %dma_wait3A_845 = arith.constant 112 : i32
      %dma_wait3A_846 = tpu.memref_slice %arg29[%dma_wait3A_845] : memref<256xf32, #tpu.memory_space<vmem>> -> memref<16xf32, #tpu.memory_space<vmem>>
      %dma_wait3A_847 = tpu.memref_slice %arg39[%multiple_of3A_307] : memref<25600xf32, #tpu.memory_space<vmem_shared>> -> memref<16xf32, #tpu.memory_space<vmem_shared>>
      %dma_wait3A_848 = arith.constant 112 : i32
      %dma_wait3A_849 = tpu.memref_slice %arg29[%dma_wait3A_848] : memref<256xf32, #tpu.memory_space<vmem>> -> memref<16xf32, #tpu.memory_space<vmem>>
      %dma_wait3A_850 = tpu.memref_slice %arg39[%multiple_of3A_307] : memref<25600xf32, #tpu.memory_space<vmem_shared>> -> memref<16xf32, #tpu.memory_space<vmem_shared>>
      tpu.wait_dma2 semaphore(%arg43 : memref<!tpu.dma_semaphore, #tpu.memory_space<semaphore_mem>>) src(%dma_wait3A_850 : memref<16xf32, #tpu.memory_space<vmem_shared>>) dst(%dma_wait3A_849 : memref<16xf32, #tpu.memory_space<vmem>>)
      %dma_wait3A_851 = arith.constant 112 : i32
      %dma_wait3A_852 = tpu.memref_slice %arg30[%dma_wait3A_851] : memref<256xf32, #tpu.memory_space<vmem>> -> memref<16xf32, #tpu.memory_space<vmem>>
      %dma_wait3A_853 = tpu.memref_slice %arg40[%multiple_of3A_307] : memref<25600xf32, #tpu.memory_space<vmem_shared>> -> memref<16xf32, #tpu.memory_space<vmem_shared>>
      %dma_wait3A_854 = arith.constant 112 : i32
      %dma_wait3A_855 = tpu.memref_slice %arg30[%dma_wait3A_854] : memref<256xf32, #tpu.memory_space<vmem>> -> memref<16xf32, #tpu.memory_space<vmem>>
      %dma_wait3A_856 = tpu.memref_slice %arg40[%multiple_of3A_307] : memref<25600xf32, #tpu.memory_space<vmem_shared>> -> memref<16xf32, #tpu.memory_space<vmem_shared>>
      tpu.wait_dma2 semaphore(%arg43 : memref<!tpu.dma_semaphore, #tpu.memory_space<semaphore_mem>>) src(%dma_wait3A_856 : memref<16xf32, #tpu.memory_space<vmem_shared>>) dst(%dma_wait3A_855 : memref<16xf32, #tpu.memory_space<vmem>>)
      %dma_wait3A_857 = arith.constant 128 : i32
      %dma_wait3A_858 = tpu.memref_slice %arg26[%dma_wait3A_857] : memref<256xf32, #tpu.memory_space<vmem>> -> memref<16xf32, #tpu.memory_space<vmem>>
      %dma_wait3A_859 = tpu.memref_slice %arg36[%multiple_of3A_342] : memref<25600xf32, #tpu.memory_space<vmem_shared>> -> memref<16xf32, #tpu.memory_space<vmem_shared>>
      %dma_wait3A_860 = arith.constant 128 : i32
      %dma_wait3A_861 = tpu.memref_slice %arg26[%dma_wait3A_860] : memref<256xf32, #tpu.memory_space<vmem>> -> memref<16xf32, #tpu.memory_space<vmem>>
      %dma_wait3A_862 = tpu.memref_slice %arg36[%multiple_of3A_342] : memref<25600xf32, #tpu.memory_space<vmem_shared>> -> memref<16xf32, #tpu.memory_space<vmem_shared>>
      tpu.wait_dma2 semaphore(%arg43 : memref<!tpu.dma_semaphore, #tpu.memory_space<semaphore_mem>>) src(%dma_wait3A_862 : memref<16xf32, #tpu.memory_space<vmem_shared>>) dst(%dma_wait3A_861 : memref<16xf32, #tpu.memory_space<vmem>>)
      %dma_wait3A_863 = arith.constant 128 : i32
      %dma_wait3A_864 = tpu.memref_slice %arg27[%dma_wait3A_863] : memref<256xi32, #tpu.memory_space<vmem>> -> memref<16xi32, #tpu.memory_space<vmem>>
      %dma_wait3A_865 = tpu.memref_slice %arg37[%multiple_of3A_342] : memref<25600xi32, #tpu.memory_space<vmem_shared>> -> memref<16xi32, #tpu.memory_space<vmem_shared>>
      %dma_wait3A_866 = arith.constant 128 : i32
      %dma_wait3A_867 = tpu.memref_slice %arg27[%dma_wait3A_866] : memref<256xi32, #tpu.memory_space<vmem>> -> memref<16xi32, #tpu.memory_space<vmem>>
      %dma_wait3A_868 = tpu.memref_slice %arg37[%multiple_of3A_342] : memref<25600xi32, #tpu.memory_space<vmem_shared>> -> memref<16xi32, #tpu.memory_space<vmem_shared>>
      tpu.wait_dma2 semaphore(%arg43 : memref<!tpu.dma_semaphore, #tpu.memory_space<semaphore_mem>>) src(%dma_wait3A_868 : memref<16xi32, #tpu.memory_space<vmem_shared>>) dst(%dma_wait3A_867 : memref<16xi32, #tpu.memory_space<vmem>>)
      %dma_wait3A_869 = arith.constant 128 : i32
      %dma_wait3A_870 = tpu.memref_slice %arg28[%dma_wait3A_869] : memref<256xf32, #tpu.memory_space<vmem>> -> memref<16xf32, #tpu.memory_space<vmem>>
      %dma_wait3A_871 = tpu.memref_slice %arg38[%multiple_of3A_342] : memref<25600xf32, #tpu.memory_space<vmem_shared>> -> memref<16xf32, #tpu.memory_space<vmem_shared>>
      %dma_wait3A_872 = arith.constant 128 : i32
      %dma_wait3A_873 = tpu.memref_slice %arg28[%dma_wait3A_872] : memref<256xf32, #tpu.memory_space<vmem>> -> memref<16xf32, #tpu.memory_space<vmem>>
      %dma_wait3A_874 = tpu.memref_slice %arg38[%multiple_of3A_342] : memref<25600xf32, #tpu.memory_space<vmem_shared>> -> memref<16xf32, #tpu.memory_space<vmem_shared>>
      tpu.wait_dma2 semaphore(%arg43 : memref<!tpu.dma_semaphore, #tpu.memory_space<semaphore_mem>>) src(%dma_wait3A_874 : memref<16xf32, #tpu.memory_space<vmem_shared>>) dst(%dma_wait3A_873 : memref<16xf32, #tpu.memory_space<vmem>>)
      %dma_wait3A_875 = arith.constant 128 : i32
      %dma_wait3A_876 = tpu.memref_slice %arg29[%dma_wait3A_875] : memref<256xf32, #tpu.memory_space<vmem>> -> memref<16xf32, #tpu.memory_space<vmem>>
      %dma_wait3A_877 = tpu.memref_slice %arg39[%multiple_of3A_342] : memref<25600xf32, #tpu.memory_space<vmem_shared>> -> memref<16xf32, #tpu.memory_space<vmem_shared>>
      %dma_wait3A_878 = arith.constant 128 : i32
      %dma_wait3A_879 = tpu.memref_slice %arg29[%dma_wait3A_878] : memref<256xf32, #tpu.memory_space<vmem>> -> memref<16xf32, #tpu.memory_space<vmem>>
      %dma_wait3A_880 = tpu.memref_slice %arg39[%multiple_of3A_342] : memref<25600xf32, #tpu.memory_space<vmem_shared>> -> memref<16xf32, #tpu.memory_space<vmem_shared>>
      tpu.wait_dma2 semaphore(%arg43 : memref<!tpu.dma_semaphore, #tpu.memory_space<semaphore_mem>>) src(%dma_wait3A_880 : memref<16xf32, #tpu.memory_space<vmem_shared>>) dst(%dma_wait3A_879 : memref<16xf32, #tpu.memory_space<vmem>>)
      %dma_wait3A_881 = arith.constant 128 : i32
      %dma_wait3A_882 = tpu.memref_slice %arg30[%dma_wait3A_881] : memref<256xf32, #tpu.memory_space<vmem>> -> memref<16xf32, #tpu.memory_space<vmem>>
      %dma_wait3A_883 = tpu.memref_slice %arg40[%multiple_of3A_342] : memref<25600xf32, #tpu.memory_space<vmem_shared>> -> memref<16xf32, #tpu.memory_space<vmem_shared>>
      %dma_wait3A_884 = arith.constant 128 : i32
      %dma_wait3A_885 = tpu.memref_slice %arg30[%dma_wait3A_884] : memref<256xf32, #tpu.memory_space<vmem>> -> memref<16xf32, #tpu.memory_space<vmem>>
      %dma_wait3A_886 = tpu.memref_slice %arg40[%multiple_of3A_342] : memref<25600xf32, #tpu.memory_space<vmem_shared>> -> memref<16xf32, #tpu.memory_space<vmem_shared>>
      tpu.wait_dma2 semaphore(%arg43 : memref<!tpu.dma_semaphore, #tpu.memory_space<semaphore_mem>>) src(%dma_wait3A_886 : memref<16xf32, #tpu.memory_space<vmem_shared>>) dst(%dma_wait3A_885 : memref<16xf32, #tpu.memory_space<vmem>>)
      %dma_wait3A_887 = arith.constant 144 : i32
      %dma_wait3A_888 = tpu.memref_slice %arg26[%dma_wait3A_887] : memref<256xf32, #tpu.memory_space<vmem>> -> memref<16xf32, #tpu.memory_space<vmem>>
      %dma_wait3A_889 = tpu.memref_slice %arg36[%multiple_of3A_377] : memref<25600xf32, #tpu.memory_space<vmem_shared>> -> memref<16xf32, #tpu.memory_space<vmem_shared>>
      %dma_wait3A_890 = arith.constant 144 : i32
      %dma_wait3A_891 = tpu.memref_slice %arg26[%dma_wait3A_890] : memref<256xf32, #tpu.memory_space<vmem>> -> memref<16xf32, #tpu.memory_space<vmem>>
      %dma_wait3A_892 = tpu.memref_slice %arg36[%multiple_of3A_377] : memref<25600xf32, #tpu.memory_space<vmem_shared>> -> memref<16xf32, #tpu.memory_space<vmem_shared>>
      tpu.wait_dma2 semaphore(%arg43 : memref<!tpu.dma_semaphore, #tpu.memory_space<semaphore_mem>>) src(%dma_wait3A_892 : memref<16xf32, #tpu.memory_space<vmem_shared>>) dst(%dma_wait3A_891 : memref<16xf32, #tpu.memory_space<vmem>>)
      %dma_wait3A_893 = arith.constant 144 : i32
      %dma_wait3A_894 = tpu.memref_slice %arg27[%dma_wait3A_893] : memref<256xi32, #tpu.memory_space<vmem>> -> memref<16xi32, #tpu.memory_space<vmem>>
      %dma_wait3A_895 = tpu.memref_slice %arg37[%multiple_of3A_377] : memref<25600xi32, #tpu.memory_space<vmem_shared>> -> memref<16xi32, #tpu.memory_space<vmem_shared>>
      %dma_wait3A_896 = arith.constant 144 : i32
      %dma_wait3A_897 = tpu.memref_slice %arg27[%dma_wait3A_896] : memref<256xi32, #tpu.memory_space<vmem>> -> memref<16xi32, #tpu.memory_space<vmem>>
      %dma_wait3A_898 = tpu.memref_slice %arg37[%multiple_of3A_377] : memref<25600xi32, #tpu.memory_space<vmem_shared>> -> memref<16xi32, #tpu.memory_space<vmem_shared>>
      tpu.wait_dma2 semaphore(%arg43 : memref<!tpu.dma_semaphore, #tpu.memory_space<semaphore_mem>>) src(%dma_wait3A_898 : memref<16xi32, #tpu.memory_space<vmem_shared>>) dst(%dma_wait3A_897 : memref<16xi32, #tpu.memory_space<vmem>>)
      %dma_wait3A_899 = arith.constant 144 : i32
      %dma_wait3A_900 = tpu.memref_slice %arg28[%dma_wait3A_899] : memref<256xf32, #tpu.memory_space<vmem>> -> memref<16xf32, #tpu.memory_space<vmem>>
      %dma_wait3A_901 = tpu.memref_slice %arg38[%multiple_of3A_377] : memref<25600xf32, #tpu.memory_space<vmem_shared>> -> memref<16xf32, #tpu.memory_space<vmem_shared>>
      %dma_wait3A_902 = arith.constant 144 : i32
      %dma_wait3A_903 = tpu.memref_slice %arg28[%dma_wait3A_902] : memref<256xf32, #tpu.memory_space<vmem>> -> memref<16xf32, #tpu.memory_space<vmem>>
      %dma_wait3A_904 = tpu.memref_slice %arg38[%multiple_of3A_377] : memref<25600xf32, #tpu.memory_space<vmem_shared>> -> memref<16xf32, #tpu.memory_space<vmem_shared>>
      tpu.wait_dma2 semaphore(%arg43 : memref<!tpu.dma_semaphore, #tpu.memory_space<semaphore_mem>>) src(%dma_wait3A_904 : memref<16xf32, #tpu.memory_space<vmem_shared>>) dst(%dma_wait3A_903 : memref<16xf32, #tpu.memory_space<vmem>>)
      %dma_wait3A_905 = arith.constant 144 : i32
      %dma_wait3A_906 = tpu.memref_slice %arg29[%dma_wait3A_905] : memref<256xf32, #tpu.memory_space<vmem>> -> memref<16xf32, #tpu.memory_space<vmem>>
      %dma_wait3A_907 = tpu.memref_slice %arg39[%multiple_of3A_377] : memref<25600xf32, #tpu.memory_space<vmem_shared>> -> memref<16xf32, #tpu.memory_space<vmem_shared>>
      %dma_wait3A_908 = arith.constant 144 : i32
      %dma_wait3A_909 = tpu.memref_slice %arg29[%dma_wait3A_908] : memref<256xf32, #tpu.memory_space<vmem>> -> memref<16xf32, #tpu.memory_space<vmem>>
      %dma_wait3A_910 = tpu.memref_slice %arg39[%multiple_of3A_377] : memref<25600xf32, #tpu.memory_space<vmem_shared>> -> memref<16xf32, #tpu.memory_space<vmem_shared>>
      tpu.wait_dma2 semaphore(%arg43 : memref<!tpu.dma_semaphore, #tpu.memory_space<semaphore_mem>>) src(%dma_wait3A_910 : memref<16xf32, #tpu.memory_space<vmem_shared>>) dst(%dma_wait3A_909 : memref<16xf32, #tpu.memory_space<vmem>>)
      %dma_wait3A_911 = arith.constant 144 : i32
      %dma_wait3A_912 = tpu.memref_slice %arg30[%dma_wait3A_911] : memref<256xf32, #tpu.memory_space<vmem>> -> memref<16xf32, #tpu.memory_space<vmem>>
      %dma_wait3A_913 = tpu.memref_slice %arg40[%multiple_of3A_377] : memref<25600xf32, #tpu.memory_space<vmem_shared>> -> memref<16xf32, #tpu.memory_space<vmem_shared>>
      %dma_wait3A_914 = arith.constant 144 : i32
      %dma_wait3A_915 = tpu.memref_slice %arg30[%dma_wait3A_914] : memref<256xf32, #tpu.memory_space<vmem>> -> memref<16xf32, #tpu.memory_space<vmem>>
      %dma_wait3A_916 = tpu.memref_slice %arg40[%multiple_of3A_377] : memref<25600xf32, #tpu.memory_space<vmem_shared>> -> memref<16xf32, #tpu.memory_space<vmem_shared>>
      tpu.wait_dma2 semaphore(%arg43 : memref<!tpu.dma_semaphore, #tpu.memory_space<semaphore_mem>>) src(%dma_wait3A_916 : memref<16xf32, #tpu.memory_space<vmem_shared>>) dst(%dma_wait3A_915 : memref<16xf32, #tpu.memory_space<vmem>>)
      %dma_wait3A_917 = arith.constant 160 : i32
      %dma_wait3A_918 = tpu.memref_slice %arg26[%dma_wait3A_917] : memref<256xf32, #tpu.memory_space<vmem>> -> memref<16xf32, #tpu.memory_space<vmem>>
      %dma_wait3A_919 = tpu.memref_slice %arg36[%multiple_of3A_412] : memref<25600xf32, #tpu.memory_space<vmem_shared>> -> memref<16xf32, #tpu.memory_space<vmem_shared>>
      %dma_wait3A_920 = arith.constant 160 : i32
      %dma_wait3A_921 = tpu.memref_slice %arg26[%dma_wait3A_920] : memref<256xf32, #tpu.memory_space<vmem>> -> memref<16xf32, #tpu.memory_space<vmem>>
      %dma_wait3A_922 = tpu.memref_slice %arg36[%multiple_of3A_412] : memref<25600xf32, #tpu.memory_space<vmem_shared>> -> memref<16xf32, #tpu.memory_space<vmem_shared>>
      tpu.wait_dma2 semaphore(%arg43 : memref<!tpu.dma_semaphore, #tpu.memory_space<semaphore_mem>>) src(%dma_wait3A_922 : memref<16xf32, #tpu.memory_space<vmem_shared>>) dst(%dma_wait3A_921 : memref<16xf32, #tpu.memory_space<vmem>>)
      %dma_wait3A_923 = arith.constant 160 : i32
      %dma_wait3A_924 = tpu.memref_slice %arg27[%dma_wait3A_923] : memref<256xi32, #tpu.memory_space<vmem>> -> memref<16xi32, #tpu.memory_space<vmem>>
      %dma_wait3A_925 = tpu.memref_slice %arg37[%multiple_of3A_412] : memref<25600xi32, #tpu.memory_space<vmem_shared>> -> memref<16xi32, #tpu.memory_space<vmem_shared>>
      %dma_wait3A_926 = arith.constant 160 : i32
      %dma_wait3A_927 = tpu.memref_slice %arg27[%dma_wait3A_926] : memref<256xi32, #tpu.memory_space<vmem>> -> memref<16xi32, #tpu.memory_space<vmem>>
      %dma_wait3A_928 = tpu.memref_slice %arg37[%multiple_of3A_412] : memref<25600xi32, #tpu.memory_space<vmem_shared>> -> memref<16xi32, #tpu.memory_space<vmem_shared>>
      tpu.wait_dma2 semaphore(%arg43 : memref<!tpu.dma_semaphore, #tpu.memory_space<semaphore_mem>>) src(%dma_wait3A_928 : memref<16xi32, #tpu.memory_space<vmem_shared>>) dst(%dma_wait3A_927 : memref<16xi32, #tpu.memory_space<vmem>>)
      %dma_wait3A_929 = arith.constant 160 : i32
      %dma_wait3A_930 = tpu.memref_slice %arg28[%dma_wait3A_929] : memref<256xf32, #tpu.memory_space<vmem>> -> memref<16xf32, #tpu.memory_space<vmem>>
      %dma_wait3A_931 = tpu.memref_slice %arg38[%multiple_of3A_412] : memref<25600xf32, #tpu.memory_space<vmem_shared>> -> memref<16xf32, #tpu.memory_space<vmem_shared>>
      %dma_wait3A_932 = arith.constant 160 : i32
      %dma_wait3A_933 = tpu.memref_slice %arg28[%dma_wait3A_932] : memref<256xf32, #tpu.memory_space<vmem>> -> memref<16xf32, #tpu.memory_space<vmem>>
      %dma_wait3A_934 = tpu.memref_slice %arg38[%multiple_of3A_412] : memref<25600xf32, #tpu.memory_space<vmem_shared>> -> memref<16xf32, #tpu.memory_space<vmem_shared>>
      tpu.wait_dma2 semaphore(%arg43 : memref<!tpu.dma_semaphore, #tpu.memory_space<semaphore_mem>>) src(%dma_wait3A_934 : memref<16xf32, #tpu.memory_space<vmem_shared>>) dst(%dma_wait3A_933 : memref<16xf32, #tpu.memory_space<vmem>>)
      %dma_wait3A_935 = arith.constant 160 : i32
      %dma_wait3A_936 = tpu.memref_slice %arg29[%dma_wait3A_935] : memref<256xf32, #tpu.memory_space<vmem>> -> memref<16xf32, #tpu.memory_space<vmem>>
      %dma_wait3A_937 = tpu.memref_slice %arg39[%multiple_of3A_412] : memref<25600xf32, #tpu.memory_space<vmem_shared>> -> memref<16xf32, #tpu.memory_space<vmem_shared>>
      %dma_wait3A_938 = arith.constant 160 : i32
      %dma_wait3A_939 = tpu.memref_slice %arg29[%dma_wait3A_938] : memref<256xf32, #tpu.memory_space<vmem>> -> memref<16xf32, #tpu.memory_space<vmem>>
      %dma_wait3A_940 = tpu.memref_slice %arg39[%multiple_of3A_412] : memref<25600xf32, #tpu.memory_space<vmem_shared>> -> memref<16xf32, #tpu.memory_space<vmem_shared>>
      tpu.wait_dma2 semaphore(%arg43 : memref<!tpu.dma_semaphore, #tpu.memory_space<semaphore_mem>>) src(%dma_wait3A_940 : memref<16xf32, #tpu.memory_space<vmem_shared>>) dst(%dma_wait3A_939 : memref<16xf32, #tpu.memory_space<vmem>>)
      %dma_wait3A_941 = arith.constant 160 : i32
      %dma_wait3A_942 = tpu.memref_slice %arg30[%dma_wait3A_941] : memref<256xf32, #tpu.memory_space<vmem>> -> memref<16xf32, #tpu.memory_space<vmem>>
      %dma_wait3A_943 = tpu.memref_slice %arg40[%multiple_of3A_412] : memref<25600xf32, #tpu.memory_space<vmem_shared>> -> memref<16xf32, #tpu.memory_space<vmem_shared>>
      %dma_wait3A_944 = arith.constant 160 : i32
      %dma_wait3A_945 = tpu.memref_slice %arg30[%dma_wait3A_944] : memref<256xf32, #tpu.memory_space<vmem>> -> memref<16xf32, #tpu.memory_space<vmem>>
      %dma_wait3A_946 = tpu.memref_slice %arg40[%multiple_of3A_412] : memref<25600xf32, #tpu.memory_space<vmem_shared>> -> memref<16xf32, #tpu.memory_space<vmem_shared>>
      tpu.wait_dma2 semaphore(%arg43 : memref<!tpu.dma_semaphore, #tpu.memory_space<semaphore_mem>>) src(%dma_wait3A_946 : memref<16xf32, #tpu.memory_space<vmem_shared>>) dst(%dma_wait3A_945 : memref<16xf32, #tpu.memory_space<vmem>>)
      %dma_wait3A_947 = arith.constant 176 : i32
      %dma_wait3A_948 = tpu.memref_slice %arg26[%dma_wait3A_947] : memref<256xf32, #tpu.memory_space<vmem>> -> memref<16xf32, #tpu.memory_space<vmem>>
      %dma_wait3A_949 = tpu.memref_slice %arg36[%multiple_of3A_447] : memref<25600xf32, #tpu.memory_space<vmem_shared>> -> memref<16xf32, #tpu.memory_space<vmem_shared>>
      %dma_wait3A_950 = arith.constant 176 : i32
      %dma_wait3A_951 = tpu.memref_slice %arg26[%dma_wait3A_950] : memref<256xf32, #tpu.memory_space<vmem>> -> memref<16xf32, #tpu.memory_space<vmem>>
      %dma_wait3A_952 = tpu.memref_slice %arg36[%multiple_of3A_447] : memref<25600xf32, #tpu.memory_space<vmem_shared>> -> memref<16xf32, #tpu.memory_space<vmem_shared>>
      tpu.wait_dma2 semaphore(%arg43 : memref<!tpu.dma_semaphore, #tpu.memory_space<semaphore_mem>>) src(%dma_wait3A_952 : memref<16xf32, #tpu.memory_space<vmem_shared>>) dst(%dma_wait3A_951 : memref<16xf32, #tpu.memory_space<vmem>>)
      %dma_wait3A_953 = arith.constant 176 : i32
      %dma_wait3A_954 = tpu.memref_slice %arg27[%dma_wait3A_953] : memref<256xi32, #tpu.memory_space<vmem>> -> memref<16xi32, #tpu.memory_space<vmem>>
      %dma_wait3A_955 = tpu.memref_slice %arg37[%multiple_of3A_447] : memref<25600xi32, #tpu.memory_space<vmem_shared>> -> memref<16xi32, #tpu.memory_space<vmem_shared>>
      %dma_wait3A_956 = arith.constant 176 : i32
      %dma_wait3A_957 = tpu.memref_slice %arg27[%dma_wait3A_956] : memref<256xi32, #tpu.memory_space<vmem>> -> memref<16xi32, #tpu.memory_space<vmem>>
      %dma_wait3A_958 = tpu.memref_slice %arg37[%multiple_of3A_447] : memref<25600xi32, #tpu.memory_space<vmem_shared>> -> memref<16xi32, #tpu.memory_space<vmem_shared>>
      tpu.wait_dma2 semaphore(%arg43 : memref<!tpu.dma_semaphore, #tpu.memory_space<semaphore_mem>>) src(%dma_wait3A_958 : memref<16xi32, #tpu.memory_space<vmem_shared>>) dst(%dma_wait3A_957 : memref<16xi32, #tpu.memory_space<vmem>>)
      %dma_wait3A_959 = arith.constant 176 : i32
      %dma_wait3A_960 = tpu.memref_slice %arg28[%dma_wait3A_959] : memref<256xf32, #tpu.memory_space<vmem>> -> memref<16xf32, #tpu.memory_space<vmem>>
      %dma_wait3A_961 = tpu.memref_slice %arg38[%multiple_of3A_447] : memref<25600xf32, #tpu.memory_space<vmem_shared>> -> memref<16xf32, #tpu.memory_space<vmem_shared>>
      %dma_wait3A_962 = arith.constant 176 : i32
      %dma_wait3A_963 = tpu.memref_slice %arg28[%dma_wait3A_962] : memref<256xf32, #tpu.memory_space<vmem>> -> memref<16xf32, #tpu.memory_space<vmem>>
      %dma_wait3A_964 = tpu.memref_slice %arg38[%multiple_of3A_447] : memref<25600xf32, #tpu.memory_space<vmem_shared>> -> memref<16xf32, #tpu.memory_space<vmem_shared>>
      tpu.wait_dma2 semaphore(%arg43 : memref<!tpu.dma_semaphore, #tpu.memory_space<semaphore_mem>>) src(%dma_wait3A_964 : memref<16xf32, #tpu.memory_space<vmem_shared>>) dst(%dma_wait3A_963 : memref<16xf32, #tpu.memory_space<vmem>>)
      %dma_wait3A_965 = arith.constant 176 : i32
      %dma_wait3A_966 = tpu.memref_slice %arg29[%dma_wait3A_965] : memref<256xf32, #tpu.memory_space<vmem>> -> memref<16xf32, #tpu.memory_space<vmem>>
      %dma_wait3A_967 = tpu.memref_slice %arg39[%multiple_of3A_447] : memref<25600xf32, #tpu.memory_space<vmem_shared>> -> memref<16xf32, #tpu.memory_space<vmem_shared>>
      %dma_wait3A_968 = arith.constant 176 : i32
      %dma_wait3A_969 = tpu.memref_slice %arg29[%dma_wait3A_968] : memref<256xf32, #tpu.memory_space<vmem>> -> memref<16xf32, #tpu.memory_space<vmem>>
      %dma_wait3A_970 = tpu.memref_slice %arg39[%multiple_of3A_447] : memref<25600xf32, #tpu.memory_space<vmem_shared>> -> memref<16xf32, #tpu.memory_space<vmem_shared>>
      tpu.wait_dma2 semaphore(%arg43 : memref<!tpu.dma_semaphore, #tpu.memory_space<semaphore_mem>>) src(%dma_wait3A_970 : memref<16xf32, #tpu.memory_space<vmem_shared>>) dst(%dma_wait3A_969 : memref<16xf32, #tpu.memory_space<vmem>>)
      %dma_wait3A_971 = arith.constant 176 : i32
      %dma_wait3A_972 = tpu.memref_slice %arg30[%dma_wait3A_971] : memref<256xf32, #tpu.memory_space<vmem>> -> memref<16xf32, #tpu.memory_space<vmem>>
      %dma_wait3A_973 = tpu.memref_slice %arg40[%multiple_of3A_447] : memref<25600xf32, #tpu.memory_space<vmem_shared>> -> memref<16xf32, #tpu.memory_space<vmem_shared>>
      %dma_wait3A_974 = arith.constant 176 : i32
      %dma_wait3A_975 = tpu.memref_slice %arg30[%dma_wait3A_974] : memref<256xf32, #tpu.memory_space<vmem>> -> memref<16xf32, #tpu.memory_space<vmem>>
      %dma_wait3A_976 = tpu.memref_slice %arg40[%multiple_of3A_447] : memref<25600xf32, #tpu.memory_space<vmem_shared>> -> memref<16xf32, #tpu.memory_space<vmem_shared>>
      tpu.wait_dma2 semaphore(%arg43 : memref<!tpu.dma_semaphore, #tpu.memory_space<semaphore_mem>>) src(%dma_wait3A_976 : memref<16xf32, #tpu.memory_space<vmem_shared>>) dst(%dma_wait3A_975 : memref<16xf32, #tpu.memory_space<vmem>>)
      %dma_wait3A_977 = arith.constant 192 : i32
      %dma_wait3A_978 = tpu.memref_slice %arg26[%dma_wait3A_977] : memref<256xf32, #tpu.memory_space<vmem>> -> memref<16xf32, #tpu.memory_space<vmem>>
      %dma_wait3A_979 = tpu.memref_slice %arg36[%multiple_of3A_482] : memref<25600xf32, #tpu.memory_space<vmem_shared>> -> memref<16xf32, #tpu.memory_space<vmem_shared>>
      %dma_wait3A_980 = arith.constant 192 : i32
      %dma_wait3A_981 = tpu.memref_slice %arg26[%dma_wait3A_980] : memref<256xf32, #tpu.memory_space<vmem>> -> memref<16xf32, #tpu.memory_space<vmem>>
      %dma_wait3A_982 = tpu.memref_slice %arg36[%multiple_of3A_482] : memref<25600xf32, #tpu.memory_space<vmem_shared>> -> memref<16xf32, #tpu.memory_space<vmem_shared>>
      tpu.wait_dma2 semaphore(%arg43 : memref<!tpu.dma_semaphore, #tpu.memory_space<semaphore_mem>>) src(%dma_wait3A_982 : memref<16xf32, #tpu.memory_space<vmem_shared>>) dst(%dma_wait3A_981 : memref<16xf32, #tpu.memory_space<vmem>>)
      %dma_wait3A_983 = arith.constant 192 : i32
      %dma_wait3A_984 = tpu.memref_slice %arg27[%dma_wait3A_983] : memref<256xi32, #tpu.memory_space<vmem>> -> memref<16xi32, #tpu.memory_space<vmem>>
      %dma_wait3A_985 = tpu.memref_slice %arg37[%multiple_of3A_482] : memref<25600xi32, #tpu.memory_space<vmem_shared>> -> memref<16xi32, #tpu.memory_space<vmem_shared>>
      %dma_wait3A_986 = arith.constant 192 : i32
      %dma_wait3A_987 = tpu.memref_slice %arg27[%dma_wait3A_986] : memref<256xi32, #tpu.memory_space<vmem>> -> memref<16xi32, #tpu.memory_space<vmem>>
      %dma_wait3A_988 = tpu.memref_slice %arg37[%multiple_of3A_482] : memref<25600xi32, #tpu.memory_space<vmem_shared>> -> memref<16xi32, #tpu.memory_space<vmem_shared>>
      tpu.wait_dma2 semaphore(%arg43 : memref<!tpu.dma_semaphore, #tpu.memory_space<semaphore_mem>>) src(%dma_wait3A_988 : memref<16xi32, #tpu.memory_space<vmem_shared>>) dst(%dma_wait3A_987 : memref<16xi32, #tpu.memory_space<vmem>>)
      %dma_wait3A_989 = arith.constant 192 : i32
      %dma_wait3A_990 = tpu.memref_slice %arg28[%dma_wait3A_989] : memref<256xf32, #tpu.memory_space<vmem>> -> memref<16xf32, #tpu.memory_space<vmem>>
      %dma_wait3A_991 = tpu.memref_slice %arg38[%multiple_of3A_482] : memref<25600xf32, #tpu.memory_space<vmem_shared>> -> memref<16xf32, #tpu.memory_space<vmem_shared>>
      %dma_wait3A_992 = arith.constant 192 : i32
      %dma_wait3A_993 = tpu.memref_slice %arg28[%dma_wait3A_992] : memref<256xf32, #tpu.memory_space<vmem>> -> memref<16xf32, #tpu.memory_space<vmem>>
      %dma_wait3A_994 = tpu.memref_slice %arg38[%multiple_of3A_482] : memref<25600xf32, #tpu.memory_space<vmem_shared>> -> memref<16xf32, #tpu.memory_space<vmem_shared>>
      tpu.wait_dma2 semaphore(%arg43 : memref<!tpu.dma_semaphore, #tpu.memory_space<semaphore_mem>>) src(%dma_wait3A_994 : memref<16xf32, #tpu.memory_space<vmem_shared>>) dst(%dma_wait3A_993 : memref<16xf32, #tpu.memory_space<vmem>>)
      %dma_wait3A_995 = arith.constant 192 : i32
      %dma_wait3A_996 = tpu.memref_slice %arg29[%dma_wait3A_995] : memref<256xf32, #tpu.memory_space<vmem>> -> memref<16xf32, #tpu.memory_space<vmem>>
      %dma_wait3A_997 = tpu.memref_slice %arg39[%multiple_of3A_482] : memref<25600xf32, #tpu.memory_space<vmem_shared>> -> memref<16xf32, #tpu.memory_space<vmem_shared>>
      %dma_wait3A_998 = arith.constant 192 : i32
      %dma_wait3A_999 = tpu.memref_slice %arg29[%dma_wait3A_998] : memref<256xf32, #tpu.memory_space<vmem>> -> memref<16xf32, #tpu.memory_space<vmem>>
      %dma_wait3A_1000 = tpu.memref_slice %arg39[%multiple_of3A_482] : memref<25600xf32, #tpu.memory_space<vmem_shared>> -> memref<16xf32, #tpu.memory_space<vmem_shared>>
      tpu.wait_dma2 semaphore(%arg43 : memref<!tpu.dma_semaphore, #tpu.memory_space<semaphore_mem>>) src(%dma_wait3A_1000 : memref<16xf32, #tpu.memory_space<vmem_shared>>) dst(%dma_wait3A_999 : memref<16xf32, #tpu.memory_space<vmem>>)
      %dma_wait3A_1001 = arith.constant 192 : i32
      %dma_wait3A_1002 = tpu.memref_slice %arg30[%dma_wait3A_1001] : memref<256xf32, #tpu.memory_space<vmem>> -> memref<16xf32, #tpu.memory_space<vmem>>
      %dma_wait3A_1003 = tpu.memref_slice %arg40[%multiple_of3A_482] : memref<25600xf32, #tpu.memory_space<vmem_shared>> -> memref<16xf32, #tpu.memory_space<vmem_shared>>
      %dma_wait3A_1004 = arith.constant 192 : i32
      %dma_wait3A_1005 = tpu.memref_slice %arg30[%dma_wait3A_1004] : memref<256xf32, #tpu.memory_space<vmem>> -> memref<16xf32, #tpu.memory_space<vmem>>
      %dma_wait3A_1006 = tpu.memref_slice %arg40[%multiple_of3A_482] : memref<25600xf32, #tpu.memory_space<vmem_shared>> -> memref<16xf32, #tpu.memory_space<vmem_shared>>
      tpu.wait_dma2 semaphore(%arg43 : memref<!tpu.dma_semaphore, #tpu.memory_space<semaphore_mem>>) src(%dma_wait3A_1006 : memref<16xf32, #tpu.memory_space<vmem_shared>>) dst(%dma_wait3A_1005 : memref<16xf32, #tpu.memory_space<vmem>>)
      %dma_wait3A_1007 = arith.constant 208 : i32
      %dma_wait3A_1008 = tpu.memref_slice %arg26[%dma_wait3A_1007] : memref<256xf32, #tpu.memory_space<vmem>> -> memref<16xf32, #tpu.memory_space<vmem>>
      %dma_wait3A_1009 = tpu.memref_slice %arg36[%multiple_of3A_517] : memref<25600xf32, #tpu.memory_space<vmem_shared>> -> memref<16xf32, #tpu.memory_space<vmem_shared>>
      %dma_wait3A_1010 = arith.constant 208 : i32
      %dma_wait3A_1011 = tpu.memref_slice %arg26[%dma_wait3A_1010] : memref<256xf32, #tpu.memory_space<vmem>> -> memref<16xf32, #tpu.memory_space<vmem>>
      %dma_wait3A_1012 = tpu.memref_slice %arg36[%multiple_of3A_517] : memref<25600xf32, #tpu.memory_space<vmem_shared>> -> memref<16xf32, #tpu.memory_space<vmem_shared>>
      tpu.wait_dma2 semaphore(%arg43 : memref<!tpu.dma_semaphore, #tpu.memory_space<semaphore_mem>>) src(%dma_wait3A_1012 : memref<16xf32, #tpu.memory_space<vmem_shared>>) dst(%dma_wait3A_1011 : memref<16xf32, #tpu.memory_space<vmem>>)
      %dma_wait3A_1013 = arith.constant 208 : i32
      %dma_wait3A_1014 = tpu.memref_slice %arg27[%dma_wait3A_1013] : memref<256xi32, #tpu.memory_space<vmem>> -> memref<16xi32, #tpu.memory_space<vmem>>
      %dma_wait3A_1015 = tpu.memref_slice %arg37[%multiple_of3A_517] : memref<25600xi32, #tpu.memory_space<vmem_shared>> -> memref<16xi32, #tpu.memory_space<vmem_shared>>
      %dma_wait3A_1016 = arith.constant 208 : i32
      %dma_wait3A_1017 = tpu.memref_slice %arg27[%dma_wait3A_1016] : memref<256xi32, #tpu.memory_space<vmem>> -> memref<16xi32, #tpu.memory_space<vmem>>
      %dma_wait3A_1018 = tpu.memref_slice %arg37[%multiple_of3A_517] : memref<25600xi32, #tpu.memory_space<vmem_shared>> -> memref<16xi32, #tpu.memory_space<vmem_shared>>
      tpu.wait_dma2 semaphore(%arg43 : memref<!tpu.dma_semaphore, #tpu.memory_space<semaphore_mem>>) src(%dma_wait3A_1018 : memref<16xi32, #tpu.memory_space<vmem_shared>>) dst(%dma_wait3A_1017 : memref<16xi32, #tpu.memory_space<vmem>>)
      %dma_wait3A_1019 = arith.constant 208 : i32
      %dma_wait3A_1020 = tpu.memref_slice %arg28[%dma_wait3A_1019] : memref<256xf32, #tpu.memory_space<vmem>> -> memref<16xf32, #tpu.memory_space<vmem>>
      %dma_wait3A_1021 = tpu.memref_slice %arg38[%multiple_of3A_517] : memref<25600xf32, #tpu.memory_space<vmem_shared>> -> memref<16xf32, #tpu.memory_space<vmem_shared>>
      %dma_wait3A_1022 = arith.constant 208 : i32
      %dma_wait3A_1023 = tpu.memref_slice %arg28[%dma_wait3A_1022] : memref<256xf32, #tpu.memory_space<vmem>> -> memref<16xf32, #tpu.memory_space<vmem>>
      %dma_wait3A_1024 = tpu.memref_slice %arg38[%multiple_of3A_517] : memref<25600xf32, #tpu.memory_space<vmem_shared>> -> memref<16xf32, #tpu.memory_space<vmem_shared>>
      tpu.wait_dma2 semaphore(%arg43 : memref<!tpu.dma_semaphore, #tpu.memory_space<semaphore_mem>>) src(%dma_wait3A_1024 : memref<16xf32, #tpu.memory_space<vmem_shared>>) dst(%dma_wait3A_1023 : memref<16xf32, #tpu.memory_space<vmem>>)
      %dma_wait3A_1025 = arith.constant 208 : i32
      %dma_wait3A_1026 = tpu.memref_slice %arg29[%dma_wait3A_1025] : memref<256xf32, #tpu.memory_space<vmem>> -> memref<16xf32, #tpu.memory_space<vmem>>
      %dma_wait3A_1027 = tpu.memref_slice %arg39[%multiple_of3A_517] : memref<25600xf32, #tpu.memory_space<vmem_shared>> -> memref<16xf32, #tpu.memory_space<vmem_shared>>
      %dma_wait3A_1028 = arith.constant 208 : i32
      %dma_wait3A_1029 = tpu.memref_slice %arg29[%dma_wait3A_1028] : memref<256xf32, #tpu.memory_space<vmem>> -> memref<16xf32, #tpu.memory_space<vmem>>
      %dma_wait3A_1030 = tpu.memref_slice %arg39[%multiple_of3A_517] : memref<25600xf32, #tpu.memory_space<vmem_shared>> -> memref<16xf32, #tpu.memory_space<vmem_shared>>
      tpu.wait_dma2 semaphore(%arg43 : memref<!tpu.dma_semaphore, #tpu.memory_space<semaphore_mem>>) src(%dma_wait3A_1030 : memref<16xf32, #tpu.memory_space<vmem_shared>>) dst(%dma_wait3A_1029 : memref<16xf32, #tpu.memory_space<vmem>>)
      %dma_wait3A_1031 = arith.constant 208 : i32
      %dma_wait3A_1032 = tpu.memref_slice %arg30[%dma_wait3A_1031] : memref<256xf32, #tpu.memory_space<vmem>> -> memref<16xf32, #tpu.memory_space<vmem>>
      %dma_wait3A_1033 = tpu.memref_slice %arg40[%multiple_of3A_517] : memref<25600xf32, #tpu.memory_space<vmem_shared>> -> memref<16xf32, #tpu.memory_space<vmem_shared>>
      %dma_wait3A_1034 = arith.constant 208 : i32
      %dma_wait3A_1035 = tpu.memref_slice %arg30[%dma_wait3A_1034] : memref<256xf32, #tpu.memory_space<vmem>> -> memref<16xf32, #tpu.memory_space<vmem>>
      %dma_wait3A_1036 = tpu.memref_slice %arg40[%multiple_of3A_517] : memref<25600xf32, #tpu.memory_space<vmem_shared>> -> memref<16xf32, #tpu.memory_space<vmem_shared>>
      tpu.wait_dma2 semaphore(%arg43 : memref<!tpu.dma_semaphore, #tpu.memory_space<semaphore_mem>>) src(%dma_wait3A_1036 : memref<16xf32, #tpu.memory_space<vmem_shared>>) dst(%dma_wait3A_1035 : memref<16xf32, #tpu.memory_space<vmem>>)
      %dma_wait3A_1037 = arith.constant 224 : i32
      %dma_wait3A_1038 = tpu.memref_slice %arg26[%dma_wait3A_1037] : memref<256xf32, #tpu.memory_space<vmem>> -> memref<16xf32, #tpu.memory_space<vmem>>
      %dma_wait3A_1039 = tpu.memref_slice %arg36[%multiple_of3A_552] : memref<25600xf32, #tpu.memory_space<vmem_shared>> -> memref<16xf32, #tpu.memory_space<vmem_shared>>
      %dma_wait3A_1040 = arith.constant 224 : i32
      %dma_wait3A_1041 = tpu.memref_slice %arg26[%dma_wait3A_1040] : memref<256xf32, #tpu.memory_space<vmem>> -> memref<16xf32, #tpu.memory_space<vmem>>
      %dma_wait3A_1042 = tpu.memref_slice %arg36[%multiple_of3A_552] : memref<25600xf32, #tpu.memory_space<vmem_shared>> -> memref<16xf32, #tpu.memory_space<vmem_shared>>
      tpu.wait_dma2 semaphore(%arg43 : memref<!tpu.dma_semaphore, #tpu.memory_space<semaphore_mem>>) src(%dma_wait3A_1042 : memref<16xf32, #tpu.memory_space<vmem_shared>>) dst(%dma_wait3A_1041 : memref<16xf32, #tpu.memory_space<vmem>>)
      %dma_wait3A_1043 = arith.constant 224 : i32
      %dma_wait3A_1044 = tpu.memref_slice %arg27[%dma_wait3A_1043] : memref<256xi32, #tpu.memory_space<vmem>> -> memref<16xi32, #tpu.memory_space<vmem>>
      %dma_wait3A_1045 = tpu.memref_slice %arg37[%multiple_of3A_552] : memref<25600xi32, #tpu.memory_space<vmem_shared>> -> memref<16xi32, #tpu.memory_space<vmem_shared>>
      %dma_wait3A_1046 = arith.constant 224 : i32
      %dma_wait3A_1047 = tpu.memref_slice %arg27[%dma_wait3A_1046] : memref<256xi32, #tpu.memory_space<vmem>> -> memref<16xi32, #tpu.memory_space<vmem>>
      %dma_wait3A_1048 = tpu.memref_slice %arg37[%multiple_of3A_552] : memref<25600xi32, #tpu.memory_space<vmem_shared>> -> memref<16xi32, #tpu.memory_space<vmem_shared>>
      tpu.wait_dma2 semaphore(%arg43 : memref<!tpu.dma_semaphore, #tpu.memory_space<semaphore_mem>>) src(%dma_wait3A_1048 : memref<16xi32, #tpu.memory_space<vmem_shared>>) dst(%dma_wait3A_1047 : memref<16xi32, #tpu.memory_space<vmem>>)
      %dma_wait3A_1049 = arith.constant 224 : i32
      %dma_wait3A_1050 = tpu.memref_slice %arg28[%dma_wait3A_1049] : memref<256xf32, #tpu.memory_space<vmem>> -> memref<16xf32, #tpu.memory_space<vmem>>
      %dma_wait3A_1051 = tpu.memref_slice %arg38[%multiple_of3A_552] : memref<25600xf32, #tpu.memory_space<vmem_shared>> -> memref<16xf32, #tpu.memory_space<vmem_shared>>
      %dma_wait3A_1052 = arith.constant 224 : i32
      %dma_wait3A_1053 = tpu.memref_slice %arg28[%dma_wait3A_1052] : memref<256xf32, #tpu.memory_space<vmem>> -> memref<16xf32, #tpu.memory_space<vmem>>
      %dma_wait3A_1054 = tpu.memref_slice %arg38[%multiple_of3A_552] : memref<25600xf32, #tpu.memory_space<vmem_shared>> -> memref<16xf32, #tpu.memory_space<vmem_shared>>
      tpu.wait_dma2 semaphore(%arg43 : memref<!tpu.dma_semaphore, #tpu.memory_space<semaphore_mem>>) src(%dma_wait3A_1054 : memref<16xf32, #tpu.memory_space<vmem_shared>>) dst(%dma_wait3A_1053 : memref<16xf32, #tpu.memory_space<vmem>>)
      %dma_wait3A_1055 = arith.constant 224 : i32
      %dma_wait3A_1056 = tpu.memref_slice %arg29[%dma_wait3A_1055] : memref<256xf32, #tpu.memory_space<vmem>> -> memref<16xf32, #tpu.memory_space<vmem>>
      %dma_wait3A_1057 = tpu.memref_slice %arg39[%multiple_of3A_552] : memref<25600xf32, #tpu.memory_space<vmem_shared>> -> memref<16xf32, #tpu.memory_space<vmem_shared>>
      %dma_wait3A_1058 = arith.constant 224 : i32
      %dma_wait3A_1059 = tpu.memref_slice %arg29[%dma_wait3A_1058] : memref<256xf32, #tpu.memory_space<vmem>> -> memref<16xf32, #tpu.memory_space<vmem>>
      %dma_wait3A_1060 = tpu.memref_slice %arg39[%multiple_of3A_552] : memref<25600xf32, #tpu.memory_space<vmem_shared>> -> memref<16xf32, #tpu.memory_space<vmem_shared>>
      tpu.wait_dma2 semaphore(%arg43 : memref<!tpu.dma_semaphore, #tpu.memory_space<semaphore_mem>>) src(%dma_wait3A_1060 : memref<16xf32, #tpu.memory_space<vmem_shared>>) dst(%dma_wait3A_1059 : memref<16xf32, #tpu.memory_space<vmem>>)
      %dma_wait3A_1061 = arith.constant 224 : i32
      %dma_wait3A_1062 = tpu.memref_slice %arg30[%dma_wait3A_1061] : memref<256xf32, #tpu.memory_space<vmem>> -> memref<16xf32, #tpu.memory_space<vmem>>
      %dma_wait3A_1063 = tpu.memref_slice %arg40[%multiple_of3A_552] : memref<25600xf32, #tpu.memory_space<vmem_shared>> -> memref<16xf32, #tpu.memory_space<vmem_shared>>
      %dma_wait3A_1064 = arith.constant 224 : i32
      %dma_wait3A_1065 = tpu.memref_slice %arg30[%dma_wait3A_1064] : memref<256xf32, #tpu.memory_space<vmem>> -> memref<16xf32, #tpu.memory_space<vmem>>
      %dma_wait3A_1066 = tpu.memref_slice %arg40[%multiple_of3A_552] : memref<25600xf32, #tpu.memory_space<vmem_shared>> -> memref<16xf32, #tpu.memory_space<vmem_shared>>
      tpu.wait_dma2 semaphore(%arg43 : memref<!tpu.dma_semaphore, #tpu.memory_space<semaphore_mem>>) src(%dma_wait3A_1066 : memref<16xf32, #tpu.memory_space<vmem_shared>>) dst(%dma_wait3A_1065 : memref<16xf32, #tpu.memory_space<vmem>>)
      %dma_wait3A_1067 = arith.constant 240 : i32
      %dma_wait3A_1068 = tpu.memref_slice %arg26[%dma_wait3A_1067] : memref<256xf32, #tpu.memory_space<vmem>> -> memref<16xf32, #tpu.memory_space<vmem>>
      %dma_wait3A_1069 = tpu.memref_slice %arg36[%multiple_of3A_587] : memref<25600xf32, #tpu.memory_space<vmem_shared>> -> memref<16xf32, #tpu.memory_space<vmem_shared>>
      %dma_wait3A_1070 = arith.constant 240 : i32
      %dma_wait3A_1071 = tpu.memref_slice %arg26[%dma_wait3A_1070] : memref<256xf32, #tpu.memory_space<vmem>> -> memref<16xf32, #tpu.memory_space<vmem>>
      %dma_wait3A_1072 = tpu.memref_slice %arg36[%multiple_of3A_587] : memref<25600xf32, #tpu.memory_space<vmem_shared>> -> memref<16xf32, #tpu.memory_space<vmem_shared>>
      tpu.wait_dma2 semaphore(%arg43 : memref<!tpu.dma_semaphore, #tpu.memory_space<semaphore_mem>>) src(%dma_wait3A_1072 : memref<16xf32, #tpu.memory_space<vmem_shared>>) dst(%dma_wait3A_1071 : memref<16xf32, #tpu.memory_space<vmem>>)
      %dma_wait3A_1073 = arith.constant 240 : i32
      %dma_wait3A_1074 = tpu.memref_slice %arg27[%dma_wait3A_1073] : memref<256xi32, #tpu.memory_space<vmem>> -> memref<16xi32, #tpu.memory_space<vmem>>
      %dma_wait3A_1075 = tpu.memref_slice %arg37[%multiple_of3A_587] : memref<25600xi32, #tpu.memory_space<vmem_shared>> -> memref<16xi32, #tpu.memory_space<vmem_shared>>
      %dma_wait3A_1076 = arith.constant 240 : i32
      %dma_wait3A_1077 = tpu.memref_slice %arg27[%dma_wait3A_1076] : memref<256xi32, #tpu.memory_space<vmem>> -> memref<16xi32, #tpu.memory_space<vmem>>
      %dma_wait3A_1078 = tpu.memref_slice %arg37[%multiple_of3A_587] : memref<25600xi32, #tpu.memory_space<vmem_shared>> -> memref<16xi32, #tpu.memory_space<vmem_shared>>
      tpu.wait_dma2 semaphore(%arg43 : memref<!tpu.dma_semaphore, #tpu.memory_space<semaphore_mem>>) src(%dma_wait3A_1078 : memref<16xi32, #tpu.memory_space<vmem_shared>>) dst(%dma_wait3A_1077 : memref<16xi32, #tpu.memory_space<vmem>>)
      %dma_wait3A_1079 = arith.constant 240 : i32
      %dma_wait3A_1080 = tpu.memref_slice %arg28[%dma_wait3A_1079] : memref<256xf32, #tpu.memory_space<vmem>> -> memref<16xf32, #tpu.memory_space<vmem>>
      %dma_wait3A_1081 = tpu.memref_slice %arg38[%multiple_of3A_587] : memref<25600xf32, #tpu.memory_space<vmem_shared>> -> memref<16xf32, #tpu.memory_space<vmem_shared>>
      %dma_wait3A_1082 = arith.constant 240 : i32
      %dma_wait3A_1083 = tpu.memref_slice %arg28[%dma_wait3A_1082] : memref<256xf32, #tpu.memory_space<vmem>> -> memref<16xf32, #tpu.memory_space<vmem>>
      %dma_wait3A_1084 = tpu.memref_slice %arg38[%multiple_of3A_587] : memref<25600xf32, #tpu.memory_space<vmem_shared>> -> memref<16xf32, #tpu.memory_space<vmem_shared>>
      tpu.wait_dma2 semaphore(%arg43 : memref<!tpu.dma_semaphore, #tpu.memory_space<semaphore_mem>>) src(%dma_wait3A_1084 : memref<16xf32, #tpu.memory_space<vmem_shared>>) dst(%dma_wait3A_1083 : memref<16xf32, #tpu.memory_space<vmem>>)
      %dma_wait3A_1085 = arith.constant 240 : i32
      %dma_wait3A_1086 = tpu.memref_slice %arg29[%dma_wait3A_1085] : memref<256xf32, #tpu.memory_space<vmem>> -> memref<16xf32, #tpu.memory_space<vmem>>
      %dma_wait3A_1087 = tpu.memref_slice %arg39[%multiple_of3A_587] : memref<25600xf32, #tpu.memory_space<vmem_shared>> -> memref<16xf32, #tpu.memory_space<vmem_shared>>
      %dma_wait3A_1088 = arith.constant 240 : i32
      %dma_wait3A_1089 = tpu.memref_slice %arg29[%dma_wait3A_1088] : memref<256xf32, #tpu.memory_space<vmem>> -> memref<16xf32, #tpu.memory_space<vmem>>
      %dma_wait3A_1090 = tpu.memref_slice %arg39[%multiple_of3A_587] : memref<25600xf32, #tpu.memory_space<vmem_shared>> -> memref<16xf32, #tpu.memory_space<vmem_shared>>
      tpu.wait_dma2 semaphore(%arg43 : memref<!tpu.dma_semaphore, #tpu.memory_space<semaphore_mem>>) src(%dma_wait3A_1090 : memref<16xf32, #tpu.memory_space<vmem_shared>>) dst(%dma_wait3A_1089 : memref<16xf32, #tpu.memory_space<vmem>>)
      %dma_wait3A_1091 = arith.constant 240 : i32
      %dma_wait3A_1092 = tpu.memref_slice %arg30[%dma_wait3A_1091] : memref<256xf32, #tpu.memory_space<vmem>> -> memref<16xf32, #tpu.memory_space<vmem>>
      %dma_wait3A_1093 = tpu.memref_slice %arg40[%multiple_of3A_587] : memref<25600xf32, #tpu.memory_space<vmem_shared>> -> memref<16xf32, #tpu.memory_space<vmem_shared>>
      %dma_wait3A_1094 = arith.constant 240 : i32
      %dma_wait3A_1095 = tpu.memref_slice %arg30[%dma_wait3A_1094] : memref<256xf32, #tpu.memory_space<vmem>> -> memref<16xf32, #tpu.memory_space<vmem>>
      %dma_wait3A_1096 = tpu.memref_slice %arg40[%multiple_of3A_587] : memref<25600xf32, #tpu.memory_space<vmem_shared>> -> memref<16xf32, #tpu.memory_space<vmem_shared>>
      tpu.wait_dma2 semaphore(%arg43 : memref<!tpu.dma_semaphore, #tpu.memory_space<semaphore_mem>>) src(%dma_wait3A_1096 : memref<16xf32, #tpu.memory_space<vmem_shared>>) dst(%dma_wait3A_1095 : memref<16xf32, #tpu.memory_space<vmem>>)
      %get3A = arith.constant 0 : index
      %get3A_1097 = tpu.vector_load %arg26[%get3A] {strides = array<i32>} : memref<256xf32, #tpu.memory_space<vmem>>, vector<16xf32>,
      %scan3A_1098 = arith.constant 1 : i32
      %scan3A_1099 = arith.constant 15 : i32
      %scan3A_1100 = arith.addi %scan3A_1098, %scan3A_1099 : i32
      %scan3A_1101 = arith.constant 1 : i32
      %scan3A_1102:2 = scf.for %scan3A_1189 = %scan3A_1098 to %scan3A_1100 step %scan3A_1101 iter_args(%scan3A_1190 = %get3A_1097, %scan3A_1191 = %iota3A) -> (vector<16xf32>, vector<16xi32>)  : i32 {
        %mul3A_1192 = arith.constant 16 : i32
        %mul3A_1193 = arith.muli %scan3A_1189, %mul3A_1192 : i32
        %multiple_of3A_1194 = tpu.assume_multiple %mul3A_1193, 16 : i32
        %get3A_1195 = arith.index_cast %multiple_of3A_1194 : i32 to index
        %get3A_1196 = tpu.vector_load %arg26[%get3A_1195] {strides = array<i32>} : memref<256xf32, #tpu.memory_space<vmem>>, vector<16xf32>,
        %mul3A_1197 = arith.constant 16 : i32
        %mul3A_1198 = arith.muli %scan3A_1189, %mul3A_1197 : i32
        %add3A_1199 = vector.broadcast %mul3A_1198 : i32 to vector<16xi32>
        %add3A_1200 = arith.addi %add3A_1199, %iota3A : vector<16xi32>
        %rev3A = arith.constant 15 : i32
        %rev3A_1201 = vector.broadcast %rev3A : i32 to vector<16xi32>
        %rev3A_1202 = tpu.iota {dimensions = array<i32: 0>} : vector<16xi32>
        %rev3A_1203 = arith.subi %rev3A_1201, %rev3A_1202 : vector<16xi32>
        %rev3A_1204 = tpu.dynamic_gather %get3A_1196[%rev3A_1203] in [0] : vector<16xf32>, vector<16xi32> -> vector<16xf32>
        %rev3A_1205 = arith.constant 15 : i32
        %rev3A_1206 = vector.broadcast %rev3A_1205 : i32 to vector<16xi32>
        %rev3A_1207 = tpu.iota {dimensions = array<i32: 0>} : vector<16xi32>
        %rev3A_1208 = arith.subi %rev3A_1206, %rev3A_1207 : vector<16xi32>
        %rev3A_1209 = tpu.dynamic_gather %add3A_1200[%rev3A_1208] in [0] : vector<16xi32>, vector<16xi32> -> vector<16xi32>
        %le3A = arith.cmpf ole, %scan3A_1190, %rev3A_1204 : vector<16xf32>
        %select_n3A_1210 = arith.select %le3A, %scan3A_1190, %rev3A_1204 : vector<16xi1>, vector<16xf32>
        %select_n3A_1211 = arith.select %le3A, %scan3A_1191, %rev3A_1209 : vector<16xi1>, vector<16xi32>
        %masked_sort3A = arith.constant dense<true> : vector<16xi1>
        %masked_sort3A_1212, %masked_sort3A_1213, %masked_sort3A_1214 = tpu.sort %select_n3A_1210, %select_n3A_1211 masked %masked_sort3A : (vector<16xf32>, vector<16xi32>, vector<16xi1>) -> (vector<16xi1>, vector<16xf32>, vector<16xi32>)
        scf.yield %masked_sort3A_1213, %masked_sort3A_1214 : vector<16xf32>, vector<16xi32>
      }
      %scan3A_1103 = arith.constant 15 : i32
      %gather3A = tpu.vector_load_idx %arg27[%scan3A_1102#1] : memref<256xi32, #tpu.memory_space<vmem>>[vector<16xi32>], vector<16xi32>,
      %gather3A_1104 = tpu.vector_load_idx %arg28[%scan3A_1102#1] : memref<256xf32, #tpu.memory_space<vmem>>[vector<16xi32>], vector<16xf32>,
      %gather3A_1105 = tpu.vector_load_idx %arg29[%scan3A_1102#1] : memref<256xf32, #tpu.memory_space<vmem>>[vector<16xi32>], vector<16xf32>,
      %gather3A_1106 = tpu.vector_load_idx %arg30[%scan3A_1102#1] : memref<256xf32, #tpu.memory_space<vmem>>[vector<16xi32>], vector<16xf32>,
      %lt3A_1107 = arith.constant 9 : i32
      %lt3A_1108 = vector.broadcast %lt3A_1107 : i32 to vector<16xi32>
      %lt3A_1109 = arith.cmpi slt, %iota3A, %lt3A_1108 : vector<16xi32>
      %broadcast_in_dim3A_1110 = vector.broadcast %while3A_58 : i32 to vector<16xi32>
      %gather3A_1111 = tpu.vector_load_idx %arg17[%broadcast_in_dim3A_1110] : memref<128xf32, #tpu.memory_space<vmem>>[vector<16xi32>], vector<16xf32>,
      %gather3A_1112 = tpu.vector_load_idx %arg18[%broadcast_in_dim3A_1110] : memref<128xf32, #tpu.memory_space<vmem>>[vector<16xi32>], vector<16xf32>,
      %gather3A_1113 = tpu.vector_load_idx %arg19[%broadcast_in_dim3A_1110] : memref<128xf32, #tpu.memory_space<vmem>>[vector<16xi32>], vector<16xf32>,
      %gather3A_1114 = tpu.vector_load_idx %arg20[%broadcast_in_dim3A_1110] : memref<128xf32, #tpu.memory_space<vmem>>[vector<16xi32>], vector<16xf32>,
      %jit3A_1115 = arith.constant 0.000000e+00 : f32
      %broadcast_in_dim3A_1116 = vector.broadcast %jit3A_1115 : f32 to vector<16xf32>
      %select_n3A_1117 = arith.select %lt3A_1109, %gather3A_1104, %broadcast_in_dim3A_1116 : vector<16xi1>, vector<16xf32>
      %reduce_sum3A = arith.constant true
      %reduce_sum3A_1118 = vector.broadcast %reduce_sum3A : i1 to vector<16xi1>
      %reduce_sum3A_1119 = tpu.scan <sum>, %select_n3A_1117 masked %reduce_sum3A_1118 : vector<16xf32>, vector<16xi1> -> vector<16xf32>
      %reduce_sum3A_1120 = vector.extract %reduce_sum3A_1119[15] : f32 from vector<16xf32>
      %broadcast_in_dim3A_1121 = vector.broadcast %reduce_sum3A_1120 : f32 to vector<16xf32>
      %div3A = arith.constant 9.000000e+00 : f32
      %div3A_1122 = vector.broadcast %div3A : f32 to vector<16xf32>
      %div3A_1123 = arith.divf %broadcast_in_dim3A_1121, %div3A_1122 : vector<16xf32>
      %sub3A = arith.subf %gather3A_1104, %div3A_1123 : vector<16xf32>
      %jit3A_1124 = arith.constant 0.000000e+00 : f32
      %broadcast_in_dim3A_1125 = vector.broadcast %jit3A_1124 : f32 to vector<16xf32>
      %select_n3A_1126 = arith.select %lt3A_1109, %sub3A, %broadcast_in_dim3A_1125 : vector<16xi1>, vector<16xf32>
      %mul3A_1127 = arith.mulf %select_n3A_1126, %select_n3A_1126 : vector<16xf32>
      %reduce_sum3A_1128 = arith.constant true
      %reduce_sum3A_1129 = vector.broadcast %reduce_sum3A_1128 : i1 to vector<16xi1>
      %reduce_sum3A_1130 = tpu.scan <sum>, %mul3A_1127 masked %reduce_sum3A_1129 : vector<16xf32>, vector<16xi1> -> vector<16xf32>
      %reduce_sum3A_1131 = vector.extract %reduce_sum3A_1130[15] : f32 from vector<16xf32>
      %broadcast_in_dim3A_1132 = vector.broadcast %reduce_sum3A_1131 : f32 to vector<16xf32>
      %div3A_1133 = arith.constant 8.000000e+00 : f32
      %div3A_1134 = vector.broadcast %div3A_1133 : f32 to vector<16xf32>
      %div3A_1135 = arith.divf %broadcast_in_dim3A_1132, %div3A_1134 : vector<16xf32>
      %bitcast3A = vector.bitcast %div3A_1135 : vector<16xf32> to vector<16xi32>
      %shift_right_arithmetic3A = arith.constant 1 : i32
      %shift_right_arithmetic3A_1136 = vector.broadcast %shift_right_arithmetic3A : i32 to vector<16xi32>
      %shift_right_arithmetic3A_1137 = arith.shrsi %bitcast3A, %shift_right_arithmetic3A_1136 : vector<16xi32>
      %add3A_1138 = arith.constant 532487669 : i32
      %add3A_1139 = vector.broadcast %add3A_1138 : i32 to vector<16xi32>
      %add3A_1140 = arith.addi %shift_right_arithmetic3A_1137, %add3A_1139 : vector<16xi32>
      %bitcast3A_1141 = vector.bitcast %add3A_1140 : vector<16xi32> to vector<16xf32>
      %div3A_1142 = arith.divf %div3A_1135, %bitcast3A_1141 : vector<16xf32>
      %add3A_1143 = arith.addf %bitcast3A_1141, %div3A_1142 : vector<16xf32>
      %mul3A_1144 = arith.constant 5.000000e-01 : f32
      %mul3A_1145 = vector.broadcast %mul3A_1144 : f32 to vector<16xf32>
      %mul3A_1146 = arith.mulf %mul3A_1145, %add3A_1143 : vector<16xf32>
      %div3A_1147 = arith.divf %div3A_1135, %mul3A_1146 : vector<16xf32>
      %add3A_1148 = arith.addf %mul3A_1146, %div3A_1147 : vector<16xf32>
      %mul3A_1149 = arith.constant 5.000000e-01 : f32
      %mul3A_1150 = vector.broadcast %mul3A_1149 : f32 to vector<16xf32>
      %mul3A_1151 = arith.mulf %mul3A_1150, %add3A_1148 : vector<16xf32>
      %div3A_1152 = arith.divf %div3A_1135, %mul3A_1151 : vector<16xf32>
      %add3A_1153 = arith.addf %mul3A_1151, %div3A_1152 : vector<16xf32>
      %mul3A_1154 = arith.constant 5.000000e-01 : f32
      %mul3A_1155 = vector.broadcast %mul3A_1154 : f32 to vector<16xf32>
      %mul3A_1156 = arith.mulf %mul3A_1155, %add3A_1153 : vector<16xf32>
      %div3A_1157 = arith.divf %div3A_1135, %mul3A_1156 : vector<16xf32>
      %add3A_1158 = arith.addf %mul3A_1156, %div3A_1157 : vector<16xf32>
      %mul3A_1159 = arith.constant 5.000000e-01 : f32
      %mul3A_1160 = vector.broadcast %mul3A_1159 : f32 to vector<16xf32>
      %mul3A_1161 = arith.mulf %mul3A_1160, %add3A_1158 : vector<16xf32>
      %gt3A = arith.constant 0.000000e+00 : f32
      %gt3A_1162 = vector.broadcast %gt3A : f32 to vector<16xf32>
      %gt3A_1163 = arith.cmpf ogt, %div3A_1135, %gt3A_1162 : vector<16xf32>
      %jit3A_1164 = arith.constant 0.000000e+00 : f32
      %broadcast_in_dim3A_1165 = vector.broadcast %jit3A_1164 : f32 to vector<16xf32>
      %select_n3A_1166 = arith.select %gt3A_1163, %mul3A_1161, %broadcast_in_dim3A_1165 : vector<16xi1>, vector<16xf32>
      %add3A_1167 = arith.addf %div3A_1123, %select_n3A_1166 : vector<16xf32>
      %sub3A_1168 = arith.subf %gather3A_1105, %gather3A_1111 : vector<16xf32>
      %sub3A_1169 = arith.subf %gather3A_1106, %gather3A_1112 : vector<16xf32>
      %min3A_1170 = arith.minimumf %sub3A_1168, %sub3A_1169 : vector<16xf32>
      %sub3A_1171 = arith.subf %gather3A_1113, %gather3A_1105 : vector<16xf32>
      %sub3A_1172 = arith.subf %gather3A_1114, %gather3A_1106 : vector<16xf32>
      %min3A_1173 = arith.minimumf %sub3A_1171, %sub3A_1172 : vector<16xf32>
      %min3A_1174 = arith.minimumf %min3A_1170, %min3A_1173 : vector<16xf32>
      %gt3A_1175 = arith.constant 0.00999999977 : f32
      %gt3A_1176 = vector.broadcast %gt3A_1175 : f32 to vector<16xf32>
      %gt3A_1177 = arith.cmpf ogt, %min3A_1174, %gt3A_1176 : vector<16xf32>
      %ge3A = arith.cmpf oge, %gather3A_1104, %add3A_1167 : vector<16xf32>
      %and3A = arith.andi %lt3A_1109, %ge3A : vector<16xi1>
      %and3A_1178 = arith.andi %and3A, %gt3A_1177 : vector<16xi1>
      %jit3A_1179 = arith.constant -1 : i32
      %broadcast_in_dim3A_1180 = vector.broadcast %jit3A_1179 : i32 to vector<16xi32>
      %select_n3A_1181 = arith.select %and3A_1178, %gather3A, %broadcast_in_dim3A_1180 : vector<16xi1>, vector<16xi32>
      %swap3A = arith.constant 0 : index
      %swap3A_1182 = tpu.vector_load %arg27[%swap3A] {strides = array<i32>} : memref<256xi32, #tpu.memory_space<vmem>>, vector<16xi32>,
      tpu.vector_store %arg27[%swap3A], %select_n3A_1181 {strides = array<i32>} : memref<256xi32, #tpu.memory_space<vmem>>, vector<16xi32>,
      %swap3A_1183 = arith.constant 0 : index
      %swap3A_1184 = tpu.vector_load %arg28[%swap3A_1183] {strides = array<i32>} : memref<256xf32, #tpu.memory_space<vmem>>, vector<16xf32>,
      tpu.vector_store %arg28[%swap3A_1183], %gather3A_1104 {strides = array<i32>} : memref<256xf32, #tpu.memory_space<vmem>>, vector<16xf32>,
      %mul3A_1185 = arith.constant 16 : i32
      %mul3A_1186 = arith.muli %while3A_58, %mul3A_1185 : i32
      %multiple_of3A_1187 = tpu.assume_multiple %mul3A_1186, 16 : i32
      "tpu.region"() ({
        %run_scoped3A = tpu.sem_alloc : memref<!tpu.dma_semaphore, #tpu.memory_space<semaphore_mem>>
        %dma_start3A_1189 = arith.constant 0 : i32
        %dma_start3A_1190 = tpu.memref_slice %arg27[%dma_start3A_1189] : memref<256xi32, #tpu.memory_space<vmem>> -> memref<16xi32, #tpu.memory_space<vmem>>
        %dma_start3A_1191 = tpu.memref_slice %arg41[%multiple_of3A_1187] : memref<1600xi32, #tpu.memory_space<vmem_shared>> -> memref<16xi32, #tpu.memory_space<vmem_shared>>
        %dma_start3A_1192 = tpu.memref_slice %arg41[%multiple_of3A_1187] : memref<1600xi32, #tpu.memory_space<vmem_shared>> -> memref<16xi32, #tpu.memory_space<vmem_shared>>
        %dma_start3A_1193 = arith.constant 0 : i32
        %dma_start3A_1194 = tpu.memref_slice %arg27[%dma_start3A_1193] : memref<256xi32, #tpu.memory_space<vmem>> -> memref<16xi32, #tpu.memory_space<vmem>>
        tpu.enqueue_dma source(%dma_start3A_1194 : memref<16xi32, #tpu.memory_space<vmem>>) target(%dma_start3A_1192 : memref<16xi32, #tpu.memory_space<vmem_shared>>) target_semaphore(%run_scoped3A : memref<!tpu.dma_semaphore, #tpu.memory_space<semaphore_mem>>)
        %dma_wait3A_1195 = arith.constant 0 : i32
        %dma_wait3A_1196 = tpu.memref_slice %arg27[%dma_wait3A_1195] : memref<256xi32, #tpu.memory_space<vmem>> -> memref<16xi32, #tpu.memory_space<vmem>>
        %dma_wait3A_1197 = tpu.memref_slice %arg41[%multiple_of3A_1187] : memref<1600xi32, #tpu.memory_space<vmem_shared>> -> memref<16xi32, #tpu.memory_space<vmem_shared>>
        %dma_wait3A_1198 = tpu.memref_slice %arg41[%multiple_of3A_1187] : memref<1600xi32, #tpu.memory_space<vmem_shared>> -> memref<16xi32, #tpu.memory_space<vmem_shared>>
        %dma_wait3A_1199 = arith.constant 0 : i32
        %dma_wait3A_1200 = tpu.memref_slice %arg27[%dma_wait3A_1199] : memref<256xi32, #tpu.memory_space<vmem>> -> memref<16xi32, #tpu.memory_space<vmem>>
        tpu.wait_dma2 semaphore(%run_scoped3A : memref<!tpu.dma_semaphore, #tpu.memory_space<semaphore_mem>>) src(%dma_wait3A_1200 : memref<16xi32, #tpu.memory_space<vmem>>) dst(%dma_wait3A_1198 : memref<16xi32, #tpu.memory_space<vmem_shared>>)
        tpu.yield
      }) : () -> ()
      "tpu.region"() ({
        %run_scoped3A = tpu.sem_alloc : memref<!tpu.dma_semaphore, #tpu.memory_space<semaphore_mem>>
        %dma_start3A_1189 = arith.constant 0 : i32
        %dma_start3A_1190 = tpu.memref_slice %arg28[%dma_start3A_1189] : memref<256xf32, #tpu.memory_space<vmem>> -> memref<16xf32, #tpu.memory_space<vmem>>
        %dma_start3A_1191 = tpu.memref_slice %arg42[%multiple_of3A_1187] : memref<1600xf32, #tpu.memory_space<vmem_shared>> -> memref<16xf32, #tpu.memory_space<vmem_shared>>
        %dma_start3A_1192 = tpu.memref_slice %arg42[%multiple_of3A_1187] : memref<1600xf32, #tpu.memory_space<vmem_shared>> -> memref<16xf32, #tpu.memory_space<vmem_shared>>
        %dma_start3A_1193 = arith.constant 0 : i32
        %dma_start3A_1194 = tpu.memref_slice %arg28[%dma_start3A_1193] : memref<256xf32, #tpu.memory_space<vmem>> -> memref<16xf32, #tpu.memory_space<vmem>>
        tpu.enqueue_dma source(%dma_start3A_1194 : memref<16xf32, #tpu.memory_space<vmem>>) target(%dma_start3A_1192 : memref<16xf32, #tpu.memory_space<vmem_shared>>) target_semaphore(%run_scoped3A : memref<!tpu.dma_semaphore, #tpu.memory_space<semaphore_mem>>)
        %dma_wait3A_1195 = arith.constant 0 : i32
        %dma_wait3A_1196 = tpu.memref_slice %arg28[%dma_wait3A_1195] : memref<256xf32, #tpu.memory_space<vmem>> -> memref<16xf32, #tpu.memory_space<vmem>>
        %dma_wait3A_1197 = tpu.memref_slice %arg42[%multiple_of3A_1187] : memref<1600xf32, #tpu.memory_space<vmem_shared>> -> memref<16xf32, #tpu.memory_space<vmem_shared>>
        %dma_wait3A_1198 = tpu.memref_slice %arg42[%multiple_of3A_1187] : memref<1600xf32, #tpu.memory_space<vmem_shared>> -> memref<16xf32, #tpu.memory_space<vmem_shared>>
        %dma_wait3A_1199 = arith.constant 0 : i32
        %dma_wait3A_1200 = tpu.memref_slice %arg28[%dma_wait3A_1199] : memref<256xf32, #tpu.memory_space<vmem>> -> memref<16xf32, #tpu.memory_space<vmem>>
        tpu.wait_dma2 semaphore(%run_scoped3A : memref<!tpu.dma_semaphore, #tpu.memory_space<semaphore_mem>>) src(%dma_wait3A_1200 : memref<16xf32, #tpu.memory_space<vmem>>) dst(%dma_wait3A_1198 : memref<16xf32, #tpu.memory_space<vmem_shared>>)
        tpu.yield
      }) : () -> ()
      %while3A_1188 = arith.constant 0 : i32
      scf.yield %while3A_1188 : i32
    }
    %barrier3A_34 = arith.constant 0 : index
    tpu.barrier barrier_id(%barrier3A_34)
    "tpu.region"() ({
      %run_scoped3A = tpu.sem_alloc : memref<!tpu.dma_semaphore, #tpu.memory_space<semaphore_mem>>
      tpu.enqueue_dma source(%arg41 : memref<1600xi32, #tpu.memory_space<vmem_shared>>) target(%arg31 : memref<1600xi32, #tpu.memory_space<vmem>>) target_semaphore(%run_scoped3A : memref<!tpu.dma_semaphore, #tpu.memory_space<semaphore_mem>>)
      tpu.wait_dma2 semaphore(%run_scoped3A : memref<!tpu.dma_semaphore, #tpu.memory_space<semaphore_mem>>) src(%arg41 : memref<1600xi32, #tpu.memory_space<vmem_shared>>) dst(%arg31 : memref<1600xi32, #tpu.memory_space<vmem>>)
      tpu.yield
    }) : () -> ()
    "tpu.region"() ({
      %run_scoped3A = tpu.sem_alloc : memref<!tpu.dma_semaphore, #tpu.memory_space<semaphore_mem>>
      tpu.enqueue_dma source(%arg42 : memref<1600xf32, #tpu.memory_space<vmem_shared>>) target(%arg32 : memref<1600xf32, #tpu.memory_space<vmem>>) target_semaphore(%run_scoped3A : memref<!tpu.dma_semaphore, #tpu.memory_space<semaphore_mem>>)
      tpu.wait_dma2 semaphore(%run_scoped3A : memref<!tpu.dma_semaphore, #tpu.memory_space<semaphore_mem>>) src(%arg42 : memref<1600xf32, #tpu.memory_space<vmem_shared>>) dst(%arg32 : memref<1600xf32, #tpu.memory_space<vmem>>)
      tpu.yield
    }) : () -> ()
    %scan3A_35 = arith.constant 0 : i32
    %scan3A_36 = arith.constant 0 : i32
    %scan3A_37 = arith.constant 79 : i32
    %scan3A_38 = arith.addi %scan3A_36, %scan3A_37 : i32
    %scan3A_39 = arith.constant 1 : i32
    %scan3A_40 = scf.for %scan3A_58 = %scan3A_36 to %scan3A_38 step %scan3A_39 iter_args(%scan3A_59 = %scan3A_35) -> (i32)  : i32 {
      %mul3A_60 = arith.constant 16 : i32
      %mul3A_61 = arith.muli %scan3A_58, %mul3A_60 : i32
      %multiple_of3A = tpu.assume_multiple %mul3A_61, 16 : i32
      %broadcast_in_dim3A_62 = arith.constant -1.000000e+08 : f32
      %broadcast_in_dim3A_63 = vector.broadcast %broadcast_in_dim3A_62 : f32 to vector<16xf32>
      %swap3A = arith.index_cast %multiple_of3A : i32 to index
      %swap3A_64 = tpu.vector_load %arg33[%swap3A] {strides = array<i32>} : memref<1264xf32, #tpu.memory_space<vmem>>, vector<16xf32>,
      tpu.vector_store %arg33[%swap3A], %broadcast_in_dim3A_63 {strides = array<i32>} : memref<1264xf32, #tpu.memory_space<vmem>>, vector<16xf32>,
      %broadcast_in_dim3A_65 = arith.constant 0 : i32
      %broadcast_in_dim3A_66 = vector.broadcast %broadcast_in_dim3A_65 : i32 to vector<16xi32>
      %swap3A_67 = arith.index_cast %multiple_of3A : i32 to index
      %swap3A_68 = tpu.vector_load %arg34[%swap3A_67] {strides = array<i32>} : memref<1264xi32, #tpu.memory_space<vmem>>, vector<16xi32>,
      tpu.vector_store %arg34[%swap3A_67], %broadcast_in_dim3A_66 {strides = array<i32>} : memref<1264xi32, #tpu.memory_space<vmem>>, vector<16xi32>,
      %scan3A_69 = arith.constant 0 : i32
      scf.yield %scan3A_69 : i32
    }
    %scan3A_41 = arith.constant 79 : i32
    %broadcast_in_dim3A = vector.broadcast %mul3A_0 : i32 to vector<16xi32>
    %scan3A_42 = arith.constant 0 : i32
    %scan3A_43 = arith.constant 0 : i32
    %scan3A_44 = arith.constant 100 : i32
    %scan3A_45 = arith.addi %scan3A_43, %scan3A_44 : i32
    %scan3A_46 = arith.constant 1 : i32
    %scan3A_47 = scf.for %scan3A_58 = %scan3A_43 to %scan3A_45 step %scan3A_46 iter_args(%scan3A_59 = %scan3A_42) -> (i32)  : i32 {
      %mul3A_60 = arith.constant 16 : i32
      %mul3A_61 = arith.muli %scan3A_58, %mul3A_60 : i32
      %multiple_of3A = tpu.assume_multiple %mul3A_61, 16 : i32
      %get3A = arith.index_cast %multiple_of3A : i32 to index
      %get3A_62 = tpu.vector_load %arg31[%get3A] {strides = array<i32>} : memref<1600xi32, #tpu.memory_space<vmem>>, vector<16xi32>,
      %get3A_63 = arith.index_cast %multiple_of3A : i32 to index
      %get3A_64 = tpu.vector_load %arg32[%get3A_63] {strides = array<i32>} : memref<1600xf32, #tpu.memory_space<vmem>>, vector<16xf32>,
      %sub3A = arith.subi %get3A_62, %broadcast_in_dim3A : vector<16xi32>
      %ge3A = arith.constant 0 : i32
      %ge3A_65 = vector.broadcast %ge3A : i32 to vector<16xi32>
      %ge3A_66 = arith.cmpi sge, %get3A_62, %ge3A_65 : vector<16xi32>
      %ge3A_67 = arith.constant 0 : i32
      %ge3A_68 = vector.broadcast %ge3A_67 : i32 to vector<16xi32>
      %ge3A_69 = arith.cmpi sge, %sub3A, %ge3A_68 : vector<16xi32>
      %and3A = arith.andi %ge3A_66, %ge3A_69 : vector<16xi1>
      %lt3A_70 = arith.constant 1264 : i32
      %lt3A_71 = vector.broadcast %lt3A_70 : i32 to vector<16xi32>
      %lt3A_72 = arith.cmpi slt, %sub3A, %lt3A_71 : vector<16xi32>
      %and3A_73 = arith.andi %and3A, %lt3A_72 : vector<16xi1>
      %jit3A_74 = arith.constant 0 : i32
      %broadcast_in_dim3A_75 = vector.broadcast %jit3A_74 : i32 to vector<16xi32>
      %select_n3A_76 = arith.select %and3A_73, %sub3A, %broadcast_in_dim3A_75 : vector<16xi1>, vector<16xi32>
      %gather3A = tpu.vector_load_idx %arg33[%select_n3A_76] : memref<1264xf32, #tpu.memory_space<vmem>>[vector<16xi32>], vector<16xf32>,
      %gt3A = arith.cmpf ogt, %get3A_64, %gather3A : vector<16xf32>
      %and3A_77 = arith.andi %and3A_73, %gt3A : vector<16xi1>
      tpu.vector_store_idx %arg33[%select_n3A_76], %get3A_64 masked %and3A_77 : memref<1264xf32, #tpu.memory_space<vmem>>[vector<16xi32>], vector<16xf32>, vector<16xi1>
      %broadcast_in_dim3A_78 = vector.broadcast %scan3A_58 : i32 to vector<16xi32>
      tpu.vector_store_idx %arg34[%select_n3A_76], %broadcast_in_dim3A_78 masked %and3A_77 : memref<1264xi32, #tpu.memory_space<vmem>>[vector<16xi32>], vector<16xi32>, vector<16xi1>
      %scan3A_79 = arith.constant 0 : i32
      scf.yield %scan3A_79 : i32
    }
    %scan3A_48 = arith.constant 100 : i32
    %scan3A_49 = arith.constant 0 : i32
    %scan3A_50 = arith.constant 0 : i32
    %scan3A_51 = arith.constant 79 : i32
    %scan3A_52 = arith.addi %scan3A_50, %scan3A_51 : i32
    %scan3A_53 = arith.constant 1 : i32
    %scan3A_54 = scf.for %scan3A_58 = %scan3A_50 to %scan3A_52 step %scan3A_53 iter_args(%scan3A_59 = %scan3A_49) -> (i32)  : i32 {
      %mul3A_60 = arith.constant 16 : i32
      %mul3A_61 = arith.muli %scan3A_58, %mul3A_60 : i32
      %multiple_of3A = tpu.assume_multiple %mul3A_61, 16 : i32
      %get3A = arith.index_cast %multiple_of3A : i32 to index
      %get3A_62 = tpu.vector_load %arg34[%get3A] {strides = array<i32>} : memref<1264xi32, #tpu.memory_space<vmem>>, vector<16xi32>,
      %get3A_63 = arith.index_cast %multiple_of3A : i32 to index
      %get3A_64 = tpu.vector_load %arg33[%get3A_63] {strides = array<i32>} : memref<1264xf32, #tpu.memory_space<vmem>>, vector<16xf32>,
      %gather3A = tpu.vector_load_idx %arg17[%get3A_62] : memref<128xf32, #tpu.memory_space<vmem>>[vector<16xi32>], vector<16xf32>,
      %gather3A_65 = tpu.vector_load_idx %arg18[%get3A_62] : memref<128xf32, #tpu.memory_space<vmem>>[vector<16xi32>], vector<16xf32>,
      %gather3A_66 = tpu.vector_load_idx %arg19[%get3A_62] : memref<128xf32, #tpu.memory_space<vmem>>[vector<16xi32>], vector<16xf32>,
      %gather3A_67 = tpu.vector_load_idx %arg20[%get3A_62] : memref<128xf32, #tpu.memory_space<vmem>>[vector<16xi32>], vector<16xf32>,
      %mul3A_68 = arith.constant 16 : i32
      %mul3A_69 = arith.muli %scan3A_58, %mul3A_68 : i32
      %add3A_70 = vector.broadcast %mul3A_69 : i32 to vector<16xi32>
      %add3A_71 = arith.addi %add3A_70, %iota3A : vector<16xi32>
      %mul3A_72 = arith.constant 5 : i32
      %mul3A_73 = vector.broadcast %mul3A_72 : i32 to vector<16xi32>
      %mul3A_74 = arith.muli %add3A_71, %mul3A_73 : vector<16xi32>
      tpu.vector_store_idx %arg35[%mul3A_74], %gather3A : memref<6320xf32, #tpu.memory_space<vmem>>[vector<16xi32>], vector<16xf32>,
      %add3A_75 = arith.constant 1 : i32
      %add3A_76 = vector.broadcast %add3A_75 : i32 to vector<16xi32>
      %add3A_77 = arith.addi %mul3A_74, %add3A_76 : vector<16xi32>
      tpu.vector_store_idx %arg35[%add3A_77], %gather3A_65 : memref<6320xf32, #tpu.memory_space<vmem>>[vector<16xi32>], vector<16xf32>,
      %add3A_78 = arith.constant 2 : i32
      %add3A_79 = vector.broadcast %add3A_78 : i32 to vector<16xi32>
      %add3A_80 = arith.addi %mul3A_74, %add3A_79 : vector<16xi32>
      tpu.vector_store_idx %arg35[%add3A_80], %gather3A_66 : memref<6320xf32, #tpu.memory_space<vmem>>[vector<16xi32>], vector<16xf32>,
      %add3A_81 = arith.constant 3 : i32
      %add3A_82 = vector.broadcast %add3A_81 : i32 to vector<16xi32>
      %add3A_83 = arith.addi %mul3A_74, %add3A_82 : vector<16xi32>
      tpu.vector_store_idx %arg35[%add3A_83], %gather3A_67 : memref<6320xf32, #tpu.memory_space<vmem>>[vector<16xi32>], vector<16xf32>,
      %add3A_84 = arith.constant 4 : i32
      %add3A_85 = vector.broadcast %add3A_84 : i32 to vector<16xi32>
      %add3A_86 = arith.addi %mul3A_74, %add3A_85 : vector<16xi32>
      tpu.vector_store_idx %arg35[%add3A_86], %get3A_64 : memref<6320xf32, #tpu.memory_space<vmem>>[vector<16xi32>], vector<16xf32>,
      %scan3A_87 = arith.constant 0 : i32
      scf.yield %scan3A_87 : i32
    }
    %scan3A_55 = arith.constant 79 : i32
    %mul3A_56 = arith.constant 6320 : i32
    %mul3A_57 = arith.muli %arg1, %mul3A_56 : i32
    "tpu.region"() ({
      %run_scoped3A = tpu.sem_alloc : memref<!tpu.dma_semaphore, #tpu.memory_space<semaphore_mem>>
      %dma_start3A = tpu.memref_slice %arg10[%mul3A_57] : memref<101120xf32, #tpu.memory_space<hbm>> -> memref<6320xf32, #tpu.memory_space<hbm>>
      %dma_start3A_58 = tpu.memref_slice %arg10[%mul3A_57] : memref<101120xf32, #tpu.memory_space<hbm>> -> memref<6320xf32, #tpu.memory_space<hbm>>
      tpu.enqueue_dma source(%arg35 : memref<6320xf32, #tpu.memory_space<vmem>>) target(%dma_start3A_58 : memref<6320xf32, #tpu.memory_space<hbm>>) target_semaphore(%run_scoped3A : memref<!tpu.dma_semaphore, #tpu.memory_space<semaphore_mem>>)
      %dma_wait3A = tpu.memref_slice %arg10[%mul3A_57] : memref<101120xf32, #tpu.memory_space<hbm>> -> memref<6320xf32, #tpu.memory_space<hbm>>
      %dma_wait3A_59 = tpu.memref_slice %arg10[%mul3A_57] : memref<101120xf32, #tpu.memory_space<hbm>> -> memref<6320xf32, #tpu.memory_space<hbm>>
      tpu.wait_dma2 semaphore(%run_scoped3A : memref<!tpu.dma_semaphore, #tpu.memory_space<semaphore_mem>>) src(%arg35 : memref<6320xf32, #tpu.memory_space<vmem>>) dst(%dma_wait3A_59 : memref<6320xf32, #tpu.memory_space<hbm>>)
      tpu.yield
    }) : () -> ()
    return
  }
}

</mosaic_0001>

<sc_bundles>
// kernel: kernel.3.cloned.1.call-start
scs
__scs_entry_jumppad:
0x0: {  	(pc) =	sbr.rel $0x88, $3  }
0x1: {  	(tag) =	ssettag $0x0;
	lr =	simm.s32 $0x1  }
0x2: {  	[smem:$0x3F9F] =	sst lr;
	_ =	strace $0xD0000000  }
0x3: {  	_ = 	snop  }
0x4: {  	_ = 	snop  }
0x5: {  	_ = 	snop  }
0x6: {  	_ = 	snop  }
0x7: {  	_ = 	snop  }
__scs_overlays_trampoline_lowered:
0x8: {  	[smem:$0x3FAE] =	sst s0  }
0x9: {  	[smem:$0x3FAF] =	sst s1  }
0xa: {  	[smem:$0x3FB0] =	sst s2  }
0xb: {  	[smem:$0x3FB1] =	sst s3  }
0xc: {  	[smem:$0x3FB2] =	sst s4  }
0xd: {  	[smem:$0x3FB3] =	sst s5  }
0xe: {  	[smem:$0x3FB4] =	sst s6  }
0xf: {  	[smem:$0x3FB5] =	sst s7  }
0x10: {  	[smem:$0x3FB6] =	sst s8  }
0x11: {  	[smem:$0x3FB7] =	sst s9;
	s0 =	simm.s32 @!p0 $0x0  }
0x12: {  	s1 =	sld [smem:$0x3F9D];
	s0 =	simm.s32 @p0 $0x1  }
0x13: {  	[smem:$0x3FB8] =	sst s0;
	s0 =	simm.s32 @!p1 $0x0  }
0x14: {  	s2 =	sld [smem:$0x3F9C];
	s0 =	simm.s32 @p1 $0x1  }
0x15: {  	[smem:$0x3FB9] =	sst s0;
	s0 =	simm.s32 @!p2 $0x0  }
0x16: {  	s3 =	sld [smem:$0x3FDB];
	s0 =	simm.s32 @p2 $0x1  }
0x17: {  	s4 =	simm.s32 $0x1BF5;
	[smem:$0x3FBB] =	sst s0  }
0x18: {  	s0 =	sld [smem:$0x3F9E];
	_ =	swait.ge [sflag:s4], $0x0  }
0x19: {  	s7 =	sld [smem:$0x3F9F]  }
0x1a: {  	s8 =	sadd.s32 $0xFFFFE003, lr  }
0x1b: {  	s9 =	sadd.s32 $0xFFFFFEF7, lr;
	s5 =	simm.s32 $0xFFFFFFFF;
	p2 =	slt.u32 s8, $0xFFFFF086  }
0x1c: {  	p1 =	slt.u32 s9, $0xF7A;
	s5 =	simm.s32 @!p2 $0x0  }
0x1d: {  	s5 =	simm.s32 @p1 $0x1;
	p0 =	seq.s32 s7, s2  }
0x1e: {  	s7 =	smul.u32 @!p0 $0xF7A, s2;
	p2 =	seq.s32 @!p0 s5, $0x0  }
0x1f: {  	s9 =	smul.u32 $0xF7A, s1;
	s8 =	simm.s32 @!p0 $0x1BF5;
	p2 =	por !p2, p0  }
0x20: {  	[sflag:s8] =	ssyncset.s32 @!p0 $0xFFFFF086;
	s6 =	sadd.s32 @!p0 s3, s7;
	s7 =	simm.s32 @!p0 $0x108  }
0x21: {  	s3 =	sadd.s32 s3, s9;
	s6 =	sadd.s32 @!p0 $0x88, s6;
	s7 =	simm.s32 @p2 $0x1082  }
0x22: {  	[simem:s7], [sflag:s8] =	dma.local @!p0 [hbm:s6], $0xF7A  }
0x23: {  	s9 =	sor.u32 $0xD0000000, s2;
	s6 =	simm.s32 $0x108;
	_ =	swait.ge @!p0 [sflag:s8], $0x0  }
0x24: {  	s3 =	sadd.s32 $0x88, s3;
	s6 =	simm.s32 @!p1 $0x1082;
	[sflag:s4] =	ssyncset.s32 $0xFFFFF086  }
0x25: {  	[simem:s6], [sflag:s4] =	dma.local [hbm:s3], $0xF7A  }
0x26: {  	[smem:$0x3F9F] =	sst s1;
	(tag) =	ssettag s2;
	_ =	strace s9  }
0x27: {  	s1 =	sld [smem:$0x3FAF]  }
0x28: {  	s2 =	sld [smem:$0x3FB0]  }
0x29: {  	s4 =	sld [smem:$0x3FB2]  }
0x2a: {  	p0 =	seq.s32 s5, $0x0;
	s5 =	sld [smem:$0x3FB3]  }
0x2b: {  	s6 =	sld [smem:$0x3FB4]  }
0x2c: {  	s7 =	sld [smem:$0x3FB5]  }
0x2d: {  	s3 =	simm.s32 $0x108;
	s8 =	sld [smem:$0x3FB6]  }
0x2e: {  	s3 =	simm.s32 @!p0 $0x1082;
	s9 =	sld [smem:$0x3FB7]  }
0x2f: {  	lr =	sadd.s32 s0, s3;
	s0 =	sld [smem:$0x3FAE]  }
0x30: {  	s3 =	sld [smem:$0x3FB1]  }
0x31: {  	[smem:$0x3FBA] =	sst s10  }
0x32: {  	s10 =	sld [smem:$0x3FB8];
	_ =	sdelay $0x3  }
0x33: {  	p0 =	seq.s32 s10, $0x1;
	s10 =	sld [smem:$0x3FBA];
	_ =	sdelay $0x3  }
0x34: {  	[smem:$0x3FBA] =	sst s10  }
0x35: {  	s10 =	sld [smem:$0x3FB9];
	_ =	sdelay $0x3  }
0x36: {  	p1 =	seq.s32 s10, $0x1;
	s10 =	sld [smem:$0x3FBA];
	_ =	sdelay $0x3  }
0x37: {  	[smem:$0x3FBA] =	sst s10  }
0x38: {  	s10 =	sld [smem:$0x3FBB]  }
0x39: {  	_ = 	snop;
	(pc) =	sbr.ind lr, $3  }
0x3a: {  	_ = 	snop  }
0x3b: {  	_ = 	snop  }
0x3c: {  	p2 =	seq.s32 s10, $0x1;
	s10 =	sld [smem:$0x3FBA]  }
0x3d: {  	_ =	shalt  }
0x3e: {  	_ =	shalt  }
0x3f: {  	_ =	shalt  }
0x40: {  	_ =	shalt  }
0x41: {  	_ =	shalt  }
0x42: {  	_ =	shalt  }
0x43: {  	_ =	shalt  }
0x44: {  	_ =	shalt  }
0x45: {  	_ =	shalt  }
0x46: {  	_ =	shalt  }
0x47: {  	_ =	shalt  }
0x48: {  	_ =	shalt  }
0x49: {  	_ =	shalt  }
0x4a: {  	_ =	shalt  }
0x4b: {  	_ =	shalt  }
0x4c: {  	_ =	shalt  }
0x4d: {  	_ =	shalt  }
0x4e: {  	_ =	shalt  }
0x4f: {  	_ =	shalt  }
0x50: {  	_ =	shalt  }
0x51: {  	_ =	shalt  }
0x52: {  	_ =	shalt  }
0x53: {  	_ =	shalt  }
0x54: {  	_ =	shalt  }
0x55: {  	_ =	shalt  }
0x56: {  	_ =	shalt  }
0x57: {  	_ =	shalt  }
0x58: {  	_ =	shalt  }
0x59: {  	_ =	shalt  }
0x5a: {  	_ =	shalt  }
0x5b: {  	_ =	shalt  }
0x5c: {  	_ =	shalt  }
0x5d: {  	_ =	shalt  }
0x5e: {  	_ =	shalt  }
0x5f: {  	_ =	shalt  }
0x60: {  	_ =	shalt  }
0x61: {  	_ =	shalt  }
0x62: {  	_ =	shalt  }
0x63: {  	_ =	shalt  }
0x64: {  	_ =	shalt  }
0x65: {  	_ =	shalt  }
0x66: {  	_ =	shalt  }
0x67: {  	_ =	shalt  }
0x68: {  	_ =	shalt  }
0x69: {  	_ =	shalt  }
0x6a: {  	_ =	shalt  }
0x6b: {  	_ =	shalt  }
0x6c: {  	_ =	shalt  }
0x6d: {  	_ =	shalt  }
0x6e: {  	_ =	shalt  }
0x6f: {  	_ =	shalt  }
0x70: {  	_ =	shalt  }
0x71: {  	_ =	shalt  }
0x72: {  	_ =	shalt  }
0x73: {  	_ =	shalt  }
0x74: {  	_ =	shalt  }
0x75: {  	_ =	shalt  }
0x76: {  	_ =	shalt  }
0x77: {  	_ =	shalt  }
0x78: {  	_ =	shalt  }
0x79: {  	_ =	shalt  }
0x7a: {  	_ =	shalt  }
0x7b: {  	_ =	shalt  }
0x7c: {  	_ =	shalt  }
0x7d: {  	_ =	shalt  }
0x7e: {  	_ =	shalt  }
0x7f: {  	_ =	shalt  }
0x80: {  	_ =	shalt  }
0x81: {  	_ =	shalt  }
0x82: {  	_ =	shalt  }
0x83: {  	_ =	shalt  }
0x84: {  	_ =	shalt  }
0x85: {  	_ =	shalt  }
0x86: {  	_ =	shalt  }
0x87: {  	_ =	shalt  }
.Lfunc_end0:
.L_simem_size_0:
called_computation_lowered:
.L_overlay_start_0:
0x88: {  	s0 =	sld [smem:$0x3FD9]  }
0x89: {  	s1 =	sld [smem:$0x3FFE];
	_ =	sdelay $0x3  }
0x8a: {  	s0 =	sadd.s32 s1, s0  }
0x8b: {  	[smem:$0x3FC6] =	sst s0  }
0x8c: {  	_ = 	snop  }
0x8d: {  	s0 =	sld [smem:$0x3FD0];
	(tm) =	ssettm $0x1  }
0x8e: {  	s16 =	sld [smem:$0x3FFB];
	_ =	sdelay $0x3  }
0x8f: {  	_ =	strace s16  }
0x90: {  	s1 =	sld [smem:$0x3FFC];
	_ =	sdelay $0x3  }
0x91: {  	_ =	strace s1  }
0x92: {  	s1 =	sld [smem:$0x3FFD];
	_ =	sdelay $0x3  }
0x93: {  	_ =	strace s1  }
0x94: {  	_ =	strace $0x8FFFFFFF  }
0x95: {  	s17 =	sld [smem:$0x3FDB];
	_ =	sdelay $0x1  }
0x96: {  	s2 =	simm.s32 $_scs_section_size  }
0x97: {  	s3 =	simm.s32 $_size__tile_overlayer_lowered;
	s4 =	simm.s32 $_tile_overlayer_lowered  }
0x98: {  	s20 =	simm.s32 $0x1BFF;
	s19 =	sshll.u32 s4, $0x1;
	s1 =	sadd.s32 s2, s17  }
0x99: {  	s5 =	simm.s32 $0x0;
	s18 =	sshll.u32 s3, $0x1;
	s3 =	sadd.s32 s19, s1  }
0x9a: {  	[timem:s5], [sflag:s20] =	dma.local [hbm:s3], s18  }
0x9b: {  	_ =	swait.ge [sflag:s20], s18  }
0x9c: {  	s2 =	ssub.s32 $0x0, s18;
	[sflag:s20] =	ssyncset.done $0x0  }
0x9d: {  	[sflag:s20] =	ssyncadd.s32 s2;
	_ =	sdelay $0x1  }
0x9e: {  	s21 =	simm.s32 $0x1B8B  }
0x9f: {  	_ =	swait.ge [sflag:s21], $0x1  }
0xa0: {  	[sflag:s21] =	ssyncset.done $0x0  }
0xa1: {  	s23 =	simm.s32 $0x1B8E;
	s22 =	sld [smem:$0x3FFE];
	[sflag:s21] =	ssyncadd.s32 $0xFFFFFFFF  }
0xa2: {  	s24 =	simm.s32 $execute0_lowered;
	[smem:$0x3FD2] =	sst s23  }
0xa3: {  	s3 =	sshll.u32 s24, $0x1;
	_ =	strace $0x80000046;
	[dreg:$0x1] =	wrdreg $0xFFFFFFFF  }
0xa4: {  	s25 =	simm.s32 $_size_execute0_lowered;
	s1 =	sadd.s32 s1, s3;
	[dreg:$0x0] =	wrdreg $0x0  }
0xa5: {  	s3 =	sshll.u32 s25, $0x1;
	[dreg:$0x2] =	wrdreg s1  }
0xa6: {  	[dreg:$0x3] =	wrdreg s3  }
0xa7: {  	[dreg:$0x4] =	wrdreg $0xC0  }
0xa8: {  	_ =	task [dreg:s5], $0x5FFFF  }
0xa9: {  	[dreg:$0x1] =	wrdreg $0xFFFFFFFF  }
0xaa: {  	[dreg:$0x0] =	wrdreg $0x60  }
0xab: {  	[dreg:$0x2] =	wrdreg s22  }
0xac: {  	[dreg:$0x3] =	wrdreg s0  }
0xad: {  	[dreg:$0x4] =	wrdreg $0x75800  }
0xae: {  	[dreg:$0x5] =	wrdreg $0x7BC00  }
0xaf: {  	[dreg:$0x6] =	wrdreg $0x82000  }
0xb0: {  	[dreg:$0x7] =	wrdreg $0x88400  }
0xb1: {  	[dreg:$0x8] =	wrdreg $0x8E800  }
0xb2: {  	[dreg:$0x9] =	wrdreg $0x94C00  }
0xb3: {  	[dreg:$0xa] =	wrdreg $0x95280  }
0xb4: {  	[dreg:$0xb] =	wrdreg $0x9  }
0xb5: {  	_ =	task.clear_ibuf [dreg:s5], $0xCFFFF;
	_ =	strace $0x90000046  }
0xb6: {  	s26 =	simm.s32 $0x9;
	_ =	strace $0x80000048  }
0xb7: {  	_ =	swait.ge [sflag:s26], $0x1  }
0xb8: {  	[sflag:s26] =	ssyncadd.s32 $0xFFFFFFFF  }
0xb9: {  	_ =	strace $0x90000048  }
0xba: {  	_ =	sfence  }
0xbb: {  	s28 =	sld [smem:$0x0];
	_ =	sdelay $0x1  }
0xbc: {  	s29 =	srdreg.scid  }
0xbd: {  	s30 =	sshll.u32 s29, $0xD;
	s31 =	sshrl.u32 s29, $0x2  }
0xbe: {  	s2 =	sand.u32 $0x4000, s30;
	s1 =	sand.u32 $0x1, s29;
	s0 =	sadd.s32 s31, s28  }
0xbf: {  	s1 =	sor.u32 s2, s1;
	s0 =	sshll.u32 s0, $0x11  }
0xc0: {  	s0 =	sor.u32 s0, s1  }
0xc1: {  	s0 =	sadd.s32 $0x8F2B, s0  }
0xc2: {  	[sflag:s0] =	ssyncadd.remote.s32 $0x1  }
0xc3: {  	_ =	sfence.sel $0xFFFF  }
0xc4: {  	[dreg:$0x0] =	wrdreg $0xFFFFFFFF;
	(pc) =	sbr.abs _section_cstart, $3  }
0xc5: {  	[dreg:$0x1] =	wrdreg $0xFFFFFFFF  }
0xc6: {  	_ =	task.clear_ibuf [dreg:s5], $0x2FFFF;
	_ =	strace $0x9FFFFFFF  }
0xc7: {  	(tm) =	ssettm $0x7FFFFFFF  }
tec
execute0_lowered:
.L_overlay_start_1:
0x0: {  	(tag) =	ssettag $0x1  }
0x1: {  	s1 =	rddreg [dreg:$0x0]  }
0x2: {  	s4 =	rddreg [dreg:$0x2]  }
0x3: {  	s5 =	rddreg [dreg:$0x3]  }
0x4: {  	s7 =	rddreg [dreg:$0x4]  }
0x5: {  	s8 =	rddreg [dreg:$0x5];
	s2 =	simm.s32 $0x0  }
0x6: {  	[smem:$0x7FF] =	sst s2  }
0x7: {  	s9 =	rddreg [dreg:$0x6];
	v0 =	vimm.f32 $2.000000000e+00;
	_ =	strace $0x80000047  }
0x8: {  	(erf) = vrcp.f32 v0;
	_ =	sdelay $0x2  }
0x9: {  	s19 =	stileid.u32  }
0xa: {  	s0 =	smul.u32 $0x4F0, s19;
	_ =	sdelay $0x1  }
0xb: {  	s3 =	sshrl.u32 s0, $0x3  }
0xc: {  	s3 =	sadd.s32 s3, s1  }
0xd: {  	s20 =	simm.s32 $0x2;
	s6 =	sadd.s32 $0x2600, s3  }
0xe: {  	[tilespmem:s2], [sflag:$0x2] =	stream.linear.gather [hbm4b:s6+s2], $0x4F0, $0x38;
	v1 =	vpop (erf);
	[tilespmem:$0x9590] =	vst v63  }
0xf: {  	_ =	swait.ge [sflag:s20], $0x4F0  }
0x10: {  	[sflag:s20] =	ssyncset.done $0x0  }
0x11: {  	s11 =	simm.s32 $0x500;
	s10 =	sadd.s32 $0x1C00, s3;
	[sflag:s20] =	ssyncadd.s32 $0xFFFFFB10  }
0x12: {  	[tilespmem:s11], [sflag:$0x2] =	stream.linear.gather [hbm4b:s10+s2], $0x4F0, $0x38;
	[tilespmem:$0x9590] =	vst v63  }
0x13: {  	_ =	swait.ge [sflag:s20], $0x4F0  }
0x14: {  	[sflag:s20] =	ssyncset.done $0x0  }
0x15: {  	s22 =	simm.s32 $0xA00;
	s21 =	sadd.s32 $0x1200, s3;
	[sflag:s20] =	ssyncadd.s32 $0xFFFFFB10  }
0x16: {  	[tilespmem:s22], [sflag:$0x2] =	stream.linear.gather [hbm4b:s21+s2], $0x4F0, $0x38;
	[tilespmem:$0x9590] =	vst v63  }
0x17: {  	_ =	swait.ge [sflag:s20], $0x4F0  }
0x18: {  	[sflag:s20] =	ssyncset.done $0x0  }
0x19: {  	s23 =	simm.s32 $0xF00;
	s3 =	sadd.s32 $0x800, s3;
	[sflag:s20] =	ssyncadd.s32 $0xFFFFFB10  }
0x1a: {  	[tilespmem:s23], [sflag:$0x2] =	stream.linear.gather [hbm4b:s3+s2], $0x4F0, $0x38;
	[tilespmem:$0x9590] =	vst v63  }
0x1b: {  	_ =	swait.ge [sflag:s20], $0x4F0  }
0x1c: {  	[sflag:s20] =	ssyncset.done $0x0  }
0x1d: {  	s25 =	simm.s32 $0x1E00;
	s24 =	sadd.s32 $0x600, s1;
	[sflag:s20] =	ssyncadd.s32 $0xFFFFFB10  }
0x1e: {  	[tilespmem:s25], [sflag:$0x2] =	stream.linear.gather [hbm4b:s24+s2], $0x80, $0x38;
	[tilespmem:$0x9590] =	vst v63  }
0x1f: {  	_ =	swait.ge [sflag:s20], $0x80  }
0x20: {  	[sflag:s20] =	ssyncset.done $0x0  }
0x21: {  	s28 =	simm.s32 $0x1E80;
	s26 =	sadd.s32 $0x400, s1;
	[sflag:s20] =	ssyncadd.s32 $0xFFFFFF80  }
0x22: {  	[tilespmem:s28], [sflag:$0x2] =	stream.linear.gather [hbm4b:s26+s2], $0x80, $0x38;
	[tilespmem:$0x9590] =	vst v63  }
0x23: {  	_ =	swait.ge [sflag:s20], $0x80  }
0x24: {  	[sflag:s20] =	ssyncset.done $0x0  }
0x25: {  	s30 =	simm.s32 $0x1F00;
	s29 =	sadd.s32 $0x200, s1;
	[sflag:s20] =	ssyncadd.s32 $0xFFFFFF80  }
0x26: {  	[tilespmem:s30], [sflag:$0x2] =	stream.linear.gather [hbm4b:s29+s2], $0x80, $0x38;
	[tilespmem:$0x9590] =	vst v63  }
0x27: {  	_ =	swait.ge [sflag:s20], $0x80  }
0x28: {  	[sflag:s20] =	ssyncset.done $0x0  }
0x29: {  	s31 =	simm.s32 $0x1F80;
	[sflag:s20] =	ssyncadd.s32 $0xFFFFFF80  }
0x2a: {  	[tilespmem:s31], [sflag:$0x2] =	stream.linear.gather [hbm4b:s1+s2], $0x80, $0x38;
	[tilespmem:$0x9590] =	vst v63  }
0x2b: {  	_ =	swait.ge [sflag:s20], $0x80  }
0x2c: {  	[sflag:s20] =	ssyncset.done $0x0  }
0x2d: {  	s1 =	simm.s32 $0x0;
	[sflag:s20] =	ssyncadd.s32 $0xFFFFFF80  }
0x2e: {  	v2 =	vld [tilespmem:s1+$0xF00]  }
0x2f: {  	v3 =	vld [tilespmem:s1+$0x500]  }
0x30: {  	v4 =	vld [tilespmem:s1+$0xA00]  }
0x31: {  	v5 =	vld [tilespmem:s1+$0x0];
	_ =	sdelay $0x1  }
0x32: {  	s12 =	simm.s32 $0x10  }
0x33: {  	v0 =	vld [tilespmem:s12+$0xF00];
	v6 =	vadd.f32 v3, v2  }
0x34: {  	v3 =	vld [tilespmem:s12+$0x500]  }
0x35: {  	v2 =	vld [tilespmem:s12+$0xA00];
	v5 =	vadd.f32 v5, v4;
	v6 =	vmul.f32 v6, v1  }
0x36: {  	v4 =	vld [tilespmem:s12+$0x0]  }
0x37: {  	s2 =	simm.s32 $0x80;
	v5 =	vmul.f32 v5, v1;
	[tilespmem:s1+$0x1900] =	vst v6  }
.LBB2_1:
0x38: {  	s3 =	sshra.s32 s2, $0x2;
	p0 =	sne.s32 s2, $0x1380  }
.Ltmp0:
0x39: {  	s2 =	sadd.s32 $0x40, s2;
	v6 =	vadd.f32 v3, v0;
	v0 =	vld [tilespmem:s3+$0xF00];
	[tilespmem:s1+$0x1400] =	vst v5;
	(pc) =	sbr.rel @p0 .LBB2_1-.Ltmp0, $4  }
0x3a: {  	s1 =	smov.u32 s12;
	s12 =	smov.u32 s3;
	v3 =	vld [tilespmem:s3+$0x500]  }
0x3b: {  	v5 =	vadd.f32 v4, v2;
	v2 =	vld [tilespmem:s12+$0xA00];
	v6 =	vmul.f32 v6, v1  }
0x3c: {  	v4 =	vld [tilespmem:s12+$0x0]  }
0x3d: {  	v5 =	vmul.f32 v5, v1;
	[tilespmem:s1+$0x1900] =	vst v6  }
0x3e: {  	_ =	sdelay $0x1  }
0x3f: {  	v0 =	vadd.f32 v3, v0  }
0x40: {  	v2 =	vadd.f32 v4, v2  }
0x41: {  	v0 =	vmul.f32 v0, v1  }
0x42: {  	s2 =	simm.s32 $0x1E00;
	s3 =	simm.s32 $0x1E80;
	s6 =	simm.s32 $0x1F00;
	[tilespmem:s1+$0x1400] =	vst v5;
	v2 =	vmul.f32 v2, v1  }
0x43: {  	s10 =	simm.s32 $0x1F80;
	s11 =	simm.s32 $0x500;
	s13 =	simm.s32 $0xF00;
	[tilespmem:s12+$0x1900] =	vst v0  }
0x44: {  	s14 =	simm.s32 $0x0;
	s1 =	simm.s32 $0x0;
	v0 =	vmov s0;
	[tilespmem:s12+$0x1400] =	vst v2;
	s12 =	simm.s32 $0xA00  }
.LBB2_3:
0x45: {  	v4 =	vmov s14;
	_ =	sdelay $0x4  }
0x46: {  	v3 =	vld.idx.msk [tilespmem:v4+s2+$0x0], $0xffff  }
0x47: {  	v2 =	vld.idx.msk [tilespmem:v4+s3+$0x0], $0xffff  }
0x48: {  	v5 =	vld.idx.msk [tilespmem:v4+s6+$0x0], $0xffff  }
0x49: {  	v4 =	vld.idx.msk [tilespmem:v4+s10+$0x0], $0xffff;
	_ =	sdelay $0x1  }
0x4a: {  	s15 =	simm.s32 $0x0  }
0x4b: {  	v6 =	vld [tilespmem:s15+$0x1400]  }
0x4c: {  	v9 =	vld [tilespmem:s15+$0x1900]  }
0x4d: {  	v7 =	vadd.f32 v5, v3;
	v8 =	vadd.f32 v4, v2;
	_ =	sdelay $0x1  }
0x4e: {  	v7 =	vmul.f32 v7, v1;
	v8 =	vmul.f32 v8, v1;
	_ =	sdelay $0x1  }
0x4f: {  	v6 =	vsub.f32 v6, v7;
	v9 =	vsub.f32 v9, v8;
	_ =	sdelay $0x1  }
0x50: {  	v6 =	vmul.f32 v6, v6;
	v9 =	vmul.f32 v9, v9;
	_ =	sdelay $0x1  }
0x51: {  	v10 =	vadd.f32 v9, v6;
	_ =	sdelay $0x1  }
0x52: {  	(xrf0) =	vmin.scan.msk.f32 $0xffff, v10;
	_ =	sdelay $0x5  }
0x53: {  	v9, _, _ =	vpop (xrf0)  }
0x54: {  	v6 =	vimm.f32 $1.000000020e+30;
	(v2sf) =	vpush v9, $0xF  }
0x55: {  	(v2sf) =	vpush v6, $0x8;
	_ =	sdelay $0xd  }
0x56: {  	s31 =	spop (v2sf)  }
0x57: {  	s16 =	spop (v2sf)  }
0x58: {  	p0 =	slt.f32 s31, s16;
	_ =	sdelay $0x1  }
0x59: {  	v11 =	vlaneseq.u32 @p0  }
0x5a: {  	v12 =	vor.u32 @p0 s0, v11  }
0x5b: {  	(xrf1) =	vsort.ascd.msk.f32 @p0 $0xffff, v10, v12;
	_ =	sdelay $0xb  }
0x5c: {  	s15 =	simm.s32 $0x40;
	v9 =	vimm.s32 $0x0;
	s16 =	smov.u32 s0;
	v10 =	vmul.u32 @p0 $0xFFFFFFFF, v11  }
.LBB2_4:
0x5d: {  	s17 =	sshra.s32 s15, $0x2  }
0x5e: {  	v11 =	vld [tilespmem:s17+$0x1400];
	v10 =	vadd.s32 @p0 $0xF, v10;
	v12, v13, _ =	vpop @p0 (xrf1)  }
0x5f: {  	v14 =	vld [tilespmem:s17+$0x1900];
	v12 =	vperm.xlane @p0 v12, v10;
	v10 =	vperm.xlane @p0 v13, v10  }
0x60: {  	s15 =	sadd.s32 $0x40, s15  }
0x61: {  	p1 =	sne.s32 s15, $0x13C0;
	vm0 =	vle.f32 @p0 v6, v12  }
0x62: {  	v12 =	vsel @p0 vm0, v6, v12;
	v10 =	vsel @p0 vm0, v9, v10  }
0x63: {  	(xrf1) =	vsort.ascd.msk.f32 @p0 $0xffff, v12, v10  }
0x64: {  	v10 =	vsub.f32 v11, v7;
	v11 =	vsub.f32 v14, v8;
	_ =	sdelay $0x1  }
0x65: {  	v10 =	vmul.f32 v10, v10;
	v11 =	vmul.f32 v11, v11;
	_ =	sdelay $0x1  }
0x66: {  	v10 =	vadd.f32 v11, v10;
	_ =	sdelay $0x1  }
0x67: {  	(xrf0) =	vmin.scan.msk.f32 $0xffff, v10;
	_ =	sdelay $0x5  }
0x68: {  	v11, _, _ =	vpop (xrf0)  }
0x69: {  	v12, v13, _ =	vpop @p0 (xrf1)  }
0x6a: {  	(v2sf) =	vpush v11, $0xF;
	v6 =	vpsel p0, v12, v6;
	v9 =	vpsel p0, v13, v9  }
0x6b: {  	(v2sf) =	vpush v6, $0x8;
	_ =	sdelay $0xd  }
0x6c: {  	s17 =	spop (v2sf)  }
0x6d: {  	s18 =	spop (v2sf)  }
0x6e: {  	p0 =	slt.f32 s17, s18;
	_ =	sdelay $0x1  }
0x6f: {  	s16 =	sadd.s32 $0x10, s16;
	v11 =	vlaneseq.u32 @p0  }
0x70: {  	v12 =	vor.u32 @p0 s16, v11  }
0x71: {  	(xrf1) =	vsort.ascd.msk.f32 @p0 $0xffff, v10, v12;
	_ =	sdelay $0x7  }
.Ltmp1:
0x72: {  	(pc) =	sbr.rel @p1 .LBB2_4-.Ltmp1, $2  }
0x73: {  	_ =	sdelay $0x2  }
0x74: {  	v10 =	vmul.u32 @p0 $0xFFFFFFFF, v11  }
0x75: {  	_ = 	snop  }
0x76: {  	v7 =	vadd.s32 @p0 $0xF, v10;
	v8, v10, _ =	vpop @p0 (xrf1)  }
0x77: {  	v8 =	vperm.xlane @p0 v8, v7  }
0x78: {  	v7 =	vperm.xlane @p0 v10, v7  }
0x79: {  	vm0 =	vle.f32 @p0 v6, v8  }
0x7a: {  	v8 =	vsel @p0 vm0, v6, v8;
	v7 =	vsel @p0 vm0, v9, v7  }
0x7b: {  	(xrf1) =	vsort.ascd.msk.f32 @p0 $0xffff, v8, v7;
	_ =	sdelay $0xd  }
0x7c: {  	v7, v8, _ =	vpop @p0 (xrf1)  }
0x7d: {  	v8 =	vpsel p0, v8, v9  }
0x7e: {  	v9 =	vsub.s32 v8, v0;
	_ =	sdelay $0x4  }
0x7f: {  	v55 =	vld.idx.msk [tilespmem:v9+s1+$0x0], $0xffff  }
0x80: {  	v11 =	vld.idx.msk [tilespmem:v9+s11+$0x0], $0xffff  }
0x81: {  	v12 =	vld.idx.msk [tilespmem:v9+s12+$0x0], $0xffff  }
0x82: {  	v9 =	vld.idx.msk [tilespmem:v9+s13+$0x0], $0xffff;
	_ =	sdelay $0x3  }
0x83: {  	v15 =	vsub.f32 v5, v3;
	v16 =	vsub.f32 v4, v2  }
0x84: {  	v13 =	vsub.f32 v12, v55;
	v14 =	vsub.f32 v9, v11;
	v56 =	vmin.f32 v12, v5  }
0x85: {  	v3 =	vmax.f32 v55, v3;
	v57 =	vmin.f32 v9, v4;
	v2 =	vmax.f32 v11, v2  }
0x86: {  	v3 =	vsub.f32 v56, v3;
	v2 =	vsub.f32 v57, v2  }
0x87: {  	v59 =	vmul.f32 v16, v15;
	v58 =	vmul.f32 v14, v13  }
0x88: {  	v3 =	vmax.f32 v3, $0.0e+00;
	v2 =	vmax.f32 v2, $0.0e+00  }
0x89: {  	v2 =	vmul.f32 v2, v3;
	v3 =	vadd.f32 v58, v59;
	_ =	sdelay $0x1  }
0x8a: {  	v3 =	vsub.f32 v3, v2;
	_ =	sdelay $0x1  }
0x8b: {  	(erf) = vrcp.f32 v3;
	_ =	sdelay $0x5  }
0x8c: {  	s15 =	sshll.u32 s14, $0x4;
	s14 =	sadd.s32 $0x1, s14;
	v62 =	vadd.f32 v9, v11  }
0x8d: {  	v60 =	vadd.f32 v12, v55;
	v3 =	vpsel p0, v7, v6;
	p0 =	sne.s32 s14, $0x64  }
.Ltmp2:
0x8e: {  	[tilespmem:s15+$0x2680] =	vst v8;
	v63 =	vmul.f32 v62, v1;
	(pc) =	sbr.rel @p0 .LBB2_3-.Ltmp2, $4  }
0x8f: {  	[tilespmem:s15+$0x2000] =	vst v3;
	v3 =	vmul.f32 v60, v1;
	v61 =	vpop (erf)  }
0x90: {  	[tilespmem:s15+$0x3A00] =	vst v63;
	v2 =	vmul.f32 v61, v2  }
0x91: {  	[tilespmem:s15+$0x3380] =	vst v3  }
0x92: {  	[tilespmem:s15+$0x2D00] =	vst v2  }
0x93: {  	v1 =	vimm.f32 $9.000000000e+00  }
0x94: {  	(erf) = vrcp.f32 v1;
	v1 =	vimm.f32 $8.000000000e+00  }
0x95: {  	(erf) = vrcp.f32 v1;
	_ =	sdelay $0x5  }
0x96: {  	s0 =	smul.u32 $0x640, s19  }
0x97: {  	s2 =	simm.s32 $0x2000  }
0x98: {  	s10 =	simm.s32 $0x2;
	s18 =	simm.s32 $0x2680;
	s1 =	sadd.s32 s0, s4;
	v1 =	vpop (erf)  }
0x99: {  	[spmem:s1] =	stream.linear.scatter [tilespmem:s2], [sflag:$0x2], $0x640, $0x38;
	v2 =	vpop (erf);
	[tilespmem:$0x9590] =	vst v63  }
0x9a: {  	s21 =	simm.s32 $0x2D00;
	s23 =	simm.s32 $0x3380;
	_ =	swait.ge [sflag:s10], $0x640  }
0x9b: {  	s24 =	simm.s32 $0x3A00;
	s25 =	smul.u32 $0x6, s19;
	[sflag:s10] =	ssyncset.done $0x0  }
0x9c: {  	s26 =	smin.u32 s19, $0x4;
	s17 =	sadd.s32 s0, s5;
	[sflag:s10] =	ssyncadd.s32 $0xFFFFF9C0  }
0x9d: {  	[spmem:s17] =	stream.linear.scatter [tilespmem:s18], [sflag:$0x2], $0x640, $0x38;
	[tilespmem:$0x9590] =	vst v63  }
0x9e: {  	p0 =	slt.u32 s19, $0x4;
	s14 =	simm.s32 $0x4180;
	_ =	swait.ge [sflag:s10], $0x640  }
0x9f: {  	s15 =	simm.s32 $0x4280;
	s16 =	simm.s32 $0x4380;
	[sflag:s10] =	ssyncset.done $0x0  }
0xa0: {  	s28 =	simm.s32 $0x4360;
	s20 =	sadd.s32 s0, s7;
	[sflag:s10] =	ssyncadd.s32 $0xFFFFF9C0  }
0xa1: {  	[spmem:s20] =	stream.linear.scatter [tilespmem:s21], [sflag:$0x2], $0x640, $0x38;
	[tilespmem:$0x9590] =	vst v63  }
0xa2: {  	s29 =	simm.s32 $0x4460;
	s30 =	simm.s32 $0x4560;
	_ =	swait.ge [sflag:s10], $0x640  }
0xa3: {  	s31 =	simm.s32 $0x4170;
	s3 =	simm.s32 $0x4570;
	[sflag:s10] =	ssyncset.done $0x0  }
0xa4: {  	s6 =	simm.s32 $0x1;
	s22 =	sadd.s32 s0, s8;
	[sflag:s10] =	ssyncadd.s32 $0xFFFFF9C0  }
0xa5: {  	[spmem:s22] =	stream.linear.scatter [tilespmem:s23], [sflag:$0x2], $0x640, $0x38;
	[tilespmem:$0x9590] =	vst v63  }
0xa6: {  	s13 =	simm.s32 $0x1E00;
	s19 =	simm.s32 $0x1F00;
	_ =	swait.ge [sflag:s10], $0x640  }
0xa7: {  	s0 =	sadd.s32 s0, s9;
	s11 =	sadd.s32 s26, s25;
	[sflag:s10] =	ssyncset.done $0x0  }
0xa8: {  	s26 =	simm.s32 $0x4260;
	s2 =	simm.s32 $0x7;
	[sflag:s10] =	ssyncadd.s32 $0xFFFFF9C0  }
0xa9: {  	[spmem:s0] =	stream.linear.scatter [tilespmem:s24], [sflag:$0x2], $0x640, $0x38;
	[tilespmem:$0x9590] =	vst v63  }
0xaa: {  	v3 =	vlaneseq.u32;
	s1 =	simm.s32 $0x4370;
	s2 =	simm.s32 @!p0 $0x6;
	_ =	swait.ge [sflag:s10], $0x640  }
0xab: {  	v4 =	vmul.u32 $0xFFFFFFFF, v3;
	s12 =	sadd.s32 s2, s11;
	s2 =	simm.s32 $0x4470;
	[sflag:s10] =	ssyncset.done $0x0  }
0xac: {  	s17 =	simm.s32 $0x4480;
	s18 =	simm.s32 $0x1E80;
	[sflag:s10] =	ssyncadd.s32 $0xFFFFF9C0  }
0xad: {  	vm0 =	vmmov $0x1ff;
	v4 =	vadd.s32 $0xF, v4;
	s20 =	simm.s32 $0x1F80;
	s0 =	simm.s32 $0x4270;
	[bflag:$0x0] =	sbarrier.arrive $0xFFFF  }
.LBB2_7:
0xae: {  	s21 =	sshll.u32 s11, $0x4  }
0xaf: {  	s23 =	simm.s32 $0x4080;
	s22 =	sadd.s32 s21, s4  }
0xb0: {  	[tilespmem:s23], [sflag:$0x1] =	stream.linear.gather [spmem:s22], $0x10, $0x38;
	[tilespmem:$0x9590] =	vst v63  }
0xb1: {  	s24 =	sadd.s32 s21, s5  }
0xb2: {  	[tilespmem:s14], [sflag:$0x1] =	stream.linear.gather [spmem:s24], $0x10, $0x38;
	[tilespmem:$0x9590] =	vst v63  }
0xb3: {  	s25 =	sadd.s32 s21, s7  }
0xb4: {  	[tilespmem:s15], [sflag:$0x1] =	stream.linear.gather [spmem:s25], $0x10, $0x38;
	[tilespmem:$0x9590] =	vst v63  }
0xb5: {  	s23 =	sadd.s32 s21, s8  }
0xb6: {  	[tilespmem:s16], [sflag:$0x1] =	stream.linear.gather [spmem:s23], $0x10, $0x38;
	[tilespmem:$0x9590] =	vst v63  }
0xb7: {  	s24 =	sadd.s32 s21, s9;
	s23 =	sadd.s32 $0x640, s21  }
0xb8: {  	[tilespmem:s17], [sflag:$0x1] =	stream.linear.gather [spmem:s24], $0x10, $0x38;
	[tilespmem:$0x9590] =	vst v63  }
0xb9: {  	s22 =	simm.s32 $0x4090;
	s24 =	sadd.s32 s23, s4  }
0xba: {  	[tilespmem:s22], [sflag:$0x1] =	stream.linear.gather [spmem:s24], $0x10, $0x38;
	[tilespmem:$0x9590] =	vst v63  }
0xbb: {  	s25 =	simm.s32 $0x4190;
	s24 =	sadd.s32 s23, s5  }
0xbc: {  	[tilespmem:s25], [sflag:$0x1] =	stream.linear.gather [spmem:s24], $0x10, $0x38;
	[tilespmem:$0x9590] =	vst v63  }
0xbd: {  	s24 =	sadd.s32 s23, s7;
	s25 =	simm.s32 $0x4290  }
0xbe: {  	[tilespmem:s25], [sflag:$0x1] =	stream.linear.gather [spmem:s24], $0x10, $0x38;
	[tilespmem:$0x9590] =	vst v63  }
0xbf: {  	s24 =	sadd.s32 s23, s8;
	s25 =	simm.s32 $0x4390  }
0xc0: {  	[tilespmem:s25], [sflag:$0x1] =	stream.linear.gather [spmem:s24], $0x10, $0x38;
	[tilespmem:$0x9590] =	vst v63  }
0xc1: {  	s23 =	sadd.s32 s23, s9;
	s25 =	simm.s32 $0x4490  }
0xc2: {  	[tilespmem:s25], [sflag:$0x1] =	stream.linear.gather [spmem:s23], $0x10, $0x38;
	[tilespmem:$0x9590] =	vst v63  }
0xc3: {  	s23 =	sadd.s32 $0xC80, s21  }
0xc4: {  	s25 =	simm.s32 $0x40A0;
	s24 =	sadd.s32 s23, s4  }
0xc5: {  	[tilespmem:s25], [sflag:$0x1] =	stream.linear.gather [spmem:s24], $0x10, $0x38;
	[tilespmem:$0x9590] =	vst v63  }
0xc6: {  	s24 =	sadd.s32 s23, s5;
	s25 =	simm.s32 $0x41A0  }
0xc7: {  	[tilespmem:s25], [sflag:$0x1] =	stream.linear.gather [spmem:s24], $0x10, $0x38;
	[tilespmem:$0x9590] =	vst v63  }
0xc8: {  	s24 =	sadd.s32 s23, s7;
	s25 =	simm.s32 $0x42A0  }
0xc9: {  	[tilespmem:s25], [sflag:$0x1] =	stream.linear.gather [spmem:s24], $0x10, $0x38;
	[tilespmem:$0x9590] =	vst v63  }
0xca: {  	s24 =	sadd.s32 s23, s8;
	s25 =	simm.s32 $0x43A0  }
0xcb: {  	[tilespmem:s25], [sflag:$0x1] =	stream.linear.gather [spmem:s24], $0x10, $0x38;
	[tilespmem:$0x9590] =	vst v63  }
0xcc: {  	s23 =	sadd.s32 s23, s9;
	s25 =	simm.s32 $0x44A0  }
0xcd: {  	[tilespmem:s25], [sflag:$0x1] =	stream.linear.gather [spmem:s23], $0x10, $0x38;
	[tilespmem:$0x9590] =	vst v63  }
0xce: {  	s23 =	sadd.s32 $0x12C0, s21  }
0xcf: {  	s25 =	simm.s32 $0x40B0;
	s24 =	sadd.s32 s23, s4  }
0xd0: {  	[tilespmem:s25], [sflag:$0x1] =	stream.linear.gather [spmem:s24], $0x10, $0x38;
	[tilespmem:$0x9590] =	vst v63  }
0xd1: {  	s24 =	sadd.s32 s23, s5;
	s25 =	simm.s32 $0x41B0  }
0xd2: {  	[tilespmem:s25], [sflag:$0x1] =	stream.linear.gather [spmem:s24], $0x10, $0x38;
	[tilespmem:$0x9590] =	vst v63  }
0xd3: {  	s24 =	sadd.s32 s23, s7;
	s25 =	simm.s32 $0x42B0  }
0xd4: {  	[tilespmem:s25], [sflag:$0x1] =	stream.linear.gather [spmem:s24], $0x10, $0x38;
	[tilespmem:$0x9590] =	vst v63  }
0xd5: {  	s24 =	sadd.s32 s23, s8;
	s25 =	simm.s32 $0x43B0  }
0xd6: {  	[tilespmem:s25], [sflag:$0x1] =	stream.linear.gather [spmem:s24], $0x10, $0x38;
	[tilespmem:$0x9590] =	vst v63  }
0xd7: {  	s23 =	sadd.s32 s23, s9;
	s25 =	simm.s32 $0x44B0  }
0xd8: {  	[tilespmem:s25], [sflag:$0x1] =	stream.linear.gather [spmem:s23], $0x10, $0x38;
	[tilespmem:$0x9590] =	vst v63  }
0xd9: {  	s23 =	sadd.s32 $0x1900, s21  }
0xda: {  	s25 =	simm.s32 $0x40C0;
	s24 =	sadd.s32 s23, s4  }
0xdb: {  	[tilespmem:s25], [sflag:$0x1] =	stream.linear.gather [spmem:s24], $0x10, $0x38;
	[tilespmem:$0x9590] =	vst v63  }
0xdc: {  	s24 =	sadd.s32 s23, s5;
	s25 =	simm.s32 $0x41C0  }
0xdd: {  	[tilespmem:s25], [sflag:$0x1] =	stream.linear.gather [spmem:s24], $0x10, $0x38;
	[tilespmem:$0x9590] =	vst v63  }
0xde: {  	s24 =	sadd.s32 s23, s7;
	s25 =	simm.s32 $0x42C0  }
0xdf: {  	[tilespmem:s25], [sflag:$0x1] =	stream.linear.gather [spmem:s24], $0x10, $0x38;
	[tilespmem:$0x9590] =	vst v63  }
0xe0: {  	s24 =	sadd.s32 s23, s8;
	s25 =	simm.s32 $0x43C0  }
0xe1: {  	[tilespmem:s25], [sflag:$0x1] =	stream.linear.gather [spmem:s24], $0x10, $0x38;
	[tilespmem:$0x9590] =	vst v63  }
0xe2: {  	s23 =	sadd.s32 s23, s9;
	s25 =	simm.s32 $0x44C0  }
0xe3: {  	[tilespmem:s25], [sflag:$0x1] =	stream.linear.gather [spmem:s23], $0x10, $0x38;
	[tilespmem:$0x9590] =	vst v63  }
0xe4: {  	s23 =	sadd.s32 $0x1F40, s21  }
0xe5: {  	s25 =	simm.s32 $0x40D0;
	s24 =	sadd.s32 s23, s4  }
0xe6: {  	[tilespmem:s25], [sflag:$0x1] =	stream.linear.gather [spmem:s24], $0x10, $0x38;
	[tilespmem:$0x9590] =	vst v63  }
0xe7: {  	s24 =	sadd.s32 s23, s5;
	s25 =	simm.s32 $0x41D0  }
0xe8: {  	[tilespmem:s25], [sflag:$0x1] =	stream.linear.gather [spmem:s24], $0x10, $0x38;
	[tilespmem:$0x9590] =	vst v63  }
0xe9: {  	s24 =	sadd.s32 s23, s7;
	s25 =	simm.s32 $0x42D0  }
0xea: {  	[tilespmem:s25], [sflag:$0x1] =	stream.linear.gather [spmem:s24], $0x10, $0x38;
	[tilespmem:$0x9590] =	vst v63  }
0xeb: {  	s24 =	sadd.s32 s23, s8;
	s25 =	simm.s32 $0x43D0  }
0xec: {  	[tilespmem:s25], [sflag:$0x1] =	stream.linear.gather [spmem:s24], $0x10, $0x38;
	[tilespmem:$0x9590] =	vst v63  }
0xed: {  	s23 =	sadd.s32 s23, s9;
	s25 =	simm.s32 $0x44D0  }
0xee: {  	[tilespmem:s25], [sflag:$0x1] =	stream.linear.gather [spmem:s23], $0x10, $0x38;
	[tilespmem:$0x9590] =	vst v63  }
0xef: {  	s23 =	sadd.s32 $0x2580, s21  }
0xf0: {  	s25 =	simm.s32 $0x40E0;
	s24 =	sadd.s32 s23, s4  }
0xf1: {  	[tilespmem:s25], [sflag:$0x1] =	stream.linear.gather [spmem:s24], $0x10, $0x38;
	[tilespmem:$0x9590] =	vst v63  }
0xf2: {  	s24 =	sadd.s32 s23, s5;
	s25 =	simm.s32 $0x41E0  }
0xf3: {  	[tilespmem:s25], [sflag:$0x1] =	stream.linear.gather [spmem:s24], $0x10, $0x38;
	[tilespmem:$0x9590] =	vst v63  }
0xf4: {  	s24 =	sadd.s32 s23, s7;
	s25 =	simm.s32 $0x42E0  }
0xf5: {  	[tilespmem:s25], [sflag:$0x1] =	stream.linear.gather [spmem:s24], $0x10, $0x38;
	[tilespmem:$0x9590] =	vst v63  }
0xf6: {  	s24 =	sadd.s32 s23, s8;
	s25 =	simm.s32 $0x43E0  }
0xf7: {  	[tilespmem:s25], [sflag:$0x1] =	stream.linear.gather [spmem:s24], $0x10, $0x38;
	[tilespmem:$0x9590] =	vst v63  }
0xf8: {  	s23 =	sadd.s32 s23, s9;
	s25 =	simm.s32 $0x44E0  }
0xf9: {  	[tilespmem:s25], [sflag:$0x1] =	stream.linear.gather [spmem:s23], $0x10, $0x38;
	[tilespmem:$0x9590] =	vst v63  }
0xfa: {  	s23 =	sadd.s32 $0x2BC0, s21  }
0xfb: {  	s25 =	simm.s32 $0x40F0;
	s24 =	sadd.s32 s23, s4  }
0xfc: {  	[tilespmem:s25], [sflag:$0x1] =	stream.linear.gather [spmem:s24], $0x10, $0x38;
	[tilespmem:$0x9590] =	vst v63  }
0xfd: {  	s24 =	sadd.s32 s23, s5;
	s25 =	simm.s32 $0x41F0  }
0xfe: {  	[tilespmem:s25], [sflag:$0x1] =	stream.linear.gather [spmem:s24], $0x10, $0x38;
	[tilespmem:$0x9590] =	vst v63  }
0xff: {  	s24 =	sadd.s32 s23, s7;
	s25 =	simm.s32 $0x42F0  }
0x100: {  	[tilespmem:s25], [sflag:$0x1] =	stream.linear.gather [spmem:s24], $0x10, $0x38;
	[tilespmem:$0x9590] =	vst v63  }
0x101: {  	s24 =	sadd.s32 s23, s8;
	s25 =	simm.s32 $0x43F0  }
0x102: {  	[tilespmem:s25], [sflag:$0x1] =	stream.linear.gather [spmem:s24], $0x10, $0x38;
	[tilespmem:$0x9590] =	vst v63  }
0x103: {  	s23 =	sadd.s32 s23, s9;
	s25 =	simm.s32 $0x44F0  }
0x104: {  	[tilespmem:s25], [sflag:$0x1] =	stream.linear.gather [spmem:s23], $0x10, $0x38;
	[tilespmem:$0x9590] =	vst v63  }
0x105: {  	s23 =	sadd.s32 $0x3200, s21  }
0x106: {  	s25 =	simm.s32 $0x4100;
	s24 =	sadd.s32 s23, s4  }
0x107: {  	[tilespmem:s25], [sflag:$0x1] =	stream.linear.gather [spmem:s24], $0x10, $0x38;
	[tilespmem:$0x9590] =	vst v63  }
0x108: {  	s24 =	sadd.s32 s23, s5;
	s25 =	simm.s32 $0x4200  }
0x109: {  	[tilespmem:s25], [sflag:$0x1] =	stream.linear.gather [spmem:s24], $0x10, $0x38;
	[tilespmem:$0x9590] =	vst v63  }
0x10a: {  	s24 =	sadd.s32 s23, s7;
	s25 =	simm.s32 $0x4300  }
0x10b: {  	[tilespmem:s25], [sflag:$0x1] =	stream.linear.gather [spmem:s24], $0x10, $0x38;
	[tilespmem:$0x9590] =	vst v63  }
0x10c: {  	s24 =	sadd.s32 s23, s8;
	s25 =	simm.s32 $0x4400  }
0x10d: {  	[tilespmem:s25], [sflag:$0x1] =	stream.linear.gather [spmem:s24], $0x10, $0x38;
	[tilespmem:$0x9590] =	vst v63  }
0x10e: {  	s23 =	sadd.s32 s23, s9;
	s25 =	simm.s32 $0x4500  }
0x10f: {  	[tilespmem:s25], [sflag:$0x1] =	stream.linear.gather [spmem:s23], $0x10, $0x38;
	[tilespmem:$0x9590] =	vst v63  }
0x110: {  	s23 =	sadd.s32 $0x3840, s21  }
0x111: {  	s25 =	simm.s32 $0x4110;
	s24 =	sadd.s32 s23, s4  }
0x112: {  	[tilespmem:s25], [sflag:$0x1] =	stream.linear.gather [spmem:s24], $0x10, $0x38;
	[tilespmem:$0x9590] =	vst v63  }
0x113: {  	s24 =	sadd.s32 s23, s5;
	s25 =	simm.s32 $0x4210  }
0x114: {  	[tilespmem:s25], [sflag:$0x1] =	stream.linear.gather [spmem:s24], $0x10, $0x38;
	[tilespmem:$0x9590] =	vst v63  }
0x115: {  	s24 =	sadd.s32 s23, s7;
	s25 =	simm.s32 $0x4310  }
0x116: {  	[tilespmem:s25], [sflag:$0x1] =	stream.linear.gather [spmem:s24], $0x10, $0x38;
	[tilespmem:$0x9590] =	vst v63  }
0x117: {  	s24 =	sadd.s32 s23, s8;
	s25 =	simm.s32 $0x4410  }
0x118: {  	[tilespmem:s25], [sflag:$0x1] =	stream.linear.gather [spmem:s24], $0x10, $0x38;
	[tilespmem:$0x9590] =	vst v63  }
0x119: {  	s23 =	sadd.s32 s23, s9;
	s25 =	simm.s32 $0x4510  }
0x11a: {  	[tilespmem:s25], [sflag:$0x1] =	stream.linear.gather [spmem:s23], $0x10, $0x38;
	[tilespmem:$0x9590] =	vst v63  }
0x11b: {  	s23 =	sadd.s32 $0x3E80, s21  }
0x11c: {  	s25 =	simm.s32 $0x4120;
	s24 =	sadd.s32 s23, s4  }
0x11d: {  	[tilespmem:s25], [sflag:$0x1] =	stream.linear.gather [spmem:s24], $0x10, $0x38;
	[tilespmem:$0x9590] =	vst v63  }
0x11e: {  	s24 =	sadd.s32 s23, s5;
	s25 =	simm.s32 $0x4220  }
0x11f: {  	[tilespmem:s25], [sflag:$0x1] =	stream.linear.gather [spmem:s24], $0x10, $0x38;
	[tilespmem:$0x9590] =	vst v63  }
0x120: {  	s24 =	sadd.s32 s23, s7;
	s25 =	simm.s32 $0x4320  }
0x121: {  	[tilespmem:s25], [sflag:$0x1] =	stream.linear.gather [spmem:s24], $0x10, $0x38;
	[tilespmem:$0x9590] =	vst v63  }
0x122: {  	s24 =	sadd.s32 s23, s8;
	s25 =	simm.s32 $0x4420  }
0x123: {  	[tilespmem:s25], [sflag:$0x1] =	stream.linear.gather [spmem:s24], $0x10, $0x38;
	[tilespmem:$0x9590] =	vst v63  }
0x124: {  	s23 =	sadd.s32 s23, s9;
	s25 =	simm.s32 $0x4520  }
0x125: {  	[tilespmem:s25], [sflag:$0x1] =	stream.linear.gather [spmem:s23], $0x10, $0x38;
	[tilespmem:$0x9590] =	vst v63  }
0x126: {  	s23 =	sadd.s32 $0x44C0, s21  }
0x127: {  	s25 =	simm.s32 $0x4130;
	s24 =	sadd.s32 s23, s4  }
0x128: {  	[tilespmem:s25], [sflag:$0x1] =	stream.linear.gather [spmem:s24], $0x10, $0x38;
	[tilespmem:$0x9590] =	vst v63  }
0x129: {  	s24 =	sadd.s32 s23, s5;
	s25 =	simm.s32 $0x4230  }
0x12a: {  	[tilespmem:s25], [sflag:$0x1] =	stream.linear.gather [spmem:s24], $0x10, $0x38;
	[tilespmem:$0x9590] =	vst v63  }
0x12b: {  	s24 =	sadd.s32 s23, s7;
	s25 =	simm.s32 $0x4330  }
0x12c: {  	[tilespmem:s25], [sflag:$0x1] =	stream.linear.gather [spmem:s24], $0x10, $0x38;
	[tilespmem:$0x9590] =	vst v63  }
0x12d: {  	s24 =	sadd.s32 s23, s8;
	s25 =	simm.s32 $0x4430  }
0x12e: {  	[tilespmem:s25], [sflag:$0x1] =	stream.linear.gather [spmem:s24], $0x10, $0x38;
	[tilespmem:$0x9590] =	vst v63  }
0x12f: {  	s23 =	sadd.s32 s23, s9;
	s25 =	simm.s32 $0x4530  }
0x130: {  	[tilespmem:s25], [sflag:$0x1] =	stream.linear.gather [spmem:s23], $0x10, $0x38;
	[tilespmem:$0x9590] =	vst v63  }
0x131: {  	s23 =	sadd.s32 $0x4B00, s21  }
0x132: {  	s25 =	simm.s32 $0x4140;
	s24 =	sadd.s32 s23, s4  }
0x133: {  	[tilespmem:s25], [sflag:$0x1] =	stream.linear.gather [spmem:s24], $0x10, $0x38;
	[tilespmem:$0x9590] =	vst v63  }
0x134: {  	s24 =	sadd.s32 s23, s5;
	s25 =	simm.s32 $0x4240  }
0x135: {  	[tilespmem:s25], [sflag:$0x1] =	stream.linear.gather [spmem:s24], $0x10, $0x38;
	[tilespmem:$0x9590] =	vst v63  }
0x136: {  	s24 =	sadd.s32 s23, s7;
	s25 =	simm.s32 $0x4340  }
0x137: {  	[tilespmem:s25], [sflag:$0x1] =	stream.linear.gather [spmem:s24], $0x10, $0x38;
	[tilespmem:$0x9590] =	vst v63  }
0x138: {  	s24 =	sadd.s32 s23, s8;
	s25 =	simm.s32 $0x4440  }
0x139: {  	[tilespmem:s25], [sflag:$0x1] =	stream.linear.gather [spmem:s24], $0x10, $0x38;
	[tilespmem:$0x9590] =	vst v63  }
0x13a: {  	s23 =	sadd.s32 s23, s9;
	s25 =	simm.s32 $0x4540  }
0x13b: {  	[tilespmem:s25], [sflag:$0x1] =	stream.linear.gather [spmem:s23], $0x10, $0x38;
	[tilespmem:$0x9590] =	vst v63  }
0x13c: {  	s23 =	sadd.s32 $0x5140, s21  }
0x13d: {  	s25 =	simm.s32 $0x4150;
	s24 =	sadd.s32 s23, s4  }
0x13e: {  	[tilespmem:s25], [sflag:$0x1] =	stream.linear.gather [spmem:s24], $0x10, $0x38;
	[tilespmem:$0x9590] =	vst v63  }
0x13f: {  	s24 =	sadd.s32 s23, s5;
	s25 =	simm.s32 $0x4250  }
0x140: {  	[tilespmem:s25], [sflag:$0x1] =	stream.linear.gather [spmem:s24], $0x10, $0x38;
	[tilespmem:$0x9590] =	vst v63  }
0x141: {  	s24 =	sadd.s32 s23, s7;
	s25 =	simm.s32 $0x4350  }
0x142: {  	[tilespmem:s25], [sflag:$0x1] =	stream.linear.gather [spmem:s24], $0x10, $0x38;
	[tilespmem:$0x9590] =	vst v63  }
0x143: {  	s24 =	sadd.s32 s23, s8;
	s25 =	simm.s32 $0x4450  }
0x144: {  	[tilespmem:s25], [sflag:$0x1] =	stream.linear.gather [spmem:s24], $0x10, $0x38;
	[tilespmem:$0x9590] =	vst v63  }
0x145: {  	s23 =	sadd.s32 s23, s9;
	s25 =	simm.s32 $0x4550  }
0x146: {  	[tilespmem:s25], [sflag:$0x1] =	stream.linear.gather [spmem:s23], $0x10, $0x38;
	[tilespmem:$0x9590] =	vst v63  }
0x147: {  	s23 =	sadd.s32 $0x5780, s21  }
0x148: {  	s25 =	simm.s32 $0x4160;
	s24 =	sadd.s32 s23, s4  }
0x149: {  	[tilespmem:s25], [sflag:$0x1] =	stream.linear.gather [spmem:s24], $0x10, $0x38;
	[tilespmem:$0x9590] =	vst v63  }
0x14a: {  	s25 =	sadd.s32 s23, s5  }
0x14b: {  	[tilespmem:s26], [sflag:$0x1] =	stream.linear.gather [spmem:s25], $0x10, $0x38;
	[tilespmem:$0x9590] =	vst v63  }
0x14c: {  	s25 =	sadd.s32 s23, s7  }
0x14d: {  	[tilespmem:s28], [sflag:$0x1] =	stream.linear.gather [spmem:s25], $0x10, $0x38;
	[tilespmem:$0x9590] =	vst v63  }
0x14e: {  	s25 =	sadd.s32 s23, s8  }
0x14f: {  	[tilespmem:s29], [sflag:$0x1] =	stream.linear.gather [spmem:s25], $0x10, $0x38;
	[tilespmem:$0x9590] =	vst v63  }
0x150: {  	s23 =	sadd.s32 s23, s9  }
0x151: {  	[tilespmem:s30], [sflag:$0x1] =	stream.linear.gather [spmem:s23], $0x10, $0x38;
	[tilespmem:$0x9590] =	vst v63  }
0x152: {  	s23 =	sadd.s32 $0x5DC0, s21  }
0x153: {  	s25 =	sadd.s32 s23, s4  }
0x154: {  	[tilespmem:s31], [sflag:$0x1] =	stream.linear.gather [spmem:s25], $0x10, $0x38;
	[tilespmem:$0x9590] =	vst v63  }
0x155: {  	s25 =	sadd.s32 s23, s5  }
0x156: {  	[tilespmem:s0], [sflag:$0x1] =	stream.linear.gather [spmem:s25], $0x10, $0x38;
	[tilespmem:$0x9590] =	vst v63  }
0x157: {  	s25 =	sadd.s32 s23, s7  }
0x158: {  	[tilespmem:s1], [sflag:$0x1] =	stream.linear.gather [spmem:s25], $0x10, $0x38;
	[tilespmem:$0x9590] =	vst v63  }
0x159: {  	s25 =	sadd.s32 s23, s8  }
0x15a: {  	[tilespmem:s2], [sflag:$0x1] =	stream.linear.gather [spmem:s25], $0x10, $0x38;
	[tilespmem:$0x9590] =	vst v63  }
0x15b: {  	s23 =	sadd.s32 s23, s9  }
0x15c: {  	[tilespmem:s3], [sflag:$0x1] =	stream.linear.gather [spmem:s23], $0x10, $0x38;
	[tilespmem:$0x9590] =	vst v63  }
0x15d: {  	_ =	swait.ge [sflag:s6], $0x10  }
0x15e: {  	[sflag:s6] =	ssyncset.done $0x0  }
0x15f: {  	[sflag:s6] =	ssyncadd.s32 $0xFFFFFFF0  }
0x160: {  	_ =	swait.ge [sflag:s6], $0x10  }
0x161: {  	[sflag:s6] =	ssyncset.done $0x0  }
0x162: {  	[sflag:s6] =	ssyncadd.s32 $0xFFFFFFF0  }
0x163: {  	_ =	swait.ge [sflag:s6], $0x10  }
0x164: {  	[sflag:s6] =	ssyncset.done $0x0  }
0x165: {  	[sflag:s6] =	ssyncadd.s32 $0xFFFFFFF0  }
0x166: {  	_ =	swait.ge [sflag:s6], $0x10  }
0x167: {  	[sflag:s6] =	ssyncset.done $0x0  }
0x168: {  	[sflag:s6] =	ssyncadd.s32 $0xFFFFFFF0  }
0x169: {  	_ =	swait.ge [sflag:s6], $0x10  }
0x16a: {  	[sflag:s6] =	ssyncset.done $0x0  }
0x16b: {  	[sflag:s6] =	ssyncadd.s32 $0xFFFFFFF0  }
0x16c: {  	_ =	swait.ge [sflag:s6], $0x10  }
0x16d: {  	[sflag:s6] =	ssyncset.done $0x0  }
0x16e: {  	[sflag:s6] =	ssyncadd.s32 $0xFFFFFFF0  }
0x16f: {  	_ =	swait.ge [sflag:s6], $0x10  }
0x170: {  	[sflag:s6] =	ssyncset.done $0x0  }
0x171: {  	[sflag:s6] =	ssyncadd.s32 $0xFFFFFFF0  }
0x172: {  	_ =	swait.ge [sflag:s6], $0x10  }
0x173: {  	[sflag:s6] =	ssyncset.done $0x0  }
0x174: {  	[sflag:s6] =	ssyncadd.s32 $0xFFFFFFF0  }
0x175: {  	_ =	swait.ge [sflag:s6], $0x10  }
0x176: {  	[sflag:s6] =	ssyncset.done $0x0  }
0x177: {  	[sflag:s6] =	ssyncadd.s32 $0xFFFFFFF0  }
0x178: {  	_ =	swait.ge [sflag:s6], $0x10  }
0x179: {  	[sflag:s6] =	ssyncset.done $0x0  }
0x17a: {  	[sflag:s6] =	ssyncadd.s32 $0xFFFFFFF0  }
0x17b: {  	_ =	swait.ge [sflag:s6], $0x10  }
0x17c: {  	[sflag:s6] =	ssyncset.done $0x0  }
0x17d: {  	[sflag:s6] =	ssyncadd.s32 $0xFFFFFFF0  }
0x17e: {  	_ =	swait.ge [sflag:s6], $0x10  }
0x17f: {  	[sflag:s6] =	ssyncset.done $0x0  }
0x180: {  	[sflag:s6] =	ssyncadd.s32 $0xFFFFFFF0  }
0x181: {  	_ =	swait.ge [sflag:s6], $0x10  }
0x182: {  	[sflag:s6] =	ssyncset.done $0x0  }
0x183: {  	[sflag:s6] =	ssyncadd.s32 $0xFFFFFFF0  }
0x184: {  	_ =	swait.ge [sflag:s6], $0x10  }
0x185: {  	[sflag:s6] =	ssyncset.done $0x0  }
0x186: {  	[sflag:s6] =	ssyncadd.s32 $0xFFFFFFF0  }
0x187: {  	_ =	swait.ge [sflag:s6], $0x10  }
0x188: {  	[sflag:s6] =	ssyncset.done $0x0  }
0x189: {  	[sflag:s6] =	ssyncadd.s32 $0xFFFFFFF0  }
0x18a: {  	_ =	swait.ge [sflag:s6], $0x10  }
0x18b: {  	[sflag:s6] =	ssyncset.done $0x0  }
0x18c: {  	[sflag:s6] =	ssyncadd.s32 $0xFFFFFFF0  }
0x18d: {  	_ =	swait.ge [sflag:s6], $0x10  }
0x18e: {  	[sflag:s6] =	ssyncset.done $0x0  }
0x18f: {  	[sflag:s6] =	ssyncadd.s32 $0xFFFFFFF0  }
0x190: {  	_ =	swait.ge [sflag:s6], $0x10  }
0x191: {  	[sflag:s6] =	ssyncset.done $0x0  }
0x192: {  	[sflag:s6] =	ssyncadd.s32 $0xFFFFFFF0  }
0x193: {  	_ =	swait.ge [sflag:s6], $0x10  }
0x194: {  	[sflag:s6] =	ssyncset.done $0x0  }
0x195: {  	[sflag:s6] =	ssyncadd.s32 $0xFFFFFFF0  }
0x196: {  	_ =	swait.ge [sflag:s6], $0x10  }
0x197: {  	[sflag:s6] =	ssyncset.done $0x0  }
0x198: {  	[sflag:s6] =	ssyncadd.s32 $0xFFFFFFF0  }
0x199: {  	_ =	swait.ge [sflag:s6], $0x10  }
0x19a: {  	[sflag:s6] =	ssyncset.done $0x0  }
0x19b: {  	[sflag:s6] =	ssyncadd.s32 $0xFFFFFFF0  }
0x19c: {  	_ =	swait.ge [sflag:s6], $0x10  }
0x19d: {  	[sflag:s6] =	ssyncset.done $0x0  }
0x19e: {  	[sflag:s6] =	ssyncadd.s32 $0xFFFFFFF0  }
0x19f: {  	_ =	swait.ge [sflag:s6], $0x10  }
0x1a0: {  	[sflag:s6] =	ssyncset.done $0x0  }
0x1a1: {  	[sflag:s6] =	ssyncadd.s32 $0xFFFFFFF0  }
0x1a2: {  	_ =	swait.ge [sflag:s6], $0x10  }
0x1a3: {  	[sflag:s6] =	ssyncset.done $0x0  }
0x1a4: {  	[sflag:s6] =	ssyncadd.s32 $0xFFFFFFF0  }
0x1a5: {  	_ =	swait.ge [sflag:s6], $0x10  }
0x1a6: {  	[sflag:s6] =	ssyncset.done $0x0  }
0x1a7: {  	[sflag:s6] =	ssyncadd.s32 $0xFFFFFFF0  }
0x1a8: {  	_ =	swait.ge [sflag:s6], $0x10  }
0x1a9: {  	[sflag:s6] =	ssyncset.done $0x0  }
0x1aa: {  	[sflag:s6] =	ssyncadd.s32 $0xFFFFFFF0  }
0x1ab: {  	_ =	swait.ge [sflag:s6], $0x10  }
0x1ac: {  	[sflag:s6] =	ssyncset.done $0x0  }
0x1ad: {  	[sflag:s6] =	ssyncadd.s32 $0xFFFFFFF0  }
0x1ae: {  	_ =	swait.ge [sflag:s6], $0x10  }
0x1af: {  	[sflag:s6] =	ssyncset.done $0x0  }
0x1b0: {  	[sflag:s6] =	ssyncadd.s32 $0xFFFFFFF0  }
0x1b1: {  	_ =	swait.ge [sflag:s6], $0x10  }
0x1b2: {  	[sflag:s6] =	ssyncset.done $0x0  }
0x1b3: {  	[sflag:s6] =	ssyncadd.s32 $0xFFFFFFF0  }
0x1b4: {  	_ =	swait.ge [sflag:s6], $0x10  }
0x1b5: {  	[sflag:s6] =	ssyncset.done $0x0  }
0x1b6: {  	[sflag:s6] =	ssyncadd.s32 $0xFFFFFFF0  }
0x1b7: {  	_ =	swait.ge [sflag:s6], $0x10  }
0x1b8: {  	[sflag:s6] =	ssyncset.done $0x0  }
0x1b9: {  	[sflag:s6] =	ssyncadd.s32 $0xFFFFFFF0  }
0x1ba: {  	_ =	swait.ge [sflag:s6], $0x10  }
0x1bb: {  	[sflag:s6] =	ssyncset.done $0x0  }
0x1bc: {  	[sflag:s6] =	ssyncadd.s32 $0xFFFFFFF0  }
0x1bd: {  	_ =	swait.ge [sflag:s6], $0x10  }
0x1be: {  	[sflag:s6] =	ssyncset.done $0x0  }
0x1bf: {  	[sflag:s6] =	ssyncadd.s32 $0xFFFFFFF0  }
0x1c0: {  	_ =	swait.ge [sflag:s6], $0x10  }
0x1c1: {  	[sflag:s6] =	ssyncset.done $0x0  }
0x1c2: {  	[sflag:s6] =	ssyncadd.s32 $0xFFFFFFF0  }
0x1c3: {  	_ =	swait.ge [sflag:s6], $0x10  }
0x1c4: {  	[sflag:s6] =	ssyncset.done $0x0  }
0x1c5: {  	[sflag:s6] =	ssyncadd.s32 $0xFFFFFFF0  }
0x1c6: {  	_ =	swait.ge [sflag:s6], $0x10  }
0x1c7: {  	[sflag:s6] =	ssyncset.done $0x0  }
0x1c8: {  	[sflag:s6] =	ssyncadd.s32 $0xFFFFFFF0  }
0x1c9: {  	_ =	swait.ge [sflag:s6], $0x10  }
0x1ca: {  	[sflag:s6] =	ssyncset.done $0x0  }
0x1cb: {  	[sflag:s6] =	ssyncadd.s32 $0xFFFFFFF0  }
0x1cc: {  	_ =	swait.ge [sflag:s6], $0x10  }
0x1cd: {  	[sflag:s6] =	ssyncset.done $0x0  }
0x1ce: {  	[sflag:s6] =	ssyncadd.s32 $0xFFFFFFF0  }
0x1cf: {  	_ =	swait.ge [sflag:s6], $0x10  }
0x1d0: {  	[sflag:s6] =	ssyncset.done $0x0  }
0x1d1: {  	[sflag:s6] =	ssyncadd.s32 $0xFFFFFFF0  }
0x1d2: {  	_ =	swait.ge [sflag:s6], $0x10  }
0x1d3: {  	[sflag:s6] =	ssyncset.done $0x0  }
0x1d4: {  	[sflag:s6] =	ssyncadd.s32 $0xFFFFFFF0  }
0x1d5: {  	_ =	swait.ge [sflag:s6], $0x10  }
0x1d6: {  	[sflag:s6] =	ssyncset.done $0x0  }
0x1d7: {  	[sflag:s6] =	ssyncadd.s32 $0xFFFFFFF0  }
0x1d8: {  	_ =	swait.ge [sflag:s6], $0x10  }
0x1d9: {  	[sflag:s6] =	ssyncset.done $0x0  }
0x1da: {  	[sflag:s6] =	ssyncadd.s32 $0xFFFFFFF0  }
0x1db: {  	_ =	swait.ge [sflag:s6], $0x10  }
0x1dc: {  	[sflag:s6] =	ssyncset.done $0x0  }
0x1dd: {  	[sflag:s6] =	ssyncadd.s32 $0xFFFFFFF0  }
0x1de: {  	_ =	swait.ge [sflag:s6], $0x10  }
0x1df: {  	[sflag:s6] =	ssyncset.done $0x0  }
0x1e0: {  	[sflag:s6] =	ssyncadd.s32 $0xFFFFFFF0  }
0x1e1: {  	_ =	swait.ge [sflag:s6], $0x10  }
0x1e2: {  	[sflag:s6] =	ssyncset.done $0x0  }
0x1e3: {  	[sflag:s6] =	ssyncadd.s32 $0xFFFFFFF0  }
0x1e4: {  	_ =	swait.ge [sflag:s6], $0x10  }
0x1e5: {  	[sflag:s6] =	ssyncset.done $0x0  }
0x1e6: {  	[sflag:s6] =	ssyncadd.s32 $0xFFFFFFF0  }
0x1e7: {  	_ =	swait.ge [sflag:s6], $0x10  }
0x1e8: {  	[sflag:s6] =	ssyncset.done $0x0  }
0x1e9: {  	[sflag:s6] =	ssyncadd.s32 $0xFFFFFFF0  }
0x1ea: {  	_ =	swait.ge [sflag:s6], $0x10  }
0x1eb: {  	[sflag:s6] =	ssyncset.done $0x0  }
0x1ec: {  	[sflag:s6] =	ssyncadd.s32 $0xFFFFFFF0  }
0x1ed: {  	_ =	swait.ge [sflag:s6], $0x10  }
0x1ee: {  	[sflag:s6] =	ssyncset.done $0x0  }
0x1ef: {  	[sflag:s6] =	ssyncadd.s32 $0xFFFFFFF0  }
0x1f0: {  	_ =	swait.ge [sflag:s6], $0x10  }
0x1f1: {  	[sflag:s6] =	ssyncset.done $0x0  }
0x1f2: {  	[sflag:s6] =	ssyncadd.s32 $0xFFFFFFF0  }
0x1f3: {  	_ =	swait.ge [sflag:s6], $0x10  }
0x1f4: {  	[sflag:s6] =	ssyncset.done $0x0  }
0x1f5: {  	[sflag:s6] =	ssyncadd.s32 $0xFFFFFFF0  }
0x1f6: {  	_ =	swait.ge [sflag:s6], $0x10  }
0x1f7: {  	[sflag:s6] =	ssyncset.done $0x0  }
0x1f8: {  	[sflag:s6] =	ssyncadd.s32 $0xFFFFFFF0  }
0x1f9: {  	_ =	swait.ge [sflag:s6], $0x10  }
0x1fa: {  	[sflag:s6] =	ssyncset.done $0x0  }
0x1fb: {  	[sflag:s6] =	ssyncadd.s32 $0xFFFFFFF0  }
0x1fc: {  	_ =	swait.ge [sflag:s6], $0x10  }
0x1fd: {  	[sflag:s6] =	ssyncset.done $0x0  }
0x1fe: {  	[sflag:s6] =	ssyncadd.s32 $0xFFFFFFF0  }
0x1ff: {  	_ =	swait.ge [sflag:s6], $0x10  }
0x200: {  	[sflag:s6] =	ssyncset.done $0x0  }
0x201: {  	[sflag:s6] =	ssyncadd.s32 $0xFFFFFFF0  }
0x202: {  	_ =	swait.ge [sflag:s6], $0x10  }
0x203: {  	[sflag:s6] =	ssyncset.done $0x0  }
0x204: {  	[sflag:s6] =	ssyncadd.s32 $0xFFFFFFF0  }
0x205: {  	_ =	swait.ge [sflag:s6], $0x10  }
0x206: {  	[sflag:s6] =	ssyncset.done $0x0  }
0x207: {  	[sflag:s6] =	ssyncadd.s32 $0xFFFFFFF0  }
0x208: {  	_ =	swait.ge [sflag:s6], $0x10  }
0x209: {  	[sflag:s6] =	ssyncset.done $0x0  }
0x20a: {  	[sflag:s6] =	ssyncadd.s32 $0xFFFFFFF0  }
0x20b: {  	_ =	swait.ge [sflag:s6], $0x10  }
0x20c: {  	[sflag:s6] =	ssyncset.done $0x0  }
0x20d: {  	[sflag:s6] =	ssyncadd.s32 $0xFFFFFFF0  }
0x20e: {  	_ =	swait.ge [sflag:s6], $0x10  }
0x20f: {  	[sflag:s6] =	ssyncset.done $0x0  }
0x210: {  	[sflag:s6] =	ssyncadd.s32 $0xFFFFFFF0  }
0x211: {  	_ =	swait.ge [sflag:s6], $0x10  }
0x212: {  	[sflag:s6] =	ssyncset.done $0x0  }
0x213: {  	[sflag:s6] =	ssyncadd.s32 $0xFFFFFFF0  }
0x214: {  	_ =	swait.ge [sflag:s6], $0x10  }
0x215: {  	[sflag:s6] =	ssyncset.done $0x0  }
0x216: {  	[sflag:s6] =	ssyncadd.s32 $0xFFFFFFF0  }
0x217: {  	_ =	swait.ge [sflag:s6], $0x10  }
0x218: {  	[sflag:s6] =	ssyncset.done $0x0  }
0x219: {  	[sflag:s6] =	ssyncadd.s32 $0xFFFFFFF0  }
0x21a: {  	_ =	swait.ge [sflag:s6], $0x10  }
0x21b: {  	[sflag:s6] =	ssyncset.done $0x0  }
0x21c: {  	[sflag:s6] =	ssyncadd.s32 $0xFFFFFFF0  }
0x21d: {  	_ =	swait.ge [sflag:s6], $0x10  }
0x21e: {  	[sflag:s6] =	ssyncset.done $0x0  }
0x21f: {  	[sflag:s6] =	ssyncadd.s32 $0xFFFFFFF0  }
0x220: {  	_ =	swait.ge [sflag:s6], $0x10  }
0x221: {  	[sflag:s6] =	ssyncset.done $0x0  }
0x222: {  	[sflag:s6] =	ssyncadd.s32 $0xFFFFFFF0  }
0x223: {  	_ =	swait.ge [sflag:s6], $0x10  }
0x224: {  	[sflag:s6] =	ssyncset.done $0x0  }
0x225: {  	[sflag:s6] =	ssyncadd.s32 $0xFFFFFFF0  }
0x226: {  	_ =	swait.ge [sflag:s6], $0x10  }
0x227: {  	[sflag:s6] =	ssyncset.done $0x0  }
0x228: {  	[sflag:s6] =	ssyncadd.s32 $0xFFFFFFF0  }
0x229: {  	_ =	swait.ge [sflag:s6], $0x10  }
0x22a: {  	[sflag:s6] =	ssyncset.done $0x0  }
0x22b: {  	[sflag:s6] =	ssyncadd.s32 $0xFFFFFFF0  }
0x22c: {  	_ =	swait.ge [sflag:s6], $0x10  }
0x22d: {  	[sflag:s6] =	ssyncset.done $0x0  }
0x22e: {  	[sflag:s6] =	ssyncadd.s32 $0xFFFFFFF0  }
0x22f: {  	_ =	swait.ge [sflag:s6], $0x10  }
0x230: {  	[sflag:s6] =	ssyncset.done $0x0  }
0x231: {  	[sflag:s6] =	ssyncadd.s32 $0xFFFFFFF0  }
0x232: {  	_ =	swait.ge [sflag:s6], $0x10  }
0x233: {  	[sflag:s6] =	ssyncset.done $0x0  }
0x234: {  	[sflag:s6] =	ssyncadd.s32 $0xFFFFFFF0  }
0x235: {  	_ =	swait.ge [sflag:s6], $0x10  }
0x236: {  	[sflag:s6] =	ssyncset.done $0x0  }
0x237: {  	[sflag:s6] =	ssyncadd.s32 $0xFFFFFFF0  }
0x238: {  	_ =	swait.ge [sflag:s6], $0x10  }
0x239: {  	[sflag:s6] =	ssyncset.done $0x0  }
0x23a: {  	[sflag:s6] =	ssyncadd.s32 $0xFFFFFFF0  }
0x23b: {  	_ =	swait.ge [sflag:s6], $0x10  }
0x23c: {  	[sflag:s6] =	ssyncset.done $0x0  }
0x23d: {  	[sflag:s6] =	ssyncadd.s32 $0xFFFFFFF0  }
0x23e: {  	_ =	swait.ge [sflag:s6], $0x10  }
0x23f: {  	[sflag:s6] =	ssyncset.done $0x0  }
0x240: {  	[sflag:s6] =	ssyncadd.s32 $0xFFFFFFF0  }
0x241: {  	_ =	swait.ge [sflag:s6], $0x10  }
0x242: {  	[sflag:s6] =	ssyncset.done $0x0  }
0x243: {  	[sflag:s6] =	ssyncadd.s32 $0xFFFFFFF0  }
0x244: {  	_ =	swait.ge [sflag:s6], $0x10  }
0x245: {  	[sflag:s6] =	ssyncset.done $0x0  }
0x246: {  	[sflag:s6] =	ssyncadd.s32 $0xFFFFFFF0  }
0x247: {  	_ =	swait.ge [sflag:s6], $0x10  }
0x248: {  	[sflag:s6] =	ssyncset.done $0x0  }
0x249: {  	[sflag:s6] =	ssyncadd.s32 $0xFFFFFFF0  }
0x24a: {  	_ =	swait.ge [sflag:s6], $0x10  }
0x24b: {  	[sflag:s6] =	ssyncset.done $0x0  }
0x24c: {  	[sflag:s6] =	ssyncadd.s32 $0xFFFFFFF0  }
0x24d: {  	v5 =	vld [tilespmem:s22+$0x0];
	_ =	sdelay $0x1  }
0x24e: {  	v6 =	vld [tilespmem:$0x4080];
	_ =	sdelay $0x1  }
0x24f: {  	s25 =	simm.s32 $0x10  }
0x250: {  	v7 =	vor.u32 s25, v3;
	v5 =	vperm.xlane v5, v4  }
0x251: {  	v7 =	vperm.xlane v7, v4  }
0x252: {  	vm1 =	vle.f32 v6, v5  }
0x253: {  	v5 =	vsel vm1, v6, v5;
	v6 =	vsel vm1, v3, v7  }
0x254: {  	(xrf1) =	vsort.ascd.msk.f32 $0xffff, v5, v6;
	_ =	sdelay $0x6  }
0x255: {  	s22 =	simm.s32 $0x40A0  }
0x256: {  	s24 =	simm.s32 $0x30;
	s23 =	simm.s32 $0x20;
	v5 =	vld [tilespmem:s22+$0x0]  }
.LBB2_8:
0x257: {  	p0 =	sne.s32 s24, $0xF0;
	_ =	sdelay $0x3  }
0x258: {  	v6 =	vor.u32 s23, v3;
	s23 =	smov.u32 s24;
	v5 =	vperm.xlane v5, v4  }
0x259: {  	v6 =	vperm.xlane v6, v4;
	v7, v8, _ =	vpop (xrf1)  }
0x25a: {  	vm1 =	vle.f32 v7, v5  }
0x25b: {  	v5 =	vsel vm1, v7, v5;
	v6 =	vsel vm1, v8, v6  }
0x25c: {  	(xrf1) =	vsort.ascd.msk.f32 $0xffff, v5, v6;
	_ =	sdelay $0x3  }
.Ltmp3:
0x25d: {  	(pc) =	sbr.rel @p0 .LBB2_8-.Ltmp3, $3  }
0x25e: {  	_ =	sdelay $0x1  }
0x25f: {  	s22 =	sadd.s32 $0x10, s22  }
0x260: {  	s24 =	sadd.s32 $0x10, s24;
	v5 =	vld [tilespmem:s22+$0x0]  }
0x261: {  	_ =	sdelay $0x3  }
0x262: {  	v6 =	vor.u32 s23, v3;
	v5 =	vperm.xlane v5, v4  }
0x263: {  	v6 =	vperm.xlane v6, v4;
	v7, v8, _ =	vpop (xrf1)  }
0x264: {  	vm1 =	vle.f32 v7, v5  }
0x265: {  	v5 =	vsel vm1, v7, v5;
	v6 =	vsel vm1, v8, v6  }
0x266: {  	(xrf1) =	vsort.ascd.msk.f32 $0xffff, v5, v6;
	_ =	sdelay $0xd  }
0x267: {  	v5, v6, _ =	vpop (xrf1);
	_ =	sdelay $0x3  }
0x268: {  	v5 =	vld.idx.msk [tilespmem:v6+s15+$0x0], $0xffff;
	_ =	sdelay $0x4  }
0x269: {  	v7 =	vnsel vm0, $0x0, v5  }
0x26a: {  	(xrf2) =	vadd.scan.msk.f32 $0xffff, v7;
	_ =	sdelay $0x9  }
0x26b: {  	v7, _, _ =	vpop (xrf2)  }
0x26c: {  	v7 =	vbroadcast v7, $0xF;
	_ =	sdelay $0x1  }
0x26d: {  	v7 =	vmul.f32 v7, v1;
	_ =	sdelay $0x1  }
0x26e: {  	v58 =	vsub.f32 v5, v7;
	_ =	sdelay $0x1  }
0x26f: {  	v8 =	vnsel vm0, $0x0, v58  }
0x270: {  	v8 =	vmul.f32 v8, v8;
	_ =	sdelay $0x1  }
0x271: {  	(xrf2) =	vadd.scan.msk.f32 $0xffff, v8;
	_ =	sdelay $0x9  }
0x272: {  	v8, _, _ =	vpop (xrf2)  }
0x273: {  	v8 =	vbroadcast v8, $0xF;
	_ =	sdelay $0x1  }
0x274: {  	v8 =	vmul.f32 v8, v2;
	_ =	sdelay $0x1  }
0x275: {  	v9 =	vshra.s32 v8, $0x1  }
0x276: {  	v9 =	vadd.s32 $0x1FBD1DF5, v9  }
0x277: {  	(erf) = vrcp.f32 v9;
	_ =	sdelay $0x8  }
0x278: {  	v10 =	vpop (erf)  }
0x279: {  	v10 =	vmul.f32 v10, v8;
	_ =	sdelay $0x1  }
0x27a: {  	v9 =	vadd.f32 v9, v10;
	_ =	sdelay $0x1  }
0x27b: {  	v9 =	vmul.f32 $5.000000000e-01, v9;
	_ =	sdelay $0x1  }
0x27c: {  	(erf) = vrcp.f32 v9;
	_ =	sdelay $0x8  }
0x27d: {  	v59 =	vpop (erf)  }
0x27e: {  	v10 =	vmul.f32 v59, v8;
	_ =	sdelay $0x1  }
0x27f: {  	v9 =	vadd.f32 v10, v9;
	_ =	sdelay $0x1  }
0x280: {  	v9 =	vmul.f32 $5.000000000e-01, v9;
	_ =	sdelay $0x1  }
0x281: {  	(erf) = vrcp.f32 v9;
	_ =	sdelay $0x8  }
0x282: {  	v60 =	vpop (erf)  }
0x283: {  	v10 =	vmul.f32 v60, v8;
	_ =	sdelay $0x1  }
0x284: {  	v9 =	vadd.f32 v10, v9;
	_ =	sdelay $0x1  }
0x285: {  	v9 =	vmul.f32 $5.000000000e-01, v9;
	_ =	sdelay $0x1  }
0x286: {  	v61 =	vmov s11;
	(erf) = vrcp.f32 v9;
	_ =	sdelay $0x4  }
0x287: {  	v13 =	vld.idx.msk [tilespmem:v61+s13+$0x0], $0xffff  }
0x288: {  	v14 =	vld.idx.msk [tilespmem:v61+s18+$0x0], $0xffff  }
0x289: {  	v15 =	vld.idx.msk [tilespmem:v61+s19+$0x0], $0xffff  }
0x28a: {  	v11 =	vld.idx.msk [tilespmem:v6+s16+$0x0], $0xffff  }
0x28b: {  	v12 =	vld.idx.msk [tilespmem:v6+s17+$0x0], $0xffff;
	v16 =	vpop (erf)  }
0x28c: {  	v10 =	vld.idx.msk [tilespmem:v61+s20+$0x0], $0xffff;
	v16 =	vmul.f32 v16, v8;
	_ =	sdelay $0x1  }
0x28d: {  	v9 =	vadd.f32 v16, v9;
	_ =	sdelay $0x1  }
0x28e: {  	v13 =	vsub.f32 v11, v13;
	v14 =	vsub.f32 v12, v14;
	v9 =	vmul.f32 $5.000000000e-01, v9  }
0x28f: {  	v62 =	vsub.f32 v15, v11;
	vm1 =	vgt.f32 v8, $0.0e+00;
	v10 =	vsub.f32 v10, v12  }
0x290: {  	v9 =	vnsel vm1, $0x0, v9  }
0x291: {  	v6 =	vld.idx.msk [tilespmem:v6+s14+$0x0], $0xffff;
	v63 =	vmin.f32 v13, v14;
	v8 =	vmin.f32 v62, v10;
	v7 =	vadd.f32 v9, v7  }
0x292: {  	v8 =	vmin.f32 v63, v8  }
0x293: {  	vm1 =	vgt.f32 v8, $9.999999770e-03;
	vm2 =	vge.f32 v5, v7  }
0x294: {  	vm1 =	vmand vm2, vm1  }
0x295: {  	vm1 =	vmand vm1, vm0  }
0x296: {  	s22 =	rddreg [dreg:$0x7];
	[tilespmem:$0x4280] =	vst v5;
	v6 =	vnsel vm1, $0xFFFFFFFF, v6  }
0x297: {  	s22 =	sadd.s32 s21, s22;
	[tilespmem:$0x4180] =	vst v6  }
0x298: {  	[spmem:s22] =	stream.linear.scatter [tilespmem:s14], [sflag:$0x2], $0x10, $0x38;
	[tilespmem:$0x9590] =	vst v63  }
0x299: {  	_ =	swait.ge [sflag:s10], $0x10  }
0x29a: {  	[sflag:s10] =	ssyncset.done $0x0  }
0x29b: {  	s11 =	sadd.s32 $0x1, s11;
	[sflag:s10] =	ssyncadd.s32 $0xFFFFFFF0  }
0x29c: {  	p0 =	slt.u32 s11, s12;
	s24 =	rddreg [dreg:$0x8]  }
.Ltmp4:
0x29d: {  	s25 =	sadd.s32 s21, s24;
	(pc) =	sbr.rel @p0 .LBB2_7-.Ltmp4, $4  }
0x29e: {  	[spmem:s25] =	stream.linear.scatter [tilespmem:s15], [sflag:$0x2], $0x10, $0x38;
	[tilespmem:$0x9590] =	vst v63  }
0x29f: {  	_ =	swait.ge [sflag:s10], $0x10  }
0x2a0: {  	[sflag:s10] =	ssyncset.done $0x0  }
0x2a1: {  	[sflag:s10] =	ssyncadd.s32 $0xFFFFFFF0  }
0x2a2: {  	[bflag:$0x0] =	sbarrier.arrive $0xFFFF  }
0x2a3: {  	s2 =	simm.s32 $0x4580;
	s31 =	simm.s32 $0x2;
	s0 =	rddreg [dreg:$0x7]  }
0x2a4: {  	[tilespmem:s2], [sflag:$0x2] =	stream.linear.gather [spmem:s0], $0x680, $0x38;
	[tilespmem:$0x9590] =	vst v63  }
0x2a5: {  	_ =	swait.ge [sflag:s31], $0x680  }
0x2a6: {  	[sflag:s31] =	ssyncset.done $0x0  }
0x2a7: {  	[sflag:s31] =	ssyncadd.s32 $0xFFFFF980  }
0x2a8: {  	s3 =	simm.s32 $0x4C00;
	s1 =	rddreg [dreg:$0x8]  }
0x2a9: {  	[tilespmem:s3], [sflag:$0x2] =	stream.linear.gather [spmem:s1], $0x680, $0x38;
	[tilespmem:$0x9590] =	vst v63  }
0x2aa: {  	_ =	swait.ge [sflag:s31], $0x680  }
0x2ab: {  	[sflag:s31] =	ssyncset.done $0x0  }
0x2ac: {  	s4 =	simm.s32 $0x0;
	v1 =	vimm.f32 $-1.000000000e+08;
	v2 =	vimm.s32 $0x0;
	s0 =	simm.s32 $0x0;
	[sflag:s31] =	ssyncadd.s32 $0xFFFFF980  }
.LBB2_11:
0x2ad: {  	p0 =	sne.s32 s0, $0x1380  }
.Ltmp5:
0x2ae: {  	_ = 	snop;
	(pc) =	sbr.rel @p0 .LBB2_11-.Ltmp5, $4  }
0x2af: {  	_ = 	snop  }
0x2b0: {  	s1 =	sshra.s32 s0, $0x2  }
0x2b1: {  	[tilespmem:s1+$0x5280] =	vst v1  }
0x2b2: {  	s0 =	sadd.s32 $0x40, s0;
	[tilespmem:s1+$0x5780] =	vst v2  }
0x2b3: {  	s9 =	stileid.u32;
	s0 =	simm.s32 $0x5280;
	s1 =	simm.s32 $0x5780  }
.LBB2_13:
0x2b4: {  	v1 =	vld [tilespmem:s2+$0x0];
	_ =	sdelay $0x4  }
0x2b5: {  	v2 =	vsub.s32 v1, v0  }
0x2b6: {  	v1 =	vor.u32 v1, v2  }
0x2b7: {  	vm1 =	vlt.s32 v2, $0x4F0;
	vm0 =	vgt.s32 v1, $0xFFFFFFFF  }
0x2b8: {  	vm0 =	vmand vm1, vm0  }
0x2b9: {  	v1 =	vnsel vm0, $0x0, v2;
	_ =	sdelay $0x3  }
0x2ba: {  	v2 =	vld [tilespmem:s3+$0x0]  }
0x2bb: {  	v3 =	vld.idx.msk [tilespmem:v1+s0+$0x0], $0xffff;
	_ =	sdelay $0x4  }
0x2bc: {  	vm15 =	vgt.f32 v2, v3  }
0x2bd: {  	vm0 =	vmand vm15, vm0;
	_ =	sdelay $0x1  }
0x2be: {  	p0 =	sne.s32 s4, $0x63  }
.Ltmp6:
0x2bf: {  	_ = 	snop;
	(pc) =	sbr.rel @p0 .LBB2_13-.Ltmp6, $3  }
0x2c0: {  	_ =	sdelay $0x1  }
0x2c1: {  	[tilespmem:v1+s0+$0x0] =	vst.idx.msk vm0, v2;
	v2 =	vmov s4  }
0x2c2: {  	s2 =	sadd.s32 $0x10, s2;
	s3 =	sadd.s32 $0x10, s3;
	s4 =	sadd.s32 $0x1, s4;
	[tilespmem:v1+s1+$0x0] =	vst.idx.msk vm0, v2  }
0x2c3: {  	v4 =	vld [tilespmem:s1+$0x0];
	_ =	sdelay $0x1  }
0x2c4: {  	s2 =	simm.s32 $0x0  }
0x2c5: {  	v0 =	vmov s2  }
0x2c6: {  	v1 =	vmul.u32 $0x5, v0  }
0x2c7: {  	v0 =	vlaneseq.u32  }
0x2c8: {  	v0 =	vmul.u32 $0x5, v0;
	v6 =	vbroadcast v1, $0x0  }
0x2c9: {  	s2 =	simm.s32 $0x1E00  }
0x2ca: {  	s3 =	simm.s32 $0x1E80;
	v1 =	vadd.s32 $0x1, v0;
	v8 =	vadd.s32 v0, v6;
	v7 =	vld.idx.msk [tilespmem:v4+s2+$0x0], $0xffff  }
0x2cb: {  	s4 =	simm.s32 $0x1F00;
	v2 =	vadd.s32 $0x2, v0;
	v10 =	vadd.s32 v1, v6;
	v9 =	vld.idx.msk [tilespmem:v4+s3+$0x0], $0xffff  }
0x2cc: {  	s5 =	simm.s32 $0x1F80;
	v3 =	vadd.s32 $0x3, v0;
	v12 =	vadd.s32 v2, v6;
	v11 =	vld.idx.msk [tilespmem:v4+s4+$0x0], $0xffff  }
0x2cd: {  	v14 =	vadd.s32 v3, v6;
	v13 =	vld.idx.msk [tilespmem:v4+s5+$0x0], $0xffff;
	v4 =	vadd.s32 $0x4, v0  }
0x2ce: {  	s6 =	simm.s32 $0x5C80;
	v5 =	vld [tilespmem:s0+$0x0];
	v6 =	vadd.s32 v4, v6  }
0x2cf: {  	[tilespmem:v8+s6+$0x0] =	vst.idx.msk $0xffff, v7  }
0x2d0: {  	[tilespmem:v10+s6+$0x0] =	vst.idx.msk $0xffff, v9  }
0x2d1: {  	[tilespmem:v12+s6+$0x0] =	vst.idx.msk $0xffff, v11  }
0x2d2: {  	s7 =	simm.s32 $0x10;
	[tilespmem:v14+s6+$0x0] =	vst.idx.msk $0xffff, v13  }
.LBB2_15:
0x2d3: {  	p0 =	sne.s32 s7, $0x4E0;
	[tilespmem:v6+s6+$0x0] =	vst.idx.msk $0xffff, v5;
	s1 =	sadd.s32 $0x10, s1;
	s0 =	sadd.s32 $0x10, s0  }
0x2d4: {  	s8 =	smov.u32 s7;
	s7 =	sadd.s32 $0x10, s7;
	v5 =	vld [tilespmem:s1+$0x0];
	_ =	sdelay $0x3  }
0x2d5: {  	v6 =	vmov s8  }
0x2d6: {  	v6 =	vmul.u32 $0x5, v6;
	_ =	sdelay $0x1  }
0x2d7: {  	v6 =	vbroadcast v6, $0x0  }
0x2d8: {  	v7 =	vld.idx.msk [tilespmem:v5+s2+$0x0], $0xffff  }
0x2d9: {  	v9 =	vadd.s32 v0, v6;
	v8 =	vld.idx.msk [tilespmem:v5+s3+$0x0], $0xffff  }
0x2da: {  	v11 =	vadd.s32 v1, v6;
	v10 =	vld.idx.msk [tilespmem:v5+s4+$0x0], $0xffff  }
0x2db: {  	v13 =	vadd.s32 v2, v6;
	v12 =	vld.idx.msk [tilespmem:v5+s5+$0x0], $0xffff  }
0x2dc: {  	v14 =	vadd.s32 v3, v6  }
.Ltmp7:
0x2dd: {  	v6 =	vadd.s32 v4, v6;
	v5 =	vld [tilespmem:s0+$0x0];
	(pc) =	sbr.rel @p0 .LBB2_15-.Ltmp7, $4  }
0x2de: {  	[tilespmem:v9+s6+$0x0] =	vst.idx.msk $0xffff, v7  }
0x2df: {  	[tilespmem:v11+s6+$0x0] =	vst.idx.msk $0xffff, v8  }
0x2e0: {  	[tilespmem:v13+s6+$0x0] =	vst.idx.msk $0xffff, v10  }
0x2e1: {  	[tilespmem:v14+s6+$0x0] =	vst.idx.msk $0xffff, v12  }
0x2e2: {  	_ =	sdelay $0x1  }
0x2e3: {  	s0 =	smul.u32 $0x316, s9  }
0x2e4: {  	s1 =	rddreg [dreg:$0x1];
	s30 =	simm.s32 $0x0  }
0x2e5: {  	[tilespmem:v6+s6+$0x0] =	vst.idx.msk $0xffff, v5;
	s2 =	simm.s32 $0x5C80;
	s31 =	simm.s32 $0x2;
	s0 =	sadd.s32 s1, s0  }
0x2e6: {  	[hbm4b:s0+s30] =	stream.linear.scatter [tilespmem:s2], [sflag:$0x2], $0x18B0, $0x38;
	[tilespmem:$0x9590] =	vst v63  }
0x2e7: {  	_ =	swait.ge [sflag:s31], $0x18B0  }
0x2e8: {  	[sflag:s31] =	ssyncset.done $0x0  }
0x2e9: {  	[sflag:s31] =	ssyncadd.s32 $0xFFFFE750  }
0x2ea: {  	_ =	sfence.sel $0x180000  }
0x2eb: {  	[bflag:$0x0] =	sbarrier.arrive $0xFFFF  }
0x2ec: {  	_ =	strace $0x90000047  }
0x2ed: {  	[bflag:$0x2] =	sbarrier.arrive $0xFFFF  }
0x2ee: {  	p0 =	sne.s32 s9, $0x0;
	s0 =	rddreg [dreg:$0x9]  }
0x2ef: {  	s0 =	sadd.s32 @!p0 $0x100000, s0  }
0x2f0: {  	[sflag:s0] =	ssyncadd.tile.s32 @!p0 $0x1;
	_ =	shalt  }
.Lfunc_end2:
_tile_overlayer_lowered:
.L_overlay_start_2:
0x2f1: {  	(tag) =	ssettag $0x2  }
0x2f2: {  	s0 =	rddreg [dreg:$0x0];
	s2 =	stileid.u32  }
0x2f3: {  	s1 =	rddreg [dreg:$0x1];
	p0 =	sne.s32 s2, $0x0  }
0x2f4: {  	s3 =	rddreg [dreg:$0x2];
	[bflag:$0x3] =	sbarrier.arrive $0xFFFF;
	s2 =	simm.s32 @!p0 $0x1C02  }
0x2f5: {  	[timem:s3], [sflag:s2] =	dma.local @!p0 [hbm:s0], s1  }
0x2f6: {  	s0 =	simm.s32 @!p0 $0x2  }
0x2f7: {  	_ =	swait.ge @!p0 [sflag:s0], s1  }
0x2f8: {  	s1 =	ssub.s32 @!p0 $0x0, s1;
	[sflag:s0] =	ssyncset.done @!p0 $0x0  }
0x2f9: {  	[sflag:s0] =	ssyncadd.s32 @!p0 s1  }
0x2fa: {  	[bflag:$0x3] =	sbarrier.arrive $0xFFFF  }
0x2fb: {  	_ =	shalt  }

</sc_bundles>
